<compile_context>
chip_gen: v7x
topology: tpu7x:2x2x1
jax: 0.10.2.dev20260603
libtpu: 0.0.44.dev20260713+nightly
codegen_flags: <defaults>
</compile_context>

<pallas_src>
import functools

import jax
import jax.numpy as jnp
from jax import lax
from jax.experimental import pallas as pl
from jax.experimental.pallas import tpu as pltpu
from jax.experimental.pallas import tpu_sc as plsc

MAX_POS = 8192
EMBED_DIM = 1024
ROWS = 4
COLS = 4096
BATCH = ROWS * COLS

NUM_CORES = 2
NUM_SUBCORES = 16
NUM_WORKERS = NUM_CORES * NUM_SUBCORES
ROWS_PER_WORKER = BATCH // NUM_WORKERS
WORKERS_PER_XROW = COLS // ROWS_PER_WORKER
CHUNK = 16
NUM_CHUNKS = ROWS_PER_WORKER // CHUNK
NBUF = 6


def _make_gather():
    mesh = plsc.VectorSubcoreMesh(core_axis_name="c", subcore_axis_name="s")

    @functools.partial(
        pl.kernel,
        mesh=mesh,
        out_type=jax.ShapeDtypeStruct((ROWS, COLS, EMBED_DIM), jnp.float32),
        scratch_types=[
            pltpu.VMEM((ROWS_PER_WORKER,), jnp.int32),
            pltpu.VMEM((NBUF, CHUNK, EMBED_DIM), jnp.float32),
            pltpu.SemaphoreType.DMA((NBUF,)),
            pltpu.SemaphoreType.DMA((NBUF,)),
        ],
    )
    def gather_kernel(x_hbm, table_hbm, out_hbm, idx_v, rows_v, gsem, ssem):
        wid = lax.axis_index("s") * NUM_CORES + lax.axis_index("c")
        xrow = wid // WORKERS_PER_XROW
        col0 = (wid % WORKERS_PER_XROW) * ROWS_PER_WORKER
        pltpu.sync_copy(x_hbm.at[xrow, pl.ds(col0, ROWS_PER_WORKER)], idx_v)

        def gather(k):
            b = k % NBUF
            return pltpu.async_copy(
                table_hbm.at[idx_v.at[pl.ds(k * CHUNK, CHUNK)]],
                rows_v.at[b],
                gsem.at[b],
            )

        def store(k):
            b = k % NBUF
            return pltpu.async_copy(
                rows_v.at[b],
                out_hbm.at[xrow, pl.ds(col0 + k * CHUNK, CHUNK)],
                ssem.at[b],
            )

        A = NBUF - 2
        g_descs = [None] * NUM_CHUNKS
        s_descs = [None] * NUM_CHUNKS
        for j in range(A):
            g_descs[j] = gather(j)
        for k in range(NUM_CHUNKS):
            j = k + A
            if j < NUM_CHUNKS:
                if j - NBUF >= 0:
                    s_descs[j - NBUF].wait()
                g_descs[j] = gather(j)
            g_descs[k].wait()
            s_descs[k] = store(k)
        for k in range(max(0, NUM_CHUNKS - NBUF), NUM_CHUNKS):
            s_descs[k].wait()

    return gather_kernel


_gather = _make_gather()


@jax.jit
def kernel(x, embeddings):
    return _gather(x, embeddings)

# --- scband reference (transcript-rebuilt; emitter-appended) ---
"""Pipeline reference for scband-sinusoidal-position-2765958939449 (READ-ONLY COPY).

The authoritative reference and input builder live on the scoring server;
editing this copy changes nothing except your own understanding.
"""

import jax, jax.numpy as jnp
import numpy as np

MAX_POS = 8192
EMBED_DIM = 1024

def _build_table():
    n = 10000.0
    positions = np.arange(0, MAX_POS, dtype=np.float64)[:, None]
    denominators = np.power(n, 2.0 * np.arange(0, EMBED_DIM // 2, dtype=np.float64) / EMBED_DIM)
    emb = np.zeros((MAX_POS, EMBED_DIM), dtype=np.float32)
    emb[:, 0::2] = np.sin(positions / denominators).astype(np.float32)
    emb[:, 1::2] = np.cos(positions / denominators).astype(np.float32)
    return jnp.asarray(emb)

def setup_inputs(seed: int = 0) -> dict:
    key = jax.random.key(seed)
    x = jax.random.randint(key, (4, 4096), 0, MAX_POS, dtype=jnp.int32)
    embeddings = _build_table()
    return {"x": x, "embeddings": embeddings}

def reference(x, embeddings):
    # self.embeddings[x] -> gather rows of the sinusoidal table
    return jnp.take(embeddings, x, axis=0)

if __name__ == "__main__":
    import jax
    _d = setup_inputs()
    print(jax.jit(kernel)(*tuple(_d.values())))

</pallas_src>

<mosaic_0001>
#map = affine_map<(d0, d1) -> (0, 0)>
#map1 = affine_map<(d0, d1) -> (0, 0, 0)>
module attributes {stable_mosaic.version = 14 : i64} {
  func.func @gather_kernel(%arg0: i32, %arg1: i32, %arg2: memref<4x4096xi32, #tpu.memory_space<hbm>>, %arg3: memref<8192x1024xf32, #tpu.memory_space<hbm>>, %arg4: memref<4x4096x1024xf32, #tpu.memory_space<hbm>>, %arg5: memref<512xi32, #tpu.memory_space<vmem>>, %arg6: memref<6x16x1024xf32, #tpu.memory_space<vmem>>, %arg7: memref<6x!tpu.dma_semaphore, #tpu.memory_space<semaphore_mem>>, %arg8: memref<6x!tpu.dma_semaphore, #tpu.memory_space<semaphore_mem>>) attributes {dimension_semantics = [#tpu.dimension_semantics<core_parallel>, #tpu.dimension_semantics<subcore_parallel>], iteration_bounds = array<i64: 2, 16>, scalar_prefetch = 0 : i64, scratch_operands = 4 : i64, tpu.core_type = #tpu.core_type<sc_vector_subcore>, window_params = [{transform_indices = #map}, {transform_indices = #map}, {transform_indices = #map1}]} {
    %mul3A = arith.constant 2 : i32
    %mul3A_0 = arith.muli %arg1, %mul3A : i32
    %add3A = arith.addi %mul3A_0, %arg0 : i32
    %jit3A = arith.constant 8 : i32
    %div3A = arith.divsi %add3A, %jit3A : i32
    %sign3A = arith.constant 0 : i32
    %sign3A_1 = arith.cmpi sgt, %add3A, %sign3A : i32
    %sign3A_2 = arith.extui %sign3A_1 : i1 to i32
    %sign3A_3 = arith.constant 0 : i32
    %sign3A_4 = arith.cmpi slt, %add3A, %sign3A_3 : i32
    %sign3A_5 = arith.extui %sign3A_4 : i1 to i32
    %sign3A_6 = arith.subi %sign3A_2, %sign3A_5 : i32
    %sign3A_7 = arith.constant 0 : i32
    %sign3A_8 = arith.cmpi sgt, %jit3A, %sign3A_7 : i32
    %sign3A_9 = arith.extui %sign3A_8 : i1 to i32
    %sign3A_10 = arith.constant 0 : i32
    %sign3A_11 = arith.cmpi slt, %jit3A, %sign3A_10 : i32
    %sign3A_12 = arith.extui %sign3A_11 : i1 to i32
    %sign3A_13 = arith.subi %sign3A_9, %sign3A_12 : i32
    %ne3A = arith.cmpi ne, %sign3A_6, %sign3A_13 : i32
    %rem3A = arith.remsi %add3A, %jit3A : i32
    %ne3A_14 = arith.constant 0 : i32
    %ne3A_15 = arith.cmpi ne, %rem3A, %ne3A_14 : i32
    %and3A = arith.andi %ne3A, %ne3A_15 : i1
    %sub3A = arith.constant 1 : i32
    %sub3A_16 = arith.subi %div3A, %sub3A : i32
    %select_n3A = arith.select %and3A, %sub3A_16, %div3A : i32
    %jit3A_17 = arith.constant 8 : i32
    %eq3A = arith.constant 0 : i32
    %eq3A_18 = arith.cmpi eq, %jit3A_17, %eq3A : i32
    %jit3A_19 = arith.constant 1 : i32
    %select_n3A_20 = arith.select %eq3A_18, %jit3A_19, %jit3A_17 : i32
    %rem3A_21 = arith.remsi %add3A, %select_n3A_20 : i32
    %ne3A_22 = arith.constant 0 : i32
    %ne3A_23 = arith.cmpi ne, %rem3A_21, %ne3A_22 : i32
    %lt3A = arith.constant 0 : i32
    %lt3A_24 = arith.cmpi slt, %rem3A_21, %lt3A : i32
    %lt3A_25 = arith.constant 0 : i32
    %lt3A_26 = arith.cmpi slt, %select_n3A_20, %lt3A_25 : i32
    %ne3A_27 = arith.xori %lt3A_24, %lt3A_26 : i1
    %and3A_28 = arith.andi %ne3A_27, %ne3A_23 : i1
    %add3A_29 = arith.addi %rem3A_21, %select_n3A_20 : i32
    %select_n3A_30 = arith.select %and3A_28, %add3A_29, %rem3A_21 : i32
    %mul3A_31 = arith.constant 512 : i32
    %mul3A_32 = arith.muli %select_n3A_30, %mul3A_31 : i32
    "tpu.region"() ({
      %run_scoped3A = tpu.sem_alloc : memref<!tpu.dma_semaphore, #tpu.memory_space<semaphore_mem>>
      %dma_start3A_2079 = tpu.memref_slice %arg2[%select_n3A, %mul3A_32] : memref<4x4096xi32, #tpu.memory_space<hbm>> -> memref<1x512xi32, #tpu.memory_space<hbm>>
      %dma_start3A_2080 = tpu.memref_squeeze %dma_start3A_2079 : memref<1x512xi32, #tpu.memory_space<hbm>> -> memref<512xi32, #tpu.memory_space<hbm>>
      %dma_start3A_2081 = tpu.memref_slice %arg2[%select_n3A, %mul3A_32] : memref<4x4096xi32, #tpu.memory_space<hbm>> -> memref<1x512xi32, #tpu.memory_space<hbm>>
      %dma_start3A_2082 = tpu.memref_squeeze %dma_start3A_2081 : memref<1x512xi32, #tpu.memory_space<hbm>> -> memref<512xi32, #tpu.memory_space<hbm>>
      tpu.enqueue_dma source(%dma_start3A_2082 : memref<512xi32, #tpu.memory_space<hbm>>) target(%arg5 : memref<512xi32, #tpu.memory_space<vmem>>) target_semaphore(%run_scoped3A : memref<!tpu.dma_semaphore, #tpu.memory_space<semaphore_mem>>)
      %dma_wait3A_2083 = tpu.memref_slice %arg2[%select_n3A, %mul3A_32] : memref<4x4096xi32, #tpu.memory_space<hbm>> -> memref<1x512xi32, #tpu.memory_space<hbm>>
      %dma_wait3A_2084 = tpu.memref_squeeze %dma_wait3A_2083 : memref<1x512xi32, #tpu.memory_space<hbm>> -> memref<512xi32, #tpu.memory_space<hbm>>
      %dma_wait3A_2085 = tpu.memref_slice %arg2[%select_n3A, %mul3A_32] : memref<4x4096xi32, #tpu.memory_space<hbm>> -> memref<1x512xi32, #tpu.memory_space<hbm>>
      %dma_wait3A_2086 = tpu.memref_squeeze %dma_wait3A_2085 : memref<1x512xi32, #tpu.memory_space<hbm>> -> memref<512xi32, #tpu.memory_space<hbm>>
      tpu.wait_dma2 semaphore(%run_scoped3A : memref<!tpu.dma_semaphore, #tpu.memory_space<semaphore_mem>>) src(%dma_wait3A_2086 : memref<512xi32, #tpu.memory_space<hbm>>) dst(%arg5 : memref<512xi32, #tpu.memory_space<vmem>>)
      tpu.yield
    }) : () -> ()
    %dma_start3A = arith.constant 0 : i32
    %dma_start3A_33 = arith.constant 0 : i32
    %dma_start3A_34 = arith.constant 0 : i32
    %dma_start3A_35 = arith.constant 0 : i32
    %dma_start3A_36 = tpu.memref_slice %arg6[%dma_start3A, %dma_start3A_34, %dma_start3A_35] : memref<6x16x1024xf32, #tpu.memory_space<vmem>> -> memref<1x16x1024xf32, #tpu.memory_space<vmem>>
    %dma_start3A_37 = tpu.memref_squeeze %dma_start3A_36 : memref<1x16x1024xf32, #tpu.memory_space<vmem>> -> memref<16x1024xf32, #tpu.memory_space<vmem>>
    %dma_start3A_38 = arith.constant 0 : i32
    %dma_start3A_39 = tpu.memref_slice %arg5[%dma_start3A_38] : memref<512xi32, #tpu.memory_space<vmem>> -> memref<16xi32, #tpu.memory_space<vmem>>
    %dma_start3A_40 = arith.constant 0 : i32
    %dma_start3A_41 = arith.constant 0 : i32
    %dma_start3A_42 = tpu.memref_slice %arg3[%dma_start3A_40, %dma_start3A_41] : memref<8192x1024xf32, #tpu.memory_space<hbm>> -> memref<8192x1024xf32, #tpu.memory_space<hbm>>
    %dma_start3A_43 = tpu.memref_slice %arg7[%dma_start3A_33] : memref<6x!tpu.dma_semaphore, #tpu.memory_space<semaphore_mem>> -> memref<1x!tpu.dma_semaphore, #tpu.memory_space<semaphore_mem>>
    %dma_start3A_44 = tpu.memref_squeeze %dma_start3A_43 : memref<1x!tpu.dma_semaphore, #tpu.memory_space<semaphore_mem>> -> memref<!tpu.dma_semaphore, #tpu.memory_space<semaphore_mem>>
    tpu.enqueue_indirect_dma source(%dma_start3A_42 : memref<8192x1024xf32, #tpu.memory_space<hbm>>) target(%dma_start3A_37 : memref<16x1024xf32, #tpu.memory_space<vmem>>) offsets(%dma_start3A_39 : memref<16xi32, #tpu.memory_space<vmem>>) semaphore(%dma_start3A_44 : memref<!tpu.dma_semaphore, #tpu.memory_space<semaphore_mem>>)
    %dma_start3A_45 = arith.constant 1 : i32
    %dma_start3A_46 = arith.constant 1 : i32
    %dma_start3A_47 = arith.constant 0 : i32
    %dma_start3A_48 = arith.constant 0 : i32
    %dma_start3A_49 = tpu.memref_slice %arg6[%dma_start3A_45, %dma_start3A_47, %dma_start3A_48] : memref<6x16x1024xf32, #tpu.memory_space<vmem>> -> memref<1x16x1024xf32, #tpu.memory_space<vmem>>
    %dma_start3A_50 = tpu.memref_squeeze %dma_start3A_49 : memref<1x16x1024xf32, #tpu.memory_space<vmem>> -> memref<16x1024xf32, #tpu.memory_space<vmem>>
    %dma_start3A_51 = arith.constant 16 : i32
    %dma_start3A_52 = tpu.memref_slice %arg5[%dma_start3A_51] : memref<512xi32, #tpu.memory_space<vmem>> -> memref<16xi32, #tpu.memory_space<vmem>>
    %dma_start3A_53 = arith.constant 0 : i32
    %dma_start3A_54 = arith.constant 0 : i32
    %dma_start3A_55 = tpu.memref_slice %arg3[%dma_start3A_53, %dma_start3A_54] : memref<8192x1024xf32, #tpu.memory_space<hbm>> -> memref<8192x1024xf32, #tpu.memory_space<hbm>>
    %dma_start3A_56 = tpu.memref_slice %arg7[%dma_start3A_46] : memref<6x!tpu.dma_semaphore, #tpu.memory_space<semaphore_mem>> -> memref<1x!tpu.dma_semaphore, #tpu.memory_space<semaphore_mem>>
    %dma_start3A_57 = tpu.memref_squeeze %dma_start3A_56 : memref<1x!tpu.dma_semaphore, #tpu.memory_space<semaphore_mem>> -> memref<!tpu.dma_semaphore, #tpu.memory_space<semaphore_mem>>
    tpu.enqueue_indirect_dma source(%dma_start3A_55 : memref<8192x1024xf32, #tpu.memory_space<hbm>>) target(%dma_start3A_50 : memref<16x1024xf32, #tpu.memory_space<vmem>>) offsets(%dma_start3A_52 : memref<16xi32, #tpu.memory_space<vmem>>) semaphore(%dma_start3A_57 : memref<!tpu.dma_semaphore, #tpu.memory_space<semaphore_mem>>)
    %dma_start3A_58 = arith.constant 2 : i32
    %dma_start3A_59 = arith.constant 2 : i32
    %dma_start3A_60 = arith.constant 0 : i32
    %dma_start3A_61 = arith.constant 0 : i32
    %dma_start3A_62 = tpu.memref_slice %arg6[%dma_start3A_58, %dma_start3A_60, %dma_start3A_61] : memref<6x16x1024xf32, #tpu.memory_space<vmem>> -> memref<1x16x1024xf32, #tpu.memory_space<vmem>>
    %dma_start3A_63 = tpu.memref_squeeze %dma_start3A_62 : memref<1x16x1024xf32, #tpu.memory_space<vmem>> -> memref<16x1024xf32, #tpu.memory_space<vmem>>
    %dma_start3A_64 = arith.constant 32 : i32
    %dma_start3A_65 = tpu.memref_slice %arg5[%dma_start3A_64] : memref<512xi32, #tpu.memory_space<vmem>> -> memref<16xi32, #tpu.memory_space<vmem>>
    %dma_start3A_66 = arith.constant 0 : i32
    %dma_start3A_67 = arith.constant 0 : i32
    %dma_start3A_68 = tpu.memref_slice %arg3[%dma_start3A_66, %dma_start3A_67] : memref<8192x1024xf32, #tpu.memory_space<hbm>> -> memref<8192x1024xf32, #tpu.memory_space<hbm>>
    %dma_start3A_69 = tpu.memref_slice %arg7[%dma_start3A_59] : memref<6x!tpu.dma_semaphore, #tpu.memory_space<semaphore_mem>> -> memref<1x!tpu.dma_semaphore, #tpu.memory_space<semaphore_mem>>
    %dma_start3A_70 = tpu.memref_squeeze %dma_start3A_69 : memref<1x!tpu.dma_semaphore, #tpu.memory_space<semaphore_mem>> -> memref<!tpu.dma_semaphore, #tpu.memory_space<semaphore_mem>>
    tpu.enqueue_indirect_dma source(%dma_start3A_68 : memref<8192x1024xf32, #tpu.memory_space<hbm>>) target(%dma_start3A_63 : memref<16x1024xf32, #tpu.memory_space<vmem>>) offsets(%dma_start3A_65 : memref<16xi32, #tpu.memory_space<vmem>>) semaphore(%dma_start3A_70 : memref<!tpu.dma_semaphore, #tpu.memory_space<semaphore_mem>>)
    %dma_start3A_71 = arith.constant 3 : i32
    %dma_start3A_72 = arith.constant 3 : i32
    %dma_start3A_73 = arith.constant 0 : i32
    %dma_start3A_74 = arith.constant 0 : i32
    %dma_start3A_75 = tpu.memref_slice %arg6[%dma_start3A_71, %dma_start3A_73, %dma_start3A_74] : memref<6x16x1024xf32, #tpu.memory_space<vmem>> -> memref<1x16x1024xf32, #tpu.memory_space<vmem>>
    %dma_start3A_76 = tpu.memref_squeeze %dma_start3A_75 : memref<1x16x1024xf32, #tpu.memory_space<vmem>> -> memref<16x1024xf32, #tpu.memory_space<vmem>>
    %dma_start3A_77 = arith.constant 48 : i32
    %dma_start3A_78 = tpu.memref_slice %arg5[%dma_start3A_77] : memref<512xi32, #tpu.memory_space<vmem>> -> memref<16xi32, #tpu.memory_space<vmem>>
    %dma_start3A_79 = arith.constant 0 : i32
    %dma_start3A_80 = arith.constant 0 : i32
    %dma_start3A_81 = tpu.memref_slice %arg3[%dma_start3A_79, %dma_start3A_80] : memref<8192x1024xf32, #tpu.memory_space<hbm>> -> memref<8192x1024xf32, #tpu.memory_space<hbm>>
    %dma_start3A_82 = tpu.memref_slice %arg7[%dma_start3A_72] : memref<6x!tpu.dma_semaphore, #tpu.memory_space<semaphore_mem>> -> memref<1x!tpu.dma_semaphore, #tpu.memory_space<semaphore_mem>>
    %dma_start3A_83 = tpu.memref_squeeze %dma_start3A_82 : memref<1x!tpu.dma_semaphore, #tpu.memory_space<semaphore_mem>> -> memref<!tpu.dma_semaphore, #tpu.memory_space<semaphore_mem>>
    tpu.enqueue_indirect_dma source(%dma_start3A_81 : memref<8192x1024xf32, #tpu.memory_space<hbm>>) target(%dma_start3A_76 : memref<16x1024xf32, #tpu.memory_space<vmem>>) offsets(%dma_start3A_78 : memref<16xi32, #tpu.memory_space<vmem>>) semaphore(%dma_start3A_83 : memref<!tpu.dma_semaphore, #tpu.memory_space<semaphore_mem>>)
    %dma_start3A_84 = arith.constant 4 : i32
    %dma_start3A_85 = arith.constant 4 : i32
    %dma_start3A_86 = arith.constant 0 : i32
    %dma_start3A_87 = arith.constant 0 : i32
    %dma_start3A_88 = tpu.memref_slice %arg6[%dma_start3A_84, %dma_start3A_86, %dma_start3A_87] : memref<6x16x1024xf32, #tpu.memory_space<vmem>> -> memref<1x16x1024xf32, #tpu.memory_space<vmem>>
    %dma_start3A_89 = tpu.memref_squeeze %dma_start3A_88 : memref<1x16x1024xf32, #tpu.memory_space<vmem>> -> memref<16x1024xf32, #tpu.memory_space<vmem>>
    %dma_start3A_90 = arith.constant 64 : i32
    %dma_start3A_91 = tpu.memref_slice %arg5[%dma_start3A_90] : memref<512xi32, #tpu.memory_space<vmem>> -> memref<16xi32, #tpu.memory_space<vmem>>
    %dma_start3A_92 = arith.constant 0 : i32
    %dma_start3A_93 = arith.constant 0 : i32
    %dma_start3A_94 = tpu.memref_slice %arg3[%dma_start3A_92, %dma_start3A_93] : memref<8192x1024xf32, #tpu.memory_space<hbm>> -> memref<8192x1024xf32, #tpu.memory_space<hbm>>
    %dma_start3A_95 = tpu.memref_slice %arg7[%dma_start3A_85] : memref<6x!tpu.dma_semaphore, #tpu.memory_space<semaphore_mem>> -> memref<1x!tpu.dma_semaphore, #tpu.memory_space<semaphore_mem>>
    %dma_start3A_96 = tpu.memref_squeeze %dma_start3A_95 : memref<1x!tpu.dma_semaphore, #tpu.memory_space<semaphore_mem>> -> memref<!tpu.dma_semaphore, #tpu.memory_space<semaphore_mem>>
    tpu.enqueue_indirect_dma source(%dma_start3A_94 : memref<8192x1024xf32, #tpu.memory_space<hbm>>) target(%dma_start3A_89 : memref<16x1024xf32, #tpu.memory_space<vmem>>) offsets(%dma_start3A_91 : memref<16xi32, #tpu.memory_space<vmem>>) semaphore(%dma_start3A_96 : memref<!tpu.dma_semaphore, #tpu.memory_space<semaphore_mem>>)
    %dma_wait3A = arith.constant 0 : i32
    %dma_wait3A_97 = arith.constant 0 : i32
    %dma_wait3A_98 = arith.constant 0 : i32
    %dma_wait3A_99 = arith.constant 0 : i32
    %dma_wait3A_100 = tpu.memref_slice %arg6[%dma_wait3A, %dma_wait3A_98, %dma_wait3A_99] : memref<6x16x1024xf32, #tpu.memory_space<vmem>> -> memref<1x16x1024xf32, #tpu.memory_space<vmem>>
    %dma_wait3A_101 = tpu.memref_squeeze %dma_wait3A_100 : memref<1x16x1024xf32, #tpu.memory_space<vmem>> -> memref<16x1024xf32, #tpu.memory_space<vmem>>
    %dma_wait3A_102 = arith.constant 0 : i32
    %dma_wait3A_103 = tpu.memref_slice %arg5[%dma_wait3A_102] : memref<512xi32, #tpu.memory_space<vmem>> -> memref<16xi32, #tpu.memory_space<vmem>>
    %dma_wait3A_104 = arith.constant 0 : i32
    %dma_wait3A_105 = arith.constant 0 : i32
    %dma_wait3A_106 = tpu.memref_slice %arg3[%dma_wait3A_104, %dma_wait3A_105] : memref<8192x1024xf32, #tpu.memory_space<hbm>> -> memref<8192x1024xf32, #tpu.memory_space<hbm>>
    %dma_wait3A_107 = tpu.memref_slice %arg7[%dma_wait3A_97] : memref<6x!tpu.dma_semaphore, #tpu.memory_space<semaphore_mem>> -> memref<1x!tpu.dma_semaphore, #tpu.memory_space<semaphore_mem>>
    %dma_wait3A_108 = tpu.memref_squeeze %dma_wait3A_107 : memref<1x!tpu.dma_semaphore, #tpu.memory_space<semaphore_mem>> -> memref<!tpu.dma_semaphore, #tpu.memory_space<semaphore_mem>>
    tpu.wait_indirect_dma semaphore(%dma_wait3A_108 : memref<!tpu.dma_semaphore, #tpu.memory_space<semaphore_mem>>) src(%dma_wait3A_106 : memref<8192x1024xf32, #tpu.memory_space<hbm>>) dst(%dma_wait3A_101 : memref<16x1024xf32, #tpu.memory_space<vmem>>)
    %add3A_109 = arith.constant 0 : i32
    %add3A_110 = arith.addi %mul3A_32, %add3A_109 : i32
    %dma_start3A_111 = arith.constant 0 : i32
    %dma_start3A_112 = arith.constant 0 : i32
    %dma_start3A_113 = arith.constant 0 : i32
    %dma_start3A_114 = arith.constant 0 : i32
    %dma_start3A_115 = tpu.memref_slice %arg6[%dma_start3A_111, %dma_start3A_113, %dma_start3A_114] : memref<6x16x1024xf32, #tpu.memory_space<vmem>> -> memref<1x16x1024xf32, #tpu.memory_space<vmem>>
    %dma_start3A_116 = tpu.memref_squeeze %dma_start3A_115 : memref<1x16x1024xf32, #tpu.memory_space<vmem>> -> memref<16x1024xf32, #tpu.memory_space<vmem>>
    %dma_start3A_117 = arith.constant 0 : i32
    %dma_start3A_118 = tpu.memref_slice %arg4[%select_n3A, %add3A_110, %dma_start3A_117] : memref<4x4096x1024xf32, #tpu.memory_space<hbm>> -> memref<1x16x1024xf32, #tpu.memory_space<hbm>>
    %dma_start3A_119 = tpu.memref_squeeze %dma_start3A_118 : memref<1x16x1024xf32, #tpu.memory_space<hbm>> -> memref<16x1024xf32, #tpu.memory_space<hbm>>
    %dma_start3A_120 = tpu.memref_slice %arg8[%dma_start3A_112] : memref<6x!tpu.dma_semaphore, #tpu.memory_space<semaphore_mem>> -> memref<1x!tpu.dma_semaphore, #tpu.memory_space<semaphore_mem>>
    %dma_start3A_121 = tpu.memref_squeeze %dma_start3A_120 : memref<1x!tpu.dma_semaphore, #tpu.memory_space<semaphore_mem>> -> memref<!tpu.dma_semaphore, #tpu.memory_space<semaphore_mem>>
    %dma_start3A_122 = arith.constant 0 : i32
    %dma_start3A_123 = tpu.memref_slice %arg4[%select_n3A, %add3A_110, %dma_start3A_122] : memref<4x4096x1024xf32, #tpu.memory_space<hbm>> -> memref<1x16x1024xf32, #tpu.memory_space<hbm>>
    %dma_start3A_124 = tpu.memref_squeeze %dma_start3A_123 : memref<1x16x1024xf32, #tpu.memory_space<hbm>> -> memref<16x1024xf32, #tpu.memory_space<hbm>>
    %dma_start3A_125 = arith.constant 0 : i32
    %dma_start3A_126 = arith.constant 0 : i32
    %dma_start3A_127 = tpu.memref_slice %arg6[%dma_start3A_111, %dma_start3A_125, %dma_start3A_126] : memref<6x16x1024xf32, #tpu.memory_space<vmem>> -> memref<1x16x1024xf32, #tpu.memory_space<vmem>>
    %dma_start3A_128 = tpu.memref_squeeze %dma_start3A_127 : memref<1x16x1024xf32, #tpu.memory_space<vmem>> -> memref<16x1024xf32, #tpu.memory_space<vmem>>
    tpu.enqueue_dma source(%dma_start3A_128 : memref<16x1024xf32, #tpu.memory_space<vmem>>) target(%dma_start3A_124 : memref<16x1024xf32, #tpu.memory_space<hbm>>) target_semaphore(%dma_start3A_121 : memref<!tpu.dma_semaphore, #tpu.memory_space<semaphore_mem>>)
    %dma_start3A_129 = arith.constant 5 : i32
    %dma_start3A_130 = arith.constant 5 : i32
    %dma_start3A_131 = arith.constant 0 : i32
    %dma_start3A_132 = arith.constant 0 : i32
    %dma_start3A_133 = tpu.memref_slice %arg6[%dma_start3A_129, %dma_start3A_131, %dma_start3A_132] : memref<6x16x1024xf32, #tpu.memory_space<vmem>> -> memref<1x16x1024xf32, #tpu.memory_space<vmem>>
    %dma_start3A_134 = tpu.memref_squeeze %dma_start3A_133 : memref<1x16x1024xf32, #tpu.memory_space<vmem>> -> memref<16x1024xf32, #tpu.memory_space<vmem>>
    %dma_start3A_135 = arith.constant 80 : i32
    %dma_start3A_136 = tpu.memref_slice %arg5[%dma_start3A_135] : memref<512xi32, #tpu.memory_space<vmem>> -> memref<16xi32, #tpu.memory_space<vmem>>
    %dma_start3A_137 = arith.constant 0 : i32
    %dma_start3A_138 = arith.constant 0 : i32
    %dma_start3A_139 = tpu.memref_slice %arg3[%dma_start3A_137, %dma_start3A_138] : memref<8192x1024xf32, #tpu.memory_space<hbm>> -> memref<8192x1024xf32, #tpu.memory_space<hbm>>
    %dma_start3A_140 = tpu.memref_slice %arg7[%dma_start3A_130] : memref<6x!tpu.dma_semaphore, #tpu.memory_space<semaphore_mem>> -> memref<1x!tpu.dma_semaphore, #tpu.memory_space<semaphore_mem>>
    %dma_start3A_141 = tpu.memref_squeeze %dma_start3A_140 : memref<1x!tpu.dma_semaphore, #tpu.memory_space<semaphore_mem>> -> memref<!tpu.dma_semaphore, #tpu.memory_space<semaphore_mem>>
    tpu.enqueue_indirect_dma source(%dma_start3A_139 : memref<8192x1024xf32, #tpu.memory_space<hbm>>) target(%dma_start3A_134 : memref<16x1024xf32, #tpu.memory_space<vmem>>) offsets(%dma_start3A_136 : memref<16xi32, #tpu.memory_space<vmem>>) semaphore(%dma_start3A_141 : memref<!tpu.dma_semaphore, #tpu.memory_space<semaphore_mem>>)
    %dma_wait3A_142 = arith.constant 1 : i32
    %dma_wait3A_143 = arith.constant 1 : i32
    %dma_wait3A_144 = arith.constant 0 : i32
    %dma_wait3A_145 = arith.constant 0 : i32
    %dma_wait3A_146 = tpu.memref_slice %arg6[%dma_wait3A_142, %dma_wait3A_144, %dma_wait3A_145] : memref<6x16x1024xf32, #tpu.memory_space<vmem>> -> memref<1x16x1024xf32, #tpu.memory_space<vmem>>
    %dma_wait3A_147 = tpu.memref_squeeze %dma_wait3A_146 : memref<1x16x1024xf32, #tpu.memory_space<vmem>> -> memref<16x1024xf32, #tpu.memory_space<vmem>>
    %dma_wait3A_148 = arith.constant 16 : i32
    %dma_wait3A_149 = tpu.memref_slice %arg5[%dma_wait3A_148] : memref<512xi32, #tpu.memory_space<vmem>> -> memref<16xi32, #tpu.memory_space<vmem>>
    %dma_wait3A_150 = arith.constant 0 : i32
    %dma_wait3A_151 = arith.constant 0 : i32
    %dma_wait3A_152 = tpu.memref_slice %arg3[%dma_wait3A_150, %dma_wait3A_151] : memref<8192x1024xf32, #tpu.memory_space<hbm>> -> memref<8192x1024xf32, #tpu.memory_space<hbm>>
    %dma_wait3A_153 = tpu.memref_slice %arg7[%dma_wait3A_143] : memref<6x!tpu.dma_semaphore, #tpu.memory_space<semaphore_mem>> -> memref<1x!tpu.dma_semaphore, #tpu.memory_space<semaphore_mem>>
    %dma_wait3A_154 = tpu.memref_squeeze %dma_wait3A_153 : memref<1x!tpu.dma_semaphore, #tpu.memory_space<semaphore_mem>> -> memref<!tpu.dma_semaphore, #tpu.memory_space<semaphore_mem>>
    tpu.wait_indirect_dma semaphore(%dma_wait3A_154 : memref<!tpu.dma_semaphore, #tpu.memory_space<semaphore_mem>>) src(%dma_wait3A_152 : memref<8192x1024xf32, #tpu.memory_space<hbm>>) dst(%dma_wait3A_147 : memref<16x1024xf32, #tpu.memory_space<vmem>>)
    %add3A_155 = arith.constant 16 : i32
    %add3A_156 = arith.addi %mul3A_32, %add3A_155 : i32
    %dma_start3A_157 = arith.constant 1 : i32
    %dma_start3A_158 = arith.constant 1 : i32
    %dma_start3A_159 = arith.constant 0 : i32
    %dma_start3A_160 = arith.constant 0 : i32
    %dma_start3A_161 = tpu.memref_slice %arg6[%dma_start3A_157, %dma_start3A_159, %dma_start3A_160] : memref<6x16x1024xf32, #tpu.memory_space<vmem>> -> memref<1x16x1024xf32, #tpu.memory_space<vmem>>
    %dma_start3A_162 = tpu.memref_squeeze %dma_start3A_161 : memref<1x16x1024xf32, #tpu.memory_space<vmem>> -> memref<16x1024xf32, #tpu.memory_space<vmem>>
    %dma_start3A_163 = arith.constant 0 : i32
    %dma_start3A_164 = tpu.memref_slice %arg4[%select_n3A, %add3A_156, %dma_start3A_163] : memref<4x4096x1024xf32, #tpu.memory_space<hbm>> -> memref<1x16x1024xf32, #tpu.memory_space<hbm>>
    %dma_start3A_165 = tpu.memref_squeeze %dma_start3A_164 : memref<1x16x1024xf32, #tpu.memory_space<hbm>> -> memref<16x1024xf32, #tpu.memory_space<hbm>>
    %dma_start3A_166 = tpu.memref_slice %arg8[%dma_start3A_158] : memref<6x!tpu.dma_semaphore, #tpu.memory_space<semaphore_mem>> -> memref<1x!tpu.dma_semaphore, #tpu.memory_space<semaphore_mem>>
    %dma_start3A_167 = tpu.memref_squeeze %dma_start3A_166 : memref<1x!tpu.dma_semaphore, #tpu.memory_space<semaphore_mem>> -> memref<!tpu.dma_semaphore, #tpu.memory_space<semaphore_mem>>
    %dma_start3A_168 = arith.constant 0 : i32
    %dma_start3A_169 = tpu.memref_slice %arg4[%select_n3A, %add3A_156, %dma_start3A_168] : memref<4x4096x1024xf32, #tpu.memory_space<hbm>> -> memref<1x16x1024xf32, #tpu.memory_space<hbm>>
    %dma_start3A_170 = tpu.memref_squeeze %dma_start3A_169 : memref<1x16x1024xf32, #tpu.memory_space<hbm>> -> memref<16x1024xf32, #tpu.memory_space<hbm>>
    %dma_start3A_171 = arith.constant 0 : i32
    %dma_start3A_172 = arith.constant 0 : i32
    %dma_start3A_173 = tpu.memref_slice %arg6[%dma_start3A_157, %dma_start3A_171, %dma_start3A_172] : memref<6x16x1024xf32, #tpu.memory_space<vmem>> -> memref<1x16x1024xf32, #tpu.memory_space<vmem>>
    %dma_start3A_174 = tpu.memref_squeeze %dma_start3A_173 : memref<1x16x1024xf32, #tpu.memory_space<vmem>> -> memref<16x1024xf32, #tpu.memory_space<vmem>>
    tpu.enqueue_dma source(%dma_start3A_174 : memref<16x1024xf32, #tpu.memory_space<vmem>>) target(%dma_start3A_170 : memref<16x1024xf32, #tpu.memory_space<hbm>>) target_semaphore(%dma_start3A_167 : memref<!tpu.dma_semaphore, #tpu.memory_space<semaphore_mem>>)
    %dma_wait3A_175 = arith.constant 0 : i32
    %dma_wait3A_176 = arith.constant 0 : i32
    %dma_wait3A_177 = arith.constant 0 : i32
    %dma_wait3A_178 = arith.constant 0 : i32
    %dma_wait3A_179 = tpu.memref_slice %arg6[%dma_wait3A_175, %dma_wait3A_177, %dma_wait3A_178] : memref<6x16x1024xf32, #tpu.memory_space<vmem>> -> memref<1x16x1024xf32, #tpu.memory_space<vmem>>
    %dma_wait3A_180 = tpu.memref_squeeze %dma_wait3A_179 : memref<1x16x1024xf32, #tpu.memory_space<vmem>> -> memref<16x1024xf32, #tpu.memory_space<vmem>>
    %dma_wait3A_181 = arith.constant 0 : i32
    %dma_wait3A_182 = tpu.memref_slice %arg4[%select_n3A, %add3A_110, %dma_wait3A_181] : memref<4x4096x1024xf32, #tpu.memory_space<hbm>> -> memref<1x16x1024xf32, #tpu.memory_space<hbm>>
    %dma_wait3A_183 = tpu.memref_squeeze %dma_wait3A_182 : memref<1x16x1024xf32, #tpu.memory_space<hbm>> -> memref<16x1024xf32, #tpu.memory_space<hbm>>
    %dma_wait3A_184 = tpu.memref_slice %arg8[%dma_wait3A_176] : memref<6x!tpu.dma_semaphore, #tpu.memory_space<semaphore_mem>> -> memref<1x!tpu.dma_semaphore, #tpu.memory_space<semaphore_mem>>
    %dma_wait3A_185 = tpu.memref_squeeze %dma_wait3A_184 : memref<1x!tpu.dma_semaphore, #tpu.memory_space<semaphore_mem>> -> memref<!tpu.dma_semaphore, #tpu.memory_space<semaphore_mem>>
    %dma_wait3A_186 = arith.constant 0 : i32
    %dma_wait3A_187 = tpu.memref_slice %arg4[%select_n3A, %add3A_110, %dma_wait3A_186] : memref<4x4096x1024xf32, #tpu.memory_space<hbm>> -> memref<1x16x1024xf32, #tpu.memory_space<hbm>>
    %dma_wait3A_188 = tpu.memref_squeeze %dma_wait3A_187 : memref<1x16x1024xf32, #tpu.memory_space<hbm>> -> memref<16x1024xf32, #tpu.memory_space<hbm>>
    %dma_wait3A_189 = arith.constant 0 : i32
    %dma_wait3A_190 = arith.constant 0 : i32
    %dma_wait3A_191 = tpu.memref_slice %arg6[%dma_wait3A_175, %dma_wait3A_189, %dma_wait3A_190] : memref<6x16x1024xf32, #tpu.memory_space<vmem>> -> memref<1x16x1024xf32, #tpu.memory_space<vmem>>
    %dma_wait3A_192 = tpu.memref_squeeze %dma_wait3A_191 : memref<1x16x1024xf32, #tpu.memory_space<vmem>> -> memref<16x1024xf32, #tpu.memory_space<vmem>>
    tpu.wait_dma2 semaphore(%dma_wait3A_185 : memref<!tpu.dma_semaphore, #tpu.memory_space<semaphore_mem>>) src(%dma_wait3A_192 : memref<16x1024xf32, #tpu.memory_space<vmem>>) dst(%dma_wait3A_188 : memref<16x1024xf32, #tpu.memory_space<hbm>>)
    %dma_start3A_193 = arith.constant 0 : i32
    %dma_start3A_194 = arith.constant 0 : i32
    %dma_start3A_195 = arith.constant 0 : i32
    %dma_start3A_196 = arith.constant 0 : i32
    %dma_start3A_197 = tpu.memref_slice %arg6[%dma_start3A_193, %dma_start3A_195, %dma_start3A_196] : memref<6x16x1024xf32, #tpu.memory_space<vmem>> -> memref<1x16x1024xf32, #tpu.memory_space<vmem>>
    %dma_start3A_198 = tpu.memref_squeeze %dma_start3A_197 : memref<1x16x1024xf32, #tpu.memory_space<vmem>> -> memref<16x1024xf32, #tpu.memory_space<vmem>>
    %dma_start3A_199 = arith.constant 96 : i32
    %dma_start3A_200 = tpu.memref_slice %arg5[%dma_start3A_199] : memref<512xi32, #tpu.memory_space<vmem>> -> memref<16xi32, #tpu.memory_space<vmem>>
    %dma_start3A_201 = arith.constant 0 : i32
    %dma_start3A_202 = arith.constant 0 : i32
    %dma_start3A_203 = tpu.memref_slice %arg3[%dma_start3A_201, %dma_start3A_202] : memref<8192x1024xf32, #tpu.memory_space<hbm>> -> memref<8192x1024xf32, #tpu.memory_space<hbm>>
    %dma_start3A_204 = tpu.memref_slice %arg7[%dma_start3A_194] : memref<6x!tpu.dma_semaphore, #tpu.memory_space<semaphore_mem>> -> memref<1x!tpu.dma_semaphore, #tpu.memory_space<semaphore_mem>>
    %dma_start3A_205 = tpu.memref_squeeze %dma_start3A_204 : memref<1x!tpu.dma_semaphore, #tpu.memory_space<semaphore_mem>> -> memref<!tpu.dma_semaphore, #tpu.memory_space<semaphore_mem>>
    tpu.enqueue_indirect_dma source(%dma_start3A_203 : memref<8192x1024xf32, #tpu.memory_space<hbm>>) target(%dma_start3A_198 : memref<16x1024xf32, #tpu.memory_space<vmem>>) offsets(%dma_start3A_200 : memref<16xi32, #tpu.memory_space<vmem>>) semaphore(%dma_start3A_205 : memref<!tpu.dma_semaphore, #tpu.memory_space<semaphore_mem>>)
    %dma_wait3A_206 = arith.constant 2 : i32
    %dma_wait3A_207 = arith.constant 2 : i32
    %dma_wait3A_208 = arith.constant 0 : i32
    %dma_wait3A_209 = arith.constant 0 : i32
    %dma_wait3A_210 = tpu.memref_slice %arg6[%dma_wait3A_206, %dma_wait3A_208, %dma_wait3A_209] : memref<6x16x1024xf32, #tpu.memory_space<vmem>> -> memref<1x16x1024xf32, #tpu.memory_space<vmem>>
    %dma_wait3A_211 = tpu.memref_squeeze %dma_wait3A_210 : memref<1x16x1024xf32, #tpu.memory_space<vmem>> -> memref<16x1024xf32, #tpu.memory_space<vmem>>
    %dma_wait3A_212 = arith.constant 32 : i32
    %dma_wait3A_213 = tpu.memref_slice %arg5[%dma_wait3A_212] : memref<512xi32, #tpu.memory_space<vmem>> -> memref<16xi32, #tpu.memory_space<vmem>>
    %dma_wait3A_214 = arith.constant 0 : i32
    %dma_wait3A_215 = arith.constant 0 : i32
    %dma_wait3A_216 = tpu.memref_slice %arg3[%dma_wait3A_214, %dma_wait3A_215] : memref<8192x1024xf32, #tpu.memory_space<hbm>> -> memref<8192x1024xf32, #tpu.memory_space<hbm>>
    %dma_wait3A_217 = tpu.memref_slice %arg7[%dma_wait3A_207] : memref<6x!tpu.dma_semaphore, #tpu.memory_space<semaphore_mem>> -> memref<1x!tpu.dma_semaphore, #tpu.memory_space<semaphore_mem>>
    %dma_wait3A_218 = tpu.memref_squeeze %dma_wait3A_217 : memref<1x!tpu.dma_semaphore, #tpu.memory_space<semaphore_mem>> -> memref<!tpu.dma_semaphore, #tpu.memory_space<semaphore_mem>>
    tpu.wait_indirect_dma semaphore(%dma_wait3A_218 : memref<!tpu.dma_semaphore, #tpu.memory_space<semaphore_mem>>) src(%dma_wait3A_216 : memref<8192x1024xf32, #tpu.memory_space<hbm>>) dst(%dma_wait3A_211 : memref<16x1024xf32, #tpu.memory_space<vmem>>)
    %add3A_219 = arith.constant 32 : i32
    %add3A_220 = arith.addi %mul3A_32, %add3A_219 : i32
    %dma_start3A_221 = arith.constant 2 : i32
    %dma_start3A_222 = arith.constant 2 : i32
    %dma_start3A_223 = arith.constant 0 : i32
    %dma_start3A_224 = arith.constant 0 : i32
    %dma_start3A_225 = tpu.memref_slice %arg6[%dma_start3A_221, %dma_start3A_223, %dma_start3A_224] : memref<6x16x1024xf32, #tpu.memory_space<vmem>> -> memref<1x16x1024xf32, #tpu.memory_space<vmem>>
    %dma_start3A_226 = tpu.memref_squeeze %dma_start3A_225 : memref<1x16x1024xf32, #tpu.memory_space<vmem>> -> memref<16x1024xf32, #tpu.memory_space<vmem>>
    %dma_start3A_227 = arith.constant 0 : i32
    %dma_start3A_228 = tpu.memref_slice %arg4[%select_n3A, %add3A_220, %dma_start3A_227] : memref<4x4096x1024xf32, #tpu.memory_space<hbm>> -> memref<1x16x1024xf32, #tpu.memory_space<hbm>>
    %dma_start3A_229 = tpu.memref_squeeze %dma_start3A_228 : memref<1x16x1024xf32, #tpu.memory_space<hbm>> -> memref<16x1024xf32, #tpu.memory_space<hbm>>
    %dma_start3A_230 = tpu.memref_slice %arg8[%dma_start3A_222] : memref<6x!tpu.dma_semaphore, #tpu.memory_space<semaphore_mem>> -> memref<1x!tpu.dma_semaphore, #tpu.memory_space<semaphore_mem>>
    %dma_start3A_231 = tpu.memref_squeeze %dma_start3A_230 : memref<1x!tpu.dma_semaphore, #tpu.memory_space<semaphore_mem>> -> memref<!tpu.dma_semaphore, #tpu.memory_space<semaphore_mem>>
    %dma_start3A_232 = arith.constant 0 : i32
    %dma_start3A_233 = tpu.memref_slice %arg4[%select_n3A, %add3A_220, %dma_start3A_232] : memref<4x4096x1024xf32, #tpu.memory_space<hbm>> -> memref<1x16x1024xf32, #tpu.memory_space<hbm>>
    %dma_start3A_234 = tpu.memref_squeeze %dma_start3A_233 : memref<1x16x1024xf32, #tpu.memory_space<hbm>> -> memref<16x1024xf32, #tpu.memory_space<hbm>>
    %dma_start3A_235 = arith.constant 0 : i32
    %dma_start3A_236 = arith.constant 0 : i32
    %dma_start3A_237 = tpu.memref_slice %arg6[%dma_start3A_221, %dma_start3A_235, %dma_start3A_236] : memref<6x16x1024xf32, #tpu.memory_space<vmem>> -> memref<1x16x1024xf32, #tpu.memory_space<vmem>>
    %dma_start3A_238 = tpu.memref_squeeze %dma_start3A_237 : memref<1x16x1024xf32, #tpu.memory_space<vmem>> -> memref<16x1024xf32, #tpu.memory_space<vmem>>
    tpu.enqueue_dma source(%dma_start3A_238 : memref<16x1024xf32, #tpu.memory_space<vmem>>) target(%dma_start3A_234 : memref<16x1024xf32, #tpu.memory_space<hbm>>) target_semaphore(%dma_start3A_231 : memref<!tpu.dma_semaphore, #tpu.memory_space<semaphore_mem>>)
    %dma_wait3A_239 = arith.constant 1 : i32
    %dma_wait3A_240 = arith.constant 1 : i32
    %dma_wait3A_241 = arith.constant 0 : i32
    %dma_wait3A_242 = arith.constant 0 : i32
    %dma_wait3A_243 = tpu.memref_slice %arg6[%dma_wait3A_239, %dma_wait3A_241, %dma_wait3A_242] : memref<6x16x1024xf32, #tpu.memory_space<vmem>> -> memref<1x16x1024xf32, #tpu.memory_space<vmem>>
    %dma_wait3A_244 = tpu.memref_squeeze %dma_wait3A_243 : memref<1x16x1024xf32, #tpu.memory_space<vmem>> -> memref<16x1024xf32, #tpu.memory_space<vmem>>
    %dma_wait3A_245 = arith.constant 0 : i32
    %dma_wait3A_246 = tpu.memref_slice %arg4[%select_n3A, %add3A_156, %dma_wait3A_245] : memref<4x4096x1024xf32, #tpu.memory_space<hbm>> -> memref<1x16x1024xf32, #tpu.memory_space<hbm>>
    %dma_wait3A_247 = tpu.memref_squeeze %dma_wait3A_246 : memref<1x16x1024xf32, #tpu.memory_space<hbm>> -> memref<16x1024xf32, #tpu.memory_space<hbm>>
    %dma_wait3A_248 = tpu.memref_slice %arg8[%dma_wait3A_240] : memref<6x!tpu.dma_semaphore, #tpu.memory_space<semaphore_mem>> -> memref<1x!tpu.dma_semaphore, #tpu.memory_space<semaphore_mem>>
    %dma_wait3A_249 = tpu.memref_squeeze %dma_wait3A_248 : memref<1x!tpu.dma_semaphore, #tpu.memory_space<semaphore_mem>> -> memref<!tpu.dma_semaphore, #tpu.memory_space<semaphore_mem>>
    %dma_wait3A_250 = arith.constant 0 : i32
    %dma_wait3A_251 = tpu.memref_slice %arg4[%select_n3A, %add3A_156, %dma_wait3A_250] : memref<4x4096x1024xf32, #tpu.memory_space<hbm>> -> memref<1x16x1024xf32, #tpu.memory_space<hbm>>
    %dma_wait3A_252 = tpu.memref_squeeze %dma_wait3A_251 : memref<1x16x1024xf32, #tpu.memory_space<hbm>> -> memref<16x1024xf32, #tpu.memory_space<hbm>>
    %dma_wait3A_253 = arith.constant 0 : i32
    %dma_wait3A_254 = arith.constant 0 : i32
    %dma_wait3A_255 = tpu.memref_slice %arg6[%dma_wait3A_239, %dma_wait3A_253, %dma_wait3A_254] : memref<6x16x1024xf32, #tpu.memory_space<vmem>> -> memref<1x16x1024xf32, #tpu.memory_space<vmem>>
    %dma_wait3A_256 = tpu.memref_squeeze %dma_wait3A_255 : memref<1x16x1024xf32, #tpu.memory_space<vmem>> -> memref<16x1024xf32, #tpu.memory_space<vmem>>
    tpu.wait_dma2 semaphore(%dma_wait3A_249 : memref<!tpu.dma_semaphore, #tpu.memory_space<semaphore_mem>>) src(%dma_wait3A_256 : memref<16x1024xf32, #tpu.memory_space<vmem>>) dst(%dma_wait3A_252 : memref<16x1024xf32, #tpu.memory_space<hbm>>)
    %dma_start3A_257 = arith.constant 1 : i32
    %dma_start3A_258 = arith.constant 1 : i32
    %dma_start3A_259 = arith.constant 0 : i32
    %dma_start3A_260 = arith.constant 0 : i32
    %dma_start3A_261 = tpu.memref_slice %arg6[%dma_start3A_257, %dma_start3A_259, %dma_start3A_260] : memref<6x16x1024xf32, #tpu.memory_space<vmem>> -> memref<1x16x1024xf32, #tpu.memory_space<vmem>>
    %dma_start3A_262 = tpu.memref_squeeze %dma_start3A_261 : memref<1x16x1024xf32, #tpu.memory_space<vmem>> -> memref<16x1024xf32, #tpu.memory_space<vmem>>
    %dma_start3A_263 = arith.constant 112 : i32
    %dma_start3A_264 = tpu.memref_slice %arg5[%dma_start3A_263] : memref<512xi32, #tpu.memory_space<vmem>> -> memref<16xi32, #tpu.memory_space<vmem>>
    %dma_start3A_265 = arith.constant 0 : i32
    %dma_start3A_266 = arith.constant 0 : i32
    %dma_start3A_267 = tpu.memref_slice %arg3[%dma_start3A_265, %dma_start3A_266] : memref<8192x1024xf32, #tpu.memory_space<hbm>> -> memref<8192x1024xf32, #tpu.memory_space<hbm>>
    %dma_start3A_268 = tpu.memref_slice %arg7[%dma_start3A_258] : memref<6x!tpu.dma_semaphore, #tpu.memory_space<semaphore_mem>> -> memref<1x!tpu.dma_semaphore, #tpu.memory_space<semaphore_mem>>
    %dma_start3A_269 = tpu.memref_squeeze %dma_start3A_268 : memref<1x!tpu.dma_semaphore, #tpu.memory_space<semaphore_mem>> -> memref<!tpu.dma_semaphore, #tpu.memory_space<semaphore_mem>>
    tpu.enqueue_indirect_dma source(%dma_start3A_267 : memref<8192x1024xf32, #tpu.memory_space<hbm>>) target(%dma_start3A_262 : memref<16x1024xf32, #tpu.memory_space<vmem>>) offsets(%dma_start3A_264 : memref<16xi32, #tpu.memory_space<vmem>>) semaphore(%dma_start3A_269 : memref<!tpu.dma_semaphore, #tpu.memory_space<semaphore_mem>>)
    %dma_wait3A_270 = arith.constant 3 : i32
    %dma_wait3A_271 = arith.constant 3 : i32
    %dma_wait3A_272 = arith.constant 0 : i32
    %dma_wait3A_273 = arith.constant 0 : i32
    %dma_wait3A_274 = tpu.memref_slice %arg6[%dma_wait3A_270, %dma_wait3A_272, %dma_wait3A_273] : memref<6x16x1024xf32, #tpu.memory_space<vmem>> -> memref<1x16x1024xf32, #tpu.memory_space<vmem>>
    %dma_wait3A_275 = tpu.memref_squeeze %dma_wait3A_274 : memref<1x16x1024xf32, #tpu.memory_space<vmem>> -> memref<16x1024xf32, #tpu.memory_space<vmem>>
    %dma_wait3A_276 = arith.constant 48 : i32
    %dma_wait3A_277 = tpu.memref_slice %arg5[%dma_wait3A_276] : memref<512xi32, #tpu.memory_space<vmem>> -> memref<16xi32, #tpu.memory_space<vmem>>
    %dma_wait3A_278 = arith.constant 0 : i32
    %dma_wait3A_279 = arith.constant 0 : i32
    %dma_wait3A_280 = tpu.memref_slice %arg3[%dma_wait3A_278, %dma_wait3A_279] : memref<8192x1024xf32, #tpu.memory_space<hbm>> -> memref<8192x1024xf32, #tpu.memory_space<hbm>>
    %dma_wait3A_281 = tpu.memref_slice %arg7[%dma_wait3A_271] : memref<6x!tpu.dma_semaphore, #tpu.memory_space<semaphore_mem>> -> memref<1x!tpu.dma_semaphore, #tpu.memory_space<semaphore_mem>>
    %dma_wait3A_282 = tpu.memref_squeeze %dma_wait3A_281 : memref<1x!tpu.dma_semaphore, #tpu.memory_space<semaphore_mem>> -> memref<!tpu.dma_semaphore, #tpu.memory_space<semaphore_mem>>
    tpu.wait_indirect_dma semaphore(%dma_wait3A_282 : memref<!tpu.dma_semaphore, #tpu.memory_space<semaphore_mem>>) src(%dma_wait3A_280 : memref<8192x1024xf32, #tpu.memory_space<hbm>>) dst(%dma_wait3A_275 : memref<16x1024xf32, #tpu.memory_space<vmem>>)
    %add3A_283 = arith.constant 48 : i32
    %add3A_284 = arith.addi %mul3A_32, %add3A_283 : i32
    %dma_start3A_285 = arith.constant 3 : i32
    %dma_start3A_286 = arith.constant 3 : i32
    %dma_start3A_287 = arith.constant 0 : i32
    %dma_start3A_288 = arith.constant 0 : i32
    %dma_start3A_289 = tpu.memref_slice %arg6[%dma_start3A_285, %dma_start3A_287, %dma_start3A_288] : memref<6x16x1024xf32, #tpu.memory_space<vmem>> -> memref<1x16x1024xf32, #tpu.memory_space<vmem>>
    %dma_start3A_290 = tpu.memref_squeeze %dma_start3A_289 : memref<1x16x1024xf32, #tpu.memory_space<vmem>> -> memref<16x1024xf32, #tpu.memory_space<vmem>>
    %dma_start3A_291 = arith.constant 0 : i32
    %dma_start3A_292 = tpu.memref_slice %arg4[%select_n3A, %add3A_284, %dma_start3A_291] : memref<4x4096x1024xf32, #tpu.memory_space<hbm>> -> memref<1x16x1024xf32, #tpu.memory_space<hbm>>
    %dma_start3A_293 = tpu.memref_squeeze %dma_start3A_292 : memref<1x16x1024xf32, #tpu.memory_space<hbm>> -> memref<16x1024xf32, #tpu.memory_space<hbm>>
    %dma_start3A_294 = tpu.memref_slice %arg8[%dma_start3A_286] : memref<6x!tpu.dma_semaphore, #tpu.memory_space<semaphore_mem>> -> memref<1x!tpu.dma_semaphore, #tpu.memory_space<semaphore_mem>>
    %dma_start3A_295 = tpu.memref_squeeze %dma_start3A_294 : memref<1x!tpu.dma_semaphore, #tpu.memory_space<semaphore_mem>> -> memref<!tpu.dma_semaphore, #tpu.memory_space<semaphore_mem>>
    %dma_start3A_296 = arith.constant 0 : i32
    %dma_start3A_297 = tpu.memref_slice %arg4[%select_n3A, %add3A_284, %dma_start3A_296] : memref<4x4096x1024xf32, #tpu.memory_space<hbm>> -> memref<1x16x1024xf32, #tpu.memory_space<hbm>>
    %dma_start3A_298 = tpu.memref_squeeze %dma_start3A_297 : memref<1x16x1024xf32, #tpu.memory_space<hbm>> -> memref<16x1024xf32, #tpu.memory_space<hbm>>
    %dma_start3A_299 = arith.constant 0 : i32
    %dma_start3A_300 = arith.constant 0 : i32
    %dma_start3A_301 = tpu.memref_slice %arg6[%dma_start3A_285, %dma_start3A_299, %dma_start3A_300] : memref<6x16x1024xf32, #tpu.memory_space<vmem>> -> memref<1x16x1024xf32, #tpu.memory_space<vmem>>
    %dma_start3A_302 = tpu.memref_squeeze %dma_start3A_301 : memref<1x16x1024xf32, #tpu.memory_space<vmem>> -> memref<16x1024xf32, #tpu.memory_space<vmem>>
    tpu.enqueue_dma source(%dma_start3A_302 : memref<16x1024xf32, #tpu.memory_space<vmem>>) target(%dma_start3A_298 : memref<16x1024xf32, #tpu.memory_space<hbm>>) target_semaphore(%dma_start3A_295 : memref<!tpu.dma_semaphore, #tpu.memory_space<semaphore_mem>>)
    %dma_wait3A_303 = arith.constant 2 : i32
    %dma_wait3A_304 = arith.constant 2 : i32
    %dma_wait3A_305 = arith.constant 0 : i32
    %dma_wait3A_306 = arith.constant 0 : i32
    %dma_wait3A_307 = tpu.memref_slice %arg6[%dma_wait3A_303, %dma_wait3A_305, %dma_wait3A_306] : memref<6x16x1024xf32, #tpu.memory_space<vmem>> -> memref<1x16x1024xf32, #tpu.memory_space<vmem>>
    %dma_wait3A_308 = tpu.memref_squeeze %dma_wait3A_307 : memref<1x16x1024xf32, #tpu.memory_space<vmem>> -> memref<16x1024xf32, #tpu.memory_space<vmem>>
    %dma_wait3A_309 = arith.constant 0 : i32
    %dma_wait3A_310 = tpu.memref_slice %arg4[%select_n3A, %add3A_220, %dma_wait3A_309] : memref<4x4096x1024xf32, #tpu.memory_space<hbm>> -> memref<1x16x1024xf32, #tpu.memory_space<hbm>>
    %dma_wait3A_311 = tpu.memref_squeeze %dma_wait3A_310 : memref<1x16x1024xf32, #tpu.memory_space<hbm>> -> memref<16x1024xf32, #tpu.memory_space<hbm>>
    %dma_wait3A_312 = tpu.memref_slice %arg8[%dma_wait3A_304] : memref<6x!tpu.dma_semaphore, #tpu.memory_space<semaphore_mem>> -> memref<1x!tpu.dma_semaphore, #tpu.memory_space<semaphore_mem>>
    %dma_wait3A_313 = tpu.memref_squeeze %dma_wait3A_312 : memref<1x!tpu.dma_semaphore, #tpu.memory_space<semaphore_mem>> -> memref<!tpu.dma_semaphore, #tpu.memory_space<semaphore_mem>>
    %dma_wait3A_314 = arith.constant 0 : i32
    %dma_wait3A_315 = tpu.memref_slice %arg4[%select_n3A, %add3A_220, %dma_wait3A_314] : memref<4x4096x1024xf32, #tpu.memory_space<hbm>> -> memref<1x16x1024xf32, #tpu.memory_space<hbm>>
    %dma_wait3A_316 = tpu.memref_squeeze %dma_wait3A_315 : memref<1x16x1024xf32, #tpu.memory_space<hbm>> -> memref<16x1024xf32, #tpu.memory_space<hbm>>
    %dma_wait3A_317 = arith.constant 0 : i32
    %dma_wait3A_318 = arith.constant 0 : i32
    %dma_wait3A_319 = tpu.memref_slice %arg6[%dma_wait3A_303, %dma_wait3A_317, %dma_wait3A_318] : memref<6x16x1024xf32, #tpu.memory_space<vmem>> -> memref<1x16x1024xf32, #tpu.memory_space<vmem>>
    %dma_wait3A_320 = tpu.memref_squeeze %dma_wait3A_319 : memref<1x16x1024xf32, #tpu.memory_space<vmem>> -> memref<16x1024xf32, #tpu.memory_space<vmem>>
    tpu.wait_dma2 semaphore(%dma_wait3A_313 : memref<!tpu.dma_semaphore, #tpu.memory_space<semaphore_mem>>) src(%dma_wait3A_320 : memref<16x1024xf32, #tpu.memory_space<vmem>>) dst(%dma_wait3A_316 : memref<16x1024xf32, #tpu.memory_space<hbm>>)
    %dma_start3A_321 = arith.constant 2 : i32
    %dma_start3A_322 = arith.constant 2 : i32
    %dma_start3A_323 = arith.constant 0 : i32
    %dma_start3A_324 = arith.constant 0 : i32
    %dma_start3A_325 = tpu.memref_slice %arg6[%dma_start3A_321, %dma_start3A_323, %dma_start3A_324] : memref<6x16x1024xf32, #tpu.memory_space<vmem>> -> memref<1x16x1024xf32, #tpu.memory_space<vmem>>
    %dma_start3A_326 = tpu.memref_squeeze %dma_start3A_325 : memref<1x16x1024xf32, #tpu.memory_space<vmem>> -> memref<16x1024xf32, #tpu.memory_space<vmem>>
    %dma_start3A_327 = arith.constant 128 : i32
    %dma_start3A_328 = tpu.memref_slice %arg5[%dma_start3A_327] : memref<512xi32, #tpu.memory_space<vmem>> -> memref<16xi32, #tpu.memory_space<vmem>>
    %dma_start3A_329 = arith.constant 0 : i32
    %dma_start3A_330 = arith.constant 0 : i32
    %dma_start3A_331 = tpu.memref_slice %arg3[%dma_start3A_329, %dma_start3A_330] : memref<8192x1024xf32, #tpu.memory_space<hbm>> -> memref<8192x1024xf32, #tpu.memory_space<hbm>>
    %dma_start3A_332 = tpu.memref_slice %arg7[%dma_start3A_322] : memref<6x!tpu.dma_semaphore, #tpu.memory_space<semaphore_mem>> -> memref<1x!tpu.dma_semaphore, #tpu.memory_space<semaphore_mem>>
    %dma_start3A_333 = tpu.memref_squeeze %dma_start3A_332 : memref<1x!tpu.dma_semaphore, #tpu.memory_space<semaphore_mem>> -> memref<!tpu.dma_semaphore, #tpu.memory_space<semaphore_mem>>
    tpu.enqueue_indirect_dma source(%dma_start3A_331 : memref<8192x1024xf32, #tpu.memory_space<hbm>>) target(%dma_start3A_326 : memref<16x1024xf32, #tpu.memory_space<vmem>>) offsets(%dma_start3A_328 : memref<16xi32, #tpu.memory_space<vmem>>) semaphore(%dma_start3A_333 : memref<!tpu.dma_semaphore, #tpu.memory_space<semaphore_mem>>)
    %dma_wait3A_334 = arith.constant 4 : i32
    %dma_wait3A_335 = arith.constant 4 : i32
    %dma_wait3A_336 = arith.constant 0 : i32
    %dma_wait3A_337 = arith.constant 0 : i32
    %dma_wait3A_338 = tpu.memref_slice %arg6[%dma_wait3A_334, %dma_wait3A_336, %dma_wait3A_337] : memref<6x16x1024xf32, #tpu.memory_space<vmem>> -> memref<1x16x1024xf32, #tpu.memory_space<vmem>>
    %dma_wait3A_339 = tpu.memref_squeeze %dma_wait3A_338 : memref<1x16x1024xf32, #tpu.memory_space<vmem>> -> memref<16x1024xf32, #tpu.memory_space<vmem>>
    %dma_wait3A_340 = arith.constant 64 : i32
    %dma_wait3A_341 = tpu.memref_slice %arg5[%dma_wait3A_340] : memref<512xi32, #tpu.memory_space<vmem>> -> memref<16xi32, #tpu.memory_space<vmem>>
    %dma_wait3A_342 = arith.constant 0 : i32
    %dma_wait3A_343 = arith.constant 0 : i32
    %dma_wait3A_344 = tpu.memref_slice %arg3[%dma_wait3A_342, %dma_wait3A_343] : memref<8192x1024xf32, #tpu.memory_space<hbm>> -> memref<8192x1024xf32, #tpu.memory_space<hbm>>
    %dma_wait3A_345 = tpu.memref_slice %arg7[%dma_wait3A_335] : memref<6x!tpu.dma_semaphore, #tpu.memory_space<semaphore_mem>> -> memref<1x!tpu.dma_semaphore, #tpu.memory_space<semaphore_mem>>
    %dma_wait3A_346 = tpu.memref_squeeze %dma_wait3A_345 : memref<1x!tpu.dma_semaphore, #tpu.memory_space<semaphore_mem>> -> memref<!tpu.dma_semaphore, #tpu.memory_space<semaphore_mem>>
    tpu.wait_indirect_dma semaphore(%dma_wait3A_346 : memref<!tpu.dma_semaphore, #tpu.memory_space<semaphore_mem>>) src(%dma_wait3A_344 : memref<8192x1024xf32, #tpu.memory_space<hbm>>) dst(%dma_wait3A_339 : memref<16x1024xf32, #tpu.memory_space<vmem>>)
    %add3A_347 = arith.constant 64 : i32
    %add3A_348 = arith.addi %mul3A_32, %add3A_347 : i32
    %dma_start3A_349 = arith.constant 4 : i32
    %dma_start3A_350 = arith.constant 4 : i32
    %dma_start3A_351 = arith.constant 0 : i32
    %dma_start3A_352 = arith.constant 0 : i32
    %dma_start3A_353 = tpu.memref_slice %arg6[%dma_start3A_349, %dma_start3A_351, %dma_start3A_352] : memref<6x16x1024xf32, #tpu.memory_space<vmem>> -> memref<1x16x1024xf32, #tpu.memory_space<vmem>>
    %dma_start3A_354 = tpu.memref_squeeze %dma_start3A_353 : memref<1x16x1024xf32, #tpu.memory_space<vmem>> -> memref<16x1024xf32, #tpu.memory_space<vmem>>
    %dma_start3A_355 = arith.constant 0 : i32
    %dma_start3A_356 = tpu.memref_slice %arg4[%select_n3A, %add3A_348, %dma_start3A_355] : memref<4x4096x1024xf32, #tpu.memory_space<hbm>> -> memref<1x16x1024xf32, #tpu.memory_space<hbm>>
    %dma_start3A_357 = tpu.memref_squeeze %dma_start3A_356 : memref<1x16x1024xf32, #tpu.memory_space<hbm>> -> memref<16x1024xf32, #tpu.memory_space<hbm>>
    %dma_start3A_358 = tpu.memref_slice %arg8[%dma_start3A_350] : memref<6x!tpu.dma_semaphore, #tpu.memory_space<semaphore_mem>> -> memref<1x!tpu.dma_semaphore, #tpu.memory_space<semaphore_mem>>
    %dma_start3A_359 = tpu.memref_squeeze %dma_start3A_358 : memref<1x!tpu.dma_semaphore, #tpu.memory_space<semaphore_mem>> -> memref<!tpu.dma_semaphore, #tpu.memory_space<semaphore_mem>>
    %dma_start3A_360 = arith.constant 0 : i32
    %dma_start3A_361 = tpu.memref_slice %arg4[%select_n3A, %add3A_348, %dma_start3A_360] : memref<4x4096x1024xf32, #tpu.memory_space<hbm>> -> memref<1x16x1024xf32, #tpu.memory_space<hbm>>
    %dma_start3A_362 = tpu.memref_squeeze %dma_start3A_361 : memref<1x16x1024xf32, #tpu.memory_space<hbm>> -> memref<16x1024xf32, #tpu.memory_space<hbm>>
    %dma_start3A_363 = arith.constant 0 : i32
    %dma_start3A_364 = arith.constant 0 : i32
    %dma_start3A_365 = tpu.memref_slice %arg6[%dma_start3A_349, %dma_start3A_363, %dma_start3A_364] : memref<6x16x1024xf32, #tpu.memory_space<vmem>> -> memref<1x16x1024xf32, #tpu.memory_space<vmem>>
    %dma_start3A_366 = tpu.memref_squeeze %dma_start3A_365 : memref<1x16x1024xf32, #tpu.memory_space<vmem>> -> memref<16x1024xf32, #tpu.memory_space<vmem>>
    tpu.enqueue_dma source(%dma_start3A_366 : memref<16x1024xf32, #tpu.memory_space<vmem>>) target(%dma_start3A_362 : memref<16x1024xf32, #tpu.memory_space<hbm>>) target_semaphore(%dma_start3A_359 : memref<!tpu.dma_semaphore, #tpu.memory_space<semaphore_mem>>)
    %dma_wait3A_367 = arith.constant 3 : i32
    %dma_wait3A_368 = arith.constant 3 : i32
    %dma_wait3A_369 = arith.constant 0 : i32
    %dma_wait3A_370 = arith.constant 0 : i32
    %dma_wait3A_371 = tpu.memref_slice %arg6[%dma_wait3A_367, %dma_wait3A_369, %dma_wait3A_370] : memref<6x16x1024xf32, #tpu.memory_space<vmem>> -> memref<1x16x1024xf32, #tpu.memory_space<vmem>>
    %dma_wait3A_372 = tpu.memref_squeeze %dma_wait3A_371 : memref<1x16x1024xf32, #tpu.memory_space<vmem>> -> memref<16x1024xf32, #tpu.memory_space<vmem>>
    %dma_wait3A_373 = arith.constant 0 : i32
    %dma_wait3A_374 = tpu.memref_slice %arg4[%select_n3A, %add3A_284, %dma_wait3A_373] : memref<4x4096x1024xf32, #tpu.memory_space<hbm>> -> memref<1x16x1024xf32, #tpu.memory_space<hbm>>
    %dma_wait3A_375 = tpu.memref_squeeze %dma_wait3A_374 : memref<1x16x1024xf32, #tpu.memory_space<hbm>> -> memref<16x1024xf32, #tpu.memory_space<hbm>>
    %dma_wait3A_376 = tpu.memref_slice %arg8[%dma_wait3A_368] : memref<6x!tpu.dma_semaphore, #tpu.memory_space<semaphore_mem>> -> memref<1x!tpu.dma_semaphore, #tpu.memory_space<semaphore_mem>>
    %dma_wait3A_377 = tpu.memref_squeeze %dma_wait3A_376 : memref<1x!tpu.dma_semaphore, #tpu.memory_space<semaphore_mem>> -> memref<!tpu.dma_semaphore, #tpu.memory_space<semaphore_mem>>
    %dma_wait3A_378 = arith.constant 0 : i32
    %dma_wait3A_379 = tpu.memref_slice %arg4[%select_n3A, %add3A_284, %dma_wait3A_378] : memref<4x4096x1024xf32, #tpu.memory_space<hbm>> -> memref<1x16x1024xf32, #tpu.memory_space<hbm>>
    %dma_wait3A_380 = tpu.memref_squeeze %dma_wait3A_379 : memref<1x16x1024xf32, #tpu.memory_space<hbm>> -> memref<16x1024xf32, #tpu.memory_space<hbm>>
    %dma_wait3A_381 = arith.constant 0 : i32
    %dma_wait3A_382 = arith.constant 0 : i32
    %dma_wait3A_383 = tpu.memref_slice %arg6[%dma_wait3A_367, %dma_wait3A_381, %dma_wait3A_382] : memref<6x16x1024xf32, #tpu.memory_space<vmem>> -> memref<1x16x1024xf32, #tpu.memory_space<vmem>>
    %dma_wait3A_384 = tpu.memref_squeeze %dma_wait3A_383 : memref<1x16x1024xf32, #tpu.memory_space<vmem>> -> memref<16x1024xf32, #tpu.memory_space<vmem>>
    tpu.wait_dma2 semaphore(%dma_wait3A_377 : memref<!tpu.dma_semaphore, #tpu.memory_space<semaphore_mem>>) src(%dma_wait3A_384 : memref<16x1024xf32, #tpu.memory_space<vmem>>) dst(%dma_wait3A_380 : memref<16x1024xf32, #tpu.memory_space<hbm>>)
    %dma_start3A_385 = arith.constant 3 : i32
    %dma_start3A_386 = arith.constant 3 : i32
    %dma_start3A_387 = arith.constant 0 : i32
    %dma_start3A_388 = arith.constant 0 : i32
    %dma_start3A_389 = tpu.memref_slice %arg6[%dma_start3A_385, %dma_start3A_387, %dma_start3A_388] : memref<6x16x1024xf32, #tpu.memory_space<vmem>> -> memref<1x16x1024xf32, #tpu.memory_space<vmem>>
    %dma_start3A_390 = tpu.memref_squeeze %dma_start3A_389 : memref<1x16x1024xf32, #tpu.memory_space<vmem>> -> memref<16x1024xf32, #tpu.memory_space<vmem>>
    %dma_start3A_391 = arith.constant 144 : i32
    %dma_start3A_392 = tpu.memref_slice %arg5[%dma_start3A_391] : memref<512xi32, #tpu.memory_space<vmem>> -> memref<16xi32, #tpu.memory_space<vmem>>
    %dma_start3A_393 = arith.constant 0 : i32
    %dma_start3A_394 = arith.constant 0 : i32
    %dma_start3A_395 = tpu.memref_slice %arg3[%dma_start3A_393, %dma_start3A_394] : memref<8192x1024xf32, #tpu.memory_space<hbm>> -> memref<8192x1024xf32, #tpu.memory_space<hbm>>
    %dma_start3A_396 = tpu.memref_slice %arg7[%dma_start3A_386] : memref<6x!tpu.dma_semaphore, #tpu.memory_space<semaphore_mem>> -> memref<1x!tpu.dma_semaphore, #tpu.memory_space<semaphore_mem>>
    %dma_start3A_397 = tpu.memref_squeeze %dma_start3A_396 : memref<1x!tpu.dma_semaphore, #tpu.memory_space<semaphore_mem>> -> memref<!tpu.dma_semaphore, #tpu.memory_space<semaphore_mem>>
    tpu.enqueue_indirect_dma source(%dma_start3A_395 : memref<8192x1024xf32, #tpu.memory_space<hbm>>) target(%dma_start3A_390 : memref<16x1024xf32, #tpu.memory_space<vmem>>) offsets(%dma_start3A_392 : memref<16xi32, #tpu.memory_space<vmem>>) semaphore(%dma_start3A_397 : memref<!tpu.dma_semaphore, #tpu.memory_space<semaphore_mem>>)
    %dma_wait3A_398 = arith.constant 5 : i32
    %dma_wait3A_399 = arith.constant 5 : i32
    %dma_wait3A_400 = arith.constant 0 : i32
    %dma_wait3A_401 = arith.constant 0 : i32
    %dma_wait3A_402 = tpu.memref_slice %arg6[%dma_wait3A_398, %dma_wait3A_400, %dma_wait3A_401] : memref<6x16x1024xf32, #tpu.memory_space<vmem>> -> memref<1x16x1024xf32, #tpu.memory_space<vmem>>
    %dma_wait3A_403 = tpu.memref_squeeze %dma_wait3A_402 : memref<1x16x1024xf32, #tpu.memory_space<vmem>> -> memref<16x1024xf32, #tpu.memory_space<vmem>>
    %dma_wait3A_404 = arith.constant 80 : i32
    %dma_wait3A_405 = tpu.memref_slice %arg5[%dma_wait3A_404] : memref<512xi32, #tpu.memory_space<vmem>> -> memref<16xi32, #tpu.memory_space<vmem>>
    %dma_wait3A_406 = arith.constant 0 : i32
    %dma_wait3A_407 = arith.constant 0 : i32
    %dma_wait3A_408 = tpu.memref_slice %arg3[%dma_wait3A_406, %dma_wait3A_407] : memref<8192x1024xf32, #tpu.memory_space<hbm>> -> memref<8192x1024xf32, #tpu.memory_space<hbm>>
    %dma_wait3A_409 = tpu.memref_slice %arg7[%dma_wait3A_399] : memref<6x!tpu.dma_semaphore, #tpu.memory_space<semaphore_mem>> -> memref<1x!tpu.dma_semaphore, #tpu.memory_space<semaphore_mem>>
    %dma_wait3A_410 = tpu.memref_squeeze %dma_wait3A_409 : memref<1x!tpu.dma_semaphore, #tpu.memory_space<semaphore_mem>> -> memref<!tpu.dma_semaphore, #tpu.memory_space<semaphore_mem>>
    tpu.wait_indirect_dma semaphore(%dma_wait3A_410 : memref<!tpu.dma_semaphore, #tpu.memory_space<semaphore_mem>>) src(%dma_wait3A_408 : memref<8192x1024xf32, #tpu.memory_space<hbm>>) dst(%dma_wait3A_403 : memref<16x1024xf32, #tpu.memory_space<vmem>>)
    %add3A_411 = arith.constant 80 : i32
    %add3A_412 = arith.addi %mul3A_32, %add3A_411 : i32
    %dma_start3A_413 = arith.constant 5 : i32
    %dma_start3A_414 = arith.constant 5 : i32
    %dma_start3A_415 = arith.constant 0 : i32
    %dma_start3A_416 = arith.constant 0 : i32
    %dma_start3A_417 = tpu.memref_slice %arg6[%dma_start3A_413, %dma_start3A_415, %dma_start3A_416] : memref<6x16x1024xf32, #tpu.memory_space<vmem>> -> memref<1x16x1024xf32, #tpu.memory_space<vmem>>
    %dma_start3A_418 = tpu.memref_squeeze %dma_start3A_417 : memref<1x16x1024xf32, #tpu.memory_space<vmem>> -> memref<16x1024xf32, #tpu.memory_space<vmem>>
    %dma_start3A_419 = arith.constant 0 : i32
    %dma_start3A_420 = tpu.memref_slice %arg4[%select_n3A, %add3A_412, %dma_start3A_419] : memref<4x4096x1024xf32, #tpu.memory_space<hbm>> -> memref<1x16x1024xf32, #tpu.memory_space<hbm>>
    %dma_start3A_421 = tpu.memref_squeeze %dma_start3A_420 : memref<1x16x1024xf32, #tpu.memory_space<hbm>> -> memref<16x1024xf32, #tpu.memory_space<hbm>>
    %dma_start3A_422 = tpu.memref_slice %arg8[%dma_start3A_414] : memref<6x!tpu.dma_semaphore, #tpu.memory_space<semaphore_mem>> -> memref<1x!tpu.dma_semaphore, #tpu.memory_space<semaphore_mem>>
    %dma_start3A_423 = tpu.memref_squeeze %dma_start3A_422 : memref<1x!tpu.dma_semaphore, #tpu.memory_space<semaphore_mem>> -> memref<!tpu.dma_semaphore, #tpu.memory_space<semaphore_mem>>
    %dma_start3A_424 = arith.constant 0 : i32
    %dma_start3A_425 = tpu.memref_slice %arg4[%select_n3A, %add3A_412, %dma_start3A_424] : memref<4x4096x1024xf32, #tpu.memory_space<hbm>> -> memref<1x16x1024xf32, #tpu.memory_space<hbm>>
    %dma_start3A_426 = tpu.memref_squeeze %dma_start3A_425 : memref<1x16x1024xf32, #tpu.memory_space<hbm>> -> memref<16x1024xf32, #tpu.memory_space<hbm>>
    %dma_start3A_427 = arith.constant 0 : i32
    %dma_start3A_428 = arith.constant 0 : i32
    %dma_start3A_429 = tpu.memref_slice %arg6[%dma_start3A_413, %dma_start3A_427, %dma_start3A_428] : memref<6x16x1024xf32, #tpu.memory_space<vmem>> -> memref<1x16x1024xf32, #tpu.memory_space<vmem>>
    %dma_start3A_430 = tpu.memref_squeeze %dma_start3A_429 : memref<1x16x1024xf32, #tpu.memory_space<vmem>> -> memref<16x1024xf32, #tpu.memory_space<vmem>>
    tpu.enqueue_dma source(%dma_start3A_430 : memref<16x1024xf32, #tpu.memory_space<vmem>>) target(%dma_start3A_426 : memref<16x1024xf32, #tpu.memory_space<hbm>>) target_semaphore(%dma_start3A_423 : memref<!tpu.dma_semaphore, #tpu.memory_space<semaphore_mem>>)
    %dma_wait3A_431 = arith.constant 4 : i32
    %dma_wait3A_432 = arith.constant 4 : i32
    %dma_wait3A_433 = arith.constant 0 : i32
    %dma_wait3A_434 = arith.constant 0 : i32
    %dma_wait3A_435 = tpu.memref_slice %arg6[%dma_wait3A_431, %dma_wait3A_433, %dma_wait3A_434] : memref<6x16x1024xf32, #tpu.memory_space<vmem>> -> memref<1x16x1024xf32, #tpu.memory_space<vmem>>
    %dma_wait3A_436 = tpu.memref_squeeze %dma_wait3A_435 : memref<1x16x1024xf32, #tpu.memory_space<vmem>> -> memref<16x1024xf32, #tpu.memory_space<vmem>>
    %dma_wait3A_437 = arith.constant 0 : i32
    %dma_wait3A_438 = tpu.memref_slice %arg4[%select_n3A, %add3A_348, %dma_wait3A_437] : memref<4x4096x1024xf32, #tpu.memory_space<hbm>> -> memref<1x16x1024xf32, #tpu.memory_space<hbm>>
    %dma_wait3A_439 = tpu.memref_squeeze %dma_wait3A_438 : memref<1x16x1024xf32, #tpu.memory_space<hbm>> -> memref<16x1024xf32, #tpu.memory_space<hbm>>
    %dma_wait3A_440 = tpu.memref_slice %arg8[%dma_wait3A_432] : memref<6x!tpu.dma_semaphore, #tpu.memory_space<semaphore_mem>> -> memref<1x!tpu.dma_semaphore, #tpu.memory_space<semaphore_mem>>
    %dma_wait3A_441 = tpu.memref_squeeze %dma_wait3A_440 : memref<1x!tpu.dma_semaphore, #tpu.memory_space<semaphore_mem>> -> memref<!tpu.dma_semaphore, #tpu.memory_space<semaphore_mem>>
    %dma_wait3A_442 = arith.constant 0 : i32
    %dma_wait3A_443 = tpu.memref_slice %arg4[%select_n3A, %add3A_348, %dma_wait3A_442] : memref<4x4096x1024xf32, #tpu.memory_space<hbm>> -> memref<1x16x1024xf32, #tpu.memory_space<hbm>>
    %dma_wait3A_444 = tpu.memref_squeeze %dma_wait3A_443 : memref<1x16x1024xf32, #tpu.memory_space<hbm>> -> memref<16x1024xf32, #tpu.memory_space<hbm>>
    %dma_wait3A_445 = arith.constant 0 : i32
    %dma_wait3A_446 = arith.constant 0 : i32
    %dma_wait3A_447 = tpu.memref_slice %arg6[%dma_wait3A_431, %dma_wait3A_445, %dma_wait3A_446] : memref<6x16x1024xf32, #tpu.memory_space<vmem>> -> memref<1x16x1024xf32, #tpu.memory_space<vmem>>
    %dma_wait3A_448 = tpu.memref_squeeze %dma_wait3A_447 : memref<1x16x1024xf32, #tpu.memory_space<vmem>> -> memref<16x1024xf32, #tpu.memory_space<vmem>>
    tpu.wait_dma2 semaphore(%dma_wait3A_441 : memref<!tpu.dma_semaphore, #tpu.memory_space<semaphore_mem>>) src(%dma_wait3A_448 : memref<16x1024xf32, #tpu.memory_space<vmem>>) dst(%dma_wait3A_444 : memref<16x1024xf32, #tpu.memory_space<hbm>>)
    %dma_start3A_449 = arith.constant 4 : i32
    %dma_start3A_450 = arith.constant 4 : i32
    %dma_start3A_451 = arith.constant 0 : i32
    %dma_start3A_452 = arith.constant 0 : i32
    %dma_start3A_453 = tpu.memref_slice %arg6[%dma_start3A_449, %dma_start3A_451, %dma_start3A_452] : memref<6x16x1024xf32, #tpu.memory_space<vmem>> -> memref<1x16x1024xf32, #tpu.memory_space<vmem>>
    %dma_start3A_454 = tpu.memref_squeeze %dma_start3A_453 : memref<1x16x1024xf32, #tpu.memory_space<vmem>> -> memref<16x1024xf32, #tpu.memory_space<vmem>>
    %dma_start3A_455 = arith.constant 160 : i32
    %dma_start3A_456 = tpu.memref_slice %arg5[%dma_start3A_455] : memref<512xi32, #tpu.memory_space<vmem>> -> memref<16xi32, #tpu.memory_space<vmem>>
    %dma_start3A_457 = arith.constant 0 : i32
    %dma_start3A_458 = arith.constant 0 : i32
    %dma_start3A_459 = tpu.memref_slice %arg3[%dma_start3A_457, %dma_start3A_458] : memref<8192x1024xf32, #tpu.memory_space<hbm>> -> memref<8192x1024xf32, #tpu.memory_space<hbm>>
    %dma_start3A_460 = tpu.memref_slice %arg7[%dma_start3A_450] : memref<6x!tpu.dma_semaphore, #tpu.memory_space<semaphore_mem>> -> memref<1x!tpu.dma_semaphore, #tpu.memory_space<semaphore_mem>>
    %dma_start3A_461 = tpu.memref_squeeze %dma_start3A_460 : memref<1x!tpu.dma_semaphore, #tpu.memory_space<semaphore_mem>> -> memref<!tpu.dma_semaphore, #tpu.memory_space<semaphore_mem>>
    tpu.enqueue_indirect_dma source(%dma_start3A_459 : memref<8192x1024xf32, #tpu.memory_space<hbm>>) target(%dma_start3A_454 : memref<16x1024xf32, #tpu.memory_space<vmem>>) offsets(%dma_start3A_456 : memref<16xi32, #tpu.memory_space<vmem>>) semaphore(%dma_start3A_461 : memref<!tpu.dma_semaphore, #tpu.memory_space<semaphore_mem>>)
    %dma_wait3A_462 = arith.constant 0 : i32
    %dma_wait3A_463 = arith.constant 0 : i32
    %dma_wait3A_464 = arith.constant 0 : i32
    %dma_wait3A_465 = arith.constant 0 : i32
    %dma_wait3A_466 = tpu.memref_slice %arg6[%dma_wait3A_462, %dma_wait3A_464, %dma_wait3A_465] : memref<6x16x1024xf32, #tpu.memory_space<vmem>> -> memref<1x16x1024xf32, #tpu.memory_space<vmem>>
    %dma_wait3A_467 = tpu.memref_squeeze %dma_wait3A_466 : memref<1x16x1024xf32, #tpu.memory_space<vmem>> -> memref<16x1024xf32, #tpu.memory_space<vmem>>
    %dma_wait3A_468 = arith.constant 96 : i32
    %dma_wait3A_469 = tpu.memref_slice %arg5[%dma_wait3A_468] : memref<512xi32, #tpu.memory_space<vmem>> -> memref<16xi32, #tpu.memory_space<vmem>>
    %dma_wait3A_470 = arith.constant 0 : i32
    %dma_wait3A_471 = arith.constant 0 : i32
    %dma_wait3A_472 = tpu.memref_slice %arg3[%dma_wait3A_470, %dma_wait3A_471] : memref<8192x1024xf32, #tpu.memory_space<hbm>> -> memref<8192x1024xf32, #tpu.memory_space<hbm>>
    %dma_wait3A_473 = tpu.memref_slice %arg7[%dma_wait3A_463] : memref<6x!tpu.dma_semaphore, #tpu.memory_space<semaphore_mem>> -> memref<1x!tpu.dma_semaphore, #tpu.memory_space<semaphore_mem>>
    %dma_wait3A_474 = tpu.memref_squeeze %dma_wait3A_473 : memref<1x!tpu.dma_semaphore, #tpu.memory_space<semaphore_mem>> -> memref<!tpu.dma_semaphore, #tpu.memory_space<semaphore_mem>>
    tpu.wait_indirect_dma semaphore(%dma_wait3A_474 : memref<!tpu.dma_semaphore, #tpu.memory_space<semaphore_mem>>) src(%dma_wait3A_472 : memref<8192x1024xf32, #tpu.memory_space<hbm>>) dst(%dma_wait3A_467 : memref<16x1024xf32, #tpu.memory_space<vmem>>)
    %add3A_475 = arith.constant 96 : i32
    %add3A_476 = arith.addi %mul3A_32, %add3A_475 : i32
    %dma_start3A_477 = arith.constant 0 : i32
    %dma_start3A_478 = arith.constant 0 : i32
    %dma_start3A_479 = arith.constant 0 : i32
    %dma_start3A_480 = arith.constant 0 : i32
    %dma_start3A_481 = tpu.memref_slice %arg6[%dma_start3A_477, %dma_start3A_479, %dma_start3A_480] : memref<6x16x1024xf32, #tpu.memory_space<vmem>> -> memref<1x16x1024xf32, #tpu.memory_space<vmem>>
    %dma_start3A_482 = tpu.memref_squeeze %dma_start3A_481 : memref<1x16x1024xf32, #tpu.memory_space<vmem>> -> memref<16x1024xf32, #tpu.memory_space<vmem>>
    %dma_start3A_483 = arith.constant 0 : i32
    %dma_start3A_484 = tpu.memref_slice %arg4[%select_n3A, %add3A_476, %dma_start3A_483] : memref<4x4096x1024xf32, #tpu.memory_space<hbm>> -> memref<1x16x1024xf32, #tpu.memory_space<hbm>>
    %dma_start3A_485 = tpu.memref_squeeze %dma_start3A_484 : memref<1x16x1024xf32, #tpu.memory_space<hbm>> -> memref<16x1024xf32, #tpu.memory_space<hbm>>
    %dma_start3A_486 = tpu.memref_slice %arg8[%dma_start3A_478] : memref<6x!tpu.dma_semaphore, #tpu.memory_space<semaphore_mem>> -> memref<1x!tpu.dma_semaphore, #tpu.memory_space<semaphore_mem>>
    %dma_start3A_487 = tpu.memref_squeeze %dma_start3A_486 : memref<1x!tpu.dma_semaphore, #tpu.memory_space<semaphore_mem>> -> memref<!tpu.dma_semaphore, #tpu.memory_space<semaphore_mem>>
    %dma_start3A_488 = arith.constant 0 : i32
    %dma_start3A_489 = tpu.memref_slice %arg4[%select_n3A, %add3A_476, %dma_start3A_488] : memref<4x4096x1024xf32, #tpu.memory_space<hbm>> -> memref<1x16x1024xf32, #tpu.memory_space<hbm>>
    %dma_start3A_490 = tpu.memref_squeeze %dma_start3A_489 : memref<1x16x1024xf32, #tpu.memory_space<hbm>> -> memref<16x1024xf32, #tpu.memory_space<hbm>>
    %dma_start3A_491 = arith.constant 0 : i32
    %dma_start3A_492 = arith.constant 0 : i32
    %dma_start3A_493 = tpu.memref_slice %arg6[%dma_start3A_477, %dma_start3A_491, %dma_start3A_492] : memref<6x16x1024xf32, #tpu.memory_space<vmem>> -> memref<1x16x1024xf32, #tpu.memory_space<vmem>>
    %dma_start3A_494 = tpu.memref_squeeze %dma_start3A_493 : memref<1x16x1024xf32, #tpu.memory_space<vmem>> -> memref<16x1024xf32, #tpu.memory_space<vmem>>
    tpu.enqueue_dma source(%dma_start3A_494 : memref<16x1024xf32, #tpu.memory_space<vmem>>) target(%dma_start3A_490 : memref<16x1024xf32, #tpu.memory_space<hbm>>) target_semaphore(%dma_start3A_487 : memref<!tpu.dma_semaphore, #tpu.memory_space<semaphore_mem>>)
    %dma_wait3A_495 = arith.constant 5 : i32
    %dma_wait3A_496 = arith.constant 5 : i32
    %dma_wait3A_497 = arith.constant 0 : i32
    %dma_wait3A_498 = arith.constant 0 : i32
    %dma_wait3A_499 = tpu.memref_slice %arg6[%dma_wait3A_495, %dma_wait3A_497, %dma_wait3A_498] : memref<6x16x1024xf32, #tpu.memory_space<vmem>> -> memref<1x16x1024xf32, #tpu.memory_space<vmem>>
    %dma_wait3A_500 = tpu.memref_squeeze %dma_wait3A_499 : memref<1x16x1024xf32, #tpu.memory_space<vmem>> -> memref<16x1024xf32, #tpu.memory_space<vmem>>
    %dma_wait3A_501 = arith.constant 0 : i32
    %dma_wait3A_502 = tpu.memref_slice %arg4[%select_n3A, %add3A_412, %dma_wait3A_501] : memref<4x4096x1024xf32, #tpu.memory_space<hbm>> -> memref<1x16x1024xf32, #tpu.memory_space<hbm>>
    %dma_wait3A_503 = tpu.memref_squeeze %dma_wait3A_502 : memref<1x16x1024xf32, #tpu.memory_space<hbm>> -> memref<16x1024xf32, #tpu.memory_space<hbm>>
    %dma_wait3A_504 = tpu.memref_slice %arg8[%dma_wait3A_496] : memref<6x!tpu.dma_semaphore, #tpu.memory_space<semaphore_mem>> -> memref<1x!tpu.dma_semaphore, #tpu.memory_space<semaphore_mem>>
    %dma_wait3A_505 = tpu.memref_squeeze %dma_wait3A_504 : memref<1x!tpu.dma_semaphore, #tpu.memory_space<semaphore_mem>> -> memref<!tpu.dma_semaphore, #tpu.memory_space<semaphore_mem>>
    %dma_wait3A_506 = arith.constant 0 : i32
    %dma_wait3A_507 = tpu.memref_slice %arg4[%select_n3A, %add3A_412, %dma_wait3A_506] : memref<4x4096x1024xf32, #tpu.memory_space<hbm>> -> memref<1x16x1024xf32, #tpu.memory_space<hbm>>
    %dma_wait3A_508 = tpu.memref_squeeze %dma_wait3A_507 : memref<1x16x1024xf32, #tpu.memory_space<hbm>> -> memref<16x1024xf32, #tpu.memory_space<hbm>>
    %dma_wait3A_509 = arith.constant 0 : i32
    %dma_wait3A_510 = arith.constant 0 : i32
    %dma_wait3A_511 = tpu.memref_slice %arg6[%dma_wait3A_495, %dma_wait3A_509, %dma_wait3A_510] : memref<6x16x1024xf32, #tpu.memory_space<vmem>> -> memref<1x16x1024xf32, #tpu.memory_space<vmem>>
    %dma_wait3A_512 = tpu.memref_squeeze %dma_wait3A_511 : memref<1x16x1024xf32, #tpu.memory_space<vmem>> -> memref<16x1024xf32, #tpu.memory_space<vmem>>
    tpu.wait_dma2 semaphore(%dma_wait3A_505 : memref<!tpu.dma_semaphore, #tpu.memory_space<semaphore_mem>>) src(%dma_wait3A_512 : memref<16x1024xf32, #tpu.memory_space<vmem>>) dst(%dma_wait3A_508 : memref<16x1024xf32, #tpu.memory_space<hbm>>)
    %dma_start3A_513 = arith.constant 5 : i32
    %dma_start3A_514 = arith.constant 5 : i32
    %dma_start3A_515 = arith.constant 0 : i32
    %dma_start3A_516 = arith.constant 0 : i32
    %dma_start3A_517 = tpu.memref_slice %arg6[%dma_start3A_513, %dma_start3A_515, %dma_start3A_516] : memref<6x16x1024xf32, #tpu.memory_space<vmem>> -> memref<1x16x1024xf32, #tpu.memory_space<vmem>>
    %dma_start3A_518 = tpu.memref_squeeze %dma_start3A_517 : memref<1x16x1024xf32, #tpu.memory_space<vmem>> -> memref<16x1024xf32, #tpu.memory_space<vmem>>
    %dma_start3A_519 = arith.constant 176 : i32
    %dma_start3A_520 = tpu.memref_slice %arg5[%dma_start3A_519] : memref<512xi32, #tpu.memory_space<vmem>> -> memref<16xi32, #tpu.memory_space<vmem>>
    %dma_start3A_521 = arith.constant 0 : i32
    %dma_start3A_522 = arith.constant 0 : i32
    %dma_start3A_523 = tpu.memref_slice %arg3[%dma_start3A_521, %dma_start3A_522] : memref<8192x1024xf32, #tpu.memory_space<hbm>> -> memref<8192x1024xf32, #tpu.memory_space<hbm>>
    %dma_start3A_524 = tpu.memref_slice %arg7[%dma_start3A_514] : memref<6x!tpu.dma_semaphore, #tpu.memory_space<semaphore_mem>> -> memref<1x!tpu.dma_semaphore, #tpu.memory_space<semaphore_mem>>
    %dma_start3A_525 = tpu.memref_squeeze %dma_start3A_524 : memref<1x!tpu.dma_semaphore, #tpu.memory_space<semaphore_mem>> -> memref<!tpu.dma_semaphore, #tpu.memory_space<semaphore_mem>>
    tpu.enqueue_indirect_dma source(%dma_start3A_523 : memref<8192x1024xf32, #tpu.memory_space<hbm>>) target(%dma_start3A_518 : memref<16x1024xf32, #tpu.memory_space<vmem>>) offsets(%dma_start3A_520 : memref<16xi32, #tpu.memory_space<vmem>>) semaphore(%dma_start3A_525 : memref<!tpu.dma_semaphore, #tpu.memory_space<semaphore_mem>>)
    %dma_wait3A_526 = arith.constant 1 : i32
    %dma_wait3A_527 = arith.constant 1 : i32
    %dma_wait3A_528 = arith.constant 0 : i32
    %dma_wait3A_529 = arith.constant 0 : i32
    %dma_wait3A_530 = tpu.memref_slice %arg6[%dma_wait3A_526, %dma_wait3A_528, %dma_wait3A_529] : memref<6x16x1024xf32, #tpu.memory_space<vmem>> -> memref<1x16x1024xf32, #tpu.memory_space<vmem>>
    %dma_wait3A_531 = tpu.memref_squeeze %dma_wait3A_530 : memref<1x16x1024xf32, #tpu.memory_space<vmem>> -> memref<16x1024xf32, #tpu.memory_space<vmem>>
    %dma_wait3A_532 = arith.constant 112 : i32
    %dma_wait3A_533 = tpu.memref_slice %arg5[%dma_wait3A_532] : memref<512xi32, #tpu.memory_space<vmem>> -> memref<16xi32, #tpu.memory_space<vmem>>
    %dma_wait3A_534 = arith.constant 0 : i32
    %dma_wait3A_535 = arith.constant 0 : i32
    %dma_wait3A_536 = tpu.memref_slice %arg3[%dma_wait3A_534, %dma_wait3A_535] : memref<8192x1024xf32, #tpu.memory_space<hbm>> -> memref<8192x1024xf32, #tpu.memory_space<hbm>>
    %dma_wait3A_537 = tpu.memref_slice %arg7[%dma_wait3A_527] : memref<6x!tpu.dma_semaphore, #tpu.memory_space<semaphore_mem>> -> memref<1x!tpu.dma_semaphore, #tpu.memory_space<semaphore_mem>>
    %dma_wait3A_538 = tpu.memref_squeeze %dma_wait3A_537 : memref<1x!tpu.dma_semaphore, #tpu.memory_space<semaphore_mem>> -> memref<!tpu.dma_semaphore, #tpu.memory_space<semaphore_mem>>
    tpu.wait_indirect_dma semaphore(%dma_wait3A_538 : memref<!tpu.dma_semaphore, #tpu.memory_space<semaphore_mem>>) src(%dma_wait3A_536 : memref<8192x1024xf32, #tpu.memory_space<hbm>>) dst(%dma_wait3A_531 : memref<16x1024xf32, #tpu.memory_space<vmem>>)
    %add3A_539 = arith.constant 112 : i32
    %add3A_540 = arith.addi %mul3A_32, %add3A_539 : i32
    %dma_start3A_541 = arith.constant 1 : i32
    %dma_start3A_542 = arith.constant 1 : i32
    %dma_start3A_543 = arith.constant 0 : i32
    %dma_start3A_544 = arith.constant 0 : i32
    %dma_start3A_545 = tpu.memref_slice %arg6[%dma_start3A_541, %dma_start3A_543, %dma_start3A_544] : memref<6x16x1024xf32, #tpu.memory_space<vmem>> -> memref<1x16x1024xf32, #tpu.memory_space<vmem>>
    %dma_start3A_546 = tpu.memref_squeeze %dma_start3A_545 : memref<1x16x1024xf32, #tpu.memory_space<vmem>> -> memref<16x1024xf32, #tpu.memory_space<vmem>>
    %dma_start3A_547 = arith.constant 0 : i32
    %dma_start3A_548 = tpu.memref_slice %arg4[%select_n3A, %add3A_540, %dma_start3A_547] : memref<4x4096x1024xf32, #tpu.memory_space<hbm>> -> memref<1x16x1024xf32, #tpu.memory_space<hbm>>
    %dma_start3A_549 = tpu.memref_squeeze %dma_start3A_548 : memref<1x16x1024xf32, #tpu.memory_space<hbm>> -> memref<16x1024xf32, #tpu.memory_space<hbm>>
    %dma_start3A_550 = tpu.memref_slice %arg8[%dma_start3A_542] : memref<6x!tpu.dma_semaphore, #tpu.memory_space<semaphore_mem>> -> memref<1x!tpu.dma_semaphore, #tpu.memory_space<semaphore_mem>>
    %dma_start3A_551 = tpu.memref_squeeze %dma_start3A_550 : memref<1x!tpu.dma_semaphore, #tpu.memory_space<semaphore_mem>> -> memref<!tpu.dma_semaphore, #tpu.memory_space<semaphore_mem>>
    %dma_start3A_552 = arith.constant 0 : i32
    %dma_start3A_553 = tpu.memref_slice %arg4[%select_n3A, %add3A_540, %dma_start3A_552] : memref<4x4096x1024xf32, #tpu.memory_space<hbm>> -> memref<1x16x1024xf32, #tpu.memory_space<hbm>>
    %dma_start3A_554 = tpu.memref_squeeze %dma_start3A_553 : memref<1x16x1024xf32, #tpu.memory_space<hbm>> -> memref<16x1024xf32, #tpu.memory_space<hbm>>
    %dma_start3A_555 = arith.constant 0 : i32
    %dma_start3A_556 = arith.constant 0 : i32
    %dma_start3A_557 = tpu.memref_slice %arg6[%dma_start3A_541, %dma_start3A_555, %dma_start3A_556] : memref<6x16x1024xf32, #tpu.memory_space<vmem>> -> memref<1x16x1024xf32, #tpu.memory_space<vmem>>
    %dma_start3A_558 = tpu.memref_squeeze %dma_start3A_557 : memref<1x16x1024xf32, #tpu.memory_space<vmem>> -> memref<16x1024xf32, #tpu.memory_space<vmem>>
    tpu.enqueue_dma source(%dma_start3A_558 : memref<16x1024xf32, #tpu.memory_space<vmem>>) target(%dma_start3A_554 : memref<16x1024xf32, #tpu.memory_space<hbm>>) target_semaphore(%dma_start3A_551 : memref<!tpu.dma_semaphore, #tpu.memory_space<semaphore_mem>>)
    %dma_wait3A_559 = arith.constant 0 : i32
    %dma_wait3A_560 = arith.constant 0 : i32
    %dma_wait3A_561 = arith.constant 0 : i32
    %dma_wait3A_562 = arith.constant 0 : i32
    %dma_wait3A_563 = tpu.memref_slice %arg6[%dma_wait3A_559, %dma_wait3A_561, %dma_wait3A_562] : memref<6x16x1024xf32, #tpu.memory_space<vmem>> -> memref<1x16x1024xf32, #tpu.memory_space<vmem>>
    %dma_wait3A_564 = tpu.memref_squeeze %dma_wait3A_563 : memref<1x16x1024xf32, #tpu.memory_space<vmem>> -> memref<16x1024xf32, #tpu.memory_space<vmem>>
    %dma_wait3A_565 = arith.constant 0 : i32
    %dma_wait3A_566 = tpu.memref_slice %arg4[%select_n3A, %add3A_476, %dma_wait3A_565] : memref<4x4096x1024xf32, #tpu.memory_space<hbm>> -> memref<1x16x1024xf32, #tpu.memory_space<hbm>>
    %dma_wait3A_567 = tpu.memref_squeeze %dma_wait3A_566 : memref<1x16x1024xf32, #tpu.memory_space<hbm>> -> memref<16x1024xf32, #tpu.memory_space<hbm>>
    %dma_wait3A_568 = tpu.memref_slice %arg8[%dma_wait3A_560] : memref<6x!tpu.dma_semaphore, #tpu.memory_space<semaphore_mem>> -> memref<1x!tpu.dma_semaphore, #tpu.memory_space<semaphore_mem>>
    %dma_wait3A_569 = tpu.memref_squeeze %dma_wait3A_568 : memref<1x!tpu.dma_semaphore, #tpu.memory_space<semaphore_mem>> -> memref<!tpu.dma_semaphore, #tpu.memory_space<semaphore_mem>>
    %dma_wait3A_570 = arith.constant 0 : i32
    %dma_wait3A_571 = tpu.memref_slice %arg4[%select_n3A, %add3A_476, %dma_wait3A_570] : memref<4x4096x1024xf32, #tpu.memory_space<hbm>> -> memref<1x16x1024xf32, #tpu.memory_space<hbm>>
    %dma_wait3A_572 = tpu.memref_squeeze %dma_wait3A_571 : memref<1x16x1024xf32, #tpu.memory_space<hbm>> -> memref<16x1024xf32, #tpu.memory_space<hbm>>
    %dma_wait3A_573 = arith.constant 0 : i32
    %dma_wait3A_574 = arith.constant 0 : i32
    %dma_wait3A_575 = tpu.memref_slice %arg6[%dma_wait3A_559, %dma_wait3A_573, %dma_wait3A_574] : memref<6x16x1024xf32, #tpu.memory_space<vmem>> -> memref<1x16x1024xf32, #tpu.memory_space<vmem>>
    %dma_wait3A_576 = tpu.memref_squeeze %dma_wait3A_575 : memref<1x16x1024xf32, #tpu.memory_space<vmem>> -> memref<16x1024xf32, #tpu.memory_space<vmem>>
    tpu.wait_dma2 semaphore(%dma_wait3A_569 : memref<!tpu.dma_semaphore, #tpu.memory_space<semaphore_mem>>) src(%dma_wait3A_576 : memref<16x1024xf32, #tpu.memory_space<vmem>>) dst(%dma_wait3A_572 : memref<16x1024xf32, #tpu.memory_space<hbm>>)
    %dma_start3A_577 = arith.constant 0 : i32
    %dma_start3A_578 = arith.constant 0 : i32
    %dma_start3A_579 = arith.constant 0 : i32
    %dma_start3A_580 = arith.constant 0 : i32
    %dma_start3A_581 = tpu.memref_slice %arg6[%dma_start3A_577, %dma_start3A_579, %dma_start3A_580] : memref<6x16x1024xf32, #tpu.memory_space<vmem>> -> memref<1x16x1024xf32, #tpu.memory_space<vmem>>
    %dma_start3A_582 = tpu.memref_squeeze %dma_start3A_581 : memref<1x16x1024xf32, #tpu.memory_space<vmem>> -> memref<16x1024xf32, #tpu.memory_space<vmem>>
    %dma_start3A_583 = arith.constant 192 : i32
    %dma_start3A_584 = tpu.memref_slice %arg5[%dma_start3A_583] : memref<512xi32, #tpu.memory_space<vmem>> -> memref<16xi32, #tpu.memory_space<vmem>>
    %dma_start3A_585 = arith.constant 0 : i32
    %dma_start3A_586 = arith.constant 0 : i32
    %dma_start3A_587 = tpu.memref_slice %arg3[%dma_start3A_585, %dma_start3A_586] : memref<8192x1024xf32, #tpu.memory_space<hbm>> -> memref<8192x1024xf32, #tpu.memory_space<hbm>>
    %dma_start3A_588 = tpu.memref_slice %arg7[%dma_start3A_578] : memref<6x!tpu.dma_semaphore, #tpu.memory_space<semaphore_mem>> -> memref<1x!tpu.dma_semaphore, #tpu.memory_space<semaphore_mem>>
    %dma_start3A_589 = tpu.memref_squeeze %dma_start3A_588 : memref<1x!tpu.dma_semaphore, #tpu.memory_space<semaphore_mem>> -> memref<!tpu.dma_semaphore, #tpu.memory_space<semaphore_mem>>
    tpu.enqueue_indirect_dma source(%dma_start3A_587 : memref<8192x1024xf32, #tpu.memory_space<hbm>>) target(%dma_start3A_582 : memref<16x1024xf32, #tpu.memory_space<vmem>>) offsets(%dma_start3A_584 : memref<16xi32, #tpu.memory_space<vmem>>) semaphore(%dma_start3A_589 : memref<!tpu.dma_semaphore, #tpu.memory_space<semaphore_mem>>)
    %dma_wait3A_590 = arith.constant 2 : i32
    %dma_wait3A_591 = arith.constant 2 : i32
    %dma_wait3A_592 = arith.constant 0 : i32
    %dma_wait3A_593 = arith.constant 0 : i32
    %dma_wait3A_594 = tpu.memref_slice %arg6[%dma_wait3A_590, %dma_wait3A_592, %dma_wait3A_593] : memref<6x16x1024xf32, #tpu.memory_space<vmem>> -> memref<1x16x1024xf32, #tpu.memory_space<vmem>>
    %dma_wait3A_595 = tpu.memref_squeeze %dma_wait3A_594 : memref<1x16x1024xf32, #tpu.memory_space<vmem>> -> memref<16x1024xf32, #tpu.memory_space<vmem>>
    %dma_wait3A_596 = arith.constant 128 : i32
    %dma_wait3A_597 = tpu.memref_slice %arg5[%dma_wait3A_596] : memref<512xi32, #tpu.memory_space<vmem>> -> memref<16xi32, #tpu.memory_space<vmem>>
    %dma_wait3A_598 = arith.constant 0 : i32
    %dma_wait3A_599 = arith.constant 0 : i32
    %dma_wait3A_600 = tpu.memref_slice %arg3[%dma_wait3A_598, %dma_wait3A_599] : memref<8192x1024xf32, #tpu.memory_space<hbm>> -> memref<8192x1024xf32, #tpu.memory_space<hbm>>
    %dma_wait3A_601 = tpu.memref_slice %arg7[%dma_wait3A_591] : memref<6x!tpu.dma_semaphore, #tpu.memory_space<semaphore_mem>> -> memref<1x!tpu.dma_semaphore, #tpu.memory_space<semaphore_mem>>
    %dma_wait3A_602 = tpu.memref_squeeze %dma_wait3A_601 : memref<1x!tpu.dma_semaphore, #tpu.memory_space<semaphore_mem>> -> memref<!tpu.dma_semaphore, #tpu.memory_space<semaphore_mem>>
    tpu.wait_indirect_dma semaphore(%dma_wait3A_602 : memref<!tpu.dma_semaphore, #tpu.memory_space<semaphore_mem>>) src(%dma_wait3A_600 : memref<8192x1024xf32, #tpu.memory_space<hbm>>) dst(%dma_wait3A_595 : memref<16x1024xf32, #tpu.memory_space<vmem>>)
    %add3A_603 = arith.constant 128 : i32
    %add3A_604 = arith.addi %mul3A_32, %add3A_603 : i32
    %dma_start3A_605 = arith.constant 2 : i32
    %dma_start3A_606 = arith.constant 2 : i32
    %dma_start3A_607 = arith.constant 0 : i32
    %dma_start3A_608 = arith.constant 0 : i32
    %dma_start3A_609 = tpu.memref_slice %arg6[%dma_start3A_605, %dma_start3A_607, %dma_start3A_608] : memref<6x16x1024xf32, #tpu.memory_space<vmem>> -> memref<1x16x1024xf32, #tpu.memory_space<vmem>>
    %dma_start3A_610 = tpu.memref_squeeze %dma_start3A_609 : memref<1x16x1024xf32, #tpu.memory_space<vmem>> -> memref<16x1024xf32, #tpu.memory_space<vmem>>
    %dma_start3A_611 = arith.constant 0 : i32
    %dma_start3A_612 = tpu.memref_slice %arg4[%select_n3A, %add3A_604, %dma_start3A_611] : memref<4x4096x1024xf32, #tpu.memory_space<hbm>> -> memref<1x16x1024xf32, #tpu.memory_space<hbm>>
    %dma_start3A_613 = tpu.memref_squeeze %dma_start3A_612 : memref<1x16x1024xf32, #tpu.memory_space<hbm>> -> memref<16x1024xf32, #tpu.memory_space<hbm>>
    %dma_start3A_614 = tpu.memref_slice %arg8[%dma_start3A_606] : memref<6x!tpu.dma_semaphore, #tpu.memory_space<semaphore_mem>> -> memref<1x!tpu.dma_semaphore, #tpu.memory_space<semaphore_mem>>
    %dma_start3A_615 = tpu.memref_squeeze %dma_start3A_614 : memref<1x!tpu.dma_semaphore, #tpu.memory_space<semaphore_mem>> -> memref<!tpu.dma_semaphore, #tpu.memory_space<semaphore_mem>>
    %dma_start3A_616 = arith.constant 0 : i32
    %dma_start3A_617 = tpu.memref_slice %arg4[%select_n3A, %add3A_604, %dma_start3A_616] : memref<4x4096x1024xf32, #tpu.memory_space<hbm>> -> memref<1x16x1024xf32, #tpu.memory_space<hbm>>
    %dma_start3A_618 = tpu.memref_squeeze %dma_start3A_617 : memref<1x16x1024xf32, #tpu.memory_space<hbm>> -> memref<16x1024xf32, #tpu.memory_space<hbm>>
    %dma_start3A_619 = arith.constant 0 : i32
    %dma_start3A_620 = arith.constant 0 : i32
    %dma_start3A_621 = tpu.memref_slice %arg6[%dma_start3A_605, %dma_start3A_619, %dma_start3A_620] : memref<6x16x1024xf32, #tpu.memory_space<vmem>> -> memref<1x16x1024xf32, #tpu.memory_space<vmem>>
    %dma_start3A_622 = tpu.memref_squeeze %dma_start3A_621 : memref<1x16x1024xf32, #tpu.memory_space<vmem>> -> memref<16x1024xf32, #tpu.memory_space<vmem>>
    tpu.enqueue_dma source(%dma_start3A_622 : memref<16x1024xf32, #tpu.memory_space<vmem>>) target(%dma_start3A_618 : memref<16x1024xf32, #tpu.memory_space<hbm>>) target_semaphore(%dma_start3A_615 : memref<!tpu.dma_semaphore, #tpu.memory_space<semaphore_mem>>)
    %dma_wait3A_623 = arith.constant 1 : i32
    %dma_wait3A_624 = arith.constant 1 : i32
    %dma_wait3A_625 = arith.constant 0 : i32
    %dma_wait3A_626 = arith.constant 0 : i32
    %dma_wait3A_627 = tpu.memref_slice %arg6[%dma_wait3A_623, %dma_wait3A_625, %dma_wait3A_626] : memref<6x16x1024xf32, #tpu.memory_space<vmem>> -> memref<1x16x1024xf32, #tpu.memory_space<vmem>>
    %dma_wait3A_628 = tpu.memref_squeeze %dma_wait3A_627 : memref<1x16x1024xf32, #tpu.memory_space<vmem>> -> memref<16x1024xf32, #tpu.memory_space<vmem>>
    %dma_wait3A_629 = arith.constant 0 : i32
    %dma_wait3A_630 = tpu.memref_slice %arg4[%select_n3A, %add3A_540, %dma_wait3A_629] : memref<4x4096x1024xf32, #tpu.memory_space<hbm>> -> memref<1x16x1024xf32, #tpu.memory_space<hbm>>
    %dma_wait3A_631 = tpu.memref_squeeze %dma_wait3A_630 : memref<1x16x1024xf32, #tpu.memory_space<hbm>> -> memref<16x1024xf32, #tpu.memory_space<hbm>>
    %dma_wait3A_632 = tpu.memref_slice %arg8[%dma_wait3A_624] : memref<6x!tpu.dma_semaphore, #tpu.memory_space<semaphore_mem>> -> memref<1x!tpu.dma_semaphore, #tpu.memory_space<semaphore_mem>>
    %dma_wait3A_633 = tpu.memref_squeeze %dma_wait3A_632 : memref<1x!tpu.dma_semaphore, #tpu.memory_space<semaphore_mem>> -> memref<!tpu.dma_semaphore, #tpu.memory_space<semaphore_mem>>
    %dma_wait3A_634 = arith.constant 0 : i32
    %dma_wait3A_635 = tpu.memref_slice %arg4[%select_n3A, %add3A_540, %dma_wait3A_634] : memref<4x4096x1024xf32, #tpu.memory_space<hbm>> -> memref<1x16x1024xf32, #tpu.memory_space<hbm>>
    %dma_wait3A_636 = tpu.memref_squeeze %dma_wait3A_635 : memref<1x16x1024xf32, #tpu.memory_space<hbm>> -> memref<16x1024xf32, #tpu.memory_space<hbm>>
    %dma_wait3A_637 = arith.constant 0 : i32
    %dma_wait3A_638 = arith.constant 0 : i32
    %dma_wait3A_639 = tpu.memref_slice %arg6[%dma_wait3A_623, %dma_wait3A_637, %dma_wait3A_638] : memref<6x16x1024xf32, #tpu.memory_space<vmem>> -> memref<1x16x1024xf32, #tpu.memory_space<vmem>>
    %dma_wait3A_640 = tpu.memref_squeeze %dma_wait3A_639 : memref<1x16x1024xf32, #tpu.memory_space<vmem>> -> memref<16x1024xf32, #tpu.memory_space<vmem>>
    tpu.wait_dma2 semaphore(%dma_wait3A_633 : memref<!tpu.dma_semaphore, #tpu.memory_space<semaphore_mem>>) src(%dma_wait3A_640 : memref<16x1024xf32, #tpu.memory_space<vmem>>) dst(%dma_wait3A_636 : memref<16x1024xf32, #tpu.memory_space<hbm>>)
    %dma_start3A_641 = arith.constant 1 : i32
    %dma_start3A_642 = arith.constant 1 : i32
    %dma_start3A_643 = arith.constant 0 : i32
    %dma_start3A_644 = arith.constant 0 : i32
    %dma_start3A_645 = tpu.memref_slice %arg6[%dma_start3A_641, %dma_start3A_643, %dma_start3A_644] : memref<6x16x1024xf32, #tpu.memory_space<vmem>> -> memref<1x16x1024xf32, #tpu.memory_space<vmem>>
    %dma_start3A_646 = tpu.memref_squeeze %dma_start3A_645 : memref<1x16x1024xf32, #tpu.memory_space<vmem>> -> memref<16x1024xf32, #tpu.memory_space<vmem>>
    %dma_start3A_647 = arith.constant 208 : i32
    %dma_start3A_648 = tpu.memref_slice %arg5[%dma_start3A_647] : memref<512xi32, #tpu.memory_space<vmem>> -> memref<16xi32, #tpu.memory_space<vmem>>
    %dma_start3A_649 = arith.constant 0 : i32
    %dma_start3A_650 = arith.constant 0 : i32
    %dma_start3A_651 = tpu.memref_slice %arg3[%dma_start3A_649, %dma_start3A_650] : memref<8192x1024xf32, #tpu.memory_space<hbm>> -> memref<8192x1024xf32, #tpu.memory_space<hbm>>
    %dma_start3A_652 = tpu.memref_slice %arg7[%dma_start3A_642] : memref<6x!tpu.dma_semaphore, #tpu.memory_space<semaphore_mem>> -> memref<1x!tpu.dma_semaphore, #tpu.memory_space<semaphore_mem>>
    %dma_start3A_653 = tpu.memref_squeeze %dma_start3A_652 : memref<1x!tpu.dma_semaphore, #tpu.memory_space<semaphore_mem>> -> memref<!tpu.dma_semaphore, #tpu.memory_space<semaphore_mem>>
    tpu.enqueue_indirect_dma source(%dma_start3A_651 : memref<8192x1024xf32, #tpu.memory_space<hbm>>) target(%dma_start3A_646 : memref<16x1024xf32, #tpu.memory_space<vmem>>) offsets(%dma_start3A_648 : memref<16xi32, #tpu.memory_space<vmem>>) semaphore(%dma_start3A_653 : memref<!tpu.dma_semaphore, #tpu.memory_space<semaphore_mem>>)
    %dma_wait3A_654 = arith.constant 3 : i32
    %dma_wait3A_655 = arith.constant 3 : i32
    %dma_wait3A_656 = arith.constant 0 : i32
    %dma_wait3A_657 = arith.constant 0 : i32
    %dma_wait3A_658 = tpu.memref_slice %arg6[%dma_wait3A_654, %dma_wait3A_656, %dma_wait3A_657] : memref<6x16x1024xf32, #tpu.memory_space<vmem>> -> memref<1x16x1024xf32, #tpu.memory_space<vmem>>
    %dma_wait3A_659 = tpu.memref_squeeze %dma_wait3A_658 : memref<1x16x1024xf32, #tpu.memory_space<vmem>> -> memref<16x1024xf32, #tpu.memory_space<vmem>>
    %dma_wait3A_660 = arith.constant 144 : i32
    %dma_wait3A_661 = tpu.memref_slice %arg5[%dma_wait3A_660] : memref<512xi32, #tpu.memory_space<vmem>> -> memref<16xi32, #tpu.memory_space<vmem>>
    %dma_wait3A_662 = arith.constant 0 : i32
    %dma_wait3A_663 = arith.constant 0 : i32
    %dma_wait3A_664 = tpu.memref_slice %arg3[%dma_wait3A_662, %dma_wait3A_663] : memref<8192x1024xf32, #tpu.memory_space<hbm>> -> memref<8192x1024xf32, #tpu.memory_space<hbm>>
    %dma_wait3A_665 = tpu.memref_slice %arg7[%dma_wait3A_655] : memref<6x!tpu.dma_semaphore, #tpu.memory_space<semaphore_mem>> -> memref<1x!tpu.dma_semaphore, #tpu.memory_space<semaphore_mem>>
    %dma_wait3A_666 = tpu.memref_squeeze %dma_wait3A_665 : memref<1x!tpu.dma_semaphore, #tpu.memory_space<semaphore_mem>> -> memref<!tpu.dma_semaphore, #tpu.memory_space<semaphore_mem>>
    tpu.wait_indirect_dma semaphore(%dma_wait3A_666 : memref<!tpu.dma_semaphore, #tpu.memory_space<semaphore_mem>>) src(%dma_wait3A_664 : memref<8192x1024xf32, #tpu.memory_space<hbm>>) dst(%dma_wait3A_659 : memref<16x1024xf32, #tpu.memory_space<vmem>>)
    %add3A_667 = arith.constant 144 : i32
    %add3A_668 = arith.addi %mul3A_32, %add3A_667 : i32
    %dma_start3A_669 = arith.constant 3 : i32
    %dma_start3A_670 = arith.constant 3 : i32
    %dma_start3A_671 = arith.constant 0 : i32
    %dma_start3A_672 = arith.constant 0 : i32
    %dma_start3A_673 = tpu.memref_slice %arg6[%dma_start3A_669, %dma_start3A_671, %dma_start3A_672] : memref<6x16x1024xf32, #tpu.memory_space<vmem>> -> memref<1x16x1024xf32, #tpu.memory_space<vmem>>
    %dma_start3A_674 = tpu.memref_squeeze %dma_start3A_673 : memref<1x16x1024xf32, #tpu.memory_space<vmem>> -> memref<16x1024xf32, #tpu.memory_space<vmem>>
    %dma_start3A_675 = arith.constant 0 : i32
    %dma_start3A_676 = tpu.memref_slice %arg4[%select_n3A, %add3A_668, %dma_start3A_675] : memref<4x4096x1024xf32, #tpu.memory_space<hbm>> -> memref<1x16x1024xf32, #tpu.memory_space<hbm>>
    %dma_start3A_677 = tpu.memref_squeeze %dma_start3A_676 : memref<1x16x1024xf32, #tpu.memory_space<hbm>> -> memref<16x1024xf32, #tpu.memory_space<hbm>>
    %dma_start3A_678 = tpu.memref_slice %arg8[%dma_start3A_670] : memref<6x!tpu.dma_semaphore, #tpu.memory_space<semaphore_mem>> -> memref<1x!tpu.dma_semaphore, #tpu.memory_space<semaphore_mem>>
    %dma_start3A_679 = tpu.memref_squeeze %dma_start3A_678 : memref<1x!tpu.dma_semaphore, #tpu.memory_space<semaphore_mem>> -> memref<!tpu.dma_semaphore, #tpu.memory_space<semaphore_mem>>
    %dma_start3A_680 = arith.constant 0 : i32
    %dma_start3A_681 = tpu.memref_slice %arg4[%select_n3A, %add3A_668, %dma_start3A_680] : memref<4x4096x1024xf32, #tpu.memory_space<hbm>> -> memref<1x16x1024xf32, #tpu.memory_space<hbm>>
    %dma_start3A_682 = tpu.memref_squeeze %dma_start3A_681 : memref<1x16x1024xf32, #tpu.memory_space<hbm>> -> memref<16x1024xf32, #tpu.memory_space<hbm>>
    %dma_start3A_683 = arith.constant 0 : i32
    %dma_start3A_684 = arith.constant 0 : i32
    %dma_start3A_685 = tpu.memref_slice %arg6[%dma_start3A_669, %dma_start3A_683, %dma_start3A_684] : memref<6x16x1024xf32, #tpu.memory_space<vmem>> -> memref<1x16x1024xf32, #tpu.memory_space<vmem>>
    %dma_start3A_686 = tpu.memref_squeeze %dma_start3A_685 : memref<1x16x1024xf32, #tpu.memory_space<vmem>> -> memref<16x1024xf32, #tpu.memory_space<vmem>>
    tpu.enqueue_dma source(%dma_start3A_686 : memref<16x1024xf32, #tpu.memory_space<vmem>>) target(%dma_start3A_682 : memref<16x1024xf32, #tpu.memory_space<hbm>>) target_semaphore(%dma_start3A_679 : memref<!tpu.dma_semaphore, #tpu.memory_space<semaphore_mem>>)
    %dma_wait3A_687 = arith.constant 2 : i32
    %dma_wait3A_688 = arith.constant 2 : i32
    %dma_wait3A_689 = arith.constant 0 : i32
    %dma_wait3A_690 = arith.constant 0 : i32
    %dma_wait3A_691 = tpu.memref_slice %arg6[%dma_wait3A_687, %dma_wait3A_689, %dma_wait3A_690] : memref<6x16x1024xf32, #tpu.memory_space<vmem>> -> memref<1x16x1024xf32, #tpu.memory_space<vmem>>
    %dma_wait3A_692 = tpu.memref_squeeze %dma_wait3A_691 : memref<1x16x1024xf32, #tpu.memory_space<vmem>> -> memref<16x1024xf32, #tpu.memory_space<vmem>>
    %dma_wait3A_693 = arith.constant 0 : i32
    %dma_wait3A_694 = tpu.memref_slice %arg4[%select_n3A, %add3A_604, %dma_wait3A_693] : memref<4x4096x1024xf32, #tpu.memory_space<hbm>> -> memref<1x16x1024xf32, #tpu.memory_space<hbm>>
    %dma_wait3A_695 = tpu.memref_squeeze %dma_wait3A_694 : memref<1x16x1024xf32, #tpu.memory_space<hbm>> -> memref<16x1024xf32, #tpu.memory_space<hbm>>
    %dma_wait3A_696 = tpu.memref_slice %arg8[%dma_wait3A_688] : memref<6x!tpu.dma_semaphore, #tpu.memory_space<semaphore_mem>> -> memref<1x!tpu.dma_semaphore, #tpu.memory_space<semaphore_mem>>
    %dma_wait3A_697 = tpu.memref_squeeze %dma_wait3A_696 : memref<1x!tpu.dma_semaphore, #tpu.memory_space<semaphore_mem>> -> memref<!tpu.dma_semaphore, #tpu.memory_space<semaphore_mem>>
    %dma_wait3A_698 = arith.constant 0 : i32
    %dma_wait3A_699 = tpu.memref_slice %arg4[%select_n3A, %add3A_604, %dma_wait3A_698] : memref<4x4096x1024xf32, #tpu.memory_space<hbm>> -> memref<1x16x1024xf32, #tpu.memory_space<hbm>>
    %dma_wait3A_700 = tpu.memref_squeeze %dma_wait3A_699 : memref<1x16x1024xf32, #tpu.memory_space<hbm>> -> memref<16x1024xf32, #tpu.memory_space<hbm>>
    %dma_wait3A_701 = arith.constant 0 : i32
    %dma_wait3A_702 = arith.constant 0 : i32
    %dma_wait3A_703 = tpu.memref_slice %arg6[%dma_wait3A_687, %dma_wait3A_701, %dma_wait3A_702] : memref<6x16x1024xf32, #tpu.memory_space<vmem>> -> memref<1x16x1024xf32, #tpu.memory_space<vmem>>
    %dma_wait3A_704 = tpu.memref_squeeze %dma_wait3A_703 : memref<1x16x1024xf32, #tpu.memory_space<vmem>> -> memref<16x1024xf32, #tpu.memory_space<vmem>>
    tpu.wait_dma2 semaphore(%dma_wait3A_697 : memref<!tpu.dma_semaphore, #tpu.memory_space<semaphore_mem>>) src(%dma_wait3A_704 : memref<16x1024xf32, #tpu.memory_space<vmem>>) dst(%dma_wait3A_700 : memref<16x1024xf32, #tpu.memory_space<hbm>>)
    %dma_start3A_705 = arith.constant 2 : i32
    %dma_start3A_706 = arith.constant 2 : i32
    %dma_start3A_707 = arith.constant 0 : i32
    %dma_start3A_708 = arith.constant 0 : i32
    %dma_start3A_709 = tpu.memref_slice %arg6[%dma_start3A_705, %dma_start3A_707, %dma_start3A_708] : memref<6x16x1024xf32, #tpu.memory_space<vmem>> -> memref<1x16x1024xf32, #tpu.memory_space<vmem>>
    %dma_start3A_710 = tpu.memref_squeeze %dma_start3A_709 : memref<1x16x1024xf32, #tpu.memory_space<vmem>> -> memref<16x1024xf32, #tpu.memory_space<vmem>>
    %dma_start3A_711 = arith.constant 224 : i32
    %dma_start3A_712 = tpu.memref_slice %arg5[%dma_start3A_711] : memref<512xi32, #tpu.memory_space<vmem>> -> memref<16xi32, #tpu.memory_space<vmem>>
    %dma_start3A_713 = arith.constant 0 : i32
    %dma_start3A_714 = arith.constant 0 : i32
    %dma_start3A_715 = tpu.memref_slice %arg3[%dma_start3A_713, %dma_start3A_714] : memref<8192x1024xf32, #tpu.memory_space<hbm>> -> memref<8192x1024xf32, #tpu.memory_space<hbm>>
    %dma_start3A_716 = tpu.memref_slice %arg7[%dma_start3A_706] : memref<6x!tpu.dma_semaphore, #tpu.memory_space<semaphore_mem>> -> memref<1x!tpu.dma_semaphore, #tpu.memory_space<semaphore_mem>>
    %dma_start3A_717 = tpu.memref_squeeze %dma_start3A_716 : memref<1x!tpu.dma_semaphore, #tpu.memory_space<semaphore_mem>> -> memref<!tpu.dma_semaphore, #tpu.memory_space<semaphore_mem>>
    tpu.enqueue_indirect_dma source(%dma_start3A_715 : memref<8192x1024xf32, #tpu.memory_space<hbm>>) target(%dma_start3A_710 : memref<16x1024xf32, #tpu.memory_space<vmem>>) offsets(%dma_start3A_712 : memref<16xi32, #tpu.memory_space<vmem>>) semaphore(%dma_start3A_717 : memref<!tpu.dma_semaphore, #tpu.memory_space<semaphore_mem>>)
    %dma_wait3A_718 = arith.constant 4 : i32
    %dma_wait3A_719 = arith.constant 4 : i32
    %dma_wait3A_720 = arith.constant 0 : i32
    %dma_wait3A_721 = arith.constant 0 : i32
    %dma_wait3A_722 = tpu.memref_slice %arg6[%dma_wait3A_718, %dma_wait3A_720, %dma_wait3A_721] : memref<6x16x1024xf32, #tpu.memory_space<vmem>> -> memref<1x16x1024xf32, #tpu.memory_space<vmem>>
    %dma_wait3A_723 = tpu.memref_squeeze %dma_wait3A_722 : memref<1x16x1024xf32, #tpu.memory_space<vmem>> -> memref<16x1024xf32, #tpu.memory_space<vmem>>
    %dma_wait3A_724 = arith.constant 160 : i32
    %dma_wait3A_725 = tpu.memref_slice %arg5[%dma_wait3A_724] : memref<512xi32, #tpu.memory_space<vmem>> -> memref<16xi32, #tpu.memory_space<vmem>>
    %dma_wait3A_726 = arith.constant 0 : i32
    %dma_wait3A_727 = arith.constant 0 : i32
    %dma_wait3A_728 = tpu.memref_slice %arg3[%dma_wait3A_726, %dma_wait3A_727] : memref<8192x1024xf32, #tpu.memory_space<hbm>> -> memref<8192x1024xf32, #tpu.memory_space<hbm>>
    %dma_wait3A_729 = tpu.memref_slice %arg7[%dma_wait3A_719] : memref<6x!tpu.dma_semaphore, #tpu.memory_space<semaphore_mem>> -> memref<1x!tpu.dma_semaphore, #tpu.memory_space<semaphore_mem>>
    %dma_wait3A_730 = tpu.memref_squeeze %dma_wait3A_729 : memref<1x!tpu.dma_semaphore, #tpu.memory_space<semaphore_mem>> -> memref<!tpu.dma_semaphore, #tpu.memory_space<semaphore_mem>>
    tpu.wait_indirect_dma semaphore(%dma_wait3A_730 : memref<!tpu.dma_semaphore, #tpu.memory_space<semaphore_mem>>) src(%dma_wait3A_728 : memref<8192x1024xf32, #tpu.memory_space<hbm>>) dst(%dma_wait3A_723 : memref<16x1024xf32, #tpu.memory_space<vmem>>)
    %add3A_731 = arith.constant 160 : i32
    %add3A_732 = arith.addi %mul3A_32, %add3A_731 : i32
    %dma_start3A_733 = arith.constant 4 : i32
    %dma_start3A_734 = arith.constant 4 : i32
    %dma_start3A_735 = arith.constant 0 : i32
    %dma_start3A_736 = arith.constant 0 : i32
    %dma_start3A_737 = tpu.memref_slice %arg6[%dma_start3A_733, %dma_start3A_735, %dma_start3A_736] : memref<6x16x1024xf32, #tpu.memory_space<vmem>> -> memref<1x16x1024xf32, #tpu.memory_space<vmem>>
    %dma_start3A_738 = tpu.memref_squeeze %dma_start3A_737 : memref<1x16x1024xf32, #tpu.memory_space<vmem>> -> memref<16x1024xf32, #tpu.memory_space<vmem>>
    %dma_start3A_739 = arith.constant 0 : i32
    %dma_start3A_740 = tpu.memref_slice %arg4[%select_n3A, %add3A_732, %dma_start3A_739] : memref<4x4096x1024xf32, #tpu.memory_space<hbm>> -> memref<1x16x1024xf32, #tpu.memory_space<hbm>>
    %dma_start3A_741 = tpu.memref_squeeze %dma_start3A_740 : memref<1x16x1024xf32, #tpu.memory_space<hbm>> -> memref<16x1024xf32, #tpu.memory_space<hbm>>
    %dma_start3A_742 = tpu.memref_slice %arg8[%dma_start3A_734] : memref<6x!tpu.dma_semaphore, #tpu.memory_space<semaphore_mem>> -> memref<1x!tpu.dma_semaphore, #tpu.memory_space<semaphore_mem>>
    %dma_start3A_743 = tpu.memref_squeeze %dma_start3A_742 : memref<1x!tpu.dma_semaphore, #tpu.memory_space<semaphore_mem>> -> memref<!tpu.dma_semaphore, #tpu.memory_space<semaphore_mem>>
    %dma_start3A_744 = arith.constant 0 : i32
    %dma_start3A_745 = tpu.memref_slice %arg4[%select_n3A, %add3A_732, %dma_start3A_744] : memref<4x4096x1024xf32, #tpu.memory_space<hbm>> -> memref<1x16x1024xf32, #tpu.memory_space<hbm>>
    %dma_start3A_746 = tpu.memref_squeeze %dma_start3A_745 : memref<1x16x1024xf32, #tpu.memory_space<hbm>> -> memref<16x1024xf32, #tpu.memory_space<hbm>>
    %dma_start3A_747 = arith.constant 0 : i32
    %dma_start3A_748 = arith.constant 0 : i32
    %dma_start3A_749 = tpu.memref_slice %arg6[%dma_start3A_733, %dma_start3A_747, %dma_start3A_748] : memref<6x16x1024xf32, #tpu.memory_space<vmem>> -> memref<1x16x1024xf32, #tpu.memory_space<vmem>>
    %dma_start3A_750 = tpu.memref_squeeze %dma_start3A_749 : memref<1x16x1024xf32, #tpu.memory_space<vmem>> -> memref<16x1024xf32, #tpu.memory_space<vmem>>
    tpu.enqueue_dma source(%dma_start3A_750 : memref<16x1024xf32, #tpu.memory_space<vmem>>) target(%dma_start3A_746 : memref<16x1024xf32, #tpu.memory_space<hbm>>) target_semaphore(%dma_start3A_743 : memref<!tpu.dma_semaphore, #tpu.memory_space<semaphore_mem>>)
    %dma_wait3A_751 = arith.constant 3 : i32
    %dma_wait3A_752 = arith.constant 3 : i32
    %dma_wait3A_753 = arith.constant 0 : i32
    %dma_wait3A_754 = arith.constant 0 : i32
    %dma_wait3A_755 = tpu.memref_slice %arg6[%dma_wait3A_751, %dma_wait3A_753, %dma_wait3A_754] : memref<6x16x1024xf32, #tpu.memory_space<vmem>> -> memref<1x16x1024xf32, #tpu.memory_space<vmem>>
    %dma_wait3A_756 = tpu.memref_squeeze %dma_wait3A_755 : memref<1x16x1024xf32, #tpu.memory_space<vmem>> -> memref<16x1024xf32, #tpu.memory_space<vmem>>
    %dma_wait3A_757 = arith.constant 0 : i32
    %dma_wait3A_758 = tpu.memref_slice %arg4[%select_n3A, %add3A_668, %dma_wait3A_757] : memref<4x4096x1024xf32, #tpu.memory_space<hbm>> -> memref<1x16x1024xf32, #tpu.memory_space<hbm>>
    %dma_wait3A_759 = tpu.memref_squeeze %dma_wait3A_758 : memref<1x16x1024xf32, #tpu.memory_space<hbm>> -> memref<16x1024xf32, #tpu.memory_space<hbm>>
    %dma_wait3A_760 = tpu.memref_slice %arg8[%dma_wait3A_752] : memref<6x!tpu.dma_semaphore, #tpu.memory_space<semaphore_mem>> -> memref<1x!tpu.dma_semaphore, #tpu.memory_space<semaphore_mem>>
    %dma_wait3A_761 = tpu.memref_squeeze %dma_wait3A_760 : memref<1x!tpu.dma_semaphore, #tpu.memory_space<semaphore_mem>> -> memref<!tpu.dma_semaphore, #tpu.memory_space<semaphore_mem>>
    %dma_wait3A_762 = arith.constant 0 : i32
    %dma_wait3A_763 = tpu.memref_slice %arg4[%select_n3A, %add3A_668, %dma_wait3A_762] : memref<4x4096x1024xf32, #tpu.memory_space<hbm>> -> memref<1x16x1024xf32, #tpu.memory_space<hbm>>
    %dma_wait3A_764 = tpu.memref_squeeze %dma_wait3A_763 : memref<1x16x1024xf32, #tpu.memory_space<hbm>> -> memref<16x1024xf32, #tpu.memory_space<hbm>>
    %dma_wait3A_765 = arith.constant 0 : i32
    %dma_wait3A_766 = arith.constant 0 : i32
    %dma_wait3A_767 = tpu.memref_slice %arg6[%dma_wait3A_751, %dma_wait3A_765, %dma_wait3A_766] : memref<6x16x1024xf32, #tpu.memory_space<vmem>> -> memref<1x16x1024xf32, #tpu.memory_space<vmem>>
    %dma_wait3A_768 = tpu.memref_squeeze %dma_wait3A_767 : memref<1x16x1024xf32, #tpu.memory_space<vmem>> -> memref<16x1024xf32, #tpu.memory_space<vmem>>
    tpu.wait_dma2 semaphore(%dma_wait3A_761 : memref<!tpu.dma_semaphore, #tpu.memory_space<semaphore_mem>>) src(%dma_wait3A_768 : memref<16x1024xf32, #tpu.memory_space<vmem>>) dst(%dma_wait3A_764 : memref<16x1024xf32, #tpu.memory_space<hbm>>)
    %dma_start3A_769 = arith.constant 3 : i32
    %dma_start3A_770 = arith.constant 3 : i32
    %dma_start3A_771 = arith.constant 0 : i32
    %dma_start3A_772 = arith.constant 0 : i32
    %dma_start3A_773 = tpu.memref_slice %arg6[%dma_start3A_769, %dma_start3A_771, %dma_start3A_772] : memref<6x16x1024xf32, #tpu.memory_space<vmem>> -> memref<1x16x1024xf32, #tpu.memory_space<vmem>>
    %dma_start3A_774 = tpu.memref_squeeze %dma_start3A_773 : memref<1x16x1024xf32, #tpu.memory_space<vmem>> -> memref<16x1024xf32, #tpu.memory_space<vmem>>
    %dma_start3A_775 = arith.constant 240 : i32
    %dma_start3A_776 = tpu.memref_slice %arg5[%dma_start3A_775] : memref<512xi32, #tpu.memory_space<vmem>> -> memref<16xi32, #tpu.memory_space<vmem>>
    %dma_start3A_777 = arith.constant 0 : i32
    %dma_start3A_778 = arith.constant 0 : i32
    %dma_start3A_779 = tpu.memref_slice %arg3[%dma_start3A_777, %dma_start3A_778] : memref<8192x1024xf32, #tpu.memory_space<hbm>> -> memref<8192x1024xf32, #tpu.memory_space<hbm>>
    %dma_start3A_780 = tpu.memref_slice %arg7[%dma_start3A_770] : memref<6x!tpu.dma_semaphore, #tpu.memory_space<semaphore_mem>> -> memref<1x!tpu.dma_semaphore, #tpu.memory_space<semaphore_mem>>
    %dma_start3A_781 = tpu.memref_squeeze %dma_start3A_780 : memref<1x!tpu.dma_semaphore, #tpu.memory_space<semaphore_mem>> -> memref<!tpu.dma_semaphore, #tpu.memory_space<semaphore_mem>>
    tpu.enqueue_indirect_dma source(%dma_start3A_779 : memref<8192x1024xf32, #tpu.memory_space<hbm>>) target(%dma_start3A_774 : memref<16x1024xf32, #tpu.memory_space<vmem>>) offsets(%dma_start3A_776 : memref<16xi32, #tpu.memory_space<vmem>>) semaphore(%dma_start3A_781 : memref<!tpu.dma_semaphore, #tpu.memory_space<semaphore_mem>>)
    %dma_wait3A_782 = arith.constant 5 : i32
    %dma_wait3A_783 = arith.constant 5 : i32
    %dma_wait3A_784 = arith.constant 0 : i32
    %dma_wait3A_785 = arith.constant 0 : i32
    %dma_wait3A_786 = tpu.memref_slice %arg6[%dma_wait3A_782, %dma_wait3A_784, %dma_wait3A_785] : memref<6x16x1024xf32, #tpu.memory_space<vmem>> -> memref<1x16x1024xf32, #tpu.memory_space<vmem>>
    %dma_wait3A_787 = tpu.memref_squeeze %dma_wait3A_786 : memref<1x16x1024xf32, #tpu.memory_space<vmem>> -> memref<16x1024xf32, #tpu.memory_space<vmem>>
    %dma_wait3A_788 = arith.constant 176 : i32
    %dma_wait3A_789 = tpu.memref_slice %arg5[%dma_wait3A_788] : memref<512xi32, #tpu.memory_space<vmem>> -> memref<16xi32, #tpu.memory_space<vmem>>
    %dma_wait3A_790 = arith.constant 0 : i32
    %dma_wait3A_791 = arith.constant 0 : i32
    %dma_wait3A_792 = tpu.memref_slice %arg3[%dma_wait3A_790, %dma_wait3A_791] : memref<8192x1024xf32, #tpu.memory_space<hbm>> -> memref<8192x1024xf32, #tpu.memory_space<hbm>>
    %dma_wait3A_793 = tpu.memref_slice %arg7[%dma_wait3A_783] : memref<6x!tpu.dma_semaphore, #tpu.memory_space<semaphore_mem>> -> memref<1x!tpu.dma_semaphore, #tpu.memory_space<semaphore_mem>>
    %dma_wait3A_794 = tpu.memref_squeeze %dma_wait3A_793 : memref<1x!tpu.dma_semaphore, #tpu.memory_space<semaphore_mem>> -> memref<!tpu.dma_semaphore, #tpu.memory_space<semaphore_mem>>
    tpu.wait_indirect_dma semaphore(%dma_wait3A_794 : memref<!tpu.dma_semaphore, #tpu.memory_space<semaphore_mem>>) src(%dma_wait3A_792 : memref<8192x1024xf32, #tpu.memory_space<hbm>>) dst(%dma_wait3A_787 : memref<16x1024xf32, #tpu.memory_space<vmem>>)
    %add3A_795 = arith.constant 176 : i32
    %add3A_796 = arith.addi %mul3A_32, %add3A_795 : i32
    %dma_start3A_797 = arith.constant 5 : i32
    %dma_start3A_798 = arith.constant 5 : i32
    %dma_start3A_799 = arith.constant 0 : i32
    %dma_start3A_800 = arith.constant 0 : i32
    %dma_start3A_801 = tpu.memref_slice %arg6[%dma_start3A_797, %dma_start3A_799, %dma_start3A_800] : memref<6x16x1024xf32, #tpu.memory_space<vmem>> -> memref<1x16x1024xf32, #tpu.memory_space<vmem>>
    %dma_start3A_802 = tpu.memref_squeeze %dma_start3A_801 : memref<1x16x1024xf32, #tpu.memory_space<vmem>> -> memref<16x1024xf32, #tpu.memory_space<vmem>>
    %dma_start3A_803 = arith.constant 0 : i32
    %dma_start3A_804 = tpu.memref_slice %arg4[%select_n3A, %add3A_796, %dma_start3A_803] : memref<4x4096x1024xf32, #tpu.memory_space<hbm>> -> memref<1x16x1024xf32, #tpu.memory_space<hbm>>
    %dma_start3A_805 = tpu.memref_squeeze %dma_start3A_804 : memref<1x16x1024xf32, #tpu.memory_space<hbm>> -> memref<16x1024xf32, #tpu.memory_space<hbm>>
    %dma_start3A_806 = tpu.memref_slice %arg8[%dma_start3A_798] : memref<6x!tpu.dma_semaphore, #tpu.memory_space<semaphore_mem>> -> memref<1x!tpu.dma_semaphore, #tpu.memory_space<semaphore_mem>>
    %dma_start3A_807 = tpu.memref_squeeze %dma_start3A_806 : memref<1x!tpu.dma_semaphore, #tpu.memory_space<semaphore_mem>> -> memref<!tpu.dma_semaphore, #tpu.memory_space<semaphore_mem>>
    %dma_start3A_808 = arith.constant 0 : i32
    %dma_start3A_809 = tpu.memref_slice %arg4[%select_n3A, %add3A_796, %dma_start3A_808] : memref<4x4096x1024xf32, #tpu.memory_space<hbm>> -> memref<1x16x1024xf32, #tpu.memory_space<hbm>>
    %dma_start3A_810 = tpu.memref_squeeze %dma_start3A_809 : memref<1x16x1024xf32, #tpu.memory_space<hbm>> -> memref<16x1024xf32, #tpu.memory_space<hbm>>
    %dma_start3A_811 = arith.constant 0 : i32
    %dma_start3A_812 = arith.constant 0 : i32
    %dma_start3A_813 = tpu.memref_slice %arg6[%dma_start3A_797, %dma_start3A_811, %dma_start3A_812] : memref<6x16x1024xf32, #tpu.memory_space<vmem>> -> memref<1x16x1024xf32, #tpu.memory_space<vmem>>
    %dma_start3A_814 = tpu.memref_squeeze %dma_start3A_813 : memref<1x16x1024xf32, #tpu.memory_space<vmem>> -> memref<16x1024xf32, #tpu.memory_space<vmem>>
    tpu.enqueue_dma source(%dma_start3A_814 : memref<16x1024xf32, #tpu.memory_space<vmem>>) target(%dma_start3A_810 : memref<16x1024xf32, #tpu.memory_space<hbm>>) target_semaphore(%dma_start3A_807 : memref<!tpu.dma_semaphore, #tpu.memory_space<semaphore_mem>>)
    %dma_wait3A_815 = arith.constant 4 : i32
    %dma_wait3A_816 = arith.constant 4 : i32
    %dma_wait3A_817 = arith.constant 0 : i32
    %dma_wait3A_818 = arith.constant 0 : i32
    %dma_wait3A_819 = tpu.memref_slice %arg6[%dma_wait3A_815, %dma_wait3A_817, %dma_wait3A_818] : memref<6x16x1024xf32, #tpu.memory_space<vmem>> -> memref<1x16x1024xf32, #tpu.memory_space<vmem>>
    %dma_wait3A_820 = tpu.memref_squeeze %dma_wait3A_819 : memref<1x16x1024xf32, #tpu.memory_space<vmem>> -> memref<16x1024xf32, #tpu.memory_space<vmem>>
    %dma_wait3A_821 = arith.constant 0 : i32
    %dma_wait3A_822 = tpu.memref_slice %arg4[%select_n3A, %add3A_732, %dma_wait3A_821] : memref<4x4096x1024xf32, #tpu.memory_space<hbm>> -> memref<1x16x1024xf32, #tpu.memory_space<hbm>>
    %dma_wait3A_823 = tpu.memref_squeeze %dma_wait3A_822 : memref<1x16x1024xf32, #tpu.memory_space<hbm>> -> memref<16x1024xf32, #tpu.memory_space<hbm>>
    %dma_wait3A_824 = tpu.memref_slice %arg8[%dma_wait3A_816] : memref<6x!tpu.dma_semaphore, #tpu.memory_space<semaphore_mem>> -> memref<1x!tpu.dma_semaphore, #tpu.memory_space<semaphore_mem>>
    %dma_wait3A_825 = tpu.memref_squeeze %dma_wait3A_824 : memref<1x!tpu.dma_semaphore, #tpu.memory_space<semaphore_mem>> -> memref<!tpu.dma_semaphore, #tpu.memory_space<semaphore_mem>>
    %dma_wait3A_826 = arith.constant 0 : i32
    %dma_wait3A_827 = tpu.memref_slice %arg4[%select_n3A, %add3A_732, %dma_wait3A_826] : memref<4x4096x1024xf32, #tpu.memory_space<hbm>> -> memref<1x16x1024xf32, #tpu.memory_space<hbm>>
    %dma_wait3A_828 = tpu.memref_squeeze %dma_wait3A_827 : memref<1x16x1024xf32, #tpu.memory_space<hbm>> -> memref<16x1024xf32, #tpu.memory_space<hbm>>
    %dma_wait3A_829 = arith.constant 0 : i32
    %dma_wait3A_830 = arith.constant 0 : i32
    %dma_wait3A_831 = tpu.memref_slice %arg6[%dma_wait3A_815, %dma_wait3A_829, %dma_wait3A_830] : memref<6x16x1024xf32, #tpu.memory_space<vmem>> -> memref<1x16x1024xf32, #tpu.memory_space<vmem>>
    %dma_wait3A_832 = tpu.memref_squeeze %dma_wait3A_831 : memref<1x16x1024xf32, #tpu.memory_space<vmem>> -> memref<16x1024xf32, #tpu.memory_space<vmem>>
    tpu.wait_dma2 semaphore(%dma_wait3A_825 : memref<!tpu.dma_semaphore, #tpu.memory_space<semaphore_mem>>) src(%dma_wait3A_832 : memref<16x1024xf32, #tpu.memory_space<vmem>>) dst(%dma_wait3A_828 : memref<16x1024xf32, #tpu.memory_space<hbm>>)
    %dma_start3A_833 = arith.constant 4 : i32
    %dma_start3A_834 = arith.constant 4 : i32
    %dma_start3A_835 = arith.constant 0 : i32
    %dma_start3A_836 = arith.constant 0 : i32
    %dma_start3A_837 = tpu.memref_slice %arg6[%dma_start3A_833, %dma_start3A_835, %dma_start3A_836] : memref<6x16x1024xf32, #tpu.memory_space<vmem>> -> memref<1x16x1024xf32, #tpu.memory_space<vmem>>
    %dma_start3A_838 = tpu.memref_squeeze %dma_start3A_837 : memref<1x16x1024xf32, #tpu.memory_space<vmem>> -> memref<16x1024xf32, #tpu.memory_space<vmem>>
    %dma_start3A_839 = arith.constant 256 : i32
    %dma_start3A_840 = tpu.memref_slice %arg5[%dma_start3A_839] : memref<512xi32, #tpu.memory_space<vmem>> -> memref<16xi32, #tpu.memory_space<vmem>>
    %dma_start3A_841 = arith.constant 0 : i32
    %dma_start3A_842 = arith.constant 0 : i32
    %dma_start3A_843 = tpu.memref_slice %arg3[%dma_start3A_841, %dma_start3A_842] : memref<8192x1024xf32, #tpu.memory_space<hbm>> -> memref<8192x1024xf32, #tpu.memory_space<hbm>>
    %dma_start3A_844 = tpu.memref_slice %arg7[%dma_start3A_834] : memref<6x!tpu.dma_semaphore, #tpu.memory_space<semaphore_mem>> -> memref<1x!tpu.dma_semaphore, #tpu.memory_space<semaphore_mem>>
    %dma_start3A_845 = tpu.memref_squeeze %dma_start3A_844 : memref<1x!tpu.dma_semaphore, #tpu.memory_space<semaphore_mem>> -> memref<!tpu.dma_semaphore, #tpu.memory_space<semaphore_mem>>
    tpu.enqueue_indirect_dma source(%dma_start3A_843 : memref<8192x1024xf32, #tpu.memory_space<hbm>>) target(%dma_start3A_838 : memref<16x1024xf32, #tpu.memory_space<vmem>>) offsets(%dma_start3A_840 : memref<16xi32, #tpu.memory_space<vmem>>) semaphore(%dma_start3A_845 : memref<!tpu.dma_semaphore, #tpu.memory_space<semaphore_mem>>)
    %dma_wait3A_846 = arith.constant 0 : i32
    %dma_wait3A_847 = arith.constant 0 : i32
    %dma_wait3A_848 = arith.constant 0 : i32
    %dma_wait3A_849 = arith.constant 0 : i32
    %dma_wait3A_850 = tpu.memref_slice %arg6[%dma_wait3A_846, %dma_wait3A_848, %dma_wait3A_849] : memref<6x16x1024xf32, #tpu.memory_space<vmem>> -> memref<1x16x1024xf32, #tpu.memory_space<vmem>>
    %dma_wait3A_851 = tpu.memref_squeeze %dma_wait3A_850 : memref<1x16x1024xf32, #tpu.memory_space<vmem>> -> memref<16x1024xf32, #tpu.memory_space<vmem>>
    %dma_wait3A_852 = arith.constant 192 : i32
    %dma_wait3A_853 = tpu.memref_slice %arg5[%dma_wait3A_852] : memref<512xi32, #tpu.memory_space<vmem>> -> memref<16xi32, #tpu.memory_space<vmem>>
    %dma_wait3A_854 = arith.constant 0 : i32
    %dma_wait3A_855 = arith.constant 0 : i32
    %dma_wait3A_856 = tpu.memref_slice %arg3[%dma_wait3A_854, %dma_wait3A_855] : memref<8192x1024xf32, #tpu.memory_space<hbm>> -> memref<8192x1024xf32, #tpu.memory_space<hbm>>
    %dma_wait3A_857 = tpu.memref_slice %arg7[%dma_wait3A_847] : memref<6x!tpu.dma_semaphore, #tpu.memory_space<semaphore_mem>> -> memref<1x!tpu.dma_semaphore, #tpu.memory_space<semaphore_mem>>
    %dma_wait3A_858 = tpu.memref_squeeze %dma_wait3A_857 : memref<1x!tpu.dma_semaphore, #tpu.memory_space<semaphore_mem>> -> memref<!tpu.dma_semaphore, #tpu.memory_space<semaphore_mem>>
    tpu.wait_indirect_dma semaphore(%dma_wait3A_858 : memref<!tpu.dma_semaphore, #tpu.memory_space<semaphore_mem>>) src(%dma_wait3A_856 : memref<8192x1024xf32, #tpu.memory_space<hbm>>) dst(%dma_wait3A_851 : memref<16x1024xf32, #tpu.memory_space<vmem>>)
    %add3A_859 = arith.constant 192 : i32
    %add3A_860 = arith.addi %mul3A_32, %add3A_859 : i32
    %dma_start3A_861 = arith.constant 0 : i32
    %dma_start3A_862 = arith.constant 0 : i32
    %dma_start3A_863 = arith.constant 0 : i32
    %dma_start3A_864 = arith.constant 0 : i32
    %dma_start3A_865 = tpu.memref_slice %arg6[%dma_start3A_861, %dma_start3A_863, %dma_start3A_864] : memref<6x16x1024xf32, #tpu.memory_space<vmem>> -> memref<1x16x1024xf32, #tpu.memory_space<vmem>>
    %dma_start3A_866 = tpu.memref_squeeze %dma_start3A_865 : memref<1x16x1024xf32, #tpu.memory_space<vmem>> -> memref<16x1024xf32, #tpu.memory_space<vmem>>
    %dma_start3A_867 = arith.constant 0 : i32
    %dma_start3A_868 = tpu.memref_slice %arg4[%select_n3A, %add3A_860, %dma_start3A_867] : memref<4x4096x1024xf32, #tpu.memory_space<hbm>> -> memref<1x16x1024xf32, #tpu.memory_space<hbm>>
    %dma_start3A_869 = tpu.memref_squeeze %dma_start3A_868 : memref<1x16x1024xf32, #tpu.memory_space<hbm>> -> memref<16x1024xf32, #tpu.memory_space<hbm>>
    %dma_start3A_870 = tpu.memref_slice %arg8[%dma_start3A_862] : memref<6x!tpu.dma_semaphore, #tpu.memory_space<semaphore_mem>> -> memref<1x!tpu.dma_semaphore, #tpu.memory_space<semaphore_mem>>
    %dma_start3A_871 = tpu.memref_squeeze %dma_start3A_870 : memref<1x!tpu.dma_semaphore, #tpu.memory_space<semaphore_mem>> -> memref<!tpu.dma_semaphore, #tpu.memory_space<semaphore_mem>>
    %dma_start3A_872 = arith.constant 0 : i32
    %dma_start3A_873 = tpu.memref_slice %arg4[%select_n3A, %add3A_860, %dma_start3A_872] : memref<4x4096x1024xf32, #tpu.memory_space<hbm>> -> memref<1x16x1024xf32, #tpu.memory_space<hbm>>
    %dma_start3A_874 = tpu.memref_squeeze %dma_start3A_873 : memref<1x16x1024xf32, #tpu.memory_space<hbm>> -> memref<16x1024xf32, #tpu.memory_space<hbm>>
    %dma_start3A_875 = arith.constant 0 : i32
    %dma_start3A_876 = arith.constant 0 : i32
    %dma_start3A_877 = tpu.memref_slice %arg6[%dma_start3A_861, %dma_start3A_875, %dma_start3A_876] : memref<6x16x1024xf32, #tpu.memory_space<vmem>> -> memref<1x16x1024xf32, #tpu.memory_space<vmem>>
    %dma_start3A_878 = tpu.memref_squeeze %dma_start3A_877 : memref<1x16x1024xf32, #tpu.memory_space<vmem>> -> memref<16x1024xf32, #tpu.memory_space<vmem>>
    tpu.enqueue_dma source(%dma_start3A_878 : memref<16x1024xf32, #tpu.memory_space<vmem>>) target(%dma_start3A_874 : memref<16x1024xf32, #tpu.memory_space<hbm>>) target_semaphore(%dma_start3A_871 : memref<!tpu.dma_semaphore, #tpu.memory_space<semaphore_mem>>)
    %dma_wait3A_879 = arith.constant 5 : i32
    %dma_wait3A_880 = arith.constant 5 : i32
    %dma_wait3A_881 = arith.constant 0 : i32
    %dma_wait3A_882 = arith.constant 0 : i32
    %dma_wait3A_883 = tpu.memref_slice %arg6[%dma_wait3A_879, %dma_wait3A_881, %dma_wait3A_882] : memref<6x16x1024xf32, #tpu.memory_space<vmem>> -> memref<1x16x1024xf32, #tpu.memory_space<vmem>>
    %dma_wait3A_884 = tpu.memref_squeeze %dma_wait3A_883 : memref<1x16x1024xf32, #tpu.memory_space<vmem>> -> memref<16x1024xf32, #tpu.memory_space<vmem>>
    %dma_wait3A_885 = arith.constant 0 : i32
    %dma_wait3A_886 = tpu.memref_slice %arg4[%select_n3A, %add3A_796, %dma_wait3A_885] : memref<4x4096x1024xf32, #tpu.memory_space<hbm>> -> memref<1x16x1024xf32, #tpu.memory_space<hbm>>
    %dma_wait3A_887 = tpu.memref_squeeze %dma_wait3A_886 : memref<1x16x1024xf32, #tpu.memory_space<hbm>> -> memref<16x1024xf32, #tpu.memory_space<hbm>>
    %dma_wait3A_888 = tpu.memref_slice %arg8[%dma_wait3A_880] : memref<6x!tpu.dma_semaphore, #tpu.memory_space<semaphore_mem>> -> memref<1x!tpu.dma_semaphore, #tpu.memory_space<semaphore_mem>>
    %dma_wait3A_889 = tpu.memref_squeeze %dma_wait3A_888 : memref<1x!tpu.dma_semaphore, #tpu.memory_space<semaphore_mem>> -> memref<!tpu.dma_semaphore, #tpu.memory_space<semaphore_mem>>
    %dma_wait3A_890 = arith.constant 0 : i32
    %dma_wait3A_891 = tpu.memref_slice %arg4[%select_n3A, %add3A_796, %dma_wait3A_890] : memref<4x4096x1024xf32, #tpu.memory_space<hbm>> -> memref<1x16x1024xf32, #tpu.memory_space<hbm>>
    %dma_wait3A_892 = tpu.memref_squeeze %dma_wait3A_891 : memref<1x16x1024xf32, #tpu.memory_space<hbm>> -> memref<16x1024xf32, #tpu.memory_space<hbm>>
    %dma_wait3A_893 = arith.constant 0 : i32
    %dma_wait3A_894 = arith.constant 0 : i32
    %dma_wait3A_895 = tpu.memref_slice %arg6[%dma_wait3A_879, %dma_wait3A_893, %dma_wait3A_894] : memref<6x16x1024xf32, #tpu.memory_space<vmem>> -> memref<1x16x1024xf32, #tpu.memory_space<vmem>>
    %dma_wait3A_896 = tpu.memref_squeeze %dma_wait3A_895 : memref<1x16x1024xf32, #tpu.memory_space<vmem>> -> memref<16x1024xf32, #tpu.memory_space<vmem>>
    tpu.wait_dma2 semaphore(%dma_wait3A_889 : memref<!tpu.dma_semaphore, #tpu.memory_space<semaphore_mem>>) src(%dma_wait3A_896 : memref<16x1024xf32, #tpu.memory_space<vmem>>) dst(%dma_wait3A_892 : memref<16x1024xf32, #tpu.memory_space<hbm>>)
    %dma_start3A_897 = arith.constant 5 : i32
    %dma_start3A_898 = arith.constant 5 : i32
    %dma_start3A_899 = arith.constant 0 : i32
    %dma_start3A_900 = arith.constant 0 : i32
    %dma_start3A_901 = tpu.memref_slice %arg6[%dma_start3A_897, %dma_start3A_899, %dma_start3A_900] : memref<6x16x1024xf32, #tpu.memory_space<vmem>> -> memref<1x16x1024xf32, #tpu.memory_space<vmem>>
    %dma_start3A_902 = tpu.memref_squeeze %dma_start3A_901 : memref<1x16x1024xf32, #tpu.memory_space<vmem>> -> memref<16x1024xf32, #tpu.memory_space<vmem>>
    %dma_start3A_903 = arith.constant 272 : i32
    %dma_start3A_904 = tpu.memref_slice %arg5[%dma_start3A_903] : memref<512xi32, #tpu.memory_space<vmem>> -> memref<16xi32, #tpu.memory_space<vmem>>
    %dma_start3A_905 = arith.constant 0 : i32
    %dma_start3A_906 = arith.constant 0 : i32
    %dma_start3A_907 = tpu.memref_slice %arg3[%dma_start3A_905, %dma_start3A_906] : memref<8192x1024xf32, #tpu.memory_space<hbm>> -> memref<8192x1024xf32, #tpu.memory_space<hbm>>
    %dma_start3A_908 = tpu.memref_slice %arg7[%dma_start3A_898] : memref<6x!tpu.dma_semaphore, #tpu.memory_space<semaphore_mem>> -> memref<1x!tpu.dma_semaphore, #tpu.memory_space<semaphore_mem>>
    %dma_start3A_909 = tpu.memref_squeeze %dma_start3A_908 : memref<1x!tpu.dma_semaphore, #tpu.memory_space<semaphore_mem>> -> memref<!tpu.dma_semaphore, #tpu.memory_space<semaphore_mem>>
    tpu.enqueue_indirect_dma source(%dma_start3A_907 : memref<8192x1024xf32, #tpu.memory_space<hbm>>) target(%dma_start3A_902 : memref<16x1024xf32, #tpu.memory_space<vmem>>) offsets(%dma_start3A_904 : memref<16xi32, #tpu.memory_space<vmem>>) semaphore(%dma_start3A_909 : memref<!tpu.dma_semaphore, #tpu.memory_space<semaphore_mem>>)
    %dma_wait3A_910 = arith.constant 1 : i32
    %dma_wait3A_911 = arith.constant 1 : i32
    %dma_wait3A_912 = arith.constant 0 : i32
    %dma_wait3A_913 = arith.constant 0 : i32
    %dma_wait3A_914 = tpu.memref_slice %arg6[%dma_wait3A_910, %dma_wait3A_912, %dma_wait3A_913] : memref<6x16x1024xf32, #tpu.memory_space<vmem>> -> memref<1x16x1024xf32, #tpu.memory_space<vmem>>
    %dma_wait3A_915 = tpu.memref_squeeze %dma_wait3A_914 : memref<1x16x1024xf32, #tpu.memory_space<vmem>> -> memref<16x1024xf32, #tpu.memory_space<vmem>>
    %dma_wait3A_916 = arith.constant 208 : i32
    %dma_wait3A_917 = tpu.memref_slice %arg5[%dma_wait3A_916] : memref<512xi32, #tpu.memory_space<vmem>> -> memref<16xi32, #tpu.memory_space<vmem>>
    %dma_wait3A_918 = arith.constant 0 : i32
    %dma_wait3A_919 = arith.constant 0 : i32
    %dma_wait3A_920 = tpu.memref_slice %arg3[%dma_wait3A_918, %dma_wait3A_919] : memref<8192x1024xf32, #tpu.memory_space<hbm>> -> memref<8192x1024xf32, #tpu.memory_space<hbm>>
    %dma_wait3A_921 = tpu.memref_slice %arg7[%dma_wait3A_911] : memref<6x!tpu.dma_semaphore, #tpu.memory_space<semaphore_mem>> -> memref<1x!tpu.dma_semaphore, #tpu.memory_space<semaphore_mem>>
    %dma_wait3A_922 = tpu.memref_squeeze %dma_wait3A_921 : memref<1x!tpu.dma_semaphore, #tpu.memory_space<semaphore_mem>> -> memref<!tpu.dma_semaphore, #tpu.memory_space<semaphore_mem>>
    tpu.wait_indirect_dma semaphore(%dma_wait3A_922 : memref<!tpu.dma_semaphore, #tpu.memory_space<semaphore_mem>>) src(%dma_wait3A_920 : memref<8192x1024xf32, #tpu.memory_space<hbm>>) dst(%dma_wait3A_915 : memref<16x1024xf32, #tpu.memory_space<vmem>>)
    %add3A_923 = arith.constant 208 : i32
    %add3A_924 = arith.addi %mul3A_32, %add3A_923 : i32
    %dma_start3A_925 = arith.constant 1 : i32
    %dma_start3A_926 = arith.constant 1 : i32
    %dma_start3A_927 = arith.constant 0 : i32
    %dma_start3A_928 = arith.constant 0 : i32
    %dma_start3A_929 = tpu.memref_slice %arg6[%dma_start3A_925, %dma_start3A_927, %dma_start3A_928] : memref<6x16x1024xf32, #tpu.memory_space<vmem>> -> memref<1x16x1024xf32, #tpu.memory_space<vmem>>
    %dma_start3A_930 = tpu.memref_squeeze %dma_start3A_929 : memref<1x16x1024xf32, #tpu.memory_space<vmem>> -> memref<16x1024xf32, #tpu.memory_space<vmem>>
    %dma_start3A_931 = arith.constant 0 : i32
    %dma_start3A_932 = tpu.memref_slice %arg4[%select_n3A, %add3A_924, %dma_start3A_931] : memref<4x4096x1024xf32, #tpu.memory_space<hbm>> -> memref<1x16x1024xf32, #tpu.memory_space<hbm>>
    %dma_start3A_933 = tpu.memref_squeeze %dma_start3A_932 : memref<1x16x1024xf32, #tpu.memory_space<hbm>> -> memref<16x1024xf32, #tpu.memory_space<hbm>>
    %dma_start3A_934 = tpu.memref_slice %arg8[%dma_start3A_926] : memref<6x!tpu.dma_semaphore, #tpu.memory_space<semaphore_mem>> -> memref<1x!tpu.dma_semaphore, #tpu.memory_space<semaphore_mem>>
    %dma_start3A_935 = tpu.memref_squeeze %dma_start3A_934 : memref<1x!tpu.dma_semaphore, #tpu.memory_space<semaphore_mem>> -> memref<!tpu.dma_semaphore, #tpu.memory_space<semaphore_mem>>
    %dma_start3A_936 = arith.constant 0 : i32
    %dma_start3A_937 = tpu.memref_slice %arg4[%select_n3A, %add3A_924, %dma_start3A_936] : memref<4x4096x1024xf32, #tpu.memory_space<hbm>> -> memref<1x16x1024xf32, #tpu.memory_space<hbm>>
    %dma_start3A_938 = tpu.memref_squeeze %dma_start3A_937 : memref<1x16x1024xf32, #tpu.memory_space<hbm>> -> memref<16x1024xf32, #tpu.memory_space<hbm>>
    %dma_start3A_939 = arith.constant 0 : i32
    %dma_start3A_940 = arith.constant 0 : i32
    %dma_start3A_941 = tpu.memref_slice %arg6[%dma_start3A_925, %dma_start3A_939, %dma_start3A_940] : memref<6x16x1024xf32, #tpu.memory_space<vmem>> -> memref<1x16x1024xf32, #tpu.memory_space<vmem>>
    %dma_start3A_942 = tpu.memref_squeeze %dma_start3A_941 : memref<1x16x1024xf32, #tpu.memory_space<vmem>> -> memref<16x1024xf32, #tpu.memory_space<vmem>>
    tpu.enqueue_dma source(%dma_start3A_942 : memref<16x1024xf32, #tpu.memory_space<vmem>>) target(%dma_start3A_938 : memref<16x1024xf32, #tpu.memory_space<hbm>>) target_semaphore(%dma_start3A_935 : memref<!tpu.dma_semaphore, #tpu.memory_space<semaphore_mem>>)
    %dma_wait3A_943 = arith.constant 0 : i32
    %dma_wait3A_944 = arith.constant 0 : i32
    %dma_wait3A_945 = arith.constant 0 : i32
    %dma_wait3A_946 = arith.constant 0 : i32
    %dma_wait3A_947 = tpu.memref_slice %arg6[%dma_wait3A_943, %dma_wait3A_945, %dma_wait3A_946] : memref<6x16x1024xf32, #tpu.memory_space<vmem>> -> memref<1x16x1024xf32, #tpu.memory_space<vmem>>
    %dma_wait3A_948 = tpu.memref_squeeze %dma_wait3A_947 : memref<1x16x1024xf32, #tpu.memory_space<vmem>> -> memref<16x1024xf32, #tpu.memory_space<vmem>>
    %dma_wait3A_949 = arith.constant 0 : i32
    %dma_wait3A_950 = tpu.memref_slice %arg4[%select_n3A, %add3A_860, %dma_wait3A_949] : memref<4x4096x1024xf32, #tpu.memory_space<hbm>> -> memref<1x16x1024xf32, #tpu.memory_space<hbm>>
    %dma_wait3A_951 = tpu.memref_squeeze %dma_wait3A_950 : memref<1x16x1024xf32, #tpu.memory_space<hbm>> -> memref<16x1024xf32, #tpu.memory_space<hbm>>
    %dma_wait3A_952 = tpu.memref_slice %arg8[%dma_wait3A_944] : memref<6x!tpu.dma_semaphore, #tpu.memory_space<semaphore_mem>> -> memref<1x!tpu.dma_semaphore, #tpu.memory_space<semaphore_mem>>
    %dma_wait3A_953 = tpu.memref_squeeze %dma_wait3A_952 : memref<1x!tpu.dma_semaphore, #tpu.memory_space<semaphore_mem>> -> memref<!tpu.dma_semaphore, #tpu.memory_space<semaphore_mem>>
    %dma_wait3A_954 = arith.constant 0 : i32
    %dma_wait3A_955 = tpu.memref_slice %arg4[%select_n3A, %add3A_860, %dma_wait3A_954] : memref<4x4096x1024xf32, #tpu.memory_space<hbm>> -> memref<1x16x1024xf32, #tpu.memory_space<hbm>>
    %dma_wait3A_956 = tpu.memref_squeeze %dma_wait3A_955 : memref<1x16x1024xf32, #tpu.memory_space<hbm>> -> memref<16x1024xf32, #tpu.memory_space<hbm>>
    %dma_wait3A_957 = arith.constant 0 : i32
    %dma_wait3A_958 = arith.constant 0 : i32
    %dma_wait3A_959 = tpu.memref_slice %arg6[%dma_wait3A_943, %dma_wait3A_957, %dma_wait3A_958] : memref<6x16x1024xf32, #tpu.memory_space<vmem>> -> memref<1x16x1024xf32, #tpu.memory_space<vmem>>
    %dma_wait3A_960 = tpu.memref_squeeze %dma_wait3A_959 : memref<1x16x1024xf32, #tpu.memory_space<vmem>> -> memref<16x1024xf32, #tpu.memory_space<vmem>>
    tpu.wait_dma2 semaphore(%dma_wait3A_953 : memref<!tpu.dma_semaphore, #tpu.memory_space<semaphore_mem>>) src(%dma_wait3A_960 : memref<16x1024xf32, #tpu.memory_space<vmem>>) dst(%dma_wait3A_956 : memref<16x1024xf32, #tpu.memory_space<hbm>>)
    %dma_start3A_961 = arith.constant 0 : i32
    %dma_start3A_962 = arith.constant 0 : i32
    %dma_start3A_963 = arith.constant 0 : i32
    %dma_start3A_964 = arith.constant 0 : i32
    %dma_start3A_965 = tpu.memref_slice %arg6[%dma_start3A_961, %dma_start3A_963, %dma_start3A_964] : memref<6x16x1024xf32, #tpu.memory_space<vmem>> -> memref<1x16x1024xf32, #tpu.memory_space<vmem>>
    %dma_start3A_966 = tpu.memref_squeeze %dma_start3A_965 : memref<1x16x1024xf32, #tpu.memory_space<vmem>> -> memref<16x1024xf32, #tpu.memory_space<vmem>>
    %dma_start3A_967 = arith.constant 288 : i32
    %dma_start3A_968 = tpu.memref_slice %arg5[%dma_start3A_967] : memref<512xi32, #tpu.memory_space<vmem>> -> memref<16xi32, #tpu.memory_space<vmem>>
    %dma_start3A_969 = arith.constant 0 : i32
    %dma_start3A_970 = arith.constant 0 : i32
    %dma_start3A_971 = tpu.memref_slice %arg3[%dma_start3A_969, %dma_start3A_970] : memref<8192x1024xf32, #tpu.memory_space<hbm>> -> memref<8192x1024xf32, #tpu.memory_space<hbm>>
    %dma_start3A_972 = tpu.memref_slice %arg7[%dma_start3A_962] : memref<6x!tpu.dma_semaphore, #tpu.memory_space<semaphore_mem>> -> memref<1x!tpu.dma_semaphore, #tpu.memory_space<semaphore_mem>>
    %dma_start3A_973 = tpu.memref_squeeze %dma_start3A_972 : memref<1x!tpu.dma_semaphore, #tpu.memory_space<semaphore_mem>> -> memref<!tpu.dma_semaphore, #tpu.memory_space<semaphore_mem>>
    tpu.enqueue_indirect_dma source(%dma_start3A_971 : memref<8192x1024xf32, #tpu.memory_space<hbm>>) target(%dma_start3A_966 : memref<16x1024xf32, #tpu.memory_space<vmem>>) offsets(%dma_start3A_968 : memref<16xi32, #tpu.memory_space<vmem>>) semaphore(%dma_start3A_973 : memref<!tpu.dma_semaphore, #tpu.memory_space<semaphore_mem>>)
    %dma_wait3A_974 = arith.constant 2 : i32
    %dma_wait3A_975 = arith.constant 2 : i32
    %dma_wait3A_976 = arith.constant 0 : i32
    %dma_wait3A_977 = arith.constant 0 : i32
    %dma_wait3A_978 = tpu.memref_slice %arg6[%dma_wait3A_974, %dma_wait3A_976, %dma_wait3A_977] : memref<6x16x1024xf32, #tpu.memory_space<vmem>> -> memref<1x16x1024xf32, #tpu.memory_space<vmem>>
    %dma_wait3A_979 = tpu.memref_squeeze %dma_wait3A_978 : memref<1x16x1024xf32, #tpu.memory_space<vmem>> -> memref<16x1024xf32, #tpu.memory_space<vmem>>
    %dma_wait3A_980 = arith.constant 224 : i32
    %dma_wait3A_981 = tpu.memref_slice %arg5[%dma_wait3A_980] : memref<512xi32, #tpu.memory_space<vmem>> -> memref<16xi32, #tpu.memory_space<vmem>>
    %dma_wait3A_982 = arith.constant 0 : i32
    %dma_wait3A_983 = arith.constant 0 : i32
    %dma_wait3A_984 = tpu.memref_slice %arg3[%dma_wait3A_982, %dma_wait3A_983] : memref<8192x1024xf32, #tpu.memory_space<hbm>> -> memref<8192x1024xf32, #tpu.memory_space<hbm>>
    %dma_wait3A_985 = tpu.memref_slice %arg7[%dma_wait3A_975] : memref<6x!tpu.dma_semaphore, #tpu.memory_space<semaphore_mem>> -> memref<1x!tpu.dma_semaphore, #tpu.memory_space<semaphore_mem>>
    %dma_wait3A_986 = tpu.memref_squeeze %dma_wait3A_985 : memref<1x!tpu.dma_semaphore, #tpu.memory_space<semaphore_mem>> -> memref<!tpu.dma_semaphore, #tpu.memory_space<semaphore_mem>>
    tpu.wait_indirect_dma semaphore(%dma_wait3A_986 : memref<!tpu.dma_semaphore, #tpu.memory_space<semaphore_mem>>) src(%dma_wait3A_984 : memref<8192x1024xf32, #tpu.memory_space<hbm>>) dst(%dma_wait3A_979 : memref<16x1024xf32, #tpu.memory_space<vmem>>)
    %add3A_987 = arith.constant 224 : i32
    %add3A_988 = arith.addi %mul3A_32, %add3A_987 : i32
    %dma_start3A_989 = arith.constant 2 : i32
    %dma_start3A_990 = arith.constant 2 : i32
    %dma_start3A_991 = arith.constant 0 : i32
    %dma_start3A_992 = arith.constant 0 : i32
    %dma_start3A_993 = tpu.memref_slice %arg6[%dma_start3A_989, %dma_start3A_991, %dma_start3A_992] : memref<6x16x1024xf32, #tpu.memory_space<vmem>> -> memref<1x16x1024xf32, #tpu.memory_space<vmem>>
    %dma_start3A_994 = tpu.memref_squeeze %dma_start3A_993 : memref<1x16x1024xf32, #tpu.memory_space<vmem>> -> memref<16x1024xf32, #tpu.memory_space<vmem>>
    %dma_start3A_995 = arith.constant 0 : i32
    %dma_start3A_996 = tpu.memref_slice %arg4[%select_n3A, %add3A_988, %dma_start3A_995] : memref<4x4096x1024xf32, #tpu.memory_space<hbm>> -> memref<1x16x1024xf32, #tpu.memory_space<hbm>>
    %dma_start3A_997 = tpu.memref_squeeze %dma_start3A_996 : memref<1x16x1024xf32, #tpu.memory_space<hbm>> -> memref<16x1024xf32, #tpu.memory_space<hbm>>
    %dma_start3A_998 = tpu.memref_slice %arg8[%dma_start3A_990] : memref<6x!tpu.dma_semaphore, #tpu.memory_space<semaphore_mem>> -> memref<1x!tpu.dma_semaphore, #tpu.memory_space<semaphore_mem>>
    %dma_start3A_999 = tpu.memref_squeeze %dma_start3A_998 : memref<1x!tpu.dma_semaphore, #tpu.memory_space<semaphore_mem>> -> memref<!tpu.dma_semaphore, #tpu.memory_space<semaphore_mem>>
    %dma_start3A_1000 = arith.constant 0 : i32
    %dma_start3A_1001 = tpu.memref_slice %arg4[%select_n3A, %add3A_988, %dma_start3A_1000] : memref<4x4096x1024xf32, #tpu.memory_space<hbm>> -> memref<1x16x1024xf32, #tpu.memory_space<hbm>>
    %dma_start3A_1002 = tpu.memref_squeeze %dma_start3A_1001 : memref<1x16x1024xf32, #tpu.memory_space<hbm>> -> memref<16x1024xf32, #tpu.memory_space<hbm>>
    %dma_start3A_1003 = arith.constant 0 : i32
    %dma_start3A_1004 = arith.constant 0 : i32
    %dma_start3A_1005 = tpu.memref_slice %arg6[%dma_start3A_989, %dma_start3A_1003, %dma_start3A_1004] : memref<6x16x1024xf32, #tpu.memory_space<vmem>> -> memref<1x16x1024xf32, #tpu.memory_space<vmem>>
    %dma_start3A_1006 = tpu.memref_squeeze %dma_start3A_1005 : memref<1x16x1024xf32, #tpu.memory_space<vmem>> -> memref<16x1024xf32, #tpu.memory_space<vmem>>
    tpu.enqueue_dma source(%dma_start3A_1006 : memref<16x1024xf32, #tpu.memory_space<vmem>>) target(%dma_start3A_1002 : memref<16x1024xf32, #tpu.memory_space<hbm>>) target_semaphore(%dma_start3A_999 : memref<!tpu.dma_semaphore, #tpu.memory_space<semaphore_mem>>)
    %dma_wait3A_1007 = arith.constant 1 : i32
    %dma_wait3A_1008 = arith.constant 1 : i32
    %dma_wait3A_1009 = arith.constant 0 : i32
    %dma_wait3A_1010 = arith.constant 0 : i32
    %dma_wait3A_1011 = tpu.memref_slice %arg6[%dma_wait3A_1007, %dma_wait3A_1009, %dma_wait3A_1010] : memref<6x16x1024xf32, #tpu.memory_space<vmem>> -> memref<1x16x1024xf32, #tpu.memory_space<vmem>>
    %dma_wait3A_1012 = tpu.memref_squeeze %dma_wait3A_1011 : memref<1x16x1024xf32, #tpu.memory_space<vmem>> -> memref<16x1024xf32, #tpu.memory_space<vmem>>
    %dma_wait3A_1013 = arith.constant 0 : i32
    %dma_wait3A_1014 = tpu.memref_slice %arg4[%select_n3A, %add3A_924, %dma_wait3A_1013] : memref<4x4096x1024xf32, #tpu.memory_space<hbm>> -> memref<1x16x1024xf32, #tpu.memory_space<hbm>>
    %dma_wait3A_1015 = tpu.memref_squeeze %dma_wait3A_1014 : memref<1x16x1024xf32, #tpu.memory_space<hbm>> -> memref<16x1024xf32, #tpu.memory_space<hbm>>
    %dma_wait3A_1016 = tpu.memref_slice %arg8[%dma_wait3A_1008] : memref<6x!tpu.dma_semaphore, #tpu.memory_space<semaphore_mem>> -> memref<1x!tpu.dma_semaphore, #tpu.memory_space<semaphore_mem>>
    %dma_wait3A_1017 = tpu.memref_squeeze %dma_wait3A_1016 : memref<1x!tpu.dma_semaphore, #tpu.memory_space<semaphore_mem>> -> memref<!tpu.dma_semaphore, #tpu.memory_space<semaphore_mem>>
    %dma_wait3A_1018 = arith.constant 0 : i32
    %dma_wait3A_1019 = tpu.memref_slice %arg4[%select_n3A, %add3A_924, %dma_wait3A_1018] : memref<4x4096x1024xf32, #tpu.memory_space<hbm>> -> memref<1x16x1024xf32, #tpu.memory_space<hbm>>
    %dma_wait3A_1020 = tpu.memref_squeeze %dma_wait3A_1019 : memref<1x16x1024xf32, #tpu.memory_space<hbm>> -> memref<16x1024xf32, #tpu.memory_space<hbm>>
    %dma_wait3A_1021 = arith.constant 0 : i32
    %dma_wait3A_1022 = arith.constant 0 : i32
    %dma_wait3A_1023 = tpu.memref_slice %arg6[%dma_wait3A_1007, %dma_wait3A_1021, %dma_wait3A_1022] : memref<6x16x1024xf32, #tpu.memory_space<vmem>> -> memref<1x16x1024xf32, #tpu.memory_space<vmem>>
    %dma_wait3A_1024 = tpu.memref_squeeze %dma_wait3A_1023 : memref<1x16x1024xf32, #tpu.memory_space<vmem>> -> memref<16x1024xf32, #tpu.memory_space<vmem>>
    tpu.wait_dma2 semaphore(%dma_wait3A_1017 : memref<!tpu.dma_semaphore, #tpu.memory_space<semaphore_mem>>) src(%dma_wait3A_1024 : memref<16x1024xf32, #tpu.memory_space<vmem>>) dst(%dma_wait3A_1020 : memref<16x1024xf32, #tpu.memory_space<hbm>>)
    %dma_start3A_1025 = arith.constant 1 : i32
    %dma_start3A_1026 = arith.constant 1 : i32
    %dma_start3A_1027 = arith.constant 0 : i32
    %dma_start3A_1028 = arith.constant 0 : i32
    %dma_start3A_1029 = tpu.memref_slice %arg6[%dma_start3A_1025, %dma_start3A_1027, %dma_start3A_1028] : memref<6x16x1024xf32, #tpu.memory_space<vmem>> -> memref<1x16x1024xf32, #tpu.memory_space<vmem>>
    %dma_start3A_1030 = tpu.memref_squeeze %dma_start3A_1029 : memref<1x16x1024xf32, #tpu.memory_space<vmem>> -> memref<16x1024xf32, #tpu.memory_space<vmem>>
    %dma_start3A_1031 = arith.constant 304 : i32
    %dma_start3A_1032 = tpu.memref_slice %arg5[%dma_start3A_1031] : memref<512xi32, #tpu.memory_space<vmem>> -> memref<16xi32, #tpu.memory_space<vmem>>
    %dma_start3A_1033 = arith.constant 0 : i32
    %dma_start3A_1034 = arith.constant 0 : i32
    %dma_start3A_1035 = tpu.memref_slice %arg3[%dma_start3A_1033, %dma_start3A_1034] : memref<8192x1024xf32, #tpu.memory_space<hbm>> -> memref<8192x1024xf32, #tpu.memory_space<hbm>>
    %dma_start3A_1036 = tpu.memref_slice %arg7[%dma_start3A_1026] : memref<6x!tpu.dma_semaphore, #tpu.memory_space<semaphore_mem>> -> memref<1x!tpu.dma_semaphore, #tpu.memory_space<semaphore_mem>>
    %dma_start3A_1037 = tpu.memref_squeeze %dma_start3A_1036 : memref<1x!tpu.dma_semaphore, #tpu.memory_space<semaphore_mem>> -> memref<!tpu.dma_semaphore, #tpu.memory_space<semaphore_mem>>
    tpu.enqueue_indirect_dma source(%dma_start3A_1035 : memref<8192x1024xf32, #tpu.memory_space<hbm>>) target(%dma_start3A_1030 : memref<16x1024xf32, #tpu.memory_space<vmem>>) offsets(%dma_start3A_1032 : memref<16xi32, #tpu.memory_space<vmem>>) semaphore(%dma_start3A_1037 : memref<!tpu.dma_semaphore, #tpu.memory_space<semaphore_mem>>)
    %dma_wait3A_1038 = arith.constant 3 : i32
    %dma_wait3A_1039 = arith.constant 3 : i32
    %dma_wait3A_1040 = arith.constant 0 : i32
    %dma_wait3A_1041 = arith.constant 0 : i32
    %dma_wait3A_1042 = tpu.memref_slice %arg6[%dma_wait3A_1038, %dma_wait3A_1040, %dma_wait3A_1041] : memref<6x16x1024xf32, #tpu.memory_space<vmem>> -> memref<1x16x1024xf32, #tpu.memory_space<vmem>>
    %dma_wait3A_1043 = tpu.memref_squeeze %dma_wait3A_1042 : memref<1x16x1024xf32, #tpu.memory_space<vmem>> -> memref<16x1024xf32, #tpu.memory_space<vmem>>
    %dma_wait3A_1044 = arith.constant 240 : i32
    %dma_wait3A_1045 = tpu.memref_slice %arg5[%dma_wait3A_1044] : memref<512xi32, #tpu.memory_space<vmem>> -> memref<16xi32, #tpu.memory_space<vmem>>
    %dma_wait3A_1046 = arith.constant 0 : i32
    %dma_wait3A_1047 = arith.constant 0 : i32
    %dma_wait3A_1048 = tpu.memref_slice %arg3[%dma_wait3A_1046, %dma_wait3A_1047] : memref<8192x1024xf32, #tpu.memory_space<hbm>> -> memref<8192x1024xf32, #tpu.memory_space<hbm>>
    %dma_wait3A_1049 = tpu.memref_slice %arg7[%dma_wait3A_1039] : memref<6x!tpu.dma_semaphore, #tpu.memory_space<semaphore_mem>> -> memref<1x!tpu.dma_semaphore, #tpu.memory_space<semaphore_mem>>
    %dma_wait3A_1050 = tpu.memref_squeeze %dma_wait3A_1049 : memref<1x!tpu.dma_semaphore, #tpu.memory_space<semaphore_mem>> -> memref<!tpu.dma_semaphore, #tpu.memory_space<semaphore_mem>>
    tpu.wait_indirect_dma semaphore(%dma_wait3A_1050 : memref<!tpu.dma_semaphore, #tpu.memory_space<semaphore_mem>>) src(%dma_wait3A_1048 : memref<8192x1024xf32, #tpu.memory_space<hbm>>) dst(%dma_wait3A_1043 : memref<16x1024xf32, #tpu.memory_space<vmem>>)
    %add3A_1051 = arith.constant 240 : i32
    %add3A_1052 = arith.addi %mul3A_32, %add3A_1051 : i32
    %dma_start3A_1053 = arith.constant 3 : i32
    %dma_start3A_1054 = arith.constant 3 : i32
    %dma_start3A_1055 = arith.constant 0 : i32
    %dma_start3A_1056 = arith.constant 0 : i32
    %dma_start3A_1057 = tpu.memref_slice %arg6[%dma_start3A_1053, %dma_start3A_1055, %dma_start3A_1056] : memref<6x16x1024xf32, #tpu.memory_space<vmem>> -> memref<1x16x1024xf32, #tpu.memory_space<vmem>>
    %dma_start3A_1058 = tpu.memref_squeeze %dma_start3A_1057 : memref<1x16x1024xf32, #tpu.memory_space<vmem>> -> memref<16x1024xf32, #tpu.memory_space<vmem>>
    %dma_start3A_1059 = arith.constant 0 : i32
    %dma_start3A_1060 = tpu.memref_slice %arg4[%select_n3A, %add3A_1052, %dma_start3A_1059] : memref<4x4096x1024xf32, #tpu.memory_space<hbm>> -> memref<1x16x1024xf32, #tpu.memory_space<hbm>>
    %dma_start3A_1061 = tpu.memref_squeeze %dma_start3A_1060 : memref<1x16x1024xf32, #tpu.memory_space<hbm>> -> memref<16x1024xf32, #tpu.memory_space<hbm>>
    %dma_start3A_1062 = tpu.memref_slice %arg8[%dma_start3A_1054] : memref<6x!tpu.dma_semaphore, #tpu.memory_space<semaphore_mem>> -> memref<1x!tpu.dma_semaphore, #tpu.memory_space<semaphore_mem>>
    %dma_start3A_1063 = tpu.memref_squeeze %dma_start3A_1062 : memref<1x!tpu.dma_semaphore, #tpu.memory_space<semaphore_mem>> -> memref<!tpu.dma_semaphore, #tpu.memory_space<semaphore_mem>>
    %dma_start3A_1064 = arith.constant 0 : i32
    %dma_start3A_1065 = tpu.memref_slice %arg4[%select_n3A, %add3A_1052, %dma_start3A_1064] : memref<4x4096x1024xf32, #tpu.memory_space<hbm>> -> memref<1x16x1024xf32, #tpu.memory_space<hbm>>
    %dma_start3A_1066 = tpu.memref_squeeze %dma_start3A_1065 : memref<1x16x1024xf32, #tpu.memory_space<hbm>> -> memref<16x1024xf32, #tpu.memory_space<hbm>>
    %dma_start3A_1067 = arith.constant 0 : i32
    %dma_start3A_1068 = arith.constant 0 : i32
    %dma_start3A_1069 = tpu.memref_slice %arg6[%dma_start3A_1053, %dma_start3A_1067, %dma_start3A_1068] : memref<6x16x1024xf32, #tpu.memory_space<vmem>> -> memref<1x16x1024xf32, #tpu.memory_space<vmem>>
    %dma_start3A_1070 = tpu.memref_squeeze %dma_start3A_1069 : memref<1x16x1024xf32, #tpu.memory_space<vmem>> -> memref<16x1024xf32, #tpu.memory_space<vmem>>
    tpu.enqueue_dma source(%dma_start3A_1070 : memref<16x1024xf32, #tpu.memory_space<vmem>>) target(%dma_start3A_1066 : memref<16x1024xf32, #tpu.memory_space<hbm>>) target_semaphore(%dma_start3A_1063 : memref<!tpu.dma_semaphore, #tpu.memory_space<semaphore_mem>>)
    %dma_wait3A_1071 = arith.constant 2 : i32
    %dma_wait3A_1072 = arith.constant 2 : i32
    %dma_wait3A_1073 = arith.constant 0 : i32
    %dma_wait3A_1074 = arith.constant 0 : i32
    %dma_wait3A_1075 = tpu.memref_slice %arg6[%dma_wait3A_1071, %dma_wait3A_1073, %dma_wait3A_1074] : memref<6x16x1024xf32, #tpu.memory_space<vmem>> -> memref<1x16x1024xf32, #tpu.memory_space<vmem>>
    %dma_wait3A_1076 = tpu.memref_squeeze %dma_wait3A_1075 : memref<1x16x1024xf32, #tpu.memory_space<vmem>> -> memref<16x1024xf32, #tpu.memory_space<vmem>>
    %dma_wait3A_1077 = arith.constant 0 : i32
    %dma_wait3A_1078 = tpu.memref_slice %arg4[%select_n3A, %add3A_988, %dma_wait3A_1077] : memref<4x4096x1024xf32, #tpu.memory_space<hbm>> -> memref<1x16x1024xf32, #tpu.memory_space<hbm>>
    %dma_wait3A_1079 = tpu.memref_squeeze %dma_wait3A_1078 : memref<1x16x1024xf32, #tpu.memory_space<hbm>> -> memref<16x1024xf32, #tpu.memory_space<hbm>>
    %dma_wait3A_1080 = tpu.memref_slice %arg8[%dma_wait3A_1072] : memref<6x!tpu.dma_semaphore, #tpu.memory_space<semaphore_mem>> -> memref<1x!tpu.dma_semaphore, #tpu.memory_space<semaphore_mem>>
    %dma_wait3A_1081 = tpu.memref_squeeze %dma_wait3A_1080 : memref<1x!tpu.dma_semaphore, #tpu.memory_space<semaphore_mem>> -> memref<!tpu.dma_semaphore, #tpu.memory_space<semaphore_mem>>
    %dma_wait3A_1082 = arith.constant 0 : i32
    %dma_wait3A_1083 = tpu.memref_slice %arg4[%select_n3A, %add3A_988, %dma_wait3A_1082] : memref<4x4096x1024xf32, #tpu.memory_space<hbm>> -> memref<1x16x1024xf32, #tpu.memory_space<hbm>>
    %dma_wait3A_1084 = tpu.memref_squeeze %dma_wait3A_1083 : memref<1x16x1024xf32, #tpu.memory_space<hbm>> -> memref<16x1024xf32, #tpu.memory_space<hbm>>
    %dma_wait3A_1085 = arith.constant 0 : i32
    %dma_wait3A_1086 = arith.constant 0 : i32
    %dma_wait3A_1087 = tpu.memref_slice %arg6[%dma_wait3A_1071, %dma_wait3A_1085, %dma_wait3A_1086] : memref<6x16x1024xf32, #tpu.memory_space<vmem>> -> memref<1x16x1024xf32, #tpu.memory_space<vmem>>
    %dma_wait3A_1088 = tpu.memref_squeeze %dma_wait3A_1087 : memref<1x16x1024xf32, #tpu.memory_space<vmem>> -> memref<16x1024xf32, #tpu.memory_space<vmem>>
    tpu.wait_dma2 semaphore(%dma_wait3A_1081 : memref<!tpu.dma_semaphore, #tpu.memory_space<semaphore_mem>>) src(%dma_wait3A_1088 : memref<16x1024xf32, #tpu.memory_space<vmem>>) dst(%dma_wait3A_1084 : memref<16x1024xf32, #tpu.memory_space<hbm>>)
    %dma_start3A_1089 = arith.constant 2 : i32
    %dma_start3A_1090 = arith.constant 2 : i32
    %dma_start3A_1091 = arith.constant 0 : i32
    %dma_start3A_1092 = arith.constant 0 : i32
    %dma_start3A_1093 = tpu.memref_slice %arg6[%dma_start3A_1089, %dma_start3A_1091, %dma_start3A_1092] : memref<6x16x1024xf32, #tpu.memory_space<vmem>> -> memref<1x16x1024xf32, #tpu.memory_space<vmem>>
    %dma_start3A_1094 = tpu.memref_squeeze %dma_start3A_1093 : memref<1x16x1024xf32, #tpu.memory_space<vmem>> -> memref<16x1024xf32, #tpu.memory_space<vmem>>
    %dma_start3A_1095 = arith.constant 320 : i32
    %dma_start3A_1096 = tpu.memref_slice %arg5[%dma_start3A_1095] : memref<512xi32, #tpu.memory_space<vmem>> -> memref<16xi32, #tpu.memory_space<vmem>>
    %dma_start3A_1097 = arith.constant 0 : i32
    %dma_start3A_1098 = arith.constant 0 : i32
    %dma_start3A_1099 = tpu.memref_slice %arg3[%dma_start3A_1097, %dma_start3A_1098] : memref<8192x1024xf32, #tpu.memory_space<hbm>> -> memref<8192x1024xf32, #tpu.memory_space<hbm>>
    %dma_start3A_1100 = tpu.memref_slice %arg7[%dma_start3A_1090] : memref<6x!tpu.dma_semaphore, #tpu.memory_space<semaphore_mem>> -> memref<1x!tpu.dma_semaphore, #tpu.memory_space<semaphore_mem>>
    %dma_start3A_1101 = tpu.memref_squeeze %dma_start3A_1100 : memref<1x!tpu.dma_semaphore, #tpu.memory_space<semaphore_mem>> -> memref<!tpu.dma_semaphore, #tpu.memory_space<semaphore_mem>>
    tpu.enqueue_indirect_dma source(%dma_start3A_1099 : memref<8192x1024xf32, #tpu.memory_space<hbm>>) target(%dma_start3A_1094 : memref<16x1024xf32, #tpu.memory_space<vmem>>) offsets(%dma_start3A_1096 : memref<16xi32, #tpu.memory_space<vmem>>) semaphore(%dma_start3A_1101 : memref<!tpu.dma_semaphore, #tpu.memory_space<semaphore_mem>>)
    %dma_wait3A_1102 = arith.constant 4 : i32
    %dma_wait3A_1103 = arith.constant 4 : i32
    %dma_wait3A_1104 = arith.constant 0 : i32
    %dma_wait3A_1105 = arith.constant 0 : i32
    %dma_wait3A_1106 = tpu.memref_slice %arg6[%dma_wait3A_1102, %dma_wait3A_1104, %dma_wait3A_1105] : memref<6x16x1024xf32, #tpu.memory_space<vmem>> -> memref<1x16x1024xf32, #tpu.memory_space<vmem>>
    %dma_wait3A_1107 = tpu.memref_squeeze %dma_wait3A_1106 : memref<1x16x1024xf32, #tpu.memory_space<vmem>> -> memref<16x1024xf32, #tpu.memory_space<vmem>>
    %dma_wait3A_1108 = arith.constant 256 : i32
    %dma_wait3A_1109 = tpu.memref_slice %arg5[%dma_wait3A_1108] : memref<512xi32, #tpu.memory_space<vmem>> -> memref<16xi32, #tpu.memory_space<vmem>>
    %dma_wait3A_1110 = arith.constant 0 : i32
    %dma_wait3A_1111 = arith.constant 0 : i32
    %dma_wait3A_1112 = tpu.memref_slice %arg3[%dma_wait3A_1110, %dma_wait3A_1111] : memref<8192x1024xf32, #tpu.memory_space<hbm>> -> memref<8192x1024xf32, #tpu.memory_space<hbm>>
    %dma_wait3A_1113 = tpu.memref_slice %arg7[%dma_wait3A_1103] : memref<6x!tpu.dma_semaphore, #tpu.memory_space<semaphore_mem>> -> memref<1x!tpu.dma_semaphore, #tpu.memory_space<semaphore_mem>>
    %dma_wait3A_1114 = tpu.memref_squeeze %dma_wait3A_1113 : memref<1x!tpu.dma_semaphore, #tpu.memory_space<semaphore_mem>> -> memref<!tpu.dma_semaphore, #tpu.memory_space<semaphore_mem>>
    tpu.wait_indirect_dma semaphore(%dma_wait3A_1114 : memref<!tpu.dma_semaphore, #tpu.memory_space<semaphore_mem>>) src(%dma_wait3A_1112 : memref<8192x1024xf32, #tpu.memory_space<hbm>>) dst(%dma_wait3A_1107 : memref<16x1024xf32, #tpu.memory_space<vmem>>)
    %add3A_1115 = arith.constant 256 : i32
    %add3A_1116 = arith.addi %mul3A_32, %add3A_1115 : i32
    %dma_start3A_1117 = arith.constant 4 : i32
    %dma_start3A_1118 = arith.constant 4 : i32
    %dma_start3A_1119 = arith.constant 0 : i32
    %dma_start3A_1120 = arith.constant 0 : i32
    %dma_start3A_1121 = tpu.memref_slice %arg6[%dma_start3A_1117, %dma_start3A_1119, %dma_start3A_1120] : memref<6x16x1024xf32, #tpu.memory_space<vmem>> -> memref<1x16x1024xf32, #tpu.memory_space<vmem>>
    %dma_start3A_1122 = tpu.memref_squeeze %dma_start3A_1121 : memref<1x16x1024xf32, #tpu.memory_space<vmem>> -> memref<16x1024xf32, #tpu.memory_space<vmem>>
    %dma_start3A_1123 = arith.constant 0 : i32
    %dma_start3A_1124 = tpu.memref_slice %arg4[%select_n3A, %add3A_1116, %dma_start3A_1123] : memref<4x4096x1024xf32, #tpu.memory_space<hbm>> -> memref<1x16x1024xf32, #tpu.memory_space<hbm>>
    %dma_start3A_1125 = tpu.memref_squeeze %dma_start3A_1124 : memref<1x16x1024xf32, #tpu.memory_space<hbm>> -> memref<16x1024xf32, #tpu.memory_space<hbm>>
    %dma_start3A_1126 = tpu.memref_slice %arg8[%dma_start3A_1118] : memref<6x!tpu.dma_semaphore, #tpu.memory_space<semaphore_mem>> -> memref<1x!tpu.dma_semaphore, #tpu.memory_space<semaphore_mem>>
    %dma_start3A_1127 = tpu.memref_squeeze %dma_start3A_1126 : memref<1x!tpu.dma_semaphore, #tpu.memory_space<semaphore_mem>> -> memref<!tpu.dma_semaphore, #tpu.memory_space<semaphore_mem>>
    %dma_start3A_1128 = arith.constant 0 : i32
    %dma_start3A_1129 = tpu.memref_slice %arg4[%select_n3A, %add3A_1116, %dma_start3A_1128] : memref<4x4096x1024xf32, #tpu.memory_space<hbm>> -> memref<1x16x1024xf32, #tpu.memory_space<hbm>>
    %dma_start3A_1130 = tpu.memref_squeeze %dma_start3A_1129 : memref<1x16x1024xf32, #tpu.memory_space<hbm>> -> memref<16x1024xf32, #tpu.memory_space<hbm>>
    %dma_start3A_1131 = arith.constant 0 : i32
    %dma_start3A_1132 = arith.constant 0 : i32
    %dma_start3A_1133 = tpu.memref_slice %arg6[%dma_start3A_1117, %dma_start3A_1131, %dma_start3A_1132] : memref<6x16x1024xf32, #tpu.memory_space<vmem>> -> memref<1x16x1024xf32, #tpu.memory_space<vmem>>
    %dma_start3A_1134 = tpu.memref_squeeze %dma_start3A_1133 : memref<1x16x1024xf32, #tpu.memory_space<vmem>> -> memref<16x1024xf32, #tpu.memory_space<vmem>>
    tpu.enqueue_dma source(%dma_start3A_1134 : memref<16x1024xf32, #tpu.memory_space<vmem>>) target(%dma_start3A_1130 : memref<16x1024xf32, #tpu.memory_space<hbm>>) target_semaphore(%dma_start3A_1127 : memref<!tpu.dma_semaphore, #tpu.memory_space<semaphore_mem>>)
    %dma_wait3A_1135 = arith.constant 3 : i32
    %dma_wait3A_1136 = arith.constant 3 : i32
    %dma_wait3A_1137 = arith.constant 0 : i32
    %dma_wait3A_1138 = arith.constant 0 : i32
    %dma_wait3A_1139 = tpu.memref_slice %arg6[%dma_wait3A_1135, %dma_wait3A_1137, %dma_wait3A_1138] : memref<6x16x1024xf32, #tpu.memory_space<vmem>> -> memref<1x16x1024xf32, #tpu.memory_space<vmem>>
    %dma_wait3A_1140 = tpu.memref_squeeze %dma_wait3A_1139 : memref<1x16x1024xf32, #tpu.memory_space<vmem>> -> memref<16x1024xf32, #tpu.memory_space<vmem>>
    %dma_wait3A_1141 = arith.constant 0 : i32
    %dma_wait3A_1142 = tpu.memref_slice %arg4[%select_n3A, %add3A_1052, %dma_wait3A_1141] : memref<4x4096x1024xf32, #tpu.memory_space<hbm>> -> memref<1x16x1024xf32, #tpu.memory_space<hbm>>
    %dma_wait3A_1143 = tpu.memref_squeeze %dma_wait3A_1142 : memref<1x16x1024xf32, #tpu.memory_space<hbm>> -> memref<16x1024xf32, #tpu.memory_space<hbm>>
    %dma_wait3A_1144 = tpu.memref_slice %arg8[%dma_wait3A_1136] : memref<6x!tpu.dma_semaphore, #tpu.memory_space<semaphore_mem>> -> memref<1x!tpu.dma_semaphore, #tpu.memory_space<semaphore_mem>>
    %dma_wait3A_1145 = tpu.memref_squeeze %dma_wait3A_1144 : memref<1x!tpu.dma_semaphore, #tpu.memory_space<semaphore_mem>> -> memref<!tpu.dma_semaphore, #tpu.memory_space<semaphore_mem>>
    %dma_wait3A_1146 = arith.constant 0 : i32
    %dma_wait3A_1147 = tpu.memref_slice %arg4[%select_n3A, %add3A_1052, %dma_wait3A_1146] : memref<4x4096x1024xf32, #tpu.memory_space<hbm>> -> memref<1x16x1024xf32, #tpu.memory_space<hbm>>
    %dma_wait3A_1148 = tpu.memref_squeeze %dma_wait3A_1147 : memref<1x16x1024xf32, #tpu.memory_space<hbm>> -> memref<16x1024xf32, #tpu.memory_space<hbm>>
    %dma_wait3A_1149 = arith.constant 0 : i32
    %dma_wait3A_1150 = arith.constant 0 : i32
    %dma_wait3A_1151 = tpu.memref_slice %arg6[%dma_wait3A_1135, %dma_wait3A_1149, %dma_wait3A_1150] : memref<6x16x1024xf32, #tpu.memory_space<vmem>> -> memref<1x16x1024xf32, #tpu.memory_space<vmem>>
    %dma_wait3A_1152 = tpu.memref_squeeze %dma_wait3A_1151 : memref<1x16x1024xf32, #tpu.memory_space<vmem>> -> memref<16x1024xf32, #tpu.memory_space<vmem>>
    tpu.wait_dma2 semaphore(%dma_wait3A_1145 : memref<!tpu.dma_semaphore, #tpu.memory_space<semaphore_mem>>) src(%dma_wait3A_1152 : memref<16x1024xf32, #tpu.memory_space<vmem>>) dst(%dma_wait3A_1148 : memref<16x1024xf32, #tpu.memory_space<hbm>>)
    %dma_start3A_1153 = arith.constant 3 : i32
    %dma_start3A_1154 = arith.constant 3 : i32
    %dma_start3A_1155 = arith.constant 0 : i32
    %dma_start3A_1156 = arith.constant 0 : i32
    %dma_start3A_1157 = tpu.memref_slice %arg6[%dma_start3A_1153, %dma_start3A_1155, %dma_start3A_1156] : memref<6x16x1024xf32, #tpu.memory_space<vmem>> -> memref<1x16x1024xf32, #tpu.memory_space<vmem>>
    %dma_start3A_1158 = tpu.memref_squeeze %dma_start3A_1157 : memref<1x16x1024xf32, #tpu.memory_space<vmem>> -> memref<16x1024xf32, #tpu.memory_space<vmem>>
    %dma_start3A_1159 = arith.constant 336 : i32
    %dma_start3A_1160 = tpu.memref_slice %arg5[%dma_start3A_1159] : memref<512xi32, #tpu.memory_space<vmem>> -> memref<16xi32, #tpu.memory_space<vmem>>
    %dma_start3A_1161 = arith.constant 0 : i32
    %dma_start3A_1162 = arith.constant 0 : i32
    %dma_start3A_1163 = tpu.memref_slice %arg3[%dma_start3A_1161, %dma_start3A_1162] : memref<8192x1024xf32, #tpu.memory_space<hbm>> -> memref<8192x1024xf32, #tpu.memory_space<hbm>>
    %dma_start3A_1164 = tpu.memref_slice %arg7[%dma_start3A_1154] : memref<6x!tpu.dma_semaphore, #tpu.memory_space<semaphore_mem>> -> memref<1x!tpu.dma_semaphore, #tpu.memory_space<semaphore_mem>>
    %dma_start3A_1165 = tpu.memref_squeeze %dma_start3A_1164 : memref<1x!tpu.dma_semaphore, #tpu.memory_space<semaphore_mem>> -> memref<!tpu.dma_semaphore, #tpu.memory_space<semaphore_mem>>
    tpu.enqueue_indirect_dma source(%dma_start3A_1163 : memref<8192x1024xf32, #tpu.memory_space<hbm>>) target(%dma_start3A_1158 : memref<16x1024xf32, #tpu.memory_space<vmem>>) offsets(%dma_start3A_1160 : memref<16xi32, #tpu.memory_space<vmem>>) semaphore(%dma_start3A_1165 : memref<!tpu.dma_semaphore, #tpu.memory_space<semaphore_mem>>)
    %dma_wait3A_1166 = arith.constant 5 : i32
    %dma_wait3A_1167 = arith.constant 5 : i32
    %dma_wait3A_1168 = arith.constant 0 : i32
    %dma_wait3A_1169 = arith.constant 0 : i32
    %dma_wait3A_1170 = tpu.memref_slice %arg6[%dma_wait3A_1166, %dma_wait3A_1168, %dma_wait3A_1169] : memref<6x16x1024xf32, #tpu.memory_space<vmem>> -> memref<1x16x1024xf32, #tpu.memory_space<vmem>>
    %dma_wait3A_1171 = tpu.memref_squeeze %dma_wait3A_1170 : memref<1x16x1024xf32, #tpu.memory_space<vmem>> -> memref<16x1024xf32, #tpu.memory_space<vmem>>
    %dma_wait3A_1172 = arith.constant 272 : i32
    %dma_wait3A_1173 = tpu.memref_slice %arg5[%dma_wait3A_1172] : memref<512xi32, #tpu.memory_space<vmem>> -> memref<16xi32, #tpu.memory_space<vmem>>
    %dma_wait3A_1174 = arith.constant 0 : i32
    %dma_wait3A_1175 = arith.constant 0 : i32
    %dma_wait3A_1176 = tpu.memref_slice %arg3[%dma_wait3A_1174, %dma_wait3A_1175] : memref<8192x1024xf32, #tpu.memory_space<hbm>> -> memref<8192x1024xf32, #tpu.memory_space<hbm>>
    %dma_wait3A_1177 = tpu.memref_slice %arg7[%dma_wait3A_1167] : memref<6x!tpu.dma_semaphore, #tpu.memory_space<semaphore_mem>> -> memref<1x!tpu.dma_semaphore, #tpu.memory_space<semaphore_mem>>
    %dma_wait3A_1178 = tpu.memref_squeeze %dma_wait3A_1177 : memref<1x!tpu.dma_semaphore, #tpu.memory_space<semaphore_mem>> -> memref<!tpu.dma_semaphore, #tpu.memory_space<semaphore_mem>>
    tpu.wait_indirect_dma semaphore(%dma_wait3A_1178 : memref<!tpu.dma_semaphore, #tpu.memory_space<semaphore_mem>>) src(%dma_wait3A_1176 : memref<8192x1024xf32, #tpu.memory_space<hbm>>) dst(%dma_wait3A_1171 : memref<16x1024xf32, #tpu.memory_space<vmem>>)
    %add3A_1179 = arith.constant 272 : i32
    %add3A_1180 = arith.addi %mul3A_32, %add3A_1179 : i32
    %dma_start3A_1181 = arith.constant 5 : i32
    %dma_start3A_1182 = arith.constant 5 : i32
    %dma_start3A_1183 = arith.constant 0 : i32
    %dma_start3A_1184 = arith.constant 0 : i32
    %dma_start3A_1185 = tpu.memref_slice %arg6[%dma_start3A_1181, %dma_start3A_1183, %dma_start3A_1184] : memref<6x16x1024xf32, #tpu.memory_space<vmem>> -> memref<1x16x1024xf32, #tpu.memory_space<vmem>>
    %dma_start3A_1186 = tpu.memref_squeeze %dma_start3A_1185 : memref<1x16x1024xf32, #tpu.memory_space<vmem>> -> memref<16x1024xf32, #tpu.memory_space<vmem>>
    %dma_start3A_1187 = arith.constant 0 : i32
    %dma_start3A_1188 = tpu.memref_slice %arg4[%select_n3A, %add3A_1180, %dma_start3A_1187] : memref<4x4096x1024xf32, #tpu.memory_space<hbm>> -> memref<1x16x1024xf32, #tpu.memory_space<hbm>>
    %dma_start3A_1189 = tpu.memref_squeeze %dma_start3A_1188 : memref<1x16x1024xf32, #tpu.memory_space<hbm>> -> memref<16x1024xf32, #tpu.memory_space<hbm>>
    %dma_start3A_1190 = tpu.memref_slice %arg8[%dma_start3A_1182] : memref<6x!tpu.dma_semaphore, #tpu.memory_space<semaphore_mem>> -> memref<1x!tpu.dma_semaphore, #tpu.memory_space<semaphore_mem>>
    %dma_start3A_1191 = tpu.memref_squeeze %dma_start3A_1190 : memref<1x!tpu.dma_semaphore, #tpu.memory_space<semaphore_mem>> -> memref<!tpu.dma_semaphore, #tpu.memory_space<semaphore_mem>>
    %dma_start3A_1192 = arith.constant 0 : i32
    %dma_start3A_1193 = tpu.memref_slice %arg4[%select_n3A, %add3A_1180, %dma_start3A_1192] : memref<4x4096x1024xf32, #tpu.memory_space<hbm>> -> memref<1x16x1024xf32, #tpu.memory_space<hbm>>
    %dma_start3A_1194 = tpu.memref_squeeze %dma_start3A_1193 : memref<1x16x1024xf32, #tpu.memory_space<hbm>> -> memref<16x1024xf32, #tpu.memory_space<hbm>>
    %dma_start3A_1195 = arith.constant 0 : i32
    %dma_start3A_1196 = arith.constant 0 : i32
    %dma_start3A_1197 = tpu.memref_slice %arg6[%dma_start3A_1181, %dma_start3A_1195, %dma_start3A_1196] : memref<6x16x1024xf32, #tpu.memory_space<vmem>> -> memref<1x16x1024xf32, #tpu.memory_space<vmem>>
    %dma_start3A_1198 = tpu.memref_squeeze %dma_start3A_1197 : memref<1x16x1024xf32, #tpu.memory_space<vmem>> -> memref<16x1024xf32, #tpu.memory_space<vmem>>
    tpu.enqueue_dma source(%dma_start3A_1198 : memref<16x1024xf32, #tpu.memory_space<vmem>>) target(%dma_start3A_1194 : memref<16x1024xf32, #tpu.memory_space<hbm>>) target_semaphore(%dma_start3A_1191 : memref<!tpu.dma_semaphore, #tpu.memory_space<semaphore_mem>>)
    %dma_wait3A_1199 = arith.constant 4 : i32
    %dma_wait3A_1200 = arith.constant 4 : i32
    %dma_wait3A_1201 = arith.constant 0 : i32
    %dma_wait3A_1202 = arith.constant 0 : i32
    %dma_wait3A_1203 = tpu.memref_slice %arg6[%dma_wait3A_1199, %dma_wait3A_1201, %dma_wait3A_1202] : memref<6x16x1024xf32, #tpu.memory_space<vmem>> -> memref<1x16x1024xf32, #tpu.memory_space<vmem>>
    %dma_wait3A_1204 = tpu.memref_squeeze %dma_wait3A_1203 : memref<1x16x1024xf32, #tpu.memory_space<vmem>> -> memref<16x1024xf32, #tpu.memory_space<vmem>>
    %dma_wait3A_1205 = arith.constant 0 : i32
    %dma_wait3A_1206 = tpu.memref_slice %arg4[%select_n3A, %add3A_1116, %dma_wait3A_1205] : memref<4x4096x1024xf32, #tpu.memory_space<hbm>> -> memref<1x16x1024xf32, #tpu.memory_space<hbm>>
    %dma_wait3A_1207 = tpu.memref_squeeze %dma_wait3A_1206 : memref<1x16x1024xf32, #tpu.memory_space<hbm>> -> memref<16x1024xf32, #tpu.memory_space<hbm>>
    %dma_wait3A_1208 = tpu.memref_slice %arg8[%dma_wait3A_1200] : memref<6x!tpu.dma_semaphore, #tpu.memory_space<semaphore_mem>> -> memref<1x!tpu.dma_semaphore, #tpu.memory_space<semaphore_mem>>
    %dma_wait3A_1209 = tpu.memref_squeeze %dma_wait3A_1208 : memref<1x!tpu.dma_semaphore, #tpu.memory_space<semaphore_mem>> -> memref<!tpu.dma_semaphore, #tpu.memory_space<semaphore_mem>>
    %dma_wait3A_1210 = arith.constant 0 : i32
    %dma_wait3A_1211 = tpu.memref_slice %arg4[%select_n3A, %add3A_1116, %dma_wait3A_1210] : memref<4x4096x1024xf32, #tpu.memory_space<hbm>> -> memref<1x16x1024xf32, #tpu.memory_space<hbm>>
    %dma_wait3A_1212 = tpu.memref_squeeze %dma_wait3A_1211 : memref<1x16x1024xf32, #tpu.memory_space<hbm>> -> memref<16x1024xf32, #tpu.memory_space<hbm>>
    %dma_wait3A_1213 = arith.constant 0 : i32
    %dma_wait3A_1214 = arith.constant 0 : i32
    %dma_wait3A_1215 = tpu.memref_slice %arg6[%dma_wait3A_1199, %dma_wait3A_1213, %dma_wait3A_1214] : memref<6x16x1024xf32, #tpu.memory_space<vmem>> -> memref<1x16x1024xf32, #tpu.memory_space<vmem>>
    %dma_wait3A_1216 = tpu.memref_squeeze %dma_wait3A_1215 : memref<1x16x1024xf32, #tpu.memory_space<vmem>> -> memref<16x1024xf32, #tpu.memory_space<vmem>>
    tpu.wait_dma2 semaphore(%dma_wait3A_1209 : memref<!tpu.dma_semaphore, #tpu.memory_space<semaphore_mem>>) src(%dma_wait3A_1216 : memref<16x1024xf32, #tpu.memory_space<vmem>>) dst(%dma_wait3A_1212 : memref<16x1024xf32, #tpu.memory_space<hbm>>)
    %dma_start3A_1217 = arith.constant 4 : i32
    %dma_start3A_1218 = arith.constant 4 : i32
    %dma_start3A_1219 = arith.constant 0 : i32
    %dma_start3A_1220 = arith.constant 0 : i32
    %dma_start3A_1221 = tpu.memref_slice %arg6[%dma_start3A_1217, %dma_start3A_1219, %dma_start3A_1220] : memref<6x16x1024xf32, #tpu.memory_space<vmem>> -> memref<1x16x1024xf32, #tpu.memory_space<vmem>>
    %dma_start3A_1222 = tpu.memref_squeeze %dma_start3A_1221 : memref<1x16x1024xf32, #tpu.memory_space<vmem>> -> memref<16x1024xf32, #tpu.memory_space<vmem>>
    %dma_start3A_1223 = arith.constant 352 : i32
    %dma_start3A_1224 = tpu.memref_slice %arg5[%dma_start3A_1223] : memref<512xi32, #tpu.memory_space<vmem>> -> memref<16xi32, #tpu.memory_space<vmem>>
    %dma_start3A_1225 = arith.constant 0 : i32
    %dma_start3A_1226 = arith.constant 0 : i32
    %dma_start3A_1227 = tpu.memref_slice %arg3[%dma_start3A_1225, %dma_start3A_1226] : memref<8192x1024xf32, #tpu.memory_space<hbm>> -> memref<8192x1024xf32, #tpu.memory_space<hbm>>
    %dma_start3A_1228 = tpu.memref_slice %arg7[%dma_start3A_1218] : memref<6x!tpu.dma_semaphore, #tpu.memory_space<semaphore_mem>> -> memref<1x!tpu.dma_semaphore, #tpu.memory_space<semaphore_mem>>
    %dma_start3A_1229 = tpu.memref_squeeze %dma_start3A_1228 : memref<1x!tpu.dma_semaphore, #tpu.memory_space<semaphore_mem>> -> memref<!tpu.dma_semaphore, #tpu.memory_space<semaphore_mem>>
    tpu.enqueue_indirect_dma source(%dma_start3A_1227 : memref<8192x1024xf32, #tpu.memory_space<hbm>>) target(%dma_start3A_1222 : memref<16x1024xf32, #tpu.memory_space<vmem>>) offsets(%dma_start3A_1224 : memref<16xi32, #tpu.memory_space<vmem>>) semaphore(%dma_start3A_1229 : memref<!tpu.dma_semaphore, #tpu.memory_space<semaphore_mem>>)
    %dma_wait3A_1230 = arith.constant 0 : i32
    %dma_wait3A_1231 = arith.constant 0 : i32
    %dma_wait3A_1232 = arith.constant 0 : i32
    %dma_wait3A_1233 = arith.constant 0 : i32
    %dma_wait3A_1234 = tpu.memref_slice %arg6[%dma_wait3A_1230, %dma_wait3A_1232, %dma_wait3A_1233] : memref<6x16x1024xf32, #tpu.memory_space<vmem>> -> memref<1x16x1024xf32, #tpu.memory_space<vmem>>
    %dma_wait3A_1235 = tpu.memref_squeeze %dma_wait3A_1234 : memref<1x16x1024xf32, #tpu.memory_space<vmem>> -> memref<16x1024xf32, #tpu.memory_space<vmem>>
    %dma_wait3A_1236 = arith.constant 288 : i32
    %dma_wait3A_1237 = tpu.memref_slice %arg5[%dma_wait3A_1236] : memref<512xi32, #tpu.memory_space<vmem>> -> memref<16xi32, #tpu.memory_space<vmem>>
    %dma_wait3A_1238 = arith.constant 0 : i32
    %dma_wait3A_1239 = arith.constant 0 : i32
    %dma_wait3A_1240 = tpu.memref_slice %arg3[%dma_wait3A_1238, %dma_wait3A_1239] : memref<8192x1024xf32, #tpu.memory_space<hbm>> -> memref<8192x1024xf32, #tpu.memory_space<hbm>>
    %dma_wait3A_1241 = tpu.memref_slice %arg7[%dma_wait3A_1231] : memref<6x!tpu.dma_semaphore, #tpu.memory_space<semaphore_mem>> -> memref<1x!tpu.dma_semaphore, #tpu.memory_space<semaphore_mem>>
    %dma_wait3A_1242 = tpu.memref_squeeze %dma_wait3A_1241 : memref<1x!tpu.dma_semaphore, #tpu.memory_space<semaphore_mem>> -> memref<!tpu.dma_semaphore, #tpu.memory_space<semaphore_mem>>
    tpu.wait_indirect_dma semaphore(%dma_wait3A_1242 : memref<!tpu.dma_semaphore, #tpu.memory_space<semaphore_mem>>) src(%dma_wait3A_1240 : memref<8192x1024xf32, #tpu.memory_space<hbm>>) dst(%dma_wait3A_1235 : memref<16x1024xf32, #tpu.memory_space<vmem>>)
    %add3A_1243 = arith.constant 288 : i32
    %add3A_1244 = arith.addi %mul3A_32, %add3A_1243 : i32
    %dma_start3A_1245 = arith.constant 0 : i32
    %dma_start3A_1246 = arith.constant 0 : i32
    %dma_start3A_1247 = arith.constant 0 : i32
    %dma_start3A_1248 = arith.constant 0 : i32
    %dma_start3A_1249 = tpu.memref_slice %arg6[%dma_start3A_1245, %dma_start3A_1247, %dma_start3A_1248] : memref<6x16x1024xf32, #tpu.memory_space<vmem>> -> memref<1x16x1024xf32, #tpu.memory_space<vmem>>
    %dma_start3A_1250 = tpu.memref_squeeze %dma_start3A_1249 : memref<1x16x1024xf32, #tpu.memory_space<vmem>> -> memref<16x1024xf32, #tpu.memory_space<vmem>>
    %dma_start3A_1251 = arith.constant 0 : i32
    %dma_start3A_1252 = tpu.memref_slice %arg4[%select_n3A, %add3A_1244, %dma_start3A_1251] : memref<4x4096x1024xf32, #tpu.memory_space<hbm>> -> memref<1x16x1024xf32, #tpu.memory_space<hbm>>
    %dma_start3A_1253 = tpu.memref_squeeze %dma_start3A_1252 : memref<1x16x1024xf32, #tpu.memory_space<hbm>> -> memref<16x1024xf32, #tpu.memory_space<hbm>>
    %dma_start3A_1254 = tpu.memref_slice %arg8[%dma_start3A_1246] : memref<6x!tpu.dma_semaphore, #tpu.memory_space<semaphore_mem>> -> memref<1x!tpu.dma_semaphore, #tpu.memory_space<semaphore_mem>>
    %dma_start3A_1255 = tpu.memref_squeeze %dma_start3A_1254 : memref<1x!tpu.dma_semaphore, #tpu.memory_space<semaphore_mem>> -> memref<!tpu.dma_semaphore, #tpu.memory_space<semaphore_mem>>
    %dma_start3A_1256 = arith.constant 0 : i32
    %dma_start3A_1257 = tpu.memref_slice %arg4[%select_n3A, %add3A_1244, %dma_start3A_1256] : memref<4x4096x1024xf32, #tpu.memory_space<hbm>> -> memref<1x16x1024xf32, #tpu.memory_space<hbm>>
    %dma_start3A_1258 = tpu.memref_squeeze %dma_start3A_1257 : memref<1x16x1024xf32, #tpu.memory_space<hbm>> -> memref<16x1024xf32, #tpu.memory_space<hbm>>
    %dma_start3A_1259 = arith.constant 0 : i32
    %dma_start3A_1260 = arith.constant 0 : i32
    %dma_start3A_1261 = tpu.memref_slice %arg6[%dma_start3A_1245, %dma_start3A_1259, %dma_start3A_1260] : memref<6x16x1024xf32, #tpu.memory_space<vmem>> -> memref<1x16x1024xf32, #tpu.memory_space<vmem>>
    %dma_start3A_1262 = tpu.memref_squeeze %dma_start3A_1261 : memref<1x16x1024xf32, #tpu.memory_space<vmem>> -> memref<16x1024xf32, #tpu.memory_space<vmem>>
    tpu.enqueue_dma source(%dma_start3A_1262 : memref<16x1024xf32, #tpu.memory_space<vmem>>) target(%dma_start3A_1258 : memref<16x1024xf32, #tpu.memory_space<hbm>>) target_semaphore(%dma_start3A_1255 : memref<!tpu.dma_semaphore, #tpu.memory_space<semaphore_mem>>)
    %dma_wait3A_1263 = arith.constant 5 : i32
    %dma_wait3A_1264 = arith.constant 5 : i32
    %dma_wait3A_1265 = arith.constant 0 : i32
    %dma_wait3A_1266 = arith.constant 0 : i32
    %dma_wait3A_1267 = tpu.memref_slice %arg6[%dma_wait3A_1263, %dma_wait3A_1265, %dma_wait3A_1266] : memref<6x16x1024xf32, #tpu.memory_space<vmem>> -> memref<1x16x1024xf32, #tpu.memory_space<vmem>>
    %dma_wait3A_1268 = tpu.memref_squeeze %dma_wait3A_1267 : memref<1x16x1024xf32, #tpu.memory_space<vmem>> -> memref<16x1024xf32, #tpu.memory_space<vmem>>
    %dma_wait3A_1269 = arith.constant 0 : i32
    %dma_wait3A_1270 = tpu.memref_slice %arg4[%select_n3A, %add3A_1180, %dma_wait3A_1269] : memref<4x4096x1024xf32, #tpu.memory_space<hbm>> -> memref<1x16x1024xf32, #tpu.memory_space<hbm>>
    %dma_wait3A_1271 = tpu.memref_squeeze %dma_wait3A_1270 : memref<1x16x1024xf32, #tpu.memory_space<hbm>> -> memref<16x1024xf32, #tpu.memory_space<hbm>>
    %dma_wait3A_1272 = tpu.memref_slice %arg8[%dma_wait3A_1264] : memref<6x!tpu.dma_semaphore, #tpu.memory_space<semaphore_mem>> -> memref<1x!tpu.dma_semaphore, #tpu.memory_space<semaphore_mem>>
    %dma_wait3A_1273 = tpu.memref_squeeze %dma_wait3A_1272 : memref<1x!tpu.dma_semaphore, #tpu.memory_space<semaphore_mem>> -> memref<!tpu.dma_semaphore, #tpu.memory_space<semaphore_mem>>
    %dma_wait3A_1274 = arith.constant 0 : i32
    %dma_wait3A_1275 = tpu.memref_slice %arg4[%select_n3A, %add3A_1180, %dma_wait3A_1274] : memref<4x4096x1024xf32, #tpu.memory_space<hbm>> -> memref<1x16x1024xf32, #tpu.memory_space<hbm>>
    %dma_wait3A_1276 = tpu.memref_squeeze %dma_wait3A_1275 : memref<1x16x1024xf32, #tpu.memory_space<hbm>> -> memref<16x1024xf32, #tpu.memory_space<hbm>>
    %dma_wait3A_1277 = arith.constant 0 : i32
    %dma_wait3A_1278 = arith.constant 0 : i32
    %dma_wait3A_1279 = tpu.memref_slice %arg6[%dma_wait3A_1263, %dma_wait3A_1277, %dma_wait3A_1278] : memref<6x16x1024xf32, #tpu.memory_space<vmem>> -> memref<1x16x1024xf32, #tpu.memory_space<vmem>>
    %dma_wait3A_1280 = tpu.memref_squeeze %dma_wait3A_1279 : memref<1x16x1024xf32, #tpu.memory_space<vmem>> -> memref<16x1024xf32, #tpu.memory_space<vmem>>
    tpu.wait_dma2 semaphore(%dma_wait3A_1273 : memref<!tpu.dma_semaphore, #tpu.memory_space<semaphore_mem>>) src(%dma_wait3A_1280 : memref<16x1024xf32, #tpu.memory_space<vmem>>) dst(%dma_wait3A_1276 : memref<16x1024xf32, #tpu.memory_space<hbm>>)
    %dma_start3A_1281 = arith.constant 5 : i32
    %dma_start3A_1282 = arith.constant 5 : i32
    %dma_start3A_1283 = arith.constant 0 : i32
    %dma_start3A_1284 = arith.constant 0 : i32
    %dma_start3A_1285 = tpu.memref_slice %arg6[%dma_start3A_1281, %dma_start3A_1283, %dma_start3A_1284] : memref<6x16x1024xf32, #tpu.memory_space<vmem>> -> memref<1x16x1024xf32, #tpu.memory_space<vmem>>
    %dma_start3A_1286 = tpu.memref_squeeze %dma_start3A_1285 : memref<1x16x1024xf32, #tpu.memory_space<vmem>> -> memref<16x1024xf32, #tpu.memory_space<vmem>>
    %dma_start3A_1287 = arith.constant 368 : i32
    %dma_start3A_1288 = tpu.memref_slice %arg5[%dma_start3A_1287] : memref<512xi32, #tpu.memory_space<vmem>> -> memref<16xi32, #tpu.memory_space<vmem>>
    %dma_start3A_1289 = arith.constant 0 : i32
    %dma_start3A_1290 = arith.constant 0 : i32
    %dma_start3A_1291 = tpu.memref_slice %arg3[%dma_start3A_1289, %dma_start3A_1290] : memref<8192x1024xf32, #tpu.memory_space<hbm>> -> memref<8192x1024xf32, #tpu.memory_space<hbm>>
    %dma_start3A_1292 = tpu.memref_slice %arg7[%dma_start3A_1282] : memref<6x!tpu.dma_semaphore, #tpu.memory_space<semaphore_mem>> -> memref<1x!tpu.dma_semaphore, #tpu.memory_space<semaphore_mem>>
    %dma_start3A_1293 = tpu.memref_squeeze %dma_start3A_1292 : memref<1x!tpu.dma_semaphore, #tpu.memory_space<semaphore_mem>> -> memref<!tpu.dma_semaphore, #tpu.memory_space<semaphore_mem>>
    tpu.enqueue_indirect_dma source(%dma_start3A_1291 : memref<8192x1024xf32, #tpu.memory_space<hbm>>) target(%dma_start3A_1286 : memref<16x1024xf32, #tpu.memory_space<vmem>>) offsets(%dma_start3A_1288 : memref<16xi32, #tpu.memory_space<vmem>>) semaphore(%dma_start3A_1293 : memref<!tpu.dma_semaphore, #tpu.memory_space<semaphore_mem>>)
    %dma_wait3A_1294 = arith.constant 1 : i32
    %dma_wait3A_1295 = arith.constant 1 : i32
    %dma_wait3A_1296 = arith.constant 0 : i32
    %dma_wait3A_1297 = arith.constant 0 : i32
    %dma_wait3A_1298 = tpu.memref_slice %arg6[%dma_wait3A_1294, %dma_wait3A_1296, %dma_wait3A_1297] : memref<6x16x1024xf32, #tpu.memory_space<vmem>> -> memref<1x16x1024xf32, #tpu.memory_space<vmem>>
    %dma_wait3A_1299 = tpu.memref_squeeze %dma_wait3A_1298 : memref<1x16x1024xf32, #tpu.memory_space<vmem>> -> memref<16x1024xf32, #tpu.memory_space<vmem>>
    %dma_wait3A_1300 = arith.constant 304 : i32
    %dma_wait3A_1301 = tpu.memref_slice %arg5[%dma_wait3A_1300] : memref<512xi32, #tpu.memory_space<vmem>> -> memref<16xi32, #tpu.memory_space<vmem>>
    %dma_wait3A_1302 = arith.constant 0 : i32
    %dma_wait3A_1303 = arith.constant 0 : i32
    %dma_wait3A_1304 = tpu.memref_slice %arg3[%dma_wait3A_1302, %dma_wait3A_1303] : memref<8192x1024xf32, #tpu.memory_space<hbm>> -> memref<8192x1024xf32, #tpu.memory_space<hbm>>
    %dma_wait3A_1305 = tpu.memref_slice %arg7[%dma_wait3A_1295] : memref<6x!tpu.dma_semaphore, #tpu.memory_space<semaphore_mem>> -> memref<1x!tpu.dma_semaphore, #tpu.memory_space<semaphore_mem>>
    %dma_wait3A_1306 = tpu.memref_squeeze %dma_wait3A_1305 : memref<1x!tpu.dma_semaphore, #tpu.memory_space<semaphore_mem>> -> memref<!tpu.dma_semaphore, #tpu.memory_space<semaphore_mem>>
    tpu.wait_indirect_dma semaphore(%dma_wait3A_1306 : memref<!tpu.dma_semaphore, #tpu.memory_space<semaphore_mem>>) src(%dma_wait3A_1304 : memref<8192x1024xf32, #tpu.memory_space<hbm>>) dst(%dma_wait3A_1299 : memref<16x1024xf32, #tpu.memory_space<vmem>>)
    %add3A_1307 = arith.constant 304 : i32
    %add3A_1308 = arith.addi %mul3A_32, %add3A_1307 : i32
    %dma_start3A_1309 = arith.constant 1 : i32
    %dma_start3A_1310 = arith.constant 1 : i32
    %dma_start3A_1311 = arith.constant 0 : i32
    %dma_start3A_1312 = arith.constant 0 : i32
    %dma_start3A_1313 = tpu.memref_slice %arg6[%dma_start3A_1309, %dma_start3A_1311, %dma_start3A_1312] : memref<6x16x1024xf32, #tpu.memory_space<vmem>> -> memref<1x16x1024xf32, #tpu.memory_space<vmem>>
    %dma_start3A_1314 = tpu.memref_squeeze %dma_start3A_1313 : memref<1x16x1024xf32, #tpu.memory_space<vmem>> -> memref<16x1024xf32, #tpu.memory_space<vmem>>
    %dma_start3A_1315 = arith.constant 0 : i32
    %dma_start3A_1316 = tpu.memref_slice %arg4[%select_n3A, %add3A_1308, %dma_start3A_1315] : memref<4x4096x1024xf32, #tpu.memory_space<hbm>> -> memref<1x16x1024xf32, #tpu.memory_space<hbm>>
    %dma_start3A_1317 = tpu.memref_squeeze %dma_start3A_1316 : memref<1x16x1024xf32, #tpu.memory_space<hbm>> -> memref<16x1024xf32, #tpu.memory_space<hbm>>
    %dma_start3A_1318 = tpu.memref_slice %arg8[%dma_start3A_1310] : memref<6x!tpu.dma_semaphore, #tpu.memory_space<semaphore_mem>> -> memref<1x!tpu.dma_semaphore, #tpu.memory_space<semaphore_mem>>
    %dma_start3A_1319 = tpu.memref_squeeze %dma_start3A_1318 : memref<1x!tpu.dma_semaphore, #tpu.memory_space<semaphore_mem>> -> memref<!tpu.dma_semaphore, #tpu.memory_space<semaphore_mem>>
    %dma_start3A_1320 = arith.constant 0 : i32
    %dma_start3A_1321 = tpu.memref_slice %arg4[%select_n3A, %add3A_1308, %dma_start3A_1320] : memref<4x4096x1024xf32, #tpu.memory_space<hbm>> -> memref<1x16x1024xf32, #tpu.memory_space<hbm>>
    %dma_start3A_1322 = tpu.memref_squeeze %dma_start3A_1321 : memref<1x16x1024xf32, #tpu.memory_space<hbm>> -> memref<16x1024xf32, #tpu.memory_space<hbm>>
    %dma_start3A_1323 = arith.constant 0 : i32
    %dma_start3A_1324 = arith.constant 0 : i32
    %dma_start3A_1325 = tpu.memref_slice %arg6[%dma_start3A_1309, %dma_start3A_1323, %dma_start3A_1324] : memref<6x16x1024xf32, #tpu.memory_space<vmem>> -> memref<1x16x1024xf32, #tpu.memory_space<vmem>>
    %dma_start3A_1326 = tpu.memref_squeeze %dma_start3A_1325 : memref<1x16x1024xf32, #tpu.memory_space<vmem>> -> memref<16x1024xf32, #tpu.memory_space<vmem>>
    tpu.enqueue_dma source(%dma_start3A_1326 : memref<16x1024xf32, #tpu.memory_space<vmem>>) target(%dma_start3A_1322 : memref<16x1024xf32, #tpu.memory_space<hbm>>) target_semaphore(%dma_start3A_1319 : memref<!tpu.dma_semaphore, #tpu.memory_space<semaphore_mem>>)
    %dma_wait3A_1327 = arith.constant 0 : i32
    %dma_wait3A_1328 = arith.constant 0 : i32
    %dma_wait3A_1329 = arith.constant 0 : i32
    %dma_wait3A_1330 = arith.constant 0 : i32
    %dma_wait3A_1331 = tpu.memref_slice %arg6[%dma_wait3A_1327, %dma_wait3A_1329, %dma_wait3A_1330] : memref<6x16x1024xf32, #tpu.memory_space<vmem>> -> memref<1x16x1024xf32, #tpu.memory_space<vmem>>
    %dma_wait3A_1332 = tpu.memref_squeeze %dma_wait3A_1331 : memref<1x16x1024xf32, #tpu.memory_space<vmem>> -> memref<16x1024xf32, #tpu.memory_space<vmem>>
    %dma_wait3A_1333 = arith.constant 0 : i32
    %dma_wait3A_1334 = tpu.memref_slice %arg4[%select_n3A, %add3A_1244, %dma_wait3A_1333] : memref<4x4096x1024xf32, #tpu.memory_space<hbm>> -> memref<1x16x1024xf32, #tpu.memory_space<hbm>>
    %dma_wait3A_1335 = tpu.memref_squeeze %dma_wait3A_1334 : memref<1x16x1024xf32, #tpu.memory_space<hbm>> -> memref<16x1024xf32, #tpu.memory_space<hbm>>
    %dma_wait3A_1336 = tpu.memref_slice %arg8[%dma_wait3A_1328] : memref<6x!tpu.dma_semaphore, #tpu.memory_space<semaphore_mem>> -> memref<1x!tpu.dma_semaphore, #tpu.memory_space<semaphore_mem>>
    %dma_wait3A_1337 = tpu.memref_squeeze %dma_wait3A_1336 : memref<1x!tpu.dma_semaphore, #tpu.memory_space<semaphore_mem>> -> memref<!tpu.dma_semaphore, #tpu.memory_space<semaphore_mem>>
    %dma_wait3A_1338 = arith.constant 0 : i32
    %dma_wait3A_1339 = tpu.memref_slice %arg4[%select_n3A, %add3A_1244, %dma_wait3A_1338] : memref<4x4096x1024xf32, #tpu.memory_space<hbm>> -> memref<1x16x1024xf32, #tpu.memory_space<hbm>>
    %dma_wait3A_1340 = tpu.memref_squeeze %dma_wait3A_1339 : memref<1x16x1024xf32, #tpu.memory_space<hbm>> -> memref<16x1024xf32, #tpu.memory_space<hbm>>
    %dma_wait3A_1341 = arith.constant 0 : i32
    %dma_wait3A_1342 = arith.constant 0 : i32
    %dma_wait3A_1343 = tpu.memref_slice %arg6[%dma_wait3A_1327, %dma_wait3A_1341, %dma_wait3A_1342] : memref<6x16x1024xf32, #tpu.memory_space<vmem>> -> memref<1x16x1024xf32, #tpu.memory_space<vmem>>
    %dma_wait3A_1344 = tpu.memref_squeeze %dma_wait3A_1343 : memref<1x16x1024xf32, #tpu.memory_space<vmem>> -> memref<16x1024xf32, #tpu.memory_space<vmem>>
    tpu.wait_dma2 semaphore(%dma_wait3A_1337 : memref<!tpu.dma_semaphore, #tpu.memory_space<semaphore_mem>>) src(%dma_wait3A_1344 : memref<16x1024xf32, #tpu.memory_space<vmem>>) dst(%dma_wait3A_1340 : memref<16x1024xf32, #tpu.memory_space<hbm>>)
    %dma_start3A_1345 = arith.constant 0 : i32
    %dma_start3A_1346 = arith.constant 0 : i32
    %dma_start3A_1347 = arith.constant 0 : i32
    %dma_start3A_1348 = arith.constant 0 : i32
    %dma_start3A_1349 = tpu.memref_slice %arg6[%dma_start3A_1345, %dma_start3A_1347, %dma_start3A_1348] : memref<6x16x1024xf32, #tpu.memory_space<vmem>> -> memref<1x16x1024xf32, #tpu.memory_space<vmem>>
    %dma_start3A_1350 = tpu.memref_squeeze %dma_start3A_1349 : memref<1x16x1024xf32, #tpu.memory_space<vmem>> -> memref<16x1024xf32, #tpu.memory_space<vmem>>
    %dma_start3A_1351 = arith.constant 384 : i32
    %dma_start3A_1352 = tpu.memref_slice %arg5[%dma_start3A_1351] : memref<512xi32, #tpu.memory_space<vmem>> -> memref<16xi32, #tpu.memory_space<vmem>>
    %dma_start3A_1353 = arith.constant 0 : i32
    %dma_start3A_1354 = arith.constant 0 : i32
    %dma_start3A_1355 = tpu.memref_slice %arg3[%dma_start3A_1353, %dma_start3A_1354] : memref<8192x1024xf32, #tpu.memory_space<hbm>> -> memref<8192x1024xf32, #tpu.memory_space<hbm>>
    %dma_start3A_1356 = tpu.memref_slice %arg7[%dma_start3A_1346] : memref<6x!tpu.dma_semaphore, #tpu.memory_space<semaphore_mem>> -> memref<1x!tpu.dma_semaphore, #tpu.memory_space<semaphore_mem>>
    %dma_start3A_1357 = tpu.memref_squeeze %dma_start3A_1356 : memref<1x!tpu.dma_semaphore, #tpu.memory_space<semaphore_mem>> -> memref<!tpu.dma_semaphore, #tpu.memory_space<semaphore_mem>>
    tpu.enqueue_indirect_dma source(%dma_start3A_1355 : memref<8192x1024xf32, #tpu.memory_space<hbm>>) target(%dma_start3A_1350 : memref<16x1024xf32, #tpu.memory_space<vmem>>) offsets(%dma_start3A_1352 : memref<16xi32, #tpu.memory_space<vmem>>) semaphore(%dma_start3A_1357 : memref<!tpu.dma_semaphore, #tpu.memory_space<semaphore_mem>>)
    %dma_wait3A_1358 = arith.constant 2 : i32
    %dma_wait3A_1359 = arith.constant 2 : i32
    %dma_wait3A_1360 = arith.constant 0 : i32
    %dma_wait3A_1361 = arith.constant 0 : i32
    %dma_wait3A_1362 = tpu.memref_slice %arg6[%dma_wait3A_1358, %dma_wait3A_1360, %dma_wait3A_1361] : memref<6x16x1024xf32, #tpu.memory_space<vmem>> -> memref<1x16x1024xf32, #tpu.memory_space<vmem>>
    %dma_wait3A_1363 = tpu.memref_squeeze %dma_wait3A_1362 : memref<1x16x1024xf32, #tpu.memory_space<vmem>> -> memref<16x1024xf32, #tpu.memory_space<vmem>>
    %dma_wait3A_1364 = arith.constant 320 : i32
    %dma_wait3A_1365 = tpu.memref_slice %arg5[%dma_wait3A_1364] : memref<512xi32, #tpu.memory_space<vmem>> -> memref<16xi32, #tpu.memory_space<vmem>>
    %dma_wait3A_1366 = arith.constant 0 : i32
    %dma_wait3A_1367 = arith.constant 0 : i32
    %dma_wait3A_1368 = tpu.memref_slice %arg3[%dma_wait3A_1366, %dma_wait3A_1367] : memref<8192x1024xf32, #tpu.memory_space<hbm>> -> memref<8192x1024xf32, #tpu.memory_space<hbm>>
    %dma_wait3A_1369 = tpu.memref_slice %arg7[%dma_wait3A_1359] : memref<6x!tpu.dma_semaphore, #tpu.memory_space<semaphore_mem>> -> memref<1x!tpu.dma_semaphore, #tpu.memory_space<semaphore_mem>>
    %dma_wait3A_1370 = tpu.memref_squeeze %dma_wait3A_1369 : memref<1x!tpu.dma_semaphore, #tpu.memory_space<semaphore_mem>> -> memref<!tpu.dma_semaphore, #tpu.memory_space<semaphore_mem>>
    tpu.wait_indirect_dma semaphore(%dma_wait3A_1370 : memref<!tpu.dma_semaphore, #tpu.memory_space<semaphore_mem>>) src(%dma_wait3A_1368 : memref<8192x1024xf32, #tpu.memory_space<hbm>>) dst(%dma_wait3A_1363 : memref<16x1024xf32, #tpu.memory_space<vmem>>)
    %add3A_1371 = arith.constant 320 : i32
    %add3A_1372 = arith.addi %mul3A_32, %add3A_1371 : i32
    %dma_start3A_1373 = arith.constant 2 : i32
    %dma_start3A_1374 = arith.constant 2 : i32
    %dma_start3A_1375 = arith.constant 0 : i32
    %dma_start3A_1376 = arith.constant 0 : i32
    %dma_start3A_1377 = tpu.memref_slice %arg6[%dma_start3A_1373, %dma_start3A_1375, %dma_start3A_1376] : memref<6x16x1024xf32, #tpu.memory_space<vmem>> -> memref<1x16x1024xf32, #tpu.memory_space<vmem>>
    %dma_start3A_1378 = tpu.memref_squeeze %dma_start3A_1377 : memref<1x16x1024xf32, #tpu.memory_space<vmem>> -> memref<16x1024xf32, #tpu.memory_space<vmem>>
    %dma_start3A_1379 = arith.constant 0 : i32
    %dma_start3A_1380 = tpu.memref_slice %arg4[%select_n3A, %add3A_1372, %dma_start3A_1379] : memref<4x4096x1024xf32, #tpu.memory_space<hbm>> -> memref<1x16x1024xf32, #tpu.memory_space<hbm>>
    %dma_start3A_1381 = tpu.memref_squeeze %dma_start3A_1380 : memref<1x16x1024xf32, #tpu.memory_space<hbm>> -> memref<16x1024xf32, #tpu.memory_space<hbm>>
    %dma_start3A_1382 = tpu.memref_slice %arg8[%dma_start3A_1374] : memref<6x!tpu.dma_semaphore, #tpu.memory_space<semaphore_mem>> -> memref<1x!tpu.dma_semaphore, #tpu.memory_space<semaphore_mem>>
    %dma_start3A_1383 = tpu.memref_squeeze %dma_start3A_1382 : memref<1x!tpu.dma_semaphore, #tpu.memory_space<semaphore_mem>> -> memref<!tpu.dma_semaphore, #tpu.memory_space<semaphore_mem>>
    %dma_start3A_1384 = arith.constant 0 : i32
    %dma_start3A_1385 = tpu.memref_slice %arg4[%select_n3A, %add3A_1372, %dma_start3A_1384] : memref<4x4096x1024xf32, #tpu.memory_space<hbm>> -> memref<1x16x1024xf32, #tpu.memory_space<hbm>>
    %dma_start3A_1386 = tpu.memref_squeeze %dma_start3A_1385 : memref<1x16x1024xf32, #tpu.memory_space<hbm>> -> memref<16x1024xf32, #tpu.memory_space<hbm>>
    %dma_start3A_1387 = arith.constant 0 : i32
    %dma_start3A_1388 = arith.constant 0 : i32
    %dma_start3A_1389 = tpu.memref_slice %arg6[%dma_start3A_1373, %dma_start3A_1387, %dma_start3A_1388] : memref<6x16x1024xf32, #tpu.memory_space<vmem>> -> memref<1x16x1024xf32, #tpu.memory_space<vmem>>
    %dma_start3A_1390 = tpu.memref_squeeze %dma_start3A_1389 : memref<1x16x1024xf32, #tpu.memory_space<vmem>> -> memref<16x1024xf32, #tpu.memory_space<vmem>>
    tpu.enqueue_dma source(%dma_start3A_1390 : memref<16x1024xf32, #tpu.memory_space<vmem>>) target(%dma_start3A_1386 : memref<16x1024xf32, #tpu.memory_space<hbm>>) target_semaphore(%dma_start3A_1383 : memref<!tpu.dma_semaphore, #tpu.memory_space<semaphore_mem>>)
    %dma_wait3A_1391 = arith.constant 1 : i32
    %dma_wait3A_1392 = arith.constant 1 : i32
    %dma_wait3A_1393 = arith.constant 0 : i32
    %dma_wait3A_1394 = arith.constant 0 : i32
    %dma_wait3A_1395 = tpu.memref_slice %arg6[%dma_wait3A_1391, %dma_wait3A_1393, %dma_wait3A_1394] : memref<6x16x1024xf32, #tpu.memory_space<vmem>> -> memref<1x16x1024xf32, #tpu.memory_space<vmem>>
    %dma_wait3A_1396 = tpu.memref_squeeze %dma_wait3A_1395 : memref<1x16x1024xf32, #tpu.memory_space<vmem>> -> memref<16x1024xf32, #tpu.memory_space<vmem>>
    %dma_wait3A_1397 = arith.constant 0 : i32
    %dma_wait3A_1398 = tpu.memref_slice %arg4[%select_n3A, %add3A_1308, %dma_wait3A_1397] : memref<4x4096x1024xf32, #tpu.memory_space<hbm>> -> memref<1x16x1024xf32, #tpu.memory_space<hbm>>
    %dma_wait3A_1399 = tpu.memref_squeeze %dma_wait3A_1398 : memref<1x16x1024xf32, #tpu.memory_space<hbm>> -> memref<16x1024xf32, #tpu.memory_space<hbm>>
    %dma_wait3A_1400 = tpu.memref_slice %arg8[%dma_wait3A_1392] : memref<6x!tpu.dma_semaphore, #tpu.memory_space<semaphore_mem>> -> memref<1x!tpu.dma_semaphore, #tpu.memory_space<semaphore_mem>>
    %dma_wait3A_1401 = tpu.memref_squeeze %dma_wait3A_1400 : memref<1x!tpu.dma_semaphore, #tpu.memory_space<semaphore_mem>> -> memref<!tpu.dma_semaphore, #tpu.memory_space<semaphore_mem>>
    %dma_wait3A_1402 = arith.constant 0 : i32
    %dma_wait3A_1403 = tpu.memref_slice %arg4[%select_n3A, %add3A_1308, %dma_wait3A_1402] : memref<4x4096x1024xf32, #tpu.memory_space<hbm>> -> memref<1x16x1024xf32, #tpu.memory_space<hbm>>
    %dma_wait3A_1404 = tpu.memref_squeeze %dma_wait3A_1403 : memref<1x16x1024xf32, #tpu.memory_space<hbm>> -> memref<16x1024xf32, #tpu.memory_space<hbm>>
    %dma_wait3A_1405 = arith.constant 0 : i32
    %dma_wait3A_1406 = arith.constant 0 : i32
    %dma_wait3A_1407 = tpu.memref_slice %arg6[%dma_wait3A_1391, %dma_wait3A_1405, %dma_wait3A_1406] : memref<6x16x1024xf32, #tpu.memory_space<vmem>> -> memref<1x16x1024xf32, #tpu.memory_space<vmem>>
    %dma_wait3A_1408 = tpu.memref_squeeze %dma_wait3A_1407 : memref<1x16x1024xf32, #tpu.memory_space<vmem>> -> memref<16x1024xf32, #tpu.memory_space<vmem>>
    tpu.wait_dma2 semaphore(%dma_wait3A_1401 : memref<!tpu.dma_semaphore, #tpu.memory_space<semaphore_mem>>) src(%dma_wait3A_1408 : memref<16x1024xf32, #tpu.memory_space<vmem>>) dst(%dma_wait3A_1404 : memref<16x1024xf32, #tpu.memory_space<hbm>>)
    %dma_start3A_1409 = arith.constant 1 : i32
    %dma_start3A_1410 = arith.constant 1 : i32
    %dma_start3A_1411 = arith.constant 0 : i32
    %dma_start3A_1412 = arith.constant 0 : i32
    %dma_start3A_1413 = tpu.memref_slice %arg6[%dma_start3A_1409, %dma_start3A_1411, %dma_start3A_1412] : memref<6x16x1024xf32, #tpu.memory_space<vmem>> -> memref<1x16x1024xf32, #tpu.memory_space<vmem>>
    %dma_start3A_1414 = tpu.memref_squeeze %dma_start3A_1413 : memref<1x16x1024xf32, #tpu.memory_space<vmem>> -> memref<16x1024xf32, #tpu.memory_space<vmem>>
    %dma_start3A_1415 = arith.constant 400 : i32
    %dma_start3A_1416 = tpu.memref_slice %arg5[%dma_start3A_1415] : memref<512xi32, #tpu.memory_space<vmem>> -> memref<16xi32, #tpu.memory_space<vmem>>
    %dma_start3A_1417 = arith.constant 0 : i32
    %dma_start3A_1418 = arith.constant 0 : i32
    %dma_start3A_1419 = tpu.memref_slice %arg3[%dma_start3A_1417, %dma_start3A_1418] : memref<8192x1024xf32, #tpu.memory_space<hbm>> -> memref<8192x1024xf32, #tpu.memory_space<hbm>>
    %dma_start3A_1420 = tpu.memref_slice %arg7[%dma_start3A_1410] : memref<6x!tpu.dma_semaphore, #tpu.memory_space<semaphore_mem>> -> memref<1x!tpu.dma_semaphore, #tpu.memory_space<semaphore_mem>>
    %dma_start3A_1421 = tpu.memref_squeeze %dma_start3A_1420 : memref<1x!tpu.dma_semaphore, #tpu.memory_space<semaphore_mem>> -> memref<!tpu.dma_semaphore, #tpu.memory_space<semaphore_mem>>
    tpu.enqueue_indirect_dma source(%dma_start3A_1419 : memref<8192x1024xf32, #tpu.memory_space<hbm>>) target(%dma_start3A_1414 : memref<16x1024xf32, #tpu.memory_space<vmem>>) offsets(%dma_start3A_1416 : memref<16xi32, #tpu.memory_space<vmem>>) semaphore(%dma_start3A_1421 : memref<!tpu.dma_semaphore, #tpu.memory_space<semaphore_mem>>)
    %dma_wait3A_1422 = arith.constant 3 : i32
    %dma_wait3A_1423 = arith.constant 3 : i32
    %dma_wait3A_1424 = arith.constant 0 : i32
    %dma_wait3A_1425 = arith.constant 0 : i32
    %dma_wait3A_1426 = tpu.memref_slice %arg6[%dma_wait3A_1422, %dma_wait3A_1424, %dma_wait3A_1425] : memref<6x16x1024xf32, #tpu.memory_space<vmem>> -> memref<1x16x1024xf32, #tpu.memory_space<vmem>>
    %dma_wait3A_1427 = tpu.memref_squeeze %dma_wait3A_1426 : memref<1x16x1024xf32, #tpu.memory_space<vmem>> -> memref<16x1024xf32, #tpu.memory_space<vmem>>
    %dma_wait3A_1428 = arith.constant 336 : i32
    %dma_wait3A_1429 = tpu.memref_slice %arg5[%dma_wait3A_1428] : memref<512xi32, #tpu.memory_space<vmem>> -> memref<16xi32, #tpu.memory_space<vmem>>
    %dma_wait3A_1430 = arith.constant 0 : i32
    %dma_wait3A_1431 = arith.constant 0 : i32
    %dma_wait3A_1432 = tpu.memref_slice %arg3[%dma_wait3A_1430, %dma_wait3A_1431] : memref<8192x1024xf32, #tpu.memory_space<hbm>> -> memref<8192x1024xf32, #tpu.memory_space<hbm>>
    %dma_wait3A_1433 = tpu.memref_slice %arg7[%dma_wait3A_1423] : memref<6x!tpu.dma_semaphore, #tpu.memory_space<semaphore_mem>> -> memref<1x!tpu.dma_semaphore, #tpu.memory_space<semaphore_mem>>
    %dma_wait3A_1434 = tpu.memref_squeeze %dma_wait3A_1433 : memref<1x!tpu.dma_semaphore, #tpu.memory_space<semaphore_mem>> -> memref<!tpu.dma_semaphore, #tpu.memory_space<semaphore_mem>>
    tpu.wait_indirect_dma semaphore(%dma_wait3A_1434 : memref<!tpu.dma_semaphore, #tpu.memory_space<semaphore_mem>>) src(%dma_wait3A_1432 : memref<8192x1024xf32, #tpu.memory_space<hbm>>) dst(%dma_wait3A_1427 : memref<16x1024xf32, #tpu.memory_space<vmem>>)
    %add3A_1435 = arith.constant 336 : i32
    %add3A_1436 = arith.addi %mul3A_32, %add3A_1435 : i32
    %dma_start3A_1437 = arith.constant 3 : i32
    %dma_start3A_1438 = arith.constant 3 : i32
    %dma_start3A_1439 = arith.constant 0 : i32
    %dma_start3A_1440 = arith.constant 0 : i32
    %dma_start3A_1441 = tpu.memref_slice %arg6[%dma_start3A_1437, %dma_start3A_1439, %dma_start3A_1440] : memref<6x16x1024xf32, #tpu.memory_space<vmem>> -> memref<1x16x1024xf32, #tpu.memory_space<vmem>>
    %dma_start3A_1442 = tpu.memref_squeeze %dma_start3A_1441 : memref<1x16x1024xf32, #tpu.memory_space<vmem>> -> memref<16x1024xf32, #tpu.memory_space<vmem>>
    %dma_start3A_1443 = arith.constant 0 : i32
    %dma_start3A_1444 = tpu.memref_slice %arg4[%select_n3A, %add3A_1436, %dma_start3A_1443] : memref<4x4096x1024xf32, #tpu.memory_space<hbm>> -> memref<1x16x1024xf32, #tpu.memory_space<hbm>>
    %dma_start3A_1445 = tpu.memref_squeeze %dma_start3A_1444 : memref<1x16x1024xf32, #tpu.memory_space<hbm>> -> memref<16x1024xf32, #tpu.memory_space<hbm>>
    %dma_start3A_1446 = tpu.memref_slice %arg8[%dma_start3A_1438] : memref<6x!tpu.dma_semaphore, #tpu.memory_space<semaphore_mem>> -> memref<1x!tpu.dma_semaphore, #tpu.memory_space<semaphore_mem>>
    %dma_start3A_1447 = tpu.memref_squeeze %dma_start3A_1446 : memref<1x!tpu.dma_semaphore, #tpu.memory_space<semaphore_mem>> -> memref<!tpu.dma_semaphore, #tpu.memory_space<semaphore_mem>>
    %dma_start3A_1448 = arith.constant 0 : i32
    %dma_start3A_1449 = tpu.memref_slice %arg4[%select_n3A, %add3A_1436, %dma_start3A_1448] : memref<4x4096x1024xf32, #tpu.memory_space<hbm>> -> memref<1x16x1024xf32, #tpu.memory_space<hbm>>
    %dma_start3A_1450 = tpu.memref_squeeze %dma_start3A_1449 : memref<1x16x1024xf32, #tpu.memory_space<hbm>> -> memref<16x1024xf32, #tpu.memory_space<hbm>>
    %dma_start3A_1451 = arith.constant 0 : i32
    %dma_start3A_1452 = arith.constant 0 : i32
    %dma_start3A_1453 = tpu.memref_slice %arg6[%dma_start3A_1437, %dma_start3A_1451, %dma_start3A_1452] : memref<6x16x1024xf32, #tpu.memory_space<vmem>> -> memref<1x16x1024xf32, #tpu.memory_space<vmem>>
    %dma_start3A_1454 = tpu.memref_squeeze %dma_start3A_1453 : memref<1x16x1024xf32, #tpu.memory_space<vmem>> -> memref<16x1024xf32, #tpu.memory_space<vmem>>
    tpu.enqueue_dma source(%dma_start3A_1454 : memref<16x1024xf32, #tpu.memory_space<vmem>>) target(%dma_start3A_1450 : memref<16x1024xf32, #tpu.memory_space<hbm>>) target_semaphore(%dma_start3A_1447 : memref<!tpu.dma_semaphore, #tpu.memory_space<semaphore_mem>>)
    %dma_wait3A_1455 = arith.constant 2 : i32
    %dma_wait3A_1456 = arith.constant 2 : i32
    %dma_wait3A_1457 = arith.constant 0 : i32
    %dma_wait3A_1458 = arith.constant 0 : i32
    %dma_wait3A_1459 = tpu.memref_slice %arg6[%dma_wait3A_1455, %dma_wait3A_1457, %dma_wait3A_1458] : memref<6x16x1024xf32, #tpu.memory_space<vmem>> -> memref<1x16x1024xf32, #tpu.memory_space<vmem>>
    %dma_wait3A_1460 = tpu.memref_squeeze %dma_wait3A_1459 : memref<1x16x1024xf32, #tpu.memory_space<vmem>> -> memref<16x1024xf32, #tpu.memory_space<vmem>>
    %dma_wait3A_1461 = arith.constant 0 : i32
    %dma_wait3A_1462 = tpu.memref_slice %arg4[%select_n3A, %add3A_1372, %dma_wait3A_1461] : memref<4x4096x1024xf32, #tpu.memory_space<hbm>> -> memref<1x16x1024xf32, #tpu.memory_space<hbm>>
    %dma_wait3A_1463 = tpu.memref_squeeze %dma_wait3A_1462 : memref<1x16x1024xf32, #tpu.memory_space<hbm>> -> memref<16x1024xf32, #tpu.memory_space<hbm>>
    %dma_wait3A_1464 = tpu.memref_slice %arg8[%dma_wait3A_1456] : memref<6x!tpu.dma_semaphore, #tpu.memory_space<semaphore_mem>> -> memref<1x!tpu.dma_semaphore, #tpu.memory_space<semaphore_mem>>
    %dma_wait3A_1465 = tpu.memref_squeeze %dma_wait3A_1464 : memref<1x!tpu.dma_semaphore, #tpu.memory_space<semaphore_mem>> -> memref<!tpu.dma_semaphore, #tpu.memory_space<semaphore_mem>>
    %dma_wait3A_1466 = arith.constant 0 : i32
    %dma_wait3A_1467 = tpu.memref_slice %arg4[%select_n3A, %add3A_1372, %dma_wait3A_1466] : memref<4x4096x1024xf32, #tpu.memory_space<hbm>> -> memref<1x16x1024xf32, #tpu.memory_space<hbm>>
    %dma_wait3A_1468 = tpu.memref_squeeze %dma_wait3A_1467 : memref<1x16x1024xf32, #tpu.memory_space<hbm>> -> memref<16x1024xf32, #tpu.memory_space<hbm>>
    %dma_wait3A_1469 = arith.constant 0 : i32
    %dma_wait3A_1470 = arith.constant 0 : i32
    %dma_wait3A_1471 = tpu.memref_slice %arg6[%dma_wait3A_1455, %dma_wait3A_1469, %dma_wait3A_1470] : memref<6x16x1024xf32, #tpu.memory_space<vmem>> -> memref<1x16x1024xf32, #tpu.memory_space<vmem>>
    %dma_wait3A_1472 = tpu.memref_squeeze %dma_wait3A_1471 : memref<1x16x1024xf32, #tpu.memory_space<vmem>> -> memref<16x1024xf32, #tpu.memory_space<vmem>>
    tpu.wait_dma2 semaphore(%dma_wait3A_1465 : memref<!tpu.dma_semaphore, #tpu.memory_space<semaphore_mem>>) src(%dma_wait3A_1472 : memref<16x1024xf32, #tpu.memory_space<vmem>>) dst(%dma_wait3A_1468 : memref<16x1024xf32, #tpu.memory_space<hbm>>)
    %dma_start3A_1473 = arith.constant 2 : i32
    %dma_start3A_1474 = arith.constant 2 : i32
    %dma_start3A_1475 = arith.constant 0 : i32
    %dma_start3A_1476 = arith.constant 0 : i32
    %dma_start3A_1477 = tpu.memref_slice %arg6[%dma_start3A_1473, %dma_start3A_1475, %dma_start3A_1476] : memref<6x16x1024xf32, #tpu.memory_space<vmem>> -> memref<1x16x1024xf32, #tpu.memory_space<vmem>>
    %dma_start3A_1478 = tpu.memref_squeeze %dma_start3A_1477 : memref<1x16x1024xf32, #tpu.memory_space<vmem>> -> memref<16x1024xf32, #tpu.memory_space<vmem>>
    %dma_start3A_1479 = arith.constant 416 : i32
    %dma_start3A_1480 = tpu.memref_slice %arg5[%dma_start3A_1479] : memref<512xi32, #tpu.memory_space<vmem>> -> memref<16xi32, #tpu.memory_space<vmem>>
    %dma_start3A_1481 = arith.constant 0 : i32
    %dma_start3A_1482 = arith.constant 0 : i32
    %dma_start3A_1483 = tpu.memref_slice %arg3[%dma_start3A_1481, %dma_start3A_1482] : memref<8192x1024xf32, #tpu.memory_space<hbm>> -> memref<8192x1024xf32, #tpu.memory_space<hbm>>
    %dma_start3A_1484 = tpu.memref_slice %arg7[%dma_start3A_1474] : memref<6x!tpu.dma_semaphore, #tpu.memory_space<semaphore_mem>> -> memref<1x!tpu.dma_semaphore, #tpu.memory_space<semaphore_mem>>
    %dma_start3A_1485 = tpu.memref_squeeze %dma_start3A_1484 : memref<1x!tpu.dma_semaphore, #tpu.memory_space<semaphore_mem>> -> memref<!tpu.dma_semaphore, #tpu.memory_space<semaphore_mem>>
    tpu.enqueue_indirect_dma source(%dma_start3A_1483 : memref<8192x1024xf32, #tpu.memory_space<hbm>>) target(%dma_start3A_1478 : memref<16x1024xf32, #tpu.memory_space<vmem>>) offsets(%dma_start3A_1480 : memref<16xi32, #tpu.memory_space<vmem>>) semaphore(%dma_start3A_1485 : memref<!tpu.dma_semaphore, #tpu.memory_space<semaphore_mem>>)
    %dma_wait3A_1486 = arith.constant 4 : i32
    %dma_wait3A_1487 = arith.constant 4 : i32
    %dma_wait3A_1488 = arith.constant 0 : i32
    %dma_wait3A_1489 = arith.constant 0 : i32
    %dma_wait3A_1490 = tpu.memref_slice %arg6[%dma_wait3A_1486, %dma_wait3A_1488, %dma_wait3A_1489] : memref<6x16x1024xf32, #tpu.memory_space<vmem>> -> memref<1x16x1024xf32, #tpu.memory_space<vmem>>
    %dma_wait3A_1491 = tpu.memref_squeeze %dma_wait3A_1490 : memref<1x16x1024xf32, #tpu.memory_space<vmem>> -> memref<16x1024xf32, #tpu.memory_space<vmem>>
    %dma_wait3A_1492 = arith.constant 352 : i32
    %dma_wait3A_1493 = tpu.memref_slice %arg5[%dma_wait3A_1492] : memref<512xi32, #tpu.memory_space<vmem>> -> memref<16xi32, #tpu.memory_space<vmem>>
    %dma_wait3A_1494 = arith.constant 0 : i32
    %dma_wait3A_1495 = arith.constant 0 : i32
    %dma_wait3A_1496 = tpu.memref_slice %arg3[%dma_wait3A_1494, %dma_wait3A_1495] : memref<8192x1024xf32, #tpu.memory_space<hbm>> -> memref<8192x1024xf32, #tpu.memory_space<hbm>>
    %dma_wait3A_1497 = tpu.memref_slice %arg7[%dma_wait3A_1487] : memref<6x!tpu.dma_semaphore, #tpu.memory_space<semaphore_mem>> -> memref<1x!tpu.dma_semaphore, #tpu.memory_space<semaphore_mem>>
    %dma_wait3A_1498 = tpu.memref_squeeze %dma_wait3A_1497 : memref<1x!tpu.dma_semaphore, #tpu.memory_space<semaphore_mem>> -> memref<!tpu.dma_semaphore, #tpu.memory_space<semaphore_mem>>
    tpu.wait_indirect_dma semaphore(%dma_wait3A_1498 : memref<!tpu.dma_semaphore, #tpu.memory_space<semaphore_mem>>) src(%dma_wait3A_1496 : memref<8192x1024xf32, #tpu.memory_space<hbm>>) dst(%dma_wait3A_1491 : memref<16x1024xf32, #tpu.memory_space<vmem>>)
    %add3A_1499 = arith.constant 352 : i32
    %add3A_1500 = arith.addi %mul3A_32, %add3A_1499 : i32
    %dma_start3A_1501 = arith.constant 4 : i32
    %dma_start3A_1502 = arith.constant 4 : i32
    %dma_start3A_1503 = arith.constant 0 : i32
    %dma_start3A_1504 = arith.constant 0 : i32
    %dma_start3A_1505 = tpu.memref_slice %arg6[%dma_start3A_1501, %dma_start3A_1503, %dma_start3A_1504] : memref<6x16x1024xf32, #tpu.memory_space<vmem>> -> memref<1x16x1024xf32, #tpu.memory_space<vmem>>
    %dma_start3A_1506 = tpu.memref_squeeze %dma_start3A_1505 : memref<1x16x1024xf32, #tpu.memory_space<vmem>> -> memref<16x1024xf32, #tpu.memory_space<vmem>>
    %dma_start3A_1507 = arith.constant 0 : i32
    %dma_start3A_1508 = tpu.memref_slice %arg4[%select_n3A, %add3A_1500, %dma_start3A_1507] : memref<4x4096x1024xf32, #tpu.memory_space<hbm>> -> memref<1x16x1024xf32, #tpu.memory_space<hbm>>
    %dma_start3A_1509 = tpu.memref_squeeze %dma_start3A_1508 : memref<1x16x1024xf32, #tpu.memory_space<hbm>> -> memref<16x1024xf32, #tpu.memory_space<hbm>>
    %dma_start3A_1510 = tpu.memref_slice %arg8[%dma_start3A_1502] : memref<6x!tpu.dma_semaphore, #tpu.memory_space<semaphore_mem>> -> memref<1x!tpu.dma_semaphore, #tpu.memory_space<semaphore_mem>>
    %dma_start3A_1511 = tpu.memref_squeeze %dma_start3A_1510 : memref<1x!tpu.dma_semaphore, #tpu.memory_space<semaphore_mem>> -> memref<!tpu.dma_semaphore, #tpu.memory_space<semaphore_mem>>
    %dma_start3A_1512 = arith.constant 0 : i32
    %dma_start3A_1513 = tpu.memref_slice %arg4[%select_n3A, %add3A_1500, %dma_start3A_1512] : memref<4x4096x1024xf32, #tpu.memory_space<hbm>> -> memref<1x16x1024xf32, #tpu.memory_space<hbm>>
    %dma_start3A_1514 = tpu.memref_squeeze %dma_start3A_1513 : memref<1x16x1024xf32, #tpu.memory_space<hbm>> -> memref<16x1024xf32, #tpu.memory_space<hbm>>
    %dma_start3A_1515 = arith.constant 0 : i32
    %dma_start3A_1516 = arith.constant 0 : i32
    %dma_start3A_1517 = tpu.memref_slice %arg6[%dma_start3A_1501, %dma_start3A_1515, %dma_start3A_1516] : memref<6x16x1024xf32, #tpu.memory_space<vmem>> -> memref<1x16x1024xf32, #tpu.memory_space<vmem>>
    %dma_start3A_1518 = tpu.memref_squeeze %dma_start3A_1517 : memref<1x16x1024xf32, #tpu.memory_space<vmem>> -> memref<16x1024xf32, #tpu.memory_space<vmem>>
    tpu.enqueue_dma source(%dma_start3A_1518 : memref<16x1024xf32, #tpu.memory_space<vmem>>) target(%dma_start3A_1514 : memref<16x1024xf32, #tpu.memory_space<hbm>>) target_semaphore(%dma_start3A_1511 : memref<!tpu.dma_semaphore, #tpu.memory_space<semaphore_mem>>)
    %dma_wait3A_1519 = arith.constant 3 : i32
    %dma_wait3A_1520 = arith.constant 3 : i32
    %dma_wait3A_1521 = arith.constant 0 : i32
    %dma_wait3A_1522 = arith.constant 0 : i32
    %dma_wait3A_1523 = tpu.memref_slice %arg6[%dma_wait3A_1519, %dma_wait3A_1521, %dma_wait3A_1522] : memref<6x16x1024xf32, #tpu.memory_space<vmem>> -> memref<1x16x1024xf32, #tpu.memory_space<vmem>>
    %dma_wait3A_1524 = tpu.memref_squeeze %dma_wait3A_1523 : memref<1x16x1024xf32, #tpu.memory_space<vmem>> -> memref<16x1024xf32, #tpu.memory_space<vmem>>
    %dma_wait3A_1525 = arith.constant 0 : i32
    %dma_wait3A_1526 = tpu.memref_slice %arg4[%select_n3A, %add3A_1436, %dma_wait3A_1525] : memref<4x4096x1024xf32, #tpu.memory_space<hbm>> -> memref<1x16x1024xf32, #tpu.memory_space<hbm>>
    %dma_wait3A_1527 = tpu.memref_squeeze %dma_wait3A_1526 : memref<1x16x1024xf32, #tpu.memory_space<hbm>> -> memref<16x1024xf32, #tpu.memory_space<hbm>>
    %dma_wait3A_1528 = tpu.memref_slice %arg8[%dma_wait3A_1520] : memref<6x!tpu.dma_semaphore, #tpu.memory_space<semaphore_mem>> -> memref<1x!tpu.dma_semaphore, #tpu.memory_space<semaphore_mem>>
    %dma_wait3A_1529 = tpu.memref_squeeze %dma_wait3A_1528 : memref<1x!tpu.dma_semaphore, #tpu.memory_space<semaphore_mem>> -> memref<!tpu.dma_semaphore, #tpu.memory_space<semaphore_mem>>
    %dma_wait3A_1530 = arith.constant 0 : i32
    %dma_wait3A_1531 = tpu.memref_slice %arg4[%select_n3A, %add3A_1436, %dma_wait3A_1530] : memref<4x4096x1024xf32, #tpu.memory_space<hbm>> -> memref<1x16x1024xf32, #tpu.memory_space<hbm>>
    %dma_wait3A_1532 = tpu.memref_squeeze %dma_wait3A_1531 : memref<1x16x1024xf32, #tpu.memory_space<hbm>> -> memref<16x1024xf32, #tpu.memory_space<hbm>>
    %dma_wait3A_1533 = arith.constant 0 : i32
    %dma_wait3A_1534 = arith.constant 0 : i32
    %dma_wait3A_1535 = tpu.memref_slice %arg6[%dma_wait3A_1519, %dma_wait3A_1533, %dma_wait3A_1534] : memref<6x16x1024xf32, #tpu.memory_space<vmem>> -> memref<1x16x1024xf32, #tpu.memory_space<vmem>>
    %dma_wait3A_1536 = tpu.memref_squeeze %dma_wait3A_1535 : memref<1x16x1024xf32, #tpu.memory_space<vmem>> -> memref<16x1024xf32, #tpu.memory_space<vmem>>
    tpu.wait_dma2 semaphore(%dma_wait3A_1529 : memref<!tpu.dma_semaphore, #tpu.memory_space<semaphore_mem>>) src(%dma_wait3A_1536 : memref<16x1024xf32, #tpu.memory_space<vmem>>) dst(%dma_wait3A_1532 : memref<16x1024xf32, #tpu.memory_space<hbm>>)
    %dma_start3A_1537 = arith.constant 3 : i32
    %dma_start3A_1538 = arith.constant 3 : i32
    %dma_start3A_1539 = arith.constant 0 : i32
    %dma_start3A_1540 = arith.constant 0 : i32
    %dma_start3A_1541 = tpu.memref_slice %arg6[%dma_start3A_1537, %dma_start3A_1539, %dma_start3A_1540] : memref<6x16x1024xf32, #tpu.memory_space<vmem>> -> memref<1x16x1024xf32, #tpu.memory_space<vmem>>
    %dma_start3A_1542 = tpu.memref_squeeze %dma_start3A_1541 : memref<1x16x1024xf32, #tpu.memory_space<vmem>> -> memref<16x1024xf32, #tpu.memory_space<vmem>>
    %dma_start3A_1543 = arith.constant 432 : i32
    %dma_start3A_1544 = tpu.memref_slice %arg5[%dma_start3A_1543] : memref<512xi32, #tpu.memory_space<vmem>> -> memref<16xi32, #tpu.memory_space<vmem>>
    %dma_start3A_1545 = arith.constant 0 : i32
    %dma_start3A_1546 = arith.constant 0 : i32
    %dma_start3A_1547 = tpu.memref_slice %arg3[%dma_start3A_1545, %dma_start3A_1546] : memref<8192x1024xf32, #tpu.memory_space<hbm>> -> memref<8192x1024xf32, #tpu.memory_space<hbm>>
    %dma_start3A_1548 = tpu.memref_slice %arg7[%dma_start3A_1538] : memref<6x!tpu.dma_semaphore, #tpu.memory_space<semaphore_mem>> -> memref<1x!tpu.dma_semaphore, #tpu.memory_space<semaphore_mem>>
    %dma_start3A_1549 = tpu.memref_squeeze %dma_start3A_1548 : memref<1x!tpu.dma_semaphore, #tpu.memory_space<semaphore_mem>> -> memref<!tpu.dma_semaphore, #tpu.memory_space<semaphore_mem>>
    tpu.enqueue_indirect_dma source(%dma_start3A_1547 : memref<8192x1024xf32, #tpu.memory_space<hbm>>) target(%dma_start3A_1542 : memref<16x1024xf32, #tpu.memory_space<vmem>>) offsets(%dma_start3A_1544 : memref<16xi32, #tpu.memory_space<vmem>>) semaphore(%dma_start3A_1549 : memref<!tpu.dma_semaphore, #tpu.memory_space<semaphore_mem>>)
    %dma_wait3A_1550 = arith.constant 5 : i32
    %dma_wait3A_1551 = arith.constant 5 : i32
    %dma_wait3A_1552 = arith.constant 0 : i32
    %dma_wait3A_1553 = arith.constant 0 : i32
    %dma_wait3A_1554 = tpu.memref_slice %arg6[%dma_wait3A_1550, %dma_wait3A_1552, %dma_wait3A_1553] : memref<6x16x1024xf32, #tpu.memory_space<vmem>> -> memref<1x16x1024xf32, #tpu.memory_space<vmem>>
    %dma_wait3A_1555 = tpu.memref_squeeze %dma_wait3A_1554 : memref<1x16x1024xf32, #tpu.memory_space<vmem>> -> memref<16x1024xf32, #tpu.memory_space<vmem>>
    %dma_wait3A_1556 = arith.constant 368 : i32
    %dma_wait3A_1557 = tpu.memref_slice %arg5[%dma_wait3A_1556] : memref<512xi32, #tpu.memory_space<vmem>> -> memref<16xi32, #tpu.memory_space<vmem>>
    %dma_wait3A_1558 = arith.constant 0 : i32
    %dma_wait3A_1559 = arith.constant 0 : i32
    %dma_wait3A_1560 = tpu.memref_slice %arg3[%dma_wait3A_1558, %dma_wait3A_1559] : memref<8192x1024xf32, #tpu.memory_space<hbm>> -> memref<8192x1024xf32, #tpu.memory_space<hbm>>
    %dma_wait3A_1561 = tpu.memref_slice %arg7[%dma_wait3A_1551] : memref<6x!tpu.dma_semaphore, #tpu.memory_space<semaphore_mem>> -> memref<1x!tpu.dma_semaphore, #tpu.memory_space<semaphore_mem>>
    %dma_wait3A_1562 = tpu.memref_squeeze %dma_wait3A_1561 : memref<1x!tpu.dma_semaphore, #tpu.memory_space<semaphore_mem>> -> memref<!tpu.dma_semaphore, #tpu.memory_space<semaphore_mem>>
    tpu.wait_indirect_dma semaphore(%dma_wait3A_1562 : memref<!tpu.dma_semaphore, #tpu.memory_space<semaphore_mem>>) src(%dma_wait3A_1560 : memref<8192x1024xf32, #tpu.memory_space<hbm>>) dst(%dma_wait3A_1555 : memref<16x1024xf32, #tpu.memory_space<vmem>>)
    %add3A_1563 = arith.constant 368 : i32
    %add3A_1564 = arith.addi %mul3A_32, %add3A_1563 : i32
    %dma_start3A_1565 = arith.constant 5 : i32
    %dma_start3A_1566 = arith.constant 5 : i32
    %dma_start3A_1567 = arith.constant 0 : i32
    %dma_start3A_1568 = arith.constant 0 : i32
    %dma_start3A_1569 = tpu.memref_slice %arg6[%dma_start3A_1565, %dma_start3A_1567, %dma_start3A_1568] : memref<6x16x1024xf32, #tpu.memory_space<vmem>> -> memref<1x16x1024xf32, #tpu.memory_space<vmem>>
    %dma_start3A_1570 = tpu.memref_squeeze %dma_start3A_1569 : memref<1x16x1024xf32, #tpu.memory_space<vmem>> -> memref<16x1024xf32, #tpu.memory_space<vmem>>
    %dma_start3A_1571 = arith.constant 0 : i32
    %dma_start3A_1572 = tpu.memref_slice %arg4[%select_n3A, %add3A_1564, %dma_start3A_1571] : memref<4x4096x1024xf32, #tpu.memory_space<hbm>> -> memref<1x16x1024xf32, #tpu.memory_space<hbm>>
    %dma_start3A_1573 = tpu.memref_squeeze %dma_start3A_1572 : memref<1x16x1024xf32, #tpu.memory_space<hbm>> -> memref<16x1024xf32, #tpu.memory_space<hbm>>
    %dma_start3A_1574 = tpu.memref_slice %arg8[%dma_start3A_1566] : memref<6x!tpu.dma_semaphore, #tpu.memory_space<semaphore_mem>> -> memref<1x!tpu.dma_semaphore, #tpu.memory_space<semaphore_mem>>
    %dma_start3A_1575 = tpu.memref_squeeze %dma_start3A_1574 : memref<1x!tpu.dma_semaphore, #tpu.memory_space<semaphore_mem>> -> memref<!tpu.dma_semaphore, #tpu.memory_space<semaphore_mem>>
    %dma_start3A_1576 = arith.constant 0 : i32
    %dma_start3A_1577 = tpu.memref_slice %arg4[%select_n3A, %add3A_1564, %dma_start3A_1576] : memref<4x4096x1024xf32, #tpu.memory_space<hbm>> -> memref<1x16x1024xf32, #tpu.memory_space<hbm>>
    %dma_start3A_1578 = tpu.memref_squeeze %dma_start3A_1577 : memref<1x16x1024xf32, #tpu.memory_space<hbm>> -> memref<16x1024xf32, #tpu.memory_space<hbm>>
    %dma_start3A_1579 = arith.constant 0 : i32
    %dma_start3A_1580 = arith.constant 0 : i32
    %dma_start3A_1581 = tpu.memref_slice %arg6[%dma_start3A_1565, %dma_start3A_1579, %dma_start3A_1580] : memref<6x16x1024xf32, #tpu.memory_space<vmem>> -> memref<1x16x1024xf32, #tpu.memory_space<vmem>>
    %dma_start3A_1582 = tpu.memref_squeeze %dma_start3A_1581 : memref<1x16x1024xf32, #tpu.memory_space<vmem>> -> memref<16x1024xf32, #tpu.memory_space<vmem>>
    tpu.enqueue_dma source(%dma_start3A_1582 : memref<16x1024xf32, #tpu.memory_space<vmem>>) target(%dma_start3A_1578 : memref<16x1024xf32, #tpu.memory_space<hbm>>) target_semaphore(%dma_start3A_1575 : memref<!tpu.dma_semaphore, #tpu.memory_space<semaphore_mem>>)
    %dma_wait3A_1583 = arith.constant 4 : i32
    %dma_wait3A_1584 = arith.constant 4 : i32
    %dma_wait3A_1585 = arith.constant 0 : i32
    %dma_wait3A_1586 = arith.constant 0 : i32
    %dma_wait3A_1587 = tpu.memref_slice %arg6[%dma_wait3A_1583, %dma_wait3A_1585, %dma_wait3A_1586] : memref<6x16x1024xf32, #tpu.memory_space<vmem>> -> memref<1x16x1024xf32, #tpu.memory_space<vmem>>
    %dma_wait3A_1588 = tpu.memref_squeeze %dma_wait3A_1587 : memref<1x16x1024xf32, #tpu.memory_space<vmem>> -> memref<16x1024xf32, #tpu.memory_space<vmem>>
    %dma_wait3A_1589 = arith.constant 0 : i32
    %dma_wait3A_1590 = tpu.memref_slice %arg4[%select_n3A, %add3A_1500, %dma_wait3A_1589] : memref<4x4096x1024xf32, #tpu.memory_space<hbm>> -> memref<1x16x1024xf32, #tpu.memory_space<hbm>>
    %dma_wait3A_1591 = tpu.memref_squeeze %dma_wait3A_1590 : memref<1x16x1024xf32, #tpu.memory_space<hbm>> -> memref<16x1024xf32, #tpu.memory_space<hbm>>
    %dma_wait3A_1592 = tpu.memref_slice %arg8[%dma_wait3A_1584] : memref<6x!tpu.dma_semaphore, #tpu.memory_space<semaphore_mem>> -> memref<1x!tpu.dma_semaphore, #tpu.memory_space<semaphore_mem>>
    %dma_wait3A_1593 = tpu.memref_squeeze %dma_wait3A_1592 : memref<1x!tpu.dma_semaphore, #tpu.memory_space<semaphore_mem>> -> memref<!tpu.dma_semaphore, #tpu.memory_space<semaphore_mem>>
    %dma_wait3A_1594 = arith.constant 0 : i32
    %dma_wait3A_1595 = tpu.memref_slice %arg4[%select_n3A, %add3A_1500, %dma_wait3A_1594] : memref<4x4096x1024xf32, #tpu.memory_space<hbm>> -> memref<1x16x1024xf32, #tpu.memory_space<hbm>>
    %dma_wait3A_1596 = tpu.memref_squeeze %dma_wait3A_1595 : memref<1x16x1024xf32, #tpu.memory_space<hbm>> -> memref<16x1024xf32, #tpu.memory_space<hbm>>
    %dma_wait3A_1597 = arith.constant 0 : i32
    %dma_wait3A_1598 = arith.constant 0 : i32
    %dma_wait3A_1599 = tpu.memref_slice %arg6[%dma_wait3A_1583, %dma_wait3A_1597, %dma_wait3A_1598] : memref<6x16x1024xf32, #tpu.memory_space<vmem>> -> memref<1x16x1024xf32, #tpu.memory_space<vmem>>
    %dma_wait3A_1600 = tpu.memref_squeeze %dma_wait3A_1599 : memref<1x16x1024xf32, #tpu.memory_space<vmem>> -> memref<16x1024xf32, #tpu.memory_space<vmem>>
    tpu.wait_dma2 semaphore(%dma_wait3A_1593 : memref<!tpu.dma_semaphore, #tpu.memory_space<semaphore_mem>>) src(%dma_wait3A_1600 : memref<16x1024xf32, #tpu.memory_space<vmem>>) dst(%dma_wait3A_1596 : memref<16x1024xf32, #tpu.memory_space<hbm>>)
    %dma_start3A_1601 = arith.constant 4 : i32
    %dma_start3A_1602 = arith.constant 4 : i32
    %dma_start3A_1603 = arith.constant 0 : i32
    %dma_start3A_1604 = arith.constant 0 : i32
    %dma_start3A_1605 = tpu.memref_slice %arg6[%dma_start3A_1601, %dma_start3A_1603, %dma_start3A_1604] : memref<6x16x1024xf32, #tpu.memory_space<vmem>> -> memref<1x16x1024xf32, #tpu.memory_space<vmem>>
    %dma_start3A_1606 = tpu.memref_squeeze %dma_start3A_1605 : memref<1x16x1024xf32, #tpu.memory_space<vmem>> -> memref<16x1024xf32, #tpu.memory_space<vmem>>
    %dma_start3A_1607 = arith.constant 448 : i32
    %dma_start3A_1608 = tpu.memref_slice %arg5[%dma_start3A_1607] : memref<512xi32, #tpu.memory_space<vmem>> -> memref<16xi32, #tpu.memory_space<vmem>>
    %dma_start3A_1609 = arith.constant 0 : i32
    %dma_start3A_1610 = arith.constant 0 : i32
    %dma_start3A_1611 = tpu.memref_slice %arg3[%dma_start3A_1609, %dma_start3A_1610] : memref<8192x1024xf32, #tpu.memory_space<hbm>> -> memref<8192x1024xf32, #tpu.memory_space<hbm>>
    %dma_start3A_1612 = tpu.memref_slice %arg7[%dma_start3A_1602] : memref<6x!tpu.dma_semaphore, #tpu.memory_space<semaphore_mem>> -> memref<1x!tpu.dma_semaphore, #tpu.memory_space<semaphore_mem>>
    %dma_start3A_1613 = tpu.memref_squeeze %dma_start3A_1612 : memref<1x!tpu.dma_semaphore, #tpu.memory_space<semaphore_mem>> -> memref<!tpu.dma_semaphore, #tpu.memory_space<semaphore_mem>>
    tpu.enqueue_indirect_dma source(%dma_start3A_1611 : memref<8192x1024xf32, #tpu.memory_space<hbm>>) target(%dma_start3A_1606 : memref<16x1024xf32, #tpu.memory_space<vmem>>) offsets(%dma_start3A_1608 : memref<16xi32, #tpu.memory_space<vmem>>) semaphore(%dma_start3A_1613 : memref<!tpu.dma_semaphore, #tpu.memory_space<semaphore_mem>>)
    %dma_wait3A_1614 = arith.constant 0 : i32
    %dma_wait3A_1615 = arith.constant 0 : i32
    %dma_wait3A_1616 = arith.constant 0 : i32
    %dma_wait3A_1617 = arith.constant 0 : i32
    %dma_wait3A_1618 = tpu.memref_slice %arg6[%dma_wait3A_1614, %dma_wait3A_1616, %dma_wait3A_1617] : memref<6x16x1024xf32, #tpu.memory_space<vmem>> -> memref<1x16x1024xf32, #tpu.memory_space<vmem>>
    %dma_wait3A_1619 = tpu.memref_squeeze %dma_wait3A_1618 : memref<1x16x1024xf32, #tpu.memory_space<vmem>> -> memref<16x1024xf32, #tpu.memory_space<vmem>>
    %dma_wait3A_1620 = arith.constant 384 : i32
    %dma_wait3A_1621 = tpu.memref_slice %arg5[%dma_wait3A_1620] : memref<512xi32, #tpu.memory_space<vmem>> -> memref<16xi32, #tpu.memory_space<vmem>>
    %dma_wait3A_1622 = arith.constant 0 : i32
    %dma_wait3A_1623 = arith.constant 0 : i32
    %dma_wait3A_1624 = tpu.memref_slice %arg3[%dma_wait3A_1622, %dma_wait3A_1623] : memref<8192x1024xf32, #tpu.memory_space<hbm>> -> memref<8192x1024xf32, #tpu.memory_space<hbm>>
    %dma_wait3A_1625 = tpu.memref_slice %arg7[%dma_wait3A_1615] : memref<6x!tpu.dma_semaphore, #tpu.memory_space<semaphore_mem>> -> memref<1x!tpu.dma_semaphore, #tpu.memory_space<semaphore_mem>>
    %dma_wait3A_1626 = tpu.memref_squeeze %dma_wait3A_1625 : memref<1x!tpu.dma_semaphore, #tpu.memory_space<semaphore_mem>> -> memref<!tpu.dma_semaphore, #tpu.memory_space<semaphore_mem>>
    tpu.wait_indirect_dma semaphore(%dma_wait3A_1626 : memref<!tpu.dma_semaphore, #tpu.memory_space<semaphore_mem>>) src(%dma_wait3A_1624 : memref<8192x1024xf32, #tpu.memory_space<hbm>>) dst(%dma_wait3A_1619 : memref<16x1024xf32, #tpu.memory_space<vmem>>)
    %add3A_1627 = arith.constant 384 : i32
    %add3A_1628 = arith.addi %mul3A_32, %add3A_1627 : i32
    %dma_start3A_1629 = arith.constant 0 : i32
    %dma_start3A_1630 = arith.constant 0 : i32
    %dma_start3A_1631 = arith.constant 0 : i32
    %dma_start3A_1632 = arith.constant 0 : i32
    %dma_start3A_1633 = tpu.memref_slice %arg6[%dma_start3A_1629, %dma_start3A_1631, %dma_start3A_1632] : memref<6x16x1024xf32, #tpu.memory_space<vmem>> -> memref<1x16x1024xf32, #tpu.memory_space<vmem>>
    %dma_start3A_1634 = tpu.memref_squeeze %dma_start3A_1633 : memref<1x16x1024xf32, #tpu.memory_space<vmem>> -> memref<16x1024xf32, #tpu.memory_space<vmem>>
    %dma_start3A_1635 = arith.constant 0 : i32
    %dma_start3A_1636 = tpu.memref_slice %arg4[%select_n3A, %add3A_1628, %dma_start3A_1635] : memref<4x4096x1024xf32, #tpu.memory_space<hbm>> -> memref<1x16x1024xf32, #tpu.memory_space<hbm>>
    %dma_start3A_1637 = tpu.memref_squeeze %dma_start3A_1636 : memref<1x16x1024xf32, #tpu.memory_space<hbm>> -> memref<16x1024xf32, #tpu.memory_space<hbm>>
    %dma_start3A_1638 = tpu.memref_slice %arg8[%dma_start3A_1630] : memref<6x!tpu.dma_semaphore, #tpu.memory_space<semaphore_mem>> -> memref<1x!tpu.dma_semaphore, #tpu.memory_space<semaphore_mem>>
    %dma_start3A_1639 = tpu.memref_squeeze %dma_start3A_1638 : memref<1x!tpu.dma_semaphore, #tpu.memory_space<semaphore_mem>> -> memref<!tpu.dma_semaphore, #tpu.memory_space<semaphore_mem>>
    %dma_start3A_1640 = arith.constant 0 : i32
    %dma_start3A_1641 = tpu.memref_slice %arg4[%select_n3A, %add3A_1628, %dma_start3A_1640] : memref<4x4096x1024xf32, #tpu.memory_space<hbm>> -> memref<1x16x1024xf32, #tpu.memory_space<hbm>>
    %dma_start3A_1642 = tpu.memref_squeeze %dma_start3A_1641 : memref<1x16x1024xf32, #tpu.memory_space<hbm>> -> memref<16x1024xf32, #tpu.memory_space<hbm>>
    %dma_start3A_1643 = arith.constant 0 : i32
    %dma_start3A_1644 = arith.constant 0 : i32
    %dma_start3A_1645 = tpu.memref_slice %arg6[%dma_start3A_1629, %dma_start3A_1643, %dma_start3A_1644] : memref<6x16x1024xf32, #tpu.memory_space<vmem>> -> memref<1x16x1024xf32, #tpu.memory_space<vmem>>
    %dma_start3A_1646 = tpu.memref_squeeze %dma_start3A_1645 : memref<1x16x1024xf32, #tpu.memory_space<vmem>> -> memref<16x1024xf32, #tpu.memory_space<vmem>>
    tpu.enqueue_dma source(%dma_start3A_1646 : memref<16x1024xf32, #tpu.memory_space<vmem>>) target(%dma_start3A_1642 : memref<16x1024xf32, #tpu.memory_space<hbm>>) target_semaphore(%dma_start3A_1639 : memref<!tpu.dma_semaphore, #tpu.memory_space<semaphore_mem>>)
    %dma_wait3A_1647 = arith.constant 5 : i32
    %dma_wait3A_1648 = arith.constant 5 : i32
    %dma_wait3A_1649 = arith.constant 0 : i32
    %dma_wait3A_1650 = arith.constant 0 : i32
    %dma_wait3A_1651 = tpu.memref_slice %arg6[%dma_wait3A_1647, %dma_wait3A_1649, %dma_wait3A_1650] : memref<6x16x1024xf32, #tpu.memory_space<vmem>> -> memref<1x16x1024xf32, #tpu.memory_space<vmem>>
    %dma_wait3A_1652 = tpu.memref_squeeze %dma_wait3A_1651 : memref<1x16x1024xf32, #tpu.memory_space<vmem>> -> memref<16x1024xf32, #tpu.memory_space<vmem>>
    %dma_wait3A_1653 = arith.constant 0 : i32
    %dma_wait3A_1654 = tpu.memref_slice %arg4[%select_n3A, %add3A_1564, %dma_wait3A_1653] : memref<4x4096x1024xf32, #tpu.memory_space<hbm>> -> memref<1x16x1024xf32, #tpu.memory_space<hbm>>
    %dma_wait3A_1655 = tpu.memref_squeeze %dma_wait3A_1654 : memref<1x16x1024xf32, #tpu.memory_space<hbm>> -> memref<16x1024xf32, #tpu.memory_space<hbm>>
    %dma_wait3A_1656 = tpu.memref_slice %arg8[%dma_wait3A_1648] : memref<6x!tpu.dma_semaphore, #tpu.memory_space<semaphore_mem>> -> memref<1x!tpu.dma_semaphore, #tpu.memory_space<semaphore_mem>>
    %dma_wait3A_1657 = tpu.memref_squeeze %dma_wait3A_1656 : memref<1x!tpu.dma_semaphore, #tpu.memory_space<semaphore_mem>> -> memref<!tpu.dma_semaphore, #tpu.memory_space<semaphore_mem>>
    %dma_wait3A_1658 = arith.constant 0 : i32
    %dma_wait3A_1659 = tpu.memref_slice %arg4[%select_n3A, %add3A_1564, %dma_wait3A_1658] : memref<4x4096x1024xf32, #tpu.memory_space<hbm>> -> memref<1x16x1024xf32, #tpu.memory_space<hbm>>
    %dma_wait3A_1660 = tpu.memref_squeeze %dma_wait3A_1659 : memref<1x16x1024xf32, #tpu.memory_space<hbm>> -> memref<16x1024xf32, #tpu.memory_space<hbm>>
    %dma_wait3A_1661 = arith.constant 0 : i32
    %dma_wait3A_1662 = arith.constant 0 : i32
    %dma_wait3A_1663 = tpu.memref_slice %arg6[%dma_wait3A_1647, %dma_wait3A_1661, %dma_wait3A_1662] : memref<6x16x1024xf32, #tpu.memory_space<vmem>> -> memref<1x16x1024xf32, #tpu.memory_space<vmem>>
    %dma_wait3A_1664 = tpu.memref_squeeze %dma_wait3A_1663 : memref<1x16x1024xf32, #tpu.memory_space<vmem>> -> memref<16x1024xf32, #tpu.memory_space<vmem>>
    tpu.wait_dma2 semaphore(%dma_wait3A_1657 : memref<!tpu.dma_semaphore, #tpu.memory_space<semaphore_mem>>) src(%dma_wait3A_1664 : memref<16x1024xf32, #tpu.memory_space<vmem>>) dst(%dma_wait3A_1660 : memref<16x1024xf32, #tpu.memory_space<hbm>>)
    %dma_start3A_1665 = arith.constant 5 : i32
    %dma_start3A_1666 = arith.constant 5 : i32
    %dma_start3A_1667 = arith.constant 0 : i32
    %dma_start3A_1668 = arith.constant 0 : i32
    %dma_start3A_1669 = tpu.memref_slice %arg6[%dma_start3A_1665, %dma_start3A_1667, %dma_start3A_1668] : memref<6x16x1024xf32, #tpu.memory_space<vmem>> -> memref<1x16x1024xf32, #tpu.memory_space<vmem>>
    %dma_start3A_1670 = tpu.memref_squeeze %dma_start3A_1669 : memref<1x16x1024xf32, #tpu.memory_space<vmem>> -> memref<16x1024xf32, #tpu.memory_space<vmem>>
    %dma_start3A_1671 = arith.constant 464 : i32
    %dma_start3A_1672 = tpu.memref_slice %arg5[%dma_start3A_1671] : memref<512xi32, #tpu.memory_space<vmem>> -> memref<16xi32, #tpu.memory_space<vmem>>
    %dma_start3A_1673 = arith.constant 0 : i32
    %dma_start3A_1674 = arith.constant 0 : i32
    %dma_start3A_1675 = tpu.memref_slice %arg3[%dma_start3A_1673, %dma_start3A_1674] : memref<8192x1024xf32, #tpu.memory_space<hbm>> -> memref<8192x1024xf32, #tpu.memory_space<hbm>>
    %dma_start3A_1676 = tpu.memref_slice %arg7[%dma_start3A_1666] : memref<6x!tpu.dma_semaphore, #tpu.memory_space<semaphore_mem>> -> memref<1x!tpu.dma_semaphore, #tpu.memory_space<semaphore_mem>>
    %dma_start3A_1677 = tpu.memref_squeeze %dma_start3A_1676 : memref<1x!tpu.dma_semaphore, #tpu.memory_space<semaphore_mem>> -> memref<!tpu.dma_semaphore, #tpu.memory_space<semaphore_mem>>
    tpu.enqueue_indirect_dma source(%dma_start3A_1675 : memref<8192x1024xf32, #tpu.memory_space<hbm>>) target(%dma_start3A_1670 : memref<16x1024xf32, #tpu.memory_space<vmem>>) offsets(%dma_start3A_1672 : memref<16xi32, #tpu.memory_space<vmem>>) semaphore(%dma_start3A_1677 : memref<!tpu.dma_semaphore, #tpu.memory_space<semaphore_mem>>)
    %dma_wait3A_1678 = arith.constant 1 : i32
    %dma_wait3A_1679 = arith.constant 1 : i32
    %dma_wait3A_1680 = arith.constant 0 : i32
    %dma_wait3A_1681 = arith.constant 0 : i32
    %dma_wait3A_1682 = tpu.memref_slice %arg6[%dma_wait3A_1678, %dma_wait3A_1680, %dma_wait3A_1681] : memref<6x16x1024xf32, #tpu.memory_space<vmem>> -> memref<1x16x1024xf32, #tpu.memory_space<vmem>>
    %dma_wait3A_1683 = tpu.memref_squeeze %dma_wait3A_1682 : memref<1x16x1024xf32, #tpu.memory_space<vmem>> -> memref<16x1024xf32, #tpu.memory_space<vmem>>
    %dma_wait3A_1684 = arith.constant 400 : i32
    %dma_wait3A_1685 = tpu.memref_slice %arg5[%dma_wait3A_1684] : memref<512xi32, #tpu.memory_space<vmem>> -> memref<16xi32, #tpu.memory_space<vmem>>
    %dma_wait3A_1686 = arith.constant 0 : i32
    %dma_wait3A_1687 = arith.constant 0 : i32
    %dma_wait3A_1688 = tpu.memref_slice %arg3[%dma_wait3A_1686, %dma_wait3A_1687] : memref<8192x1024xf32, #tpu.memory_space<hbm>> -> memref<8192x1024xf32, #tpu.memory_space<hbm>>
    %dma_wait3A_1689 = tpu.memref_slice %arg7[%dma_wait3A_1679] : memref<6x!tpu.dma_semaphore, #tpu.memory_space<semaphore_mem>> -> memref<1x!tpu.dma_semaphore, #tpu.memory_space<semaphore_mem>>
    %dma_wait3A_1690 = tpu.memref_squeeze %dma_wait3A_1689 : memref<1x!tpu.dma_semaphore, #tpu.memory_space<semaphore_mem>> -> memref<!tpu.dma_semaphore, #tpu.memory_space<semaphore_mem>>
    tpu.wait_indirect_dma semaphore(%dma_wait3A_1690 : memref<!tpu.dma_semaphore, #tpu.memory_space<semaphore_mem>>) src(%dma_wait3A_1688 : memref<8192x1024xf32, #tpu.memory_space<hbm>>) dst(%dma_wait3A_1683 : memref<16x1024xf32, #tpu.memory_space<vmem>>)
    %add3A_1691 = arith.constant 400 : i32
    %add3A_1692 = arith.addi %mul3A_32, %add3A_1691 : i32
    %dma_start3A_1693 = arith.constant 1 : i32
    %dma_start3A_1694 = arith.constant 1 : i32
    %dma_start3A_1695 = arith.constant 0 : i32
    %dma_start3A_1696 = arith.constant 0 : i32
    %dma_start3A_1697 = tpu.memref_slice %arg6[%dma_start3A_1693, %dma_start3A_1695, %dma_start3A_1696] : memref<6x16x1024xf32, #tpu.memory_space<vmem>> -> memref<1x16x1024xf32, #tpu.memory_space<vmem>>
    %dma_start3A_1698 = tpu.memref_squeeze %dma_start3A_1697 : memref<1x16x1024xf32, #tpu.memory_space<vmem>> -> memref<16x1024xf32, #tpu.memory_space<vmem>>
    %dma_start3A_1699 = arith.constant 0 : i32
    %dma_start3A_1700 = tpu.memref_slice %arg4[%select_n3A, %add3A_1692, %dma_start3A_1699] : memref<4x4096x1024xf32, #tpu.memory_space<hbm>> -> memref<1x16x1024xf32, #tpu.memory_space<hbm>>
    %dma_start3A_1701 = tpu.memref_squeeze %dma_start3A_1700 : memref<1x16x1024xf32, #tpu.memory_space<hbm>> -> memref<16x1024xf32, #tpu.memory_space<hbm>>
    %dma_start3A_1702 = tpu.memref_slice %arg8[%dma_start3A_1694] : memref<6x!tpu.dma_semaphore, #tpu.memory_space<semaphore_mem>> -> memref<1x!tpu.dma_semaphore, #tpu.memory_space<semaphore_mem>>
    %dma_start3A_1703 = tpu.memref_squeeze %dma_start3A_1702 : memref<1x!tpu.dma_semaphore, #tpu.memory_space<semaphore_mem>> -> memref<!tpu.dma_semaphore, #tpu.memory_space<semaphore_mem>>
    %dma_start3A_1704 = arith.constant 0 : i32
    %dma_start3A_1705 = tpu.memref_slice %arg4[%select_n3A, %add3A_1692, %dma_start3A_1704] : memref<4x4096x1024xf32, #tpu.memory_space<hbm>> -> memref<1x16x1024xf32, #tpu.memory_space<hbm>>
    %dma_start3A_1706 = tpu.memref_squeeze %dma_start3A_1705 : memref<1x16x1024xf32, #tpu.memory_space<hbm>> -> memref<16x1024xf32, #tpu.memory_space<hbm>>
    %dma_start3A_1707 = arith.constant 0 : i32
    %dma_start3A_1708 = arith.constant 0 : i32
    %dma_start3A_1709 = tpu.memref_slice %arg6[%dma_start3A_1693, %dma_start3A_1707, %dma_start3A_1708] : memref<6x16x1024xf32, #tpu.memory_space<vmem>> -> memref<1x16x1024xf32, #tpu.memory_space<vmem>>
    %dma_start3A_1710 = tpu.memref_squeeze %dma_start3A_1709 : memref<1x16x1024xf32, #tpu.memory_space<vmem>> -> memref<16x1024xf32, #tpu.memory_space<vmem>>
    tpu.enqueue_dma source(%dma_start3A_1710 : memref<16x1024xf32, #tpu.memory_space<vmem>>) target(%dma_start3A_1706 : memref<16x1024xf32, #tpu.memory_space<hbm>>) target_semaphore(%dma_start3A_1703 : memref<!tpu.dma_semaphore, #tpu.memory_space<semaphore_mem>>)
    %dma_wait3A_1711 = arith.constant 0 : i32
    %dma_wait3A_1712 = arith.constant 0 : i32
    %dma_wait3A_1713 = arith.constant 0 : i32
    %dma_wait3A_1714 = arith.constant 0 : i32
    %dma_wait3A_1715 = tpu.memref_slice %arg6[%dma_wait3A_1711, %dma_wait3A_1713, %dma_wait3A_1714] : memref<6x16x1024xf32, #tpu.memory_space<vmem>> -> memref<1x16x1024xf32, #tpu.memory_space<vmem>>
    %dma_wait3A_1716 = tpu.memref_squeeze %dma_wait3A_1715 : memref<1x16x1024xf32, #tpu.memory_space<vmem>> -> memref<16x1024xf32, #tpu.memory_space<vmem>>
    %dma_wait3A_1717 = arith.constant 0 : i32
    %dma_wait3A_1718 = tpu.memref_slice %arg4[%select_n3A, %add3A_1628, %dma_wait3A_1717] : memref<4x4096x1024xf32, #tpu.memory_space<hbm>> -> memref<1x16x1024xf32, #tpu.memory_space<hbm>>
    %dma_wait3A_1719 = tpu.memref_squeeze %dma_wait3A_1718 : memref<1x16x1024xf32, #tpu.memory_space<hbm>> -> memref<16x1024xf32, #tpu.memory_space<hbm>>
    %dma_wait3A_1720 = tpu.memref_slice %arg8[%dma_wait3A_1712] : memref<6x!tpu.dma_semaphore, #tpu.memory_space<semaphore_mem>> -> memref<1x!tpu.dma_semaphore, #tpu.memory_space<semaphore_mem>>
    %dma_wait3A_1721 = tpu.memref_squeeze %dma_wait3A_1720 : memref<1x!tpu.dma_semaphore, #tpu.memory_space<semaphore_mem>> -> memref<!tpu.dma_semaphore, #tpu.memory_space<semaphore_mem>>
    %dma_wait3A_1722 = arith.constant 0 : i32
    %dma_wait3A_1723 = tpu.memref_slice %arg4[%select_n3A, %add3A_1628, %dma_wait3A_1722] : memref<4x4096x1024xf32, #tpu.memory_space<hbm>> -> memref<1x16x1024xf32, #tpu.memory_space<hbm>>
    %dma_wait3A_1724 = tpu.memref_squeeze %dma_wait3A_1723 : memref<1x16x1024xf32, #tpu.memory_space<hbm>> -> memref<16x1024xf32, #tpu.memory_space<hbm>>
    %dma_wait3A_1725 = arith.constant 0 : i32
    %dma_wait3A_1726 = arith.constant 0 : i32
    %dma_wait3A_1727 = tpu.memref_slice %arg6[%dma_wait3A_1711, %dma_wait3A_1725, %dma_wait3A_1726] : memref<6x16x1024xf32, #tpu.memory_space<vmem>> -> memref<1x16x1024xf32, #tpu.memory_space<vmem>>
    %dma_wait3A_1728 = tpu.memref_squeeze %dma_wait3A_1727 : memref<1x16x1024xf32, #tpu.memory_space<vmem>> -> memref<16x1024xf32, #tpu.memory_space<vmem>>
    tpu.wait_dma2 semaphore(%dma_wait3A_1721 : memref<!tpu.dma_semaphore, #tpu.memory_space<semaphore_mem>>) src(%dma_wait3A_1728 : memref<16x1024xf32, #tpu.memory_space<vmem>>) dst(%dma_wait3A_1724 : memref<16x1024xf32, #tpu.memory_space<hbm>>)
    %dma_start3A_1729 = arith.constant 0 : i32
    %dma_start3A_1730 = arith.constant 0 : i32
    %dma_start3A_1731 = arith.constant 0 : i32
    %dma_start3A_1732 = arith.constant 0 : i32
    %dma_start3A_1733 = tpu.memref_slice %arg6[%dma_start3A_1729, %dma_start3A_1731, %dma_start3A_1732] : memref<6x16x1024xf32, #tpu.memory_space<vmem>> -> memref<1x16x1024xf32, #tpu.memory_space<vmem>>
    %dma_start3A_1734 = tpu.memref_squeeze %dma_start3A_1733 : memref<1x16x1024xf32, #tpu.memory_space<vmem>> -> memref<16x1024xf32, #tpu.memory_space<vmem>>
    %dma_start3A_1735 = arith.constant 480 : i32
    %dma_start3A_1736 = tpu.memref_slice %arg5[%dma_start3A_1735] : memref<512xi32, #tpu.memory_space<vmem>> -> memref<16xi32, #tpu.memory_space<vmem>>
    %dma_start3A_1737 = arith.constant 0 : i32
    %dma_start3A_1738 = arith.constant 0 : i32
    %dma_start3A_1739 = tpu.memref_slice %arg3[%dma_start3A_1737, %dma_start3A_1738] : memref<8192x1024xf32, #tpu.memory_space<hbm>> -> memref<8192x1024xf32, #tpu.memory_space<hbm>>
    %dma_start3A_1740 = tpu.memref_slice %arg7[%dma_start3A_1730] : memref<6x!tpu.dma_semaphore, #tpu.memory_space<semaphore_mem>> -> memref<1x!tpu.dma_semaphore, #tpu.memory_space<semaphore_mem>>
    %dma_start3A_1741 = tpu.memref_squeeze %dma_start3A_1740 : memref<1x!tpu.dma_semaphore, #tpu.memory_space<semaphore_mem>> -> memref<!tpu.dma_semaphore, #tpu.memory_space<semaphore_mem>>
    tpu.enqueue_indirect_dma source(%dma_start3A_1739 : memref<8192x1024xf32, #tpu.memory_space<hbm>>) target(%dma_start3A_1734 : memref<16x1024xf32, #tpu.memory_space<vmem>>) offsets(%dma_start3A_1736 : memref<16xi32, #tpu.memory_space<vmem>>) semaphore(%dma_start3A_1741 : memref<!tpu.dma_semaphore, #tpu.memory_space<semaphore_mem>>)
    %dma_wait3A_1742 = arith.constant 2 : i32
    %dma_wait3A_1743 = arith.constant 2 : i32
    %dma_wait3A_1744 = arith.constant 0 : i32
    %dma_wait3A_1745 = arith.constant 0 : i32
    %dma_wait3A_1746 = tpu.memref_slice %arg6[%dma_wait3A_1742, %dma_wait3A_1744, %dma_wait3A_1745] : memref<6x16x1024xf32, #tpu.memory_space<vmem>> -> memref<1x16x1024xf32, #tpu.memory_space<vmem>>
    %dma_wait3A_1747 = tpu.memref_squeeze %dma_wait3A_1746 : memref<1x16x1024xf32, #tpu.memory_space<vmem>> -> memref<16x1024xf32, #tpu.memory_space<vmem>>
    %dma_wait3A_1748 = arith.constant 416 : i32
    %dma_wait3A_1749 = tpu.memref_slice %arg5[%dma_wait3A_1748] : memref<512xi32, #tpu.memory_space<vmem>> -> memref<16xi32, #tpu.memory_space<vmem>>
    %dma_wait3A_1750 = arith.constant 0 : i32
    %dma_wait3A_1751 = arith.constant 0 : i32
    %dma_wait3A_1752 = tpu.memref_slice %arg3[%dma_wait3A_1750, %dma_wait3A_1751] : memref<8192x1024xf32, #tpu.memory_space<hbm>> -> memref<8192x1024xf32, #tpu.memory_space<hbm>>
    %dma_wait3A_1753 = tpu.memref_slice %arg7[%dma_wait3A_1743] : memref<6x!tpu.dma_semaphore, #tpu.memory_space<semaphore_mem>> -> memref<1x!tpu.dma_semaphore, #tpu.memory_space<semaphore_mem>>
    %dma_wait3A_1754 = tpu.memref_squeeze %dma_wait3A_1753 : memref<1x!tpu.dma_semaphore, #tpu.memory_space<semaphore_mem>> -> memref<!tpu.dma_semaphore, #tpu.memory_space<semaphore_mem>>
    tpu.wait_indirect_dma semaphore(%dma_wait3A_1754 : memref<!tpu.dma_semaphore, #tpu.memory_space<semaphore_mem>>) src(%dma_wait3A_1752 : memref<8192x1024xf32, #tpu.memory_space<hbm>>) dst(%dma_wait3A_1747 : memref<16x1024xf32, #tpu.memory_space<vmem>>)
    %add3A_1755 = arith.constant 416 : i32
    %add3A_1756 = arith.addi %mul3A_32, %add3A_1755 : i32
    %dma_start3A_1757 = arith.constant 2 : i32
    %dma_start3A_1758 = arith.constant 2 : i32
    %dma_start3A_1759 = arith.constant 0 : i32
    %dma_start3A_1760 = arith.constant 0 : i32
    %dma_start3A_1761 = tpu.memref_slice %arg6[%dma_start3A_1757, %dma_start3A_1759, %dma_start3A_1760] : memref<6x16x1024xf32, #tpu.memory_space<vmem>> -> memref<1x16x1024xf32, #tpu.memory_space<vmem>>
    %dma_start3A_1762 = tpu.memref_squeeze %dma_start3A_1761 : memref<1x16x1024xf32, #tpu.memory_space<vmem>> -> memref<16x1024xf32, #tpu.memory_space<vmem>>
    %dma_start3A_1763 = arith.constant 0 : i32
    %dma_start3A_1764 = tpu.memref_slice %arg4[%select_n3A, %add3A_1756, %dma_start3A_1763] : memref<4x4096x1024xf32, #tpu.memory_space<hbm>> -> memref<1x16x1024xf32, #tpu.memory_space<hbm>>
    %dma_start3A_1765 = tpu.memref_squeeze %dma_start3A_1764 : memref<1x16x1024xf32, #tpu.memory_space<hbm>> -> memref<16x1024xf32, #tpu.memory_space<hbm>>
    %dma_start3A_1766 = tpu.memref_slice %arg8[%dma_start3A_1758] : memref<6x!tpu.dma_semaphore, #tpu.memory_space<semaphore_mem>> -> memref<1x!tpu.dma_semaphore, #tpu.memory_space<semaphore_mem>>
    %dma_start3A_1767 = tpu.memref_squeeze %dma_start3A_1766 : memref<1x!tpu.dma_semaphore, #tpu.memory_space<semaphore_mem>> -> memref<!tpu.dma_semaphore, #tpu.memory_space<semaphore_mem>>
    %dma_start3A_1768 = arith.constant 0 : i32
    %dma_start3A_1769 = tpu.memref_slice %arg4[%select_n3A, %add3A_1756, %dma_start3A_1768] : memref<4x4096x1024xf32, #tpu.memory_space<hbm>> -> memref<1x16x1024xf32, #tpu.memory_space<hbm>>
    %dma_start3A_1770 = tpu.memref_squeeze %dma_start3A_1769 : memref<1x16x1024xf32, #tpu.memory_space<hbm>> -> memref<16x1024xf32, #tpu.memory_space<hbm>>
    %dma_start3A_1771 = arith.constant 0 : i32
    %dma_start3A_1772 = arith.constant 0 : i32
    %dma_start3A_1773 = tpu.memref_slice %arg6[%dma_start3A_1757, %dma_start3A_1771, %dma_start3A_1772] : memref<6x16x1024xf32, #tpu.memory_space<vmem>> -> memref<1x16x1024xf32, #tpu.memory_space<vmem>>
    %dma_start3A_1774 = tpu.memref_squeeze %dma_start3A_1773 : memref<1x16x1024xf32, #tpu.memory_space<vmem>> -> memref<16x1024xf32, #tpu.memory_space<vmem>>
    tpu.enqueue_dma source(%dma_start3A_1774 : memref<16x1024xf32, #tpu.memory_space<vmem>>) target(%dma_start3A_1770 : memref<16x1024xf32, #tpu.memory_space<hbm>>) target_semaphore(%dma_start3A_1767 : memref<!tpu.dma_semaphore, #tpu.memory_space<semaphore_mem>>)
    %dma_wait3A_1775 = arith.constant 1 : i32
    %dma_wait3A_1776 = arith.constant 1 : i32
    %dma_wait3A_1777 = arith.constant 0 : i32
    %dma_wait3A_1778 = arith.constant 0 : i32
    %dma_wait3A_1779 = tpu.memref_slice %arg6[%dma_wait3A_1775, %dma_wait3A_1777, %dma_wait3A_1778] : memref<6x16x1024xf32, #tpu.memory_space<vmem>> -> memref<1x16x1024xf32, #tpu.memory_space<vmem>>
    %dma_wait3A_1780 = tpu.memref_squeeze %dma_wait3A_1779 : memref<1x16x1024xf32, #tpu.memory_space<vmem>> -> memref<16x1024xf32, #tpu.memory_space<vmem>>
    %dma_wait3A_1781 = arith.constant 0 : i32
    %dma_wait3A_1782 = tpu.memref_slice %arg4[%select_n3A, %add3A_1692, %dma_wait3A_1781] : memref<4x4096x1024xf32, #tpu.memory_space<hbm>> -> memref<1x16x1024xf32, #tpu.memory_space<hbm>>
    %dma_wait3A_1783 = tpu.memref_squeeze %dma_wait3A_1782 : memref<1x16x1024xf32, #tpu.memory_space<hbm>> -> memref<16x1024xf32, #tpu.memory_space<hbm>>
    %dma_wait3A_1784 = tpu.memref_slice %arg8[%dma_wait3A_1776] : memref<6x!tpu.dma_semaphore, #tpu.memory_space<semaphore_mem>> -> memref<1x!tpu.dma_semaphore, #tpu.memory_space<semaphore_mem>>
    %dma_wait3A_1785 = tpu.memref_squeeze %dma_wait3A_1784 : memref<1x!tpu.dma_semaphore, #tpu.memory_space<semaphore_mem>> -> memref<!tpu.dma_semaphore, #tpu.memory_space<semaphore_mem>>
    %dma_wait3A_1786 = arith.constant 0 : i32
    %dma_wait3A_1787 = tpu.memref_slice %arg4[%select_n3A, %add3A_1692, %dma_wait3A_1786] : memref<4x4096x1024xf32, #tpu.memory_space<hbm>> -> memref<1x16x1024xf32, #tpu.memory_space<hbm>>
    %dma_wait3A_1788 = tpu.memref_squeeze %dma_wait3A_1787 : memref<1x16x1024xf32, #tpu.memory_space<hbm>> -> memref<16x1024xf32, #tpu.memory_space<hbm>>
    %dma_wait3A_1789 = arith.constant 0 : i32
    %dma_wait3A_1790 = arith.constant 0 : i32
    %dma_wait3A_1791 = tpu.memref_slice %arg6[%dma_wait3A_1775, %dma_wait3A_1789, %dma_wait3A_1790] : memref<6x16x1024xf32, #tpu.memory_space<vmem>> -> memref<1x16x1024xf32, #tpu.memory_space<vmem>>
    %dma_wait3A_1792 = tpu.memref_squeeze %dma_wait3A_1791 : memref<1x16x1024xf32, #tpu.memory_space<vmem>> -> memref<16x1024xf32, #tpu.memory_space<vmem>>
    tpu.wait_dma2 semaphore(%dma_wait3A_1785 : memref<!tpu.dma_semaphore, #tpu.memory_space<semaphore_mem>>) src(%dma_wait3A_1792 : memref<16x1024xf32, #tpu.memory_space<vmem>>) dst(%dma_wait3A_1788 : memref<16x1024xf32, #tpu.memory_space<hbm>>)
    %dma_start3A_1793 = arith.constant 1 : i32
    %dma_start3A_1794 = arith.constant 1 : i32
    %dma_start3A_1795 = arith.constant 0 : i32
    %dma_start3A_1796 = arith.constant 0 : i32
    %dma_start3A_1797 = tpu.memref_slice %arg6[%dma_start3A_1793, %dma_start3A_1795, %dma_start3A_1796] : memref<6x16x1024xf32, #tpu.memory_space<vmem>> -> memref<1x16x1024xf32, #tpu.memory_space<vmem>>
    %dma_start3A_1798 = tpu.memref_squeeze %dma_start3A_1797 : memref<1x16x1024xf32, #tpu.memory_space<vmem>> -> memref<16x1024xf32, #tpu.memory_space<vmem>>
    %dma_start3A_1799 = arith.constant 496 : i32
    %dma_start3A_1800 = tpu.memref_slice %arg5[%dma_start3A_1799] : memref<512xi32, #tpu.memory_space<vmem>> -> memref<16xi32, #tpu.memory_space<vmem>>
    %dma_start3A_1801 = arith.constant 0 : i32
    %dma_start3A_1802 = arith.constant 0 : i32
    %dma_start3A_1803 = tpu.memref_slice %arg3[%dma_start3A_1801, %dma_start3A_1802] : memref<8192x1024xf32, #tpu.memory_space<hbm>> -> memref<8192x1024xf32, #tpu.memory_space<hbm>>
    %dma_start3A_1804 = tpu.memref_slice %arg7[%dma_start3A_1794] : memref<6x!tpu.dma_semaphore, #tpu.memory_space<semaphore_mem>> -> memref<1x!tpu.dma_semaphore, #tpu.memory_space<semaphore_mem>>
    %dma_start3A_1805 = tpu.memref_squeeze %dma_start3A_1804 : memref<1x!tpu.dma_semaphore, #tpu.memory_space<semaphore_mem>> -> memref<!tpu.dma_semaphore, #tpu.memory_space<semaphore_mem>>
    tpu.enqueue_indirect_dma source(%dma_start3A_1803 : memref<8192x1024xf32, #tpu.memory_space<hbm>>) target(%dma_start3A_1798 : memref<16x1024xf32, #tpu.memory_space<vmem>>) offsets(%dma_start3A_1800 : memref<16xi32, #tpu.memory_space<vmem>>) semaphore(%dma_start3A_1805 : memref<!tpu.dma_semaphore, #tpu.memory_space<semaphore_mem>>)
    %dma_wait3A_1806 = arith.constant 3 : i32
    %dma_wait3A_1807 = arith.constant 3 : i32
    %dma_wait3A_1808 = arith.constant 0 : i32
    %dma_wait3A_1809 = arith.constant 0 : i32
    %dma_wait3A_1810 = tpu.memref_slice %arg6[%dma_wait3A_1806, %dma_wait3A_1808, %dma_wait3A_1809] : memref<6x16x1024xf32, #tpu.memory_space<vmem>> -> memref<1x16x1024xf32, #tpu.memory_space<vmem>>
    %dma_wait3A_1811 = tpu.memref_squeeze %dma_wait3A_1810 : memref<1x16x1024xf32, #tpu.memory_space<vmem>> -> memref<16x1024xf32, #tpu.memory_space<vmem>>
    %dma_wait3A_1812 = arith.constant 432 : i32
    %dma_wait3A_1813 = tpu.memref_slice %arg5[%dma_wait3A_1812] : memref<512xi32, #tpu.memory_space<vmem>> -> memref<16xi32, #tpu.memory_space<vmem>>
    %dma_wait3A_1814 = arith.constant 0 : i32
    %dma_wait3A_1815 = arith.constant 0 : i32
    %dma_wait3A_1816 = tpu.memref_slice %arg3[%dma_wait3A_1814, %dma_wait3A_1815] : memref<8192x1024xf32, #tpu.memory_space<hbm>> -> memref<8192x1024xf32, #tpu.memory_space<hbm>>
    %dma_wait3A_1817 = tpu.memref_slice %arg7[%dma_wait3A_1807] : memref<6x!tpu.dma_semaphore, #tpu.memory_space<semaphore_mem>> -> memref<1x!tpu.dma_semaphore, #tpu.memory_space<semaphore_mem>>
    %dma_wait3A_1818 = tpu.memref_squeeze %dma_wait3A_1817 : memref<1x!tpu.dma_semaphore, #tpu.memory_space<semaphore_mem>> -> memref<!tpu.dma_semaphore, #tpu.memory_space<semaphore_mem>>
    tpu.wait_indirect_dma semaphore(%dma_wait3A_1818 : memref<!tpu.dma_semaphore, #tpu.memory_space<semaphore_mem>>) src(%dma_wait3A_1816 : memref<8192x1024xf32, #tpu.memory_space<hbm>>) dst(%dma_wait3A_1811 : memref<16x1024xf32, #tpu.memory_space<vmem>>)
    %add3A_1819 = arith.constant 432 : i32
    %add3A_1820 = arith.addi %mul3A_32, %add3A_1819 : i32
    %dma_start3A_1821 = arith.constant 3 : i32
    %dma_start3A_1822 = arith.constant 3 : i32
    %dma_start3A_1823 = arith.constant 0 : i32
    %dma_start3A_1824 = arith.constant 0 : i32
    %dma_start3A_1825 = tpu.memref_slice %arg6[%dma_start3A_1821, %dma_start3A_1823, %dma_start3A_1824] : memref<6x16x1024xf32, #tpu.memory_space<vmem>> -> memref<1x16x1024xf32, #tpu.memory_space<vmem>>
    %dma_start3A_1826 = tpu.memref_squeeze %dma_start3A_1825 : memref<1x16x1024xf32, #tpu.memory_space<vmem>> -> memref<16x1024xf32, #tpu.memory_space<vmem>>
    %dma_start3A_1827 = arith.constant 0 : i32
    %dma_start3A_1828 = tpu.memref_slice %arg4[%select_n3A, %add3A_1820, %dma_start3A_1827] : memref<4x4096x1024xf32, #tpu.memory_space<hbm>> -> memref<1x16x1024xf32, #tpu.memory_space<hbm>>
    %dma_start3A_1829 = tpu.memref_squeeze %dma_start3A_1828 : memref<1x16x1024xf32, #tpu.memory_space<hbm>> -> memref<16x1024xf32, #tpu.memory_space<hbm>>
    %dma_start3A_1830 = tpu.memref_slice %arg8[%dma_start3A_1822] : memref<6x!tpu.dma_semaphore, #tpu.memory_space<semaphore_mem>> -> memref<1x!tpu.dma_semaphore, #tpu.memory_space<semaphore_mem>>
    %dma_start3A_1831 = tpu.memref_squeeze %dma_start3A_1830 : memref<1x!tpu.dma_semaphore, #tpu.memory_space<semaphore_mem>> -> memref<!tpu.dma_semaphore, #tpu.memory_space<semaphore_mem>>
    %dma_start3A_1832 = arith.constant 0 : i32
    %dma_start3A_1833 = tpu.memref_slice %arg4[%select_n3A, %add3A_1820, %dma_start3A_1832] : memref<4x4096x1024xf32, #tpu.memory_space<hbm>> -> memref<1x16x1024xf32, #tpu.memory_space<hbm>>
    %dma_start3A_1834 = tpu.memref_squeeze %dma_start3A_1833 : memref<1x16x1024xf32, #tpu.memory_space<hbm>> -> memref<16x1024xf32, #tpu.memory_space<hbm>>
    %dma_start3A_1835 = arith.constant 0 : i32
    %dma_start3A_1836 = arith.constant 0 : i32
    %dma_start3A_1837 = tpu.memref_slice %arg6[%dma_start3A_1821, %dma_start3A_1835, %dma_start3A_1836] : memref<6x16x1024xf32, #tpu.memory_space<vmem>> -> memref<1x16x1024xf32, #tpu.memory_space<vmem>>
    %dma_start3A_1838 = tpu.memref_squeeze %dma_start3A_1837 : memref<1x16x1024xf32, #tpu.memory_space<vmem>> -> memref<16x1024xf32, #tpu.memory_space<vmem>>
    tpu.enqueue_dma source(%dma_start3A_1838 : memref<16x1024xf32, #tpu.memory_space<vmem>>) target(%dma_start3A_1834 : memref<16x1024xf32, #tpu.memory_space<hbm>>) target_semaphore(%dma_start3A_1831 : memref<!tpu.dma_semaphore, #tpu.memory_space<semaphore_mem>>)
    %dma_wait3A_1839 = arith.constant 4 : i32
    %dma_wait3A_1840 = arith.constant 4 : i32
    %dma_wait3A_1841 = arith.constant 0 : i32
    %dma_wait3A_1842 = arith.constant 0 : i32
    %dma_wait3A_1843 = tpu.memref_slice %arg6[%dma_wait3A_1839, %dma_wait3A_1841, %dma_wait3A_1842] : memref<6x16x1024xf32, #tpu.memory_space<vmem>> -> memref<1x16x1024xf32, #tpu.memory_space<vmem>>
    %dma_wait3A_1844 = tpu.memref_squeeze %dma_wait3A_1843 : memref<1x16x1024xf32, #tpu.memory_space<vmem>> -> memref<16x1024xf32, #tpu.memory_space<vmem>>
    %dma_wait3A_1845 = arith.constant 448 : i32
    %dma_wait3A_1846 = tpu.memref_slice %arg5[%dma_wait3A_1845] : memref<512xi32, #tpu.memory_space<vmem>> -> memref<16xi32, #tpu.memory_space<vmem>>
    %dma_wait3A_1847 = arith.constant 0 : i32
    %dma_wait3A_1848 = arith.constant 0 : i32
    %dma_wait3A_1849 = tpu.memref_slice %arg3[%dma_wait3A_1847, %dma_wait3A_1848] : memref<8192x1024xf32, #tpu.memory_space<hbm>> -> memref<8192x1024xf32, #tpu.memory_space<hbm>>
    %dma_wait3A_1850 = tpu.memref_slice %arg7[%dma_wait3A_1840] : memref<6x!tpu.dma_semaphore, #tpu.memory_space<semaphore_mem>> -> memref<1x!tpu.dma_semaphore, #tpu.memory_space<semaphore_mem>>
    %dma_wait3A_1851 = tpu.memref_squeeze %dma_wait3A_1850 : memref<1x!tpu.dma_semaphore, #tpu.memory_space<semaphore_mem>> -> memref<!tpu.dma_semaphore, #tpu.memory_space<semaphore_mem>>
    tpu.wait_indirect_dma semaphore(%dma_wait3A_1851 : memref<!tpu.dma_semaphore, #tpu.memory_space<semaphore_mem>>) src(%dma_wait3A_1849 : memref<8192x1024xf32, #tpu.memory_space<hbm>>) dst(%dma_wait3A_1844 : memref<16x1024xf32, #tpu.memory_space<vmem>>)
    %add3A_1852 = arith.constant 448 : i32
    %add3A_1853 = arith.addi %mul3A_32, %add3A_1852 : i32
    %dma_start3A_1854 = arith.constant 4 : i32
    %dma_start3A_1855 = arith.constant 4 : i32
    %dma_start3A_1856 = arith.constant 0 : i32
    %dma_start3A_1857 = arith.constant 0 : i32
    %dma_start3A_1858 = tpu.memref_slice %arg6[%dma_start3A_1854, %dma_start3A_1856, %dma_start3A_1857] : memref<6x16x1024xf32, #tpu.memory_space<vmem>> -> memref<1x16x1024xf32, #tpu.memory_space<vmem>>
    %dma_start3A_1859 = tpu.memref_squeeze %dma_start3A_1858 : memref<1x16x1024xf32, #tpu.memory_space<vmem>> -> memref<16x1024xf32, #tpu.memory_space<vmem>>
    %dma_start3A_1860 = arith.constant 0 : i32
    %dma_start3A_1861 = tpu.memref_slice %arg4[%select_n3A, %add3A_1853, %dma_start3A_1860] : memref<4x4096x1024xf32, #tpu.memory_space<hbm>> -> memref<1x16x1024xf32, #tpu.memory_space<hbm>>
    %dma_start3A_1862 = tpu.memref_squeeze %dma_start3A_1861 : memref<1x16x1024xf32, #tpu.memory_space<hbm>> -> memref<16x1024xf32, #tpu.memory_space<hbm>>
    %dma_start3A_1863 = tpu.memref_slice %arg8[%dma_start3A_1855] : memref<6x!tpu.dma_semaphore, #tpu.memory_space<semaphore_mem>> -> memref<1x!tpu.dma_semaphore, #tpu.memory_space<semaphore_mem>>
    %dma_start3A_1864 = tpu.memref_squeeze %dma_start3A_1863 : memref<1x!tpu.dma_semaphore, #tpu.memory_space<semaphore_mem>> -> memref<!tpu.dma_semaphore, #tpu.memory_space<semaphore_mem>>
    %dma_start3A_1865 = arith.constant 0 : i32
    %dma_start3A_1866 = tpu.memref_slice %arg4[%select_n3A, %add3A_1853, %dma_start3A_1865] : memref<4x4096x1024xf32, #tpu.memory_space<hbm>> -> memref<1x16x1024xf32, #tpu.memory_space<hbm>>
    %dma_start3A_1867 = tpu.memref_squeeze %dma_start3A_1866 : memref<1x16x1024xf32, #tpu.memory_space<hbm>> -> memref<16x1024xf32, #tpu.memory_space<hbm>>
    %dma_start3A_1868 = arith.constant 0 : i32
    %dma_start3A_1869 = arith.constant 0 : i32
    %dma_start3A_1870 = tpu.memref_slice %arg6[%dma_start3A_1854, %dma_start3A_1868, %dma_start3A_1869] : memref<6x16x1024xf32, #tpu.memory_space<vmem>> -> memref<1x16x1024xf32, #tpu.memory_space<vmem>>
    %dma_start3A_1871 = tpu.memref_squeeze %dma_start3A_1870 : memref<1x16x1024xf32, #tpu.memory_space<vmem>> -> memref<16x1024xf32, #tpu.memory_space<vmem>>
    tpu.enqueue_dma source(%dma_start3A_1871 : memref<16x1024xf32, #tpu.memory_space<vmem>>) target(%dma_start3A_1867 : memref<16x1024xf32, #tpu.memory_space<hbm>>) target_semaphore(%dma_start3A_1864 : memref<!tpu.dma_semaphore, #tpu.memory_space<semaphore_mem>>)
    %dma_wait3A_1872 = arith.constant 5 : i32
    %dma_wait3A_1873 = arith.constant 5 : i32
    %dma_wait3A_1874 = arith.constant 0 : i32
    %dma_wait3A_1875 = arith.constant 0 : i32
    %dma_wait3A_1876 = tpu.memref_slice %arg6[%dma_wait3A_1872, %dma_wait3A_1874, %dma_wait3A_1875] : memref<6x16x1024xf32, #tpu.memory_space<vmem>> -> memref<1x16x1024xf32, #tpu.memory_space<vmem>>
    %dma_wait3A_1877 = tpu.memref_squeeze %dma_wait3A_1876 : memref<1x16x1024xf32, #tpu.memory_space<vmem>> -> memref<16x1024xf32, #tpu.memory_space<vmem>>
    %dma_wait3A_1878 = arith.constant 464 : i32
    %dma_wait3A_1879 = tpu.memref_slice %arg5[%dma_wait3A_1878] : memref<512xi32, #tpu.memory_space<vmem>> -> memref<16xi32, #tpu.memory_space<vmem>>
    %dma_wait3A_1880 = arith.constant 0 : i32
    %dma_wait3A_1881 = arith.constant 0 : i32
    %dma_wait3A_1882 = tpu.memref_slice %arg3[%dma_wait3A_1880, %dma_wait3A_1881] : memref<8192x1024xf32, #tpu.memory_space<hbm>> -> memref<8192x1024xf32, #tpu.memory_space<hbm>>
    %dma_wait3A_1883 = tpu.memref_slice %arg7[%dma_wait3A_1873] : memref<6x!tpu.dma_semaphore, #tpu.memory_space<semaphore_mem>> -> memref<1x!tpu.dma_semaphore, #tpu.memory_space<semaphore_mem>>
    %dma_wait3A_1884 = tpu.memref_squeeze %dma_wait3A_1883 : memref<1x!tpu.dma_semaphore, #tpu.memory_space<semaphore_mem>> -> memref<!tpu.dma_semaphore, #tpu.memory_space<semaphore_mem>>
    tpu.wait_indirect_dma semaphore(%dma_wait3A_1884 : memref<!tpu.dma_semaphore, #tpu.memory_space<semaphore_mem>>) src(%dma_wait3A_1882 : memref<8192x1024xf32, #tpu.memory_space<hbm>>) dst(%dma_wait3A_1877 : memref<16x1024xf32, #tpu.memory_space<vmem>>)
    %add3A_1885 = arith.constant 464 : i32
    %add3A_1886 = arith.addi %mul3A_32, %add3A_1885 : i32
    %dma_start3A_1887 = arith.constant 5 : i32
    %dma_start3A_1888 = arith.constant 5 : i32
    %dma_start3A_1889 = arith.constant 0 : i32
    %dma_start3A_1890 = arith.constant 0 : i32
    %dma_start3A_1891 = tpu.memref_slice %arg6[%dma_start3A_1887, %dma_start3A_1889, %dma_start3A_1890] : memref<6x16x1024xf32, #tpu.memory_space<vmem>> -> memref<1x16x1024xf32, #tpu.memory_space<vmem>>
    %dma_start3A_1892 = tpu.memref_squeeze %dma_start3A_1891 : memref<1x16x1024xf32, #tpu.memory_space<vmem>> -> memref<16x1024xf32, #tpu.memory_space<vmem>>
    %dma_start3A_1893 = arith.constant 0 : i32
    %dma_start3A_1894 = tpu.memref_slice %arg4[%select_n3A, %add3A_1886, %dma_start3A_1893] : memref<4x4096x1024xf32, #tpu.memory_space<hbm>> -> memref<1x16x1024xf32, #tpu.memory_space<hbm>>
    %dma_start3A_1895 = tpu.memref_squeeze %dma_start3A_1894 : memref<1x16x1024xf32, #tpu.memory_space<hbm>> -> memref<16x1024xf32, #tpu.memory_space<hbm>>
    %dma_start3A_1896 = tpu.memref_slice %arg8[%dma_start3A_1888] : memref<6x!tpu.dma_semaphore, #tpu.memory_space<semaphore_mem>> -> memref<1x!tpu.dma_semaphore, #tpu.memory_space<semaphore_mem>>
    %dma_start3A_1897 = tpu.memref_squeeze %dma_start3A_1896 : memref<1x!tpu.dma_semaphore, #tpu.memory_space<semaphore_mem>> -> memref<!tpu.dma_semaphore, #tpu.memory_space<semaphore_mem>>
    %dma_start3A_1898 = arith.constant 0 : i32
    %dma_start3A_1899 = tpu.memref_slice %arg4[%select_n3A, %add3A_1886, %dma_start3A_1898] : memref<4x4096x1024xf32, #tpu.memory_space<hbm>> -> memref<1x16x1024xf32, #tpu.memory_space<hbm>>
    %dma_start3A_1900 = tpu.memref_squeeze %dma_start3A_1899 : memref<1x16x1024xf32, #tpu.memory_space<hbm>> -> memref<16x1024xf32, #tpu.memory_space<hbm>>
    %dma_start3A_1901 = arith.constant 0 : i32
    %dma_start3A_1902 = arith.constant 0 : i32
    %dma_start3A_1903 = tpu.memref_slice %arg6[%dma_start3A_1887, %dma_start3A_1901, %dma_start3A_1902] : memref<6x16x1024xf32, #tpu.memory_space<vmem>> -> memref<1x16x1024xf32, #tpu.memory_space<vmem>>
    %dma_start3A_1904 = tpu.memref_squeeze %dma_start3A_1903 : memref<1x16x1024xf32, #tpu.memory_space<vmem>> -> memref<16x1024xf32, #tpu.memory_space<vmem>>
    tpu.enqueue_dma source(%dma_start3A_1904 : memref<16x1024xf32, #tpu.memory_space<vmem>>) target(%dma_start3A_1900 : memref<16x1024xf32, #tpu.memory_space<hbm>>) target_semaphore(%dma_start3A_1897 : memref<!tpu.dma_semaphore, #tpu.memory_space<semaphore_mem>>)
    %dma_wait3A_1905 = arith.constant 0 : i32
    %dma_wait3A_1906 = arith.constant 0 : i32
    %dma_wait3A_1907 = arith.constant 0 : i32
    %dma_wait3A_1908 = arith.constant 0 : i32
    %dma_wait3A_1909 = tpu.memref_slice %arg6[%dma_wait3A_1905, %dma_wait3A_1907, %dma_wait3A_1908] : memref<6x16x1024xf32, #tpu.memory_space<vmem>> -> memref<1x16x1024xf32, #tpu.memory_space<vmem>>
    %dma_wait3A_1910 = tpu.memref_squeeze %dma_wait3A_1909 : memref<1x16x1024xf32, #tpu.memory_space<vmem>> -> memref<16x1024xf32, #tpu.memory_space<vmem>>
    %dma_wait3A_1911 = arith.constant 480 : i32
    %dma_wait3A_1912 = tpu.memref_slice %arg5[%dma_wait3A_1911] : memref<512xi32, #tpu.memory_space<vmem>> -> memref<16xi32, #tpu.memory_space<vmem>>
    %dma_wait3A_1913 = arith.constant 0 : i32
    %dma_wait3A_1914 = arith.constant 0 : i32
    %dma_wait3A_1915 = tpu.memref_slice %arg3[%dma_wait3A_1913, %dma_wait3A_1914] : memref<8192x1024xf32, #tpu.memory_space<hbm>> -> memref<8192x1024xf32, #tpu.memory_space<hbm>>
    %dma_wait3A_1916 = tpu.memref_slice %arg7[%dma_wait3A_1906] : memref<6x!tpu.dma_semaphore, #tpu.memory_space<semaphore_mem>> -> memref<1x!tpu.dma_semaphore, #tpu.memory_space<semaphore_mem>>
    %dma_wait3A_1917 = tpu.memref_squeeze %dma_wait3A_1916 : memref<1x!tpu.dma_semaphore, #tpu.memory_space<semaphore_mem>> -> memref<!tpu.dma_semaphore, #tpu.memory_space<semaphore_mem>>
    tpu.wait_indirect_dma semaphore(%dma_wait3A_1917 : memref<!tpu.dma_semaphore, #tpu.memory_space<semaphore_mem>>) src(%dma_wait3A_1915 : memref<8192x1024xf32, #tpu.memory_space<hbm>>) dst(%dma_wait3A_1910 : memref<16x1024xf32, #tpu.memory_space<vmem>>)
    %add3A_1918 = arith.constant 480 : i32
    %add3A_1919 = arith.addi %mul3A_32, %add3A_1918 : i32
    %dma_start3A_1920 = arith.constant 0 : i32
    %dma_start3A_1921 = arith.constant 0 : i32
    %dma_start3A_1922 = arith.constant 0 : i32
    %dma_start3A_1923 = arith.constant 0 : i32
    %dma_start3A_1924 = tpu.memref_slice %arg6[%dma_start3A_1920, %dma_start3A_1922, %dma_start3A_1923] : memref<6x16x1024xf32, #tpu.memory_space<vmem>> -> memref<1x16x1024xf32, #tpu.memory_space<vmem>>
    %dma_start3A_1925 = tpu.memref_squeeze %dma_start3A_1924 : memref<1x16x1024xf32, #tpu.memory_space<vmem>> -> memref<16x1024xf32, #tpu.memory_space<vmem>>
    %dma_start3A_1926 = arith.constant 0 : i32
    %dma_start3A_1927 = tpu.memref_slice %arg4[%select_n3A, %add3A_1919, %dma_start3A_1926] : memref<4x4096x1024xf32, #tpu.memory_space<hbm>> -> memref<1x16x1024xf32, #tpu.memory_space<hbm>>
    %dma_start3A_1928 = tpu.memref_squeeze %dma_start3A_1927 : memref<1x16x1024xf32, #tpu.memory_space<hbm>> -> memref<16x1024xf32, #tpu.memory_space<hbm>>
    %dma_start3A_1929 = tpu.memref_slice %arg8[%dma_start3A_1921] : memref<6x!tpu.dma_semaphore, #tpu.memory_space<semaphore_mem>> -> memref<1x!tpu.dma_semaphore, #tpu.memory_space<semaphore_mem>>
    %dma_start3A_1930 = tpu.memref_squeeze %dma_start3A_1929 : memref<1x!tpu.dma_semaphore, #tpu.memory_space<semaphore_mem>> -> memref<!tpu.dma_semaphore, #tpu.memory_space<semaphore_mem>>
    %dma_start3A_1931 = arith.constant 0 : i32
    %dma_start3A_1932 = tpu.memref_slice %arg4[%select_n3A, %add3A_1919, %dma_start3A_1931] : memref<4x4096x1024xf32, #tpu.memory_space<hbm>> -> memref<1x16x1024xf32, #tpu.memory_space<hbm>>
    %dma_start3A_1933 = tpu.memref_squeeze %dma_start3A_1932 : memref<1x16x1024xf32, #tpu.memory_space<hbm>> -> memref<16x1024xf32, #tpu.memory_space<hbm>>
    %dma_start3A_1934 = arith.constant 0 : i32
    %dma_start3A_1935 = arith.constant 0 : i32
    %dma_start3A_1936 = tpu.memref_slice %arg6[%dma_start3A_1920, %dma_start3A_1934, %dma_start3A_1935] : memref<6x16x1024xf32, #tpu.memory_space<vmem>> -> memref<1x16x1024xf32, #tpu.memory_space<vmem>>
    %dma_start3A_1937 = tpu.memref_squeeze %dma_start3A_1936 : memref<1x16x1024xf32, #tpu.memory_space<vmem>> -> memref<16x1024xf32, #tpu.memory_space<vmem>>
    tpu.enqueue_dma source(%dma_start3A_1937 : memref<16x1024xf32, #tpu.memory_space<vmem>>) target(%dma_start3A_1933 : memref<16x1024xf32, #tpu.memory_space<hbm>>) target_semaphore(%dma_start3A_1930 : memref<!tpu.dma_semaphore, #tpu.memory_space<semaphore_mem>>)
    %dma_wait3A_1938 = arith.constant 1 : i32
    %dma_wait3A_1939 = arith.constant 1 : i32
    %dma_wait3A_1940 = arith.constant 0 : i32
    %dma_wait3A_1941 = arith.constant 0 : i32
    %dma_wait3A_1942 = tpu.memref_slice %arg6[%dma_wait3A_1938, %dma_wait3A_1940, %dma_wait3A_1941] : memref<6x16x1024xf32, #tpu.memory_space<vmem>> -> memref<1x16x1024xf32, #tpu.memory_space<vmem>>
    %dma_wait3A_1943 = tpu.memref_squeeze %dma_wait3A_1942 : memref<1x16x1024xf32, #tpu.memory_space<vmem>> -> memref<16x1024xf32, #tpu.memory_space<vmem>>
    %dma_wait3A_1944 = arith.constant 496 : i32
    %dma_wait3A_1945 = tpu.memref_slice %arg5[%dma_wait3A_1944] : memref<512xi32, #tpu.memory_space<vmem>> -> memref<16xi32, #tpu.memory_space<vmem>>
    %dma_wait3A_1946 = arith.constant 0 : i32
    %dma_wait3A_1947 = arith.constant 0 : i32
    %dma_wait3A_1948 = tpu.memref_slice %arg3[%dma_wait3A_1946, %dma_wait3A_1947] : memref<8192x1024xf32, #tpu.memory_space<hbm>> -> memref<8192x1024xf32, #tpu.memory_space<hbm>>
    %dma_wait3A_1949 = tpu.memref_slice %arg7[%dma_wait3A_1939] : memref<6x!tpu.dma_semaphore, #tpu.memory_space<semaphore_mem>> -> memref<1x!tpu.dma_semaphore, #tpu.memory_space<semaphore_mem>>
    %dma_wait3A_1950 = tpu.memref_squeeze %dma_wait3A_1949 : memref<1x!tpu.dma_semaphore, #tpu.memory_space<semaphore_mem>> -> memref<!tpu.dma_semaphore, #tpu.memory_space<semaphore_mem>>
    tpu.wait_indirect_dma semaphore(%dma_wait3A_1950 : memref<!tpu.dma_semaphore, #tpu.memory_space<semaphore_mem>>) src(%dma_wait3A_1948 : memref<8192x1024xf32, #tpu.memory_space<hbm>>) dst(%dma_wait3A_1943 : memref<16x1024xf32, #tpu.memory_space<vmem>>)
    %add3A_1951 = arith.constant 496 : i32
    %add3A_1952 = arith.addi %mul3A_32, %add3A_1951 : i32
    %dma_start3A_1953 = arith.constant 1 : i32
    %dma_start3A_1954 = arith.constant 1 : i32
    %dma_start3A_1955 = arith.constant 0 : i32
    %dma_start3A_1956 = arith.constant 0 : i32
    %dma_start3A_1957 = tpu.memref_slice %arg6[%dma_start3A_1953, %dma_start3A_1955, %dma_start3A_1956] : memref<6x16x1024xf32, #tpu.memory_space<vmem>> -> memref<1x16x1024xf32, #tpu.memory_space<vmem>>
    %dma_start3A_1958 = tpu.memref_squeeze %dma_start3A_1957 : memref<1x16x1024xf32, #tpu.memory_space<vmem>> -> memref<16x1024xf32, #tpu.memory_space<vmem>>
    %dma_start3A_1959 = arith.constant 0 : i32
    %dma_start3A_1960 = tpu.memref_slice %arg4[%select_n3A, %add3A_1952, %dma_start3A_1959] : memref<4x4096x1024xf32, #tpu.memory_space<hbm>> -> memref<1x16x1024xf32, #tpu.memory_space<hbm>>
    %dma_start3A_1961 = tpu.memref_squeeze %dma_start3A_1960 : memref<1x16x1024xf32, #tpu.memory_space<hbm>> -> memref<16x1024xf32, #tpu.memory_space<hbm>>
    %dma_start3A_1962 = tpu.memref_slice %arg8[%dma_start3A_1954] : memref<6x!tpu.dma_semaphore, #tpu.memory_space<semaphore_mem>> -> memref<1x!tpu.dma_semaphore, #tpu.memory_space<semaphore_mem>>
    %dma_start3A_1963 = tpu.memref_squeeze %dma_start3A_1962 : memref<1x!tpu.dma_semaphore, #tpu.memory_space<semaphore_mem>> -> memref<!tpu.dma_semaphore, #tpu.memory_space<semaphore_mem>>
    %dma_start3A_1964 = arith.constant 0 : i32
    %dma_start3A_1965 = tpu.memref_slice %arg4[%select_n3A, %add3A_1952, %dma_start3A_1964] : memref<4x4096x1024xf32, #tpu.memory_space<hbm>> -> memref<1x16x1024xf32, #tpu.memory_space<hbm>>
    %dma_start3A_1966 = tpu.memref_squeeze %dma_start3A_1965 : memref<1x16x1024xf32, #tpu.memory_space<hbm>> -> memref<16x1024xf32, #tpu.memory_space<hbm>>
    %dma_start3A_1967 = arith.constant 0 : i32
    %dma_start3A_1968 = arith.constant 0 : i32
    %dma_start3A_1969 = tpu.memref_slice %arg6[%dma_start3A_1953, %dma_start3A_1967, %dma_start3A_1968] : memref<6x16x1024xf32, #tpu.memory_space<vmem>> -> memref<1x16x1024xf32, #tpu.memory_space<vmem>>
    %dma_start3A_1970 = tpu.memref_squeeze %dma_start3A_1969 : memref<1x16x1024xf32, #tpu.memory_space<vmem>> -> memref<16x1024xf32, #tpu.memory_space<vmem>>
    tpu.enqueue_dma source(%dma_start3A_1970 : memref<16x1024xf32, #tpu.memory_space<vmem>>) target(%dma_start3A_1966 : memref<16x1024xf32, #tpu.memory_space<hbm>>) target_semaphore(%dma_start3A_1963 : memref<!tpu.dma_semaphore, #tpu.memory_space<semaphore_mem>>)
    %dma_wait3A_1971 = arith.constant 2 : i32
    %dma_wait3A_1972 = arith.constant 2 : i32
    %dma_wait3A_1973 = arith.constant 0 : i32
    %dma_wait3A_1974 = arith.constant 0 : i32
    %dma_wait3A_1975 = tpu.memref_slice %arg6[%dma_wait3A_1971, %dma_wait3A_1973, %dma_wait3A_1974] : memref<6x16x1024xf32, #tpu.memory_space<vmem>> -> memref<1x16x1024xf32, #tpu.memory_space<vmem>>
    %dma_wait3A_1976 = tpu.memref_squeeze %dma_wait3A_1975 : memref<1x16x1024xf32, #tpu.memory_space<vmem>> -> memref<16x1024xf32, #tpu.memory_space<vmem>>
    %dma_wait3A_1977 = arith.constant 0 : i32
    %dma_wait3A_1978 = tpu.memref_slice %arg4[%select_n3A, %add3A_1756, %dma_wait3A_1977] : memref<4x4096x1024xf32, #tpu.memory_space<hbm>> -> memref<1x16x1024xf32, #tpu.memory_space<hbm>>
    %dma_wait3A_1979 = tpu.memref_squeeze %dma_wait3A_1978 : memref<1x16x1024xf32, #tpu.memory_space<hbm>> -> memref<16x1024xf32, #tpu.memory_space<hbm>>
    %dma_wait3A_1980 = tpu.memref_slice %arg8[%dma_wait3A_1972] : memref<6x!tpu.dma_semaphore, #tpu.memory_space<semaphore_mem>> -> memref<1x!tpu.dma_semaphore, #tpu.memory_space<semaphore_mem>>
    %dma_wait3A_1981 = tpu.memref_squeeze %dma_wait3A_1980 : memref<1x!tpu.dma_semaphore, #tpu.memory_space<semaphore_mem>> -> memref<!tpu.dma_semaphore, #tpu.memory_space<semaphore_mem>>
    %dma_wait3A_1982 = arith.constant 0 : i32
    %dma_wait3A_1983 = tpu.memref_slice %arg4[%select_n3A, %add3A_1756, %dma_wait3A_1982] : memref<4x4096x1024xf32, #tpu.memory_space<hbm>> -> memref<1x16x1024xf32, #tpu.memory_space<hbm>>
    %dma_wait3A_1984 = tpu.memref_squeeze %dma_wait3A_1983 : memref<1x16x1024xf32, #tpu.memory_space<hbm>> -> memref<16x1024xf32, #tpu.memory_space<hbm>>
    %dma_wait3A_1985 = arith.constant 0 : i32
    %dma_wait3A_1986 = arith.constant 0 : i32
    %dma_wait3A_1987 = tpu.memref_slice %arg6[%dma_wait3A_1971, %dma_wait3A_1985, %dma_wait3A_1986] : memref<6x16x1024xf32, #tpu.memory_space<vmem>> -> memref<1x16x1024xf32, #tpu.memory_space<vmem>>
    %dma_wait3A_1988 = tpu.memref_squeeze %dma_wait3A_1987 : memref<1x16x1024xf32, #tpu.memory_space<vmem>> -> memref<16x1024xf32, #tpu.memory_space<vmem>>
    tpu.wait_dma2 semaphore(%dma_wait3A_1981 : memref<!tpu.dma_semaphore, #tpu.memory_space<semaphore_mem>>) src(%dma_wait3A_1988 : memref<16x1024xf32, #tpu.memory_space<vmem>>) dst(%dma_wait3A_1984 : memref<16x1024xf32, #tpu.memory_space<hbm>>)
    %dma_wait3A_1989 = arith.constant 3 : i32
    %dma_wait3A_1990 = arith.constant 3 : i32
    %dma_wait3A_1991 = arith.constant 0 : i32
    %dma_wait3A_1992 = arith.constant 0 : i32
    %dma_wait3A_1993 = tpu.memref_slice %arg6[%dma_wait3A_1989, %dma_wait3A_1991, %dma_wait3A_1992] : memref<6x16x1024xf32, #tpu.memory_space<vmem>> -> memref<1x16x1024xf32, #tpu.memory_space<vmem>>
    %dma_wait3A_1994 = tpu.memref_squeeze %dma_wait3A_1993 : memref<1x16x1024xf32, #tpu.memory_space<vmem>> -> memref<16x1024xf32, #tpu.memory_space<vmem>>
    %dma_wait3A_1995 = arith.constant 0 : i32
    %dma_wait3A_1996 = tpu.memref_slice %arg4[%select_n3A, %add3A_1820, %dma_wait3A_1995] : memref<4x4096x1024xf32, #tpu.memory_space<hbm>> -> memref<1x16x1024xf32, #tpu.memory_space<hbm>>
    %dma_wait3A_1997 = tpu.memref_squeeze %dma_wait3A_1996 : memref<1x16x1024xf32, #tpu.memory_space<hbm>> -> memref<16x1024xf32, #tpu.memory_space<hbm>>
    %dma_wait3A_1998 = tpu.memref_slice %arg8[%dma_wait3A_1990] : memref<6x!tpu.dma_semaphore, #tpu.memory_space<semaphore_mem>> -> memref<1x!tpu.dma_semaphore, #tpu.memory_space<semaphore_mem>>
    %dma_wait3A_1999 = tpu.memref_squeeze %dma_wait3A_1998 : memref<1x!tpu.dma_semaphore, #tpu.memory_space<semaphore_mem>> -> memref<!tpu.dma_semaphore, #tpu.memory_space<semaphore_mem>>
    %dma_wait3A_2000 = arith.constant 0 : i32
    %dma_wait3A_2001 = tpu.memref_slice %arg4[%select_n3A, %add3A_1820, %dma_wait3A_2000] : memref<4x4096x1024xf32, #tpu.memory_space<hbm>> -> memref<1x16x1024xf32, #tpu.memory_space<hbm>>
    %dma_wait3A_2002 = tpu.memref_squeeze %dma_wait3A_2001 : memref<1x16x1024xf32, #tpu.memory_space<hbm>> -> memref<16x1024xf32, #tpu.memory_space<hbm>>
    %dma_wait3A_2003 = arith.constant 0 : i32
    %dma_wait3A_2004 = arith.constant 0 : i32
    %dma_wait3A_2005 = tpu.memref_slice %arg6[%dma_wait3A_1989, %dma_wait3A_2003, %dma_wait3A_2004] : memref<6x16x1024xf32, #tpu.memory_space<vmem>> -> memref<1x16x1024xf32, #tpu.memory_space<vmem>>
    %dma_wait3A_2006 = tpu.memref_squeeze %dma_wait3A_2005 : memref<1x16x1024xf32, #tpu.memory_space<vmem>> -> memref<16x1024xf32, #tpu.memory_space<vmem>>
    tpu.wait_dma2 semaphore(%dma_wait3A_1999 : memref<!tpu.dma_semaphore, #tpu.memory_space<semaphore_mem>>) src(%dma_wait3A_2006 : memref<16x1024xf32, #tpu.memory_space<vmem>>) dst(%dma_wait3A_2002 : memref<16x1024xf32, #tpu.memory_space<hbm>>)
    %dma_wait3A_2007 = arith.constant 4 : i32
    %dma_wait3A_2008 = arith.constant 4 : i32
    %dma_wait3A_2009 = arith.constant 0 : i32
    %dma_wait3A_2010 = arith.constant 0 : i32
    %dma_wait3A_2011 = tpu.memref_slice %arg6[%dma_wait3A_2007, %dma_wait3A_2009, %dma_wait3A_2010] : memref<6x16x1024xf32, #tpu.memory_space<vmem>> -> memref<1x16x1024xf32, #tpu.memory_space<vmem>>
    %dma_wait3A_2012 = tpu.memref_squeeze %dma_wait3A_2011 : memref<1x16x1024xf32, #tpu.memory_space<vmem>> -> memref<16x1024xf32, #tpu.memory_space<vmem>>
    %dma_wait3A_2013 = arith.constant 0 : i32
    %dma_wait3A_2014 = tpu.memref_slice %arg4[%select_n3A, %add3A_1853, %dma_wait3A_2013] : memref<4x4096x1024xf32, #tpu.memory_space<hbm>> -> memref<1x16x1024xf32, #tpu.memory_space<hbm>>
    %dma_wait3A_2015 = tpu.memref_squeeze %dma_wait3A_2014 : memref<1x16x1024xf32, #tpu.memory_space<hbm>> -> memref<16x1024xf32, #tpu.memory_space<hbm>>
    %dma_wait3A_2016 = tpu.memref_slice %arg8[%dma_wait3A_2008] : memref<6x!tpu.dma_semaphore, #tpu.memory_space<semaphore_mem>> -> memref<1x!tpu.dma_semaphore, #tpu.memory_space<semaphore_mem>>
    %dma_wait3A_2017 = tpu.memref_squeeze %dma_wait3A_2016 : memref<1x!tpu.dma_semaphore, #tpu.memory_space<semaphore_mem>> -> memref<!tpu.dma_semaphore, #tpu.memory_space<semaphore_mem>>
    %dma_wait3A_2018 = arith.constant 0 : i32
    %dma_wait3A_2019 = tpu.memref_slice %arg4[%select_n3A, %add3A_1853, %dma_wait3A_2018] : memref<4x4096x1024xf32, #tpu.memory_space<hbm>> -> memref<1x16x1024xf32, #tpu.memory_space<hbm>>
    %dma_wait3A_2020 = tpu.memref_squeeze %dma_wait3A_2019 : memref<1x16x1024xf32, #tpu.memory_space<hbm>> -> memref<16x1024xf32, #tpu.memory_space<hbm>>
    %dma_wait3A_2021 = arith.constant 0 : i32
    %dma_wait3A_2022 = arith.constant 0 : i32
    %dma_wait3A_2023 = tpu.memref_slice %arg6[%dma_wait3A_2007, %dma_wait3A_2021, %dma_wait3A_2022] : memref<6x16x1024xf32, #tpu.memory_space<vmem>> -> memref<1x16x1024xf32, #tpu.memory_space<vmem>>
    %dma_wait3A_2024 = tpu.memref_squeeze %dma_wait3A_2023 : memref<1x16x1024xf32, #tpu.memory_space<vmem>> -> memref<16x1024xf32, #tpu.memory_space<vmem>>
    tpu.wait_dma2 semaphore(%dma_wait3A_2017 : memref<!tpu.dma_semaphore, #tpu.memory_space<semaphore_mem>>) src(%dma_wait3A_2024 : memref<16x1024xf32, #tpu.memory_space<vmem>>) dst(%dma_wait3A_2020 : memref<16x1024xf32, #tpu.memory_space<hbm>>)
    %dma_wait3A_2025 = arith.constant 5 : i32
    %dma_wait3A_2026 = arith.constant 5 : i32
    %dma_wait3A_2027 = arith.constant 0 : i32
    %dma_wait3A_2028 = arith.constant 0 : i32
    %dma_wait3A_2029 = tpu.memref_slice %arg6[%dma_wait3A_2025, %dma_wait3A_2027, %dma_wait3A_2028] : memref<6x16x1024xf32, #tpu.memory_space<vmem>> -> memref<1x16x1024xf32, #tpu.memory_space<vmem>>
    %dma_wait3A_2030 = tpu.memref_squeeze %dma_wait3A_2029 : memref<1x16x1024xf32, #tpu.memory_space<vmem>> -> memref<16x1024xf32, #tpu.memory_space<vmem>>
    %dma_wait3A_2031 = arith.constant 0 : i32
    %dma_wait3A_2032 = tpu.memref_slice %arg4[%select_n3A, %add3A_1886, %dma_wait3A_2031] : memref<4x4096x1024xf32, #tpu.memory_space<hbm>> -> memref<1x16x1024xf32, #tpu.memory_space<hbm>>
    %dma_wait3A_2033 = tpu.memref_squeeze %dma_wait3A_2032 : memref<1x16x1024xf32, #tpu.memory_space<hbm>> -> memref<16x1024xf32, #tpu.memory_space<hbm>>
    %dma_wait3A_2034 = tpu.memref_slice %arg8[%dma_wait3A_2026] : memref<6x!tpu.dma_semaphore, #tpu.memory_space<semaphore_mem>> -> memref<1x!tpu.dma_semaphore, #tpu.memory_space<semaphore_mem>>
    %dma_wait3A_2035 = tpu.memref_squeeze %dma_wait3A_2034 : memref<1x!tpu.dma_semaphore, #tpu.memory_space<semaphore_mem>> -> memref<!tpu.dma_semaphore, #tpu.memory_space<semaphore_mem>>
    %dma_wait3A_2036 = arith.constant 0 : i32
    %dma_wait3A_2037 = tpu.memref_slice %arg4[%select_n3A, %add3A_1886, %dma_wait3A_2036] : memref<4x4096x1024xf32, #tpu.memory_space<hbm>> -> memref<1x16x1024xf32, #tpu.memory_space<hbm>>
    %dma_wait3A_2038 = tpu.memref_squeeze %dma_wait3A_2037 : memref<1x16x1024xf32, #tpu.memory_space<hbm>> -> memref<16x1024xf32, #tpu.memory_space<hbm>>
    %dma_wait3A_2039 = arith.constant 0 : i32
    %dma_wait3A_2040 = arith.constant 0 : i32
    %dma_wait3A_2041 = tpu.memref_slice %arg6[%dma_wait3A_2025, %dma_wait3A_2039, %dma_wait3A_2040] : memref<6x16x1024xf32, #tpu.memory_space<vmem>> -> memref<1x16x1024xf32, #tpu.memory_space<vmem>>
    %dma_wait3A_2042 = tpu.memref_squeeze %dma_wait3A_2041 : memref<1x16x1024xf32, #tpu.memory_space<vmem>> -> memref<16x1024xf32, #tpu.memory_space<vmem>>
    tpu.wait_dma2 semaphore(%dma_wait3A_2035 : memref<!tpu.dma_semaphore, #tpu.memory_space<semaphore_mem>>) src(%dma_wait3A_2042 : memref<16x1024xf32, #tpu.memory_space<vmem>>) dst(%dma_wait3A_2038 : memref<16x1024xf32, #tpu.memory_space<hbm>>)
    %dma_wait3A_2043 = arith.constant 0 : i32
    %dma_wait3A_2044 = arith.constant 0 : i32
    %dma_wait3A_2045 = arith.constant 0 : i32
    %dma_wait3A_2046 = arith.constant 0 : i32
    %dma_wait3A_2047 = tpu.memref_slice %arg6[%dma_wait3A_2043, %dma_wait3A_2045, %dma_wait3A_2046] : memref<6x16x1024xf32, #tpu.memory_space<vmem>> -> memref<1x16x1024xf32, #tpu.memory_space<vmem>>
    %dma_wait3A_2048 = tpu.memref_squeeze %dma_wait3A_2047 : memref<1x16x1024xf32, #tpu.memory_space<vmem>> -> memref<16x1024xf32, #tpu.memory_space<vmem>>
    %dma_wait3A_2049 = arith.constant 0 : i32
    %dma_wait3A_2050 = tpu.memref_slice %arg4[%select_n3A, %add3A_1919, %dma_wait3A_2049] : memref<4x4096x1024xf32, #tpu.memory_space<hbm>> -> memref<1x16x1024xf32, #tpu.memory_space<hbm>>
    %dma_wait3A_2051 = tpu.memref_squeeze %dma_wait3A_2050 : memref<1x16x1024xf32, #tpu.memory_space<hbm>> -> memref<16x1024xf32, #tpu.memory_space<hbm>>
    %dma_wait3A_2052 = tpu.memref_slice %arg8[%dma_wait3A_2044] : memref<6x!tpu.dma_semaphore, #tpu.memory_space<semaphore_mem>> -> memref<1x!tpu.dma_semaphore, #tpu.memory_space<semaphore_mem>>
    %dma_wait3A_2053 = tpu.memref_squeeze %dma_wait3A_2052 : memref<1x!tpu.dma_semaphore, #tpu.memory_space<semaphore_mem>> -> memref<!tpu.dma_semaphore, #tpu.memory_space<semaphore_mem>>
    %dma_wait3A_2054 = arith.constant 0 : i32
    %dma_wait3A_2055 = tpu.memref_slice %arg4[%select_n3A, %add3A_1919, %dma_wait3A_2054] : memref<4x4096x1024xf32, #tpu.memory_space<hbm>> -> memref<1x16x1024xf32, #tpu.memory_space<hbm>>
    %dma_wait3A_2056 = tpu.memref_squeeze %dma_wait3A_2055 : memref<1x16x1024xf32, #tpu.memory_space<hbm>> -> memref<16x1024xf32, #tpu.memory_space<hbm>>
    %dma_wait3A_2057 = arith.constant 0 : i32
    %dma_wait3A_2058 = arith.constant 0 : i32
    %dma_wait3A_2059 = tpu.memref_slice %arg6[%dma_wait3A_2043, %dma_wait3A_2057, %dma_wait3A_2058] : memref<6x16x1024xf32, #tpu.memory_space<vmem>> -> memref<1x16x1024xf32, #tpu.memory_space<vmem>>
    %dma_wait3A_2060 = tpu.memref_squeeze %dma_wait3A_2059 : memref<1x16x1024xf32, #tpu.memory_space<vmem>> -> memref<16x1024xf32, #tpu.memory_space<vmem>>
    tpu.wait_dma2 semaphore(%dma_wait3A_2053 : memref<!tpu.dma_semaphore, #tpu.memory_space<semaphore_mem>>) src(%dma_wait3A_2060 : memref<16x1024xf32, #tpu.memory_space<vmem>>) dst(%dma_wait3A_2056 : memref<16x1024xf32, #tpu.memory_space<hbm>>)
    %dma_wait3A_2061 = arith.constant 1 : i32
    %dma_wait3A_2062 = arith.constant 1 : i32
    %dma_wait3A_2063 = arith.constant 0 : i32
    %dma_wait3A_2064 = arith.constant 0 : i32
    %dma_wait3A_2065 = tpu.memref_slice %arg6[%dma_wait3A_2061, %dma_wait3A_2063, %dma_wait3A_2064] : memref<6x16x1024xf32, #tpu.memory_space<vmem>> -> memref<1x16x1024xf32, #tpu.memory_space<vmem>>
    %dma_wait3A_2066 = tpu.memref_squeeze %dma_wait3A_2065 : memref<1x16x1024xf32, #tpu.memory_space<vmem>> -> memref<16x1024xf32, #tpu.memory_space<vmem>>
    %dma_wait3A_2067 = arith.constant 0 : i32
    %dma_wait3A_2068 = tpu.memref_slice %arg4[%select_n3A, %add3A_1952, %dma_wait3A_2067] : memref<4x4096x1024xf32, #tpu.memory_space<hbm>> -> memref<1x16x1024xf32, #tpu.memory_space<hbm>>
    %dma_wait3A_2069 = tpu.memref_squeeze %dma_wait3A_2068 : memref<1x16x1024xf32, #tpu.memory_space<hbm>> -> memref<16x1024xf32, #tpu.memory_space<hbm>>
    %dma_wait3A_2070 = tpu.memref_slice %arg8[%dma_wait3A_2062] : memref<6x!tpu.dma_semaphore, #tpu.memory_space<semaphore_mem>> -> memref<1x!tpu.dma_semaphore, #tpu.memory_space<semaphore_mem>>
    %dma_wait3A_2071 = tpu.memref_squeeze %dma_wait3A_2070 : memref<1x!tpu.dma_semaphore, #tpu.memory_space<semaphore_mem>> -> memref<!tpu.dma_semaphore, #tpu.memory_space<semaphore_mem>>
    %dma_wait3A_2072 = arith.constant 0 : i32
    %dma_wait3A_2073 = tpu.memref_slice %arg4[%select_n3A, %add3A_1952, %dma_wait3A_2072] : memref<4x4096x1024xf32, #tpu.memory_space<hbm>> -> memref<1x16x1024xf32, #tpu.memory_space<hbm>>
    %dma_wait3A_2074 = tpu.memref_squeeze %dma_wait3A_2073 : memref<1x16x1024xf32, #tpu.memory_space<hbm>> -> memref<16x1024xf32, #tpu.memory_space<hbm>>
    %dma_wait3A_2075 = arith.constant 0 : i32
    %dma_wait3A_2076 = arith.constant 0 : i32
    %dma_wait3A_2077 = tpu.memref_slice %arg6[%dma_wait3A_2061, %dma_wait3A_2075, %dma_wait3A_2076] : memref<6x16x1024xf32, #tpu.memory_space<vmem>> -> memref<1x16x1024xf32, #tpu.memory_space<vmem>>
    %dma_wait3A_2078 = tpu.memref_squeeze %dma_wait3A_2077 : memref<1x16x1024xf32, #tpu.memory_space<vmem>> -> memref<16x1024xf32, #tpu.memory_space<vmem>>
    tpu.wait_dma2 semaphore(%dma_wait3A_2071 : memref<!tpu.dma_semaphore, #tpu.memory_space<semaphore_mem>>) src(%dma_wait3A_2078 : memref<16x1024xf32, #tpu.memory_space<vmem>>) dst(%dma_wait3A_2074 : memref<16x1024xf32, #tpu.memory_space<hbm>>)
    return
  }
}

</mosaic_0001>

<sc_bundles>
// kernel: kernel.3.cloned.1.call-start
scs
__scs_entry_jumppad:
0x0: {  	(pc) =	sbr.rel $0x88, $3  }
0x1: {  	(tag) =	ssettag $0x0;
	lr =	simm.s32 $0x1  }
0x2: {  	[smem:$0x3F9F] =	sst lr;
	_ =	strace $0xD0000000  }
0x3: {  	_ = 	snop  }
0x4: {  	_ = 	snop  }
0x5: {  	_ = 	snop  }
0x6: {  	_ = 	snop  }
0x7: {  	_ = 	snop  }
__scs_overlays_trampoline_lowered:
0x8: {  	[smem:$0x3FAE] =	sst s0  }
0x9: {  	[smem:$0x3FAF] =	sst s1  }
0xa: {  	[smem:$0x3FB0] =	sst s2  }
0xb: {  	[smem:$0x3FB1] =	sst s3  }
0xc: {  	[smem:$0x3FB2] =	sst s4  }
0xd: {  	[smem:$0x3FB3] =	sst s5  }
0xe: {  	[smem:$0x3FB4] =	sst s6  }
0xf: {  	[smem:$0x3FB5] =	sst s7  }
0x10: {  	[smem:$0x3FB6] =	sst s8  }
0x11: {  	[smem:$0x3FB7] =	sst s9;
	s0 =	simm.s32 @!p0 $0x0  }
0x12: {  	s1 =	sld [smem:$0x3F9D];
	s0 =	simm.s32 @p0 $0x1  }
0x13: {  	[smem:$0x3FB8] =	sst s0;
	s0 =	simm.s32 @!p1 $0x0  }
0x14: {  	s2 =	sld [smem:$0x3F9C];
	s0 =	simm.s32 @p1 $0x1  }
0x15: {  	[smem:$0x3FB9] =	sst s0;
	s0 =	simm.s32 @!p2 $0x0  }
0x16: {  	s3 =	sld [smem:$0x3FDB];
	s0 =	simm.s32 @p2 $0x1  }
0x17: {  	s4 =	simm.s32 $0x1BF5;
	[smem:$0x3FBB] =	sst s0  }
0x18: {  	s0 =	sld [smem:$0x3F9E];
	_ =	swait.ge [sflag:s4], $0x0  }
0x19: {  	s7 =	sld [smem:$0x3F9F]  }
0x1a: {  	s8 =	sadd.s32 $0xFFFFE003, lr  }
0x1b: {  	s9 =	sadd.s32 $0xFFFFFEF7, lr;
	s5 =	simm.s32 $0xFFFFFFFF;
	p2 =	slt.u32 s8, $0xFFFFF086  }
0x1c: {  	p1 =	slt.u32 s9, $0xF7A;
	s5 =	simm.s32 @!p2 $0x0  }
0x1d: {  	s5 =	simm.s32 @p1 $0x1;
	p0 =	seq.s32 s7, s2  }
0x1e: {  	s7 =	smul.u32 @!p0 $0xF7A, s2;
	p2 =	seq.s32 @!p0 s5, $0x0  }
0x1f: {  	s9 =	smul.u32 $0xF7A, s1;
	s8 =	simm.s32 @!p0 $0x1BF5;
	p2 =	por !p2, p0  }
0x20: {  	[sflag:s8] =	ssyncset.s32 @!p0 $0xFFFFF086;
	s6 =	sadd.s32 @!p0 s3, s7;
	s7 =	simm.s32 @!p0 $0x108  }
0x21: {  	s3 =	sadd.s32 s3, s9;
	s6 =	sadd.s32 @!p0 $0x88, s6;
	s7 =	simm.s32 @p2 $0x1082  }
0x22: {  	[simem:s7], [sflag:s8] =	dma.local @!p0 [hbm:s6], $0xF7A  }
0x23: {  	s9 =	sor.u32 $0xD0000000, s2;
	s6 =	simm.s32 $0x108;
	_ =	swait.ge @!p0 [sflag:s8], $0x0  }
0x24: {  	s3 =	sadd.s32 $0x88, s3;
	s6 =	simm.s32 @!p1 $0x1082;
	[sflag:s4] =	ssyncset.s32 $0xFFFFF086  }
0x25: {  	[simem:s6], [sflag:s4] =	dma.local [hbm:s3], $0xF7A  }
0x26: {  	[smem:$0x3F9F] =	sst s1;
	(tag) =	ssettag s2;
	_ =	strace s9  }
0x27: {  	s1 =	sld [smem:$0x3FAF]  }
0x28: {  	s2 =	sld [smem:$0x3FB0]  }
0x29: {  	s4 =	sld [smem:$0x3FB2]  }
0x2a: {  	p0 =	seq.s32 s5, $0x0;
	s5 =	sld [smem:$0x3FB3]  }
0x2b: {  	s6 =	sld [smem:$0x3FB4]  }
0x2c: {  	s7 =	sld [smem:$0x3FB5]  }
0x2d: {  	s3 =	simm.s32 $0x108;
	s8 =	sld [smem:$0x3FB6]  }
0x2e: {  	s3 =	simm.s32 @!p0 $0x1082;
	s9 =	sld [smem:$0x3FB7]  }
0x2f: {  	lr =	sadd.s32 s0, s3;
	s0 =	sld [smem:$0x3FAE]  }
0x30: {  	s3 =	sld [smem:$0x3FB1]  }
0x31: {  	[smem:$0x3FBA] =	sst s10  }
0x32: {  	s10 =	sld [smem:$0x3FB8];
	_ =	sdelay $0x3  }
0x33: {  	p0 =	seq.s32 s10, $0x1;
	s10 =	sld [smem:$0x3FBA];
	_ =	sdelay $0x3  }
0x34: {  	[smem:$0x3FBA] =	sst s10  }
0x35: {  	s10 =	sld [smem:$0x3FB9];
	_ =	sdelay $0x3  }
0x36: {  	p1 =	seq.s32 s10, $0x1;
	s10 =	sld [smem:$0x3FBA];
	_ =	sdelay $0x3  }
0x37: {  	[smem:$0x3FBA] =	sst s10  }
0x38: {  	s10 =	sld [smem:$0x3FBB]  }
0x39: {  	_ = 	snop;
	(pc) =	sbr.ind lr, $3  }
0x3a: {  	_ = 	snop  }
0x3b: {  	_ = 	snop  }
0x3c: {  	p2 =	seq.s32 s10, $0x1;
	s10 =	sld [smem:$0x3FBA]  }
0x3d: {  	_ =	shalt  }
0x3e: {  	_ =	shalt  }
0x3f: {  	_ =	shalt  }
0x40: {  	_ =	shalt  }
0x41: {  	_ =	shalt  }
0x42: {  	_ =	shalt  }
0x43: {  	_ =	shalt  }
0x44: {  	_ =	shalt  }
0x45: {  	_ =	shalt  }
0x46: {  	_ =	shalt  }
0x47: {  	_ =	shalt  }
0x48: {  	_ =	shalt  }
0x49: {  	_ =	shalt  }
0x4a: {  	_ =	shalt  }
0x4b: {  	_ =	shalt  }
0x4c: {  	_ =	shalt  }
0x4d: {  	_ =	shalt  }
0x4e: {  	_ =	shalt  }
0x4f: {  	_ =	shalt  }
0x50: {  	_ =	shalt  }
0x51: {  	_ =	shalt  }
0x52: {  	_ =	shalt  }
0x53: {  	_ =	shalt  }
0x54: {  	_ =	shalt  }
0x55: {  	_ =	shalt  }
0x56: {  	_ =	shalt  }
0x57: {  	_ =	shalt  }
0x58: {  	_ =	shalt  }
0x59: {  	_ =	shalt  }
0x5a: {  	_ =	shalt  }
0x5b: {  	_ =	shalt  }
0x5c: {  	_ =	shalt  }
0x5d: {  	_ =	shalt  }
0x5e: {  	_ =	shalt  }
0x5f: {  	_ =	shalt  }
0x60: {  	_ =	shalt  }
0x61: {  	_ =	shalt  }
0x62: {  	_ =	shalt  }
0x63: {  	_ =	shalt  }
0x64: {  	_ =	shalt  }
0x65: {  	_ =	shalt  }
0x66: {  	_ =	shalt  }
0x67: {  	_ =	shalt  }
0x68: {  	_ =	shalt  }
0x69: {  	_ =	shalt  }
0x6a: {  	_ =	shalt  }
0x6b: {  	_ =	shalt  }
0x6c: {  	_ =	shalt  }
0x6d: {  	_ =	shalt  }
0x6e: {  	_ =	shalt  }
0x6f: {  	_ =	shalt  }
0x70: {  	_ =	shalt  }
0x71: {  	_ =	shalt  }
0x72: {  	_ =	shalt  }
0x73: {  	_ =	shalt  }
0x74: {  	_ =	shalt  }
0x75: {  	_ =	shalt  }
0x76: {  	_ =	shalt  }
0x77: {  	_ =	shalt  }
0x78: {  	_ =	shalt  }
0x79: {  	_ =	shalt  }
0x7a: {  	_ =	shalt  }
0x7b: {  	_ =	shalt  }
0x7c: {  	_ =	shalt  }
0x7d: {  	_ =	shalt  }
0x7e: {  	_ =	shalt  }
0x7f: {  	_ =	shalt  }
0x80: {  	_ =	shalt  }
0x81: {  	_ =	shalt  }
0x82: {  	_ =	shalt  }
0x83: {  	_ =	shalt  }
0x84: {  	_ =	shalt  }
0x85: {  	_ =	shalt  }
0x86: {  	_ =	shalt  }
0x87: {  	_ =	shalt  }
.Lfunc_end0:
.L_simem_size_0:
called_computation_lowered:
.L_overlay_start_0:
0x88: {  	s2 =	sld [smem:$0x3FD9]  }
0x89: {  	s3 =	sld [smem:$0x3FFE];
	_ =	sdelay $0x1  }
0x8a: {  	s1 =	srdreg.scid  }
0x8b: {  	s0 =	sand.u32 $0x1, s1  }
0x8c: {  	s18 =	sshll.u32 s0, $0xA;
	s2 =	sadd.s32 s3, s2  }
0x8d: {  	s2 =	sadd.s32 s2, s18  }
0x8e: {  	[smem:$0x3FC6] =	sst s2  }
0x8f: {  	_ = 	snop  }
0x90: {  	s2 =	sld [smem:$0x3FC9]  }
0x91: {  	s19 =	sld [smem:$0x3FC8]  }
0x92: {  	s4 =	sld [smem:$0x3FD0];
	(tm) =	ssettm $0x1  }
0x93: {  	s5 =	sld [smem:$0x3FFB];
	_ =	sdelay $0x3  }
0x94: {  	_ =	strace s5  }
0x95: {  	s5 =	sld [smem:$0x3FFC];
	_ =	sdelay $0x3  }
0x96: {  	_ =	strace s5  }
0x97: {  	s5 =	sld [smem:$0x3FFD];
	_ =	sdelay $0x3  }
0x98: {  	_ =	strace s5  }
0x99: {  	_ =	strace $0x8FFFFFFF  }
0x9a: {  	s20 =	sld [smem:$0x3FDB];
	_ =	sdelay $0x1  }
0x9b: {  	s6 =	simm.s32 $_scs_section_size  }
0x9c: {  	s7 =	simm.s32 $_size__tile_overlayer_lowered;
	s8 =	simm.s32 $_tile_overlayer_lowered  }
0x9d: {  	s23 =	simm.s32 $0x1BFF;
	s22 =	sshll.u32 s8, $0x1;
	s5 =	sadd.s32 s6, s20  }
0x9e: {  	s9 =	simm.s32 $0x0;
	s21 =	sshll.u32 s7, $0x1;
	s7 =	sadd.s32 s22, s5  }
0x9f: {  	[timem:s9], [sflag:s23] =	dma.local [hbm:s7], s21  }
0xa0: {  	_ =	swait.ge [sflag:s23], s21  }
0xa1: {  	s6 =	ssub.s32 $0x0, s21;
	[sflag:s23] =	ssyncset.done $0x0  }
0xa2: {  	[sflag:s23] =	ssyncadd.s32 s6;
	_ =	sdelay $0x1  }
0xa3: {  	s24 =	simm.s32 $0x1B8B  }
0xa4: {  	_ =	swait.ge [sflag:s24], $0x1  }
0xa5: {  	[sflag:s24] =	ssyncset.done $0x0  }
0xa6: {  	s25 =	simm.s32 $0x1B8E;
	[sflag:s24] =	ssyncadd.s32 $0xFFFFFFFF  }
0xa7: {  	s26 =	simm.s32 $execute0_lowered;
	[smem:$0x3FD2] =	sst s25  }
0xa8: {  	s6 =	sshll.u32 s26, $0x1;
	_ =	strace $0x80000046;
	[dreg:$0x1] =	wrdreg $0xFFFFFFFF  }
0xa9: {  	s28 =	simm.s32 $_size_execute0_lowered;
	s5 =	sadd.s32 s5, s6;
	[dreg:$0x0] =	wrdreg $0x0  }
0xaa: {  	s6 =	sshll.u32 s28, $0x1;
	[dreg:$0x2] =	wrdreg s5  }
0xab: {  	[dreg:$0x3] =	wrdreg s6  }
0xac: {  	[dreg:$0x4] =	wrdreg $0xC0  }
0xad: {  	_ =	task [dreg:s9], $0x5FFFF  }
0xae: {  	[dreg:$0x1] =	wrdreg $0xFFFFFFFF  }
0xaf: {  	[dreg:$0x0] =	wrdreg $0x60  }
0xb0: {  	[dreg:$0x2] =	wrdreg s2  }
0xb1: {  	[dreg:$0x3] =	wrdreg s19  }
0xb2: {  	[dreg:$0x4] =	wrdreg s4  }
0xb3: {  	[dreg:$0x5] =	wrdreg $0x9  }
0xb4: {  	_ =	task.clear_ibuf [dreg:s9], $0x6FFFF;
	_ =	strace $0x90000046  }
0xb5: {  	s29 =	simm.s32 $0x9;
	_ =	strace $0x80000048  }
0xb6: {  	_ =	swait.ge [sflag:s29], $0x1  }
0xb7: {  	[sflag:s29] =	ssyncadd.s32 $0xFFFFFFFF  }
0xb8: {  	_ =	strace $0x90000048  }
0xb9: {  	_ =	sfence  }
0xba: {  	s30 =	sld [smem:$0x0];
	_ =	sdelay $0x2  }
0xbb: {  	s31 =	sshll.u32 s1, $0xD;
	s1 =	sshrl.u32 s1, $0x2  }
0xbc: {  	s3 =	sand.u32 $0x4000, s31;
	s1 =	sadd.s32 s1, s30  }
0xbd: {  	s0 =	sor.u32 s3, s0;
	s1 =	sshll.u32 s1, $0x11  }
0xbe: {  	s0 =	sor.u32 s1, s0  }
0xbf: {  	s0 =	sadd.s32 $0x8F2B, s0  }
0xc0: {  	[sflag:s0] =	ssyncadd.remote.s32 $0x1  }
0xc1: {  	_ =	sfence.sel $0xFFFF  }
0xc2: {  	[dreg:$0x0] =	wrdreg $0xFFFFFFFF;
	(pc) =	sbr.abs _section_cstart, $3  }
0xc3: {  	[dreg:$0x1] =	wrdreg $0xFFFFFFFF  }
0xc4: {  	_ =	task.clear_ibuf [dreg:s9], $0x2FFFF;
	_ =	strace $0x9FFFFFFF  }
0xc5: {  	(tm) =	ssettm $0x7FFFFFFF  }
tec
execute0_lowered:
.L_overlay_start_1:
0x0: {  	(tag) =	ssettag $0x1  }
0x1: {  	s1 =	rddreg [dreg:$0x0]  }
0x2: {  	s2 =	rddreg [dreg:$0x1]  }
0x3: {  	s4 =	rddreg [dreg:$0x2];
	s6 =	stileid.u32  }
0x4: {  	s0 =	srdreg.scid;
	s3 =	simm.s32 $0x0;
	s5 =	sshll.u32 s6, $0x1  }
0x5: {  	s0 =	sand.u32 $0x1, s0;
	s6 =	sshrl.u32 s6, $0x2;
	s5 =	sand.u32 $0x6, s5  }
0x6: {  	s8 =	sshll.u32 s6, $0x4;
	s6 =	sshll.u32 s6, $0x13;
	s5 =	sor.u32 s0, s5  }
0x7: {  	s1 =	sadd.s32 s1, s8;
	s7 =	sshll.u32 s5, $0x10;
	s5 =	sshll.u32 s5, $0x8  }
0x8: {  	[smem:$0x7FF] =	sst s3;
	s6 =	sor.u32 s6, s7;
	s1 =	sadd.s32 s5, s1  }
0x9: {  	_ =	strace $0x80000047;
	s7 =	sadd.s32 s4, s6;
	[dreg:$0x4] =	wrdreg s1  }
0xa: {  	s20 =	sadd.s32 $0x800, s7;
	[smem:$0x7FB] =	sst s7  }
0xb: {  	s21 =	sadd.s32 $0x1000, s7;
	[dreg:$0x5] =	wrdreg s20  }
0xc: {  	s22 =	sadd.s32 $0x1800, s7;
	[dreg:$0x6] =	wrdreg s21  }
0xd: {  	s23 =	sadd.s32 $0x2000, s7;
	[dreg:$0x7] =	wrdreg s22  }
0xe: {  	s24 =	sadd.s32 $0x2800, s7;
	[dreg:$0x8] =	wrdreg s23  }
0xf: {  	s25 =	sadd.s32 $0x3000, s7;
	[dreg:$0x9] =	wrdreg s24  }
0x10: {  	s26 =	sadd.s32 $0x3800, s7;
	[dreg:$0xa] =	wrdreg s25  }
0x11: {  	s28 =	sadd.s32 $0x4000, s7;
	[dreg:$0xb] =	wrdreg s26  }
0x12: {  	s31 =	sadd.s32 $0x4800, s7;
	[dreg:$0xc] =	wrdreg s28  }
0x13: {  	s4 =	sadd.s32 $0x5000, s7;
	[dreg:$0xd] =	wrdreg s31  }
0x14: {  	s5 =	sadd.s32 $0x5800, s7;
	[dreg:$0xe] =	wrdreg s4  }
0x15: {  	s6 =	sadd.s32 $0x6000, s7;
	[dreg:$0xf] =	wrdreg s5  }
0x16: {  	s8 =	sadd.s32 $0x6800, s7;
	[dreg:$0x10] =	wrdreg s6  }
0x17: {  	s9 =	sadd.s32 $0x7000, s7;
	[dreg:$0x11] =	wrdreg s8  }
0x18: {  	s10 =	sadd.s32 $0x7800, s7;
	[dreg:$0x12] =	wrdreg s9  }
0x19: {  	s11 =	sadd.s32 $0x8000, s7;
	[dreg:$0x13] =	wrdreg s10  }
0x1a: {  	s12 =	sadd.s32 $0x8800, s7;
	[dreg:$0x14] =	wrdreg s11  }
0x1b: {  	s13 =	sadd.s32 $0x9000, s7;
	[dreg:$0x15] =	wrdreg s12  }
0x1c: {  	s14 =	sadd.s32 $0x9800, s7;
	[dreg:$0x16] =	wrdreg s13  }
0x1d: {  	s15 =	sadd.s32 $0xA000, s7;
	[dreg:$0x17] =	wrdreg s14  }
0x1e: {  	s16 =	sadd.s32 $0xA800, s7;
	[dreg:$0x18] =	wrdreg s15  }
0x1f: {  	s17 =	sadd.s32 $0xB000, s7;
	[dreg:$0x19] =	wrdreg s16  }
0x20: {  	s18 =	sadd.s32 $0xB800, s7;
	[dreg:$0x1a] =	wrdreg s17  }
0x21: {  	s30 =	simm.s32 $0x1;
	s19 =	sadd.s32 $0xC000, s7;
	[dreg:$0x1b] =	wrdreg s18  }
0x22: {  	s29 =	simm.s32 $0x2;
	s0 =	ssub.s32 $0x2, s0;
	[dreg:$0x1c] =	wrdreg s19  }
0x23: {  	s20 =	sadd.s32 $0xC800, s7;
	s21 =	sadd.s32 $0xD000, s7;
	s22 =	sadd.s32 $0xD800, s7  }
0x24: {  	s23 =	sshrl.u32 s0, $0x1;
	s24 =	sadd.s32 $0xE000, s7;
	s25 =	sadd.s32 $0xE800, s7  }
0x25: {  	s5 =	sadd.s32 $0x100, s2;
	s26 =	sadd.s32 $0xF000, s7;
	[dreg:$0x1d] =	wrdreg s20  }
0x26: {  	s6 =	sadd.s32 $0x200, s2;
	s28 =	sadd.s32 $0xF800, s7;
	[dreg:$0x1e] =	wrdreg s21  }
0x27: {  	s7 =	sadd.s32 $0x300, s2;
	s31 =	simm.s32 $0x80;
	[dreg:$0x1f] =	wrdreg s22  }
0x28: {  	s10 =	simm.s32 $0x8;
	s11 =	simm.s32 $0x4;
	[smem:$0x7F8] =	sst s24  }
0x29: {  	s12 =	simm.s32 $0x9;
	s13 =	simm.s32 $0x5;
	[smem:$0x7F9] =	sst s25  }
0x2a: {  	s14 =	simm.s32 $0xA;
	s15 =	simm.s32 $0x6;
	[smem:$0x7FA] =	sst s26  }
0x2b: {  	v2 =	vlaneseq.u32;
	s16 =	simm.s32 $0xB;
	s17 =	simm.s32 $0xC;
	[smem:$0x7FC] =	sst s28  }
0x2c: {  	vm0 =	vmmov $0xffff;
	v1 =	vshrl.u32 v2, $0x3;
	s0 =	ssub.s32 s0, s23;
	[smem:$0x7FD] =	sst s31;
	s24 =	simm.s32 $0x3  }
0x2d: {  	v0 =	vand.u32 $0x7, v2;
	v2 =	vor.u32 $0x8, v2;
	v1 =	vmul.u32 $0x8, v1;
	s26 =	simm.s32 $0x200;
	s4 =	smax.u32 s0, $0x1;
	s0 =	simm.s32 $0x7  }
.LBB2_1:
0x2e: {  	s20 =	sld [smem:$0x7FD]  }
0x2f: {  	[smem:$0x7F7] =	sst s4  }
0x30: {  	s19 =	rddreg [dreg:$0x4];
	s18 =	simm.s32 $0xD  }
0x31: {  	[tilespmem:s3], [sflag:$0xD] =	stream.strided.gather [hbm4b:s19+s20], $0x200, s26, s20, $0x38;
	[tilespmem:$0x18200] =	vst v63  }
0x32: {  	_ =	swait.ge [sflag:s18], $0x200  }
0x33: {  	[sflag:s18] =	ssyncset.done $0x0  }
0x34: {  	[sflag:s18] =	ssyncadd.s32 $0xFFFFFE00  }
0x35: {  	v3 =	vld [tilespmem:$0x0];
	_ =	sdelay $0x4  }
0x36: {  	v4 =	vshll.u32 v3, $0x3  }
0x37: {  	v3 =	vand.u32 $0x7, v3;
	v4 =	vand.u32 $0xFFFFFFC0, v4  }
0x38: {  	v3 =	vor.u32 v3, v4  }
0x39: {  	v4 =	vperm.xlane v3, v0;
	_ =	sdelay $0x1  }
0x3a: {  	v4 =	vadd.s32 v1, v4;
	_ =	sdelay $0x4  }
0x3b: {  	[tilespmem:s26], [sflag:$0x1] =	stream.indirect_vreg.gather [hbm4b:s2+s3], $0x80, v4, vm0, $0xb8;
	[tilespmem:$0x18200] =	vst v63  }
0x3c: {  	s20 =	simm.s32 $0xA00;
	v3 =	vperm.xlane v3, v2  }
0x3d: {  	[tilespmem:s20], [sflag:$0x1] =	stream.indirect_vreg.gather [hbm4b:s5+s3], $0x80, v4, vm0, $0xb8;
	[tilespmem:$0x18200] =	vst v63  }
0x3e: {  	s21 =	simm.s32 $0x1200;
	v3 =	vadd.s32 v1, v3  }
0x3f: {  	[tilespmem:s21], [sflag:$0x1] =	stream.indirect_vreg.gather [hbm4b:s6+s3], $0x80, v4, vm0, $0xb8;
	[tilespmem:$0x18200] =	vst v63  }
0x40: {  	s22 =	simm.s32 $0x1A00  }
0x41: {  	[tilespmem:s22], [sflag:$0x1] =	stream.indirect_vreg.gather [hbm4b:s7+s3], $0x80, v4, vm0, $0xb8;
	[tilespmem:$0x18200] =	vst v63  }
0x42: {  	s23 =	simm.s32 $0x2200  }
0x43: {  	[tilespmem:s23], [sflag:$0x1] =	stream.indirect_vreg.gather [hbm4b:s2+s3], $0x80, v3, vm0, $0xb8;
	[tilespmem:$0x18200] =	vst v63  }
0x44: {  	s25 =	simm.s32 $0x2A00  }
0x45: {  	[tilespmem:s25], [sflag:$0x1] =	stream.indirect_vreg.gather [hbm4b:s5+s3], $0x80, v3, vm0, $0xb8;
	[tilespmem:$0x18200] =	vst v63  }
0x46: {  	s28 =	simm.s32 $0x3200  }
0x47: {  	[tilespmem:s28], [sflag:$0x1] =	stream.indirect_vreg.gather [hbm4b:s6+s3], $0x80, v3, vm0, $0xb8;
	[tilespmem:$0x18200] =	vst v63  }
0x48: {  	s31 =	simm.s32 $0x3A00  }
0x49: {  	[tilespmem:s31], [sflag:$0x1] =	stream.indirect_vreg.gather [hbm4b:s7+s3], $0x80, v3, vm0, $0xb8;
	[tilespmem:$0x18200] =	vst v63  }
0x4a: {  	v3 =	vld [tilespmem:$0x10];
	_ =	sdelay $0x4  }
0x4b: {  	v33 =	vshll.u32 v3, $0x3  }
0x4c: {  	v3 =	vand.u32 $0x7, v3;
	v4 =	vand.u32 $0xFFFFFFC0, v33  }
0x4d: {  	v3 =	vor.u32 v3, v4  }
0x4e: {  	v4 =	vperm.xlane v3, v0;
	_ =	sdelay $0x1  }
0x4f: {  	v4 =	vadd.s32 v1, v4;
	_ =	sdelay $0x3  }
0x50: {  	s8 =	simm.s32 $0x4200  }
0x51: {  	[tilespmem:s8], [sflag:$0x2] =	stream.indirect_vreg.gather [hbm4b:s2+s3], $0x80, v4, vm0, $0xb8;
	[tilespmem:$0x18200] =	vst v63  }
0x52: {  	s9 =	simm.s32 $0x4A00;
	v3 =	vperm.xlane v3, v2  }
0x53: {  	[tilespmem:s9], [sflag:$0x2] =	stream.indirect_vreg.gather [hbm4b:s5+s3], $0x80, v4, vm0, $0xb8;
	[tilespmem:$0x18200] =	vst v63  }
0x54: {  	s18 =	simm.s32 $0x5200;
	v3 =	vadd.s32 v1, v3  }
0x55: {  	[tilespmem:s18], [sflag:$0x2] =	stream.indirect_vreg.gather [hbm4b:s6+s3], $0x80, v4, vm0, $0xb8;
	[tilespmem:$0x18200] =	vst v63  }
0x56: {  	s20 =	simm.s32 $0x5A00  }
0x57: {  	[tilespmem:s20], [sflag:$0x2] =	stream.indirect_vreg.gather [hbm4b:s7+s3], $0x80, v4, vm0, $0xb8;
	[tilespmem:$0x18200] =	vst v63  }
0x58: {  	s21 =	simm.s32 $0x6200  }
0x59: {  	[tilespmem:s21], [sflag:$0x2] =	stream.indirect_vreg.gather [hbm4b:s2+s3], $0x80, v3, vm0, $0xb8;
	[tilespmem:$0x18200] =	vst v63  }
0x5a: {  	s22 =	simm.s32 $0x6A00  }
0x5b: {  	[tilespmem:s22], [sflag:$0x2] =	stream.indirect_vreg.gather [hbm4b:s5+s3], $0x80, v3, vm0, $0xb8;
	[tilespmem:$0x18200] =	vst v63  }
0x5c: {  	s23 =	simm.s32 $0x7200  }
0x5d: {  	[tilespmem:s23], [sflag:$0x2] =	stream.indirect_vreg.gather [hbm4b:s6+s3], $0x80, v3, vm0, $0xb8;
	[tilespmem:$0x18200] =	vst v63  }
0x5e: {  	s28 =	simm.s32 $0x7A00  }
0x5f: {  	[tilespmem:s28], [sflag:$0x2] =	stream.indirect_vreg.gather [hbm4b:s7+s3], $0x80, v3, vm0, $0xb8;
	[tilespmem:$0x18200] =	vst v63  }
0x60: {  	v3 =	vld [tilespmem:$0x20];
	_ =	sdelay $0x4  }
0x61: {  	v34 =	vshll.u32 v3, $0x3  }
0x62: {  	v3 =	vand.u32 $0x7, v3;
	v4 =	vand.u32 $0xFFFFFFC0, v34  }
0x63: {  	v3 =	vor.u32 v3, v4  }
0x64: {  	v4 =	vperm.xlane v3, v0;
	_ =	sdelay $0x1  }
0x65: {  	v4 =	vadd.s32 v1, v4;
	_ =	sdelay $0x3  }
0x66: {  	s31 =	simm.s32 $0x8200  }
0x67: {  	[tilespmem:s31], [sflag:$0x3] =	stream.indirect_vreg.gather [hbm4b:s2+s3], $0x80, v4, vm0, $0xb8;
	[tilespmem:$0x18200] =	vst v63  }
0x68: {  	s8 =	simm.s32 $0x8A00;
	v3 =	vperm.xlane v3, v2  }
0x69: {  	[tilespmem:s8], [sflag:$0x3] =	stream.indirect_vreg.gather [hbm4b:s5+s3], $0x80, v4, vm0, $0xb8;
	[tilespmem:$0x18200] =	vst v63  }
0x6a: {  	s9 =	simm.s32 $0x9200;
	v3 =	vadd.s32 v1, v3  }
0x6b: {  	[tilespmem:s9], [sflag:$0x3] =	stream.indirect_vreg.gather [hbm4b:s6+s3], $0x80, v4, vm0, $0xb8;
	[tilespmem:$0x18200] =	vst v63  }
0x6c: {  	s18 =	simm.s32 $0x9A00  }
0x6d: {  	[tilespmem:s18], [sflag:$0x3] =	stream.indirect_vreg.gather [hbm4b:s7+s3], $0x80, v4, vm0, $0xb8;
	[tilespmem:$0x18200] =	vst v63  }
0x6e: {  	s19 =	simm.s32 $0xA200  }
0x6f: {  	[tilespmem:s19], [sflag:$0x3] =	stream.indirect_vreg.gather [hbm4b:s2+s3], $0x80, v3, vm0, $0xb8;
	[tilespmem:$0x18200] =	vst v63  }
0x70: {  	s20 =	simm.s32 $0xAA00  }
0x71: {  	[tilespmem:s20], [sflag:$0x3] =	stream.indirect_vreg.gather [hbm4b:s5+s3], $0x80, v3, vm0, $0xb8;
	[tilespmem:$0x18200] =	vst v63  }
0x72: {  	s21 =	simm.s32 $0xB200  }
0x73: {  	[tilespmem:s21], [sflag:$0x3] =	stream.indirect_vreg.gather [hbm4b:s6+s3], $0x80, v3, vm0, $0xb8;
	[tilespmem:$0x18200] =	vst v63  }
0x74: {  	s22 =	simm.s32 $0xBA00  }
0x75: {  	[tilespmem:s22], [sflag:$0x3] =	stream.indirect_vreg.gather [hbm4b:s7+s3], $0x80, v3, vm0, $0xb8;
	[tilespmem:$0x18200] =	vst v63  }
0x76: {  	v3 =	vld [tilespmem:$0x30];
	_ =	sdelay $0x4  }
0x77: {  	v35 =	vshll.u32 v3, $0x3  }
0x78: {  	v3 =	vand.u32 $0x7, v3;
	v4 =	vand.u32 $0xFFFFFFC0, v35  }
0x79: {  	v3 =	vor.u32 v3, v4  }
0x7a: {  	v4 =	vperm.xlane v3, v0;
	_ =	sdelay $0x1  }
0x7b: {  	v4 =	vadd.s32 v1, v4;
	_ =	sdelay $0x3  }
0x7c: {  	s23 =	simm.s32 $0xC200  }
0x7d: {  	[tilespmem:s23], [sflag:$0x4] =	stream.indirect_vreg.gather [hbm4b:s2+s3], $0x80, v4, vm0, $0xb8;
	[tilespmem:$0x18200] =	vst v63  }
0x7e: {  	s28 =	simm.s32 $0xCA00;
	v3 =	vperm.xlane v3, v2  }
0x7f: {  	[tilespmem:s28], [sflag:$0x4] =	stream.indirect_vreg.gather [hbm4b:s5+s3], $0x80, v4, vm0, $0xb8;
	[tilespmem:$0x18200] =	vst v63  }
0x80: {  	s31 =	simm.s32 $0xD200;
	v3 =	vadd.s32 v1, v3  }
0x81: {  	[tilespmem:s31], [sflag:$0x4] =	stream.indirect_vreg.gather [hbm4b:s6+s3], $0x80, v4, vm0, $0xb8;
	[tilespmem:$0x18200] =	vst v63  }
0x82: {  	s8 =	simm.s32 $0xDA00  }
0x83: {  	[tilespmem:s8], [sflag:$0x4] =	stream.indirect_vreg.gather [hbm4b:s7+s3], $0x80, v4, vm0, $0xb8;
	[tilespmem:$0x18200] =	vst v63  }
0x84: {  	s18 =	simm.s32 $0xE200  }
0x85: {  	[tilespmem:s18], [sflag:$0x4] =	stream.indirect_vreg.gather [hbm4b:s2+s3], $0x80, v3, vm0, $0xb8;
	[tilespmem:$0x18200] =	vst v63  }
0x86: {  	s19 =	simm.s32 $0xEA00  }
0x87: {  	[tilespmem:s19], [sflag:$0x4] =	stream.indirect_vreg.gather [hbm4b:s5+s3], $0x80, v3, vm0, $0xb8;
	[tilespmem:$0x18200] =	vst v63  }
0x88: {  	s20 =	simm.s32 $0xF200  }
0x89: {  	[tilespmem:s20], [sflag:$0x4] =	stream.indirect_vreg.gather [hbm4b:s6+s3], $0x80, v3, vm0, $0xb8;
	[tilespmem:$0x18200] =	vst v63  }
0x8a: {  	s21 =	simm.s32 $0xFA00  }
0x8b: {  	[tilespmem:s21], [sflag:$0x4] =	stream.indirect_vreg.gather [hbm4b:s7+s3], $0x80, v3, vm0, $0xb8;
	[tilespmem:$0x18200] =	vst v63  }
0x8c: {  	v3 =	vld [tilespmem:$0x40];
	_ =	sdelay $0x4  }
0x8d: {  	v36 =	vshll.u32 v3, $0x3  }
0x8e: {  	v3 =	vand.u32 $0x7, v3;
	v4 =	vand.u32 $0xFFFFFFC0, v36  }
0x8f: {  	v3 =	vor.u32 v3, v4  }
0x90: {  	v4 =	vperm.xlane v3, v0;
	_ =	sdelay $0x1  }
0x91: {  	v4 =	vadd.s32 v1, v4;
	_ =	sdelay $0x3  }
0x92: {  	s22 =	simm.s32 $0x10200  }
0x93: {  	[tilespmem:s22], [sflag:$0x5] =	stream.indirect_vreg.gather [hbm4b:s2+s3], $0x80, v4, vm0, $0xb8;
	[tilespmem:$0x18200] =	vst v63  }
0x94: {  	s18 =	simm.s32 $0x10A00;
	v3 =	vperm.xlane v3, v2  }
0x95: {  	[tilespmem:s18], [sflag:$0x5] =	stream.indirect_vreg.gather [hbm4b:s5+s3], $0x80, v4, vm0, $0xb8;
	[tilespmem:$0x18200] =	vst v63  }
0x96: {  	s23 =	simm.s32 $0x11200;
	v3 =	vadd.s32 v1, v3  }
0x97: {  	[tilespmem:s23], [sflag:$0x5] =	stream.indirect_vreg.gather [hbm4b:s6+s3], $0x80, v4, vm0, $0xb8;
	[tilespmem:$0x18200] =	vst v63  }
0x98: {  	s4 =	simm.s32 $0x11A00  }
0x99: {  	[tilespmem:s4], [sflag:$0x5] =	stream.indirect_vreg.gather [hbm4b:s7+s3], $0x80, v4, vm0, $0xb8;
	[tilespmem:$0x18200] =	vst v63  }
0x9a: {  	s8 =	simm.s32 $0x12200  }
0x9b: {  	[tilespmem:s8], [sflag:$0x5] =	stream.indirect_vreg.gather [hbm4b:s2+s3], $0x80, v3, vm0, $0xb8;
	[tilespmem:$0x18200] =	vst v63  }
0x9c: {  	s19 =	simm.s32 $0x12A00  }
0x9d: {  	[tilespmem:s19], [sflag:$0x5] =	stream.indirect_vreg.gather [hbm4b:s5+s3], $0x80, v3, vm0, $0xb8;
	[tilespmem:$0x18200] =	vst v63  }
0x9e: {  	s20 =	simm.s32 $0x13200  }
0x9f: {  	[tilespmem:s20], [sflag:$0x5] =	stream.indirect_vreg.gather [hbm4b:s6+s3], $0x80, v3, vm0, $0xb8;
	[tilespmem:$0x18200] =	vst v63  }
0xa0: {  	s21 =	simm.s32 $0x13A00  }
0xa1: {  	[tilespmem:s21], [sflag:$0x5] =	stream.indirect_vreg.gather [hbm4b:s7+s3], $0x80, v3, vm0, $0xb8;
	[tilespmem:$0x18200] =	vst v63  }
0xa2: {  	_ =	swait.ge [sflag:s30], $0x4000  }
0xa3: {  	s22 =	sld [smem:$0x7FB]  }
0xa4: {  	[sflag:s30] =	ssyncset.done $0x0  }
0xa5: {  	[sflag:s30] =	ssyncadd.s32 $0xFFFFC000  }
0xa6: {  	[hbm4b:s22+s3] =	stream.linear.scatter [tilespmem:s26], [sflag:$0x7], $0x4000, $0x38;
	[tilespmem:$0x18200] =	vst v63  }
0xa7: {  	v3 =	vld [tilespmem:$0x50];
	_ =	sdelay $0x4  }
0xa8: {  	v37 =	vshll.u32 v3, $0x3  }
0xa9: {  	v3 =	vand.u32 $0x7, v3;
	v4 =	vand.u32 $0xFFFFFFC0, v37  }
0xaa: {  	v3 =	vor.u32 v3, v4  }
0xab: {  	v4 =	vperm.xlane v3, v0;
	_ =	sdelay $0x1  }
0xac: {  	v4 =	vadd.s32 v1, v4;
	_ =	sdelay $0x3  }
0xad: {  	s23 =	simm.s32 $0x14200  }
0xae: {  	[tilespmem:s23], [sflag:$0x6] =	stream.indirect_vreg.gather [hbm4b:s2+s3], $0x80, v4, vm0, $0xb8;
	[tilespmem:$0x18200] =	vst v63  }
0xaf: {  	s8 =	simm.s32 $0x14A00;
	v3 =	vperm.xlane v3, v2  }
0xb0: {  	[tilespmem:s8], [sflag:$0x6] =	stream.indirect_vreg.gather [hbm4b:s5+s3], $0x80, v4, vm0, $0xb8;
	[tilespmem:$0x18200] =	vst v63  }
0xb1: {  	s18 =	simm.s32 $0x15200;
	v3 =	vadd.s32 v1, v3  }
0xb2: {  	[tilespmem:s18], [sflag:$0x6] =	stream.indirect_vreg.gather [hbm4b:s6+s3], $0x80, v4, vm0, $0xb8;
	[tilespmem:$0x18200] =	vst v63  }
0xb3: {  	s20 =	simm.s32 $0x15A00  }
0xb4: {  	[tilespmem:s20], [sflag:$0x6] =	stream.indirect_vreg.gather [hbm4b:s7+s3], $0x80, v4, vm0, $0xb8;
	[tilespmem:$0x18200] =	vst v63  }
0xb5: {  	s21 =	simm.s32 $0x16200  }
0xb6: {  	[tilespmem:s21], [sflag:$0x6] =	stream.indirect_vreg.gather [hbm4b:s2+s3], $0x80, v3, vm0, $0xb8;
	[tilespmem:$0x18200] =	vst v63  }
0xb7: {  	s22 =	simm.s32 $0x16A00  }
0xb8: {  	[tilespmem:s22], [sflag:$0x6] =	stream.indirect_vreg.gather [hbm4b:s5+s3], $0x80, v3, vm0, $0xb8;
	[tilespmem:$0x18200] =	vst v63  }
0xb9: {  	s23 =	simm.s32 $0x17200  }
0xba: {  	[tilespmem:s23], [sflag:$0x6] =	stream.indirect_vreg.gather [hbm4b:s6+s3], $0x80, v3, vm0, $0xb8;
	[tilespmem:$0x18200] =	vst v63  }
0xbb: {  	s4 =	simm.s32 $0x17A00  }
0xbc: {  	[tilespmem:s4], [sflag:$0x6] =	stream.indirect_vreg.gather [hbm4b:s7+s3], $0x80, v3, vm0, $0xb8;
	[tilespmem:$0x18200] =	vst v63  }
0xbd: {  	_ =	swait.ge [sflag:s29], $0x4000  }
0xbe: {  	[sflag:s29] =	ssyncset.done $0x0  }
0xbf: {  	s18 =	simm.s32 $0x4200;
	s8 =	rddreg [dreg:$0x5];
	[sflag:s29] =	ssyncadd.s32 $0xFFFFC000  }
0xc0: {  	[hbm4b:s8+s3] =	stream.linear.scatter [tilespmem:s18], [sflag:$0x8], $0x4000, $0x38;
	[tilespmem:$0x18200] =	vst v63  }
0xc1: {  	_ =	swait.ge [sflag:s0], $0x4000  }
0xc2: {  	[sflag:s0] =	ssyncset.done $0x0  }
0xc3: {  	[sflag:s0] =	ssyncadd.s32 $0xFFFFC000  }
0xc4: {  	v3 =	vld [tilespmem:$0x60];
	_ =	sdelay $0x4  }
0xc5: {  	v38 =	vshll.u32 v3, $0x3  }
0xc6: {  	v3 =	vand.u32 $0x7, v3;
	v4 =	vand.u32 $0xFFFFFFC0, v38  }
0xc7: {  	v3 =	vor.u32 v3, v4  }
0xc8: {  	v4 =	vperm.xlane v3, v0;
	_ =	sdelay $0x1  }
0xc9: {  	v4 =	vadd.s32 v1, v4;
	_ =	sdelay $0x4  }
0xca: {  	[tilespmem:s26], [sflag:$0x1] =	stream.indirect_vreg.gather [hbm4b:s2+s3], $0x80, v4, vm0, $0xb8;
	[tilespmem:$0x18200] =	vst v63  }
0xcb: {  	s1 =	simm.s32 $0xA00;
	v3 =	vperm.xlane v3, v2  }
0xcc: {  	[tilespmem:s1], [sflag:$0x1] =	stream.indirect_vreg.gather [hbm4b:s5+s3], $0x80, v4, vm0, $0xb8;
	[tilespmem:$0x18200] =	vst v63  }
0xcd: {  	s20 =	simm.s32 $0x1200;
	v3 =	vadd.s32 v1, v3  }
0xce: {  	[tilespmem:s20], [sflag:$0x1] =	stream.indirect_vreg.gather [hbm4b:s6+s3], $0x80, v4, vm0, $0xb8;
	[tilespmem:$0x18200] =	vst v63  }
0xcf: {  	s22 =	simm.s32 $0x1A00  }
0xd0: {  	[tilespmem:s22], [sflag:$0x1] =	stream.indirect_vreg.gather [hbm4b:s7+s3], $0x80, v4, vm0, $0xb8;
	[tilespmem:$0x18200] =	vst v63  }
0xd1: {  	s21 =	simm.s32 $0x2200  }
0xd2: {  	[tilespmem:s21], [sflag:$0x1] =	stream.indirect_vreg.gather [hbm4b:s2+s3], $0x80, v3, vm0, $0xb8;
	[tilespmem:$0x18200] =	vst v63  }
0xd3: {  	s23 =	simm.s32 $0x2A00  }
0xd4: {  	[tilespmem:s23], [sflag:$0x1] =	stream.indirect_vreg.gather [hbm4b:s5+s3], $0x80, v3, vm0, $0xb8;
	[tilespmem:$0x18200] =	vst v63  }
0xd5: {  	s8 =	simm.s32 $0x3200  }
0xd6: {  	[tilespmem:s8], [sflag:$0x1] =	stream.indirect_vreg.gather [hbm4b:s6+s3], $0x80, v3, vm0, $0xb8;
	[tilespmem:$0x18200] =	vst v63  }
0xd7: {  	s25 =	simm.s32 $0x3A00  }
0xd8: {  	[tilespmem:s25], [sflag:$0x1] =	stream.indirect_vreg.gather [hbm4b:s7+s3], $0x80, v3, vm0, $0xb8;
	[tilespmem:$0x18200] =	vst v63  }
0xd9: {  	_ =	swait.ge [sflag:s24], $0x4000  }
0xda: {  	[sflag:s24] =	ssyncset.done $0x0  }
0xdb: {  	s25 =	simm.s32 $0x8200;
	s1 =	rddreg [dreg:$0x6];
	[sflag:s24] =	ssyncadd.s32 $0xFFFFC000  }
0xdc: {  	[hbm4b:s1+s3] =	stream.linear.scatter [tilespmem:s25], [sflag:$0x9], $0x4000, $0x38;
	[tilespmem:$0x18200] =	vst v63  }
0xdd: {  	_ =	swait.ge [sflag:s10], $0x4000  }
0xde: {  	[sflag:s10] =	ssyncset.done $0x0  }
0xdf: {  	[sflag:s10] =	ssyncadd.s32 $0xFFFFC000  }
0xe0: {  	v3 =	vld [tilespmem:$0x70];
	_ =	sdelay $0x4  }
0xe1: {  	v39 =	vshll.u32 v3, $0x3  }
0xe2: {  	v3 =	vand.u32 $0x7, v3;
	v4 =	vand.u32 $0xFFFFFFC0, v39  }
0xe3: {  	v3 =	vor.u32 v3, v4  }
0xe4: {  	v4 =	vperm.xlane v3, v0;
	_ =	sdelay $0x1  }
0xe5: {  	v4 =	vadd.s32 v1, v4;
	_ =	sdelay $0x4  }
0xe6: {  	[tilespmem:s18], [sflag:$0x2] =	stream.indirect_vreg.gather [hbm4b:s2+s3], $0x80, v4, vm0, $0xb8;
	[tilespmem:$0x18200] =	vst v63  }
0xe7: {  	s4 =	simm.s32 $0x4A00;
	v3 =	vperm.xlane v3, v2  }
0xe8: {  	[tilespmem:s4], [sflag:$0x2] =	stream.indirect_vreg.gather [hbm4b:s5+s3], $0x80, v4, vm0, $0xb8;
	[tilespmem:$0x18200] =	vst v63  }
0xe9: {  	v3 =	vadd.s32 v1, v3;
	s18 =	simm.s32 $0x5200  }
0xea: {  	[tilespmem:s18], [sflag:$0x2] =	stream.indirect_vreg.gather [hbm4b:s6+s3], $0x80, v4, vm0, $0xb8;
	[tilespmem:$0x18200] =	vst v63  }
0xeb: {  	s19 =	simm.s32 $0x5A00  }
0xec: {  	[tilespmem:s19], [sflag:$0x2] =	stream.indirect_vreg.gather [hbm4b:s7+s3], $0x80, v4, vm0, $0xb8;
	[tilespmem:$0x18200] =	vst v63  }
0xed: {  	s4 =	simm.s32 $0x6200  }
0xee: {  	[tilespmem:s4], [sflag:$0x2] =	stream.indirect_vreg.gather [hbm4b:s2+s3], $0x80, v3, vm0, $0xb8;
	[tilespmem:$0x18200] =	vst v63  }
0xef: {  	s18 =	simm.s32 $0x6A00  }
0xf0: {  	[tilespmem:s18], [sflag:$0x2] =	stream.indirect_vreg.gather [hbm4b:s5+s3], $0x80, v3, vm0, $0xb8;
	[tilespmem:$0x18200] =	vst v63  }
0xf1: {  	s19 =	simm.s32 $0x7200  }
0xf2: {  	[tilespmem:s19], [sflag:$0x2] =	stream.indirect_vreg.gather [hbm4b:s6+s3], $0x80, v3, vm0, $0xb8;
	[tilespmem:$0x18200] =	vst v63  }
0xf3: {  	s4 =	simm.s32 $0x7A00  }
0xf4: {  	[tilespmem:s4], [sflag:$0x2] =	stream.indirect_vreg.gather [hbm4b:s7+s3], $0x80, v3, vm0, $0xb8;
	[tilespmem:$0x18200] =	vst v63  }
0xf5: {  	_ =	swait.ge [sflag:s11], $0x4000  }
0xf6: {  	[sflag:s11] =	ssyncset.done $0x0  }
0xf7: {  	s4 =	simm.s32 $0xC200;
	s18 =	rddreg [dreg:$0x7];
	[sflag:s11] =	ssyncadd.s32 $0xFFFFC000  }
0xf8: {  	[hbm4b:s18+s3] =	stream.linear.scatter [tilespmem:s4], [sflag:$0xA], $0x4000, $0x38;
	[tilespmem:$0x18200] =	vst v63  }
0xf9: {  	_ =	swait.ge [sflag:s12], $0x4000  }
0xfa: {  	[sflag:s12] =	ssyncset.done $0x0  }
0xfb: {  	[sflag:s12] =	ssyncadd.s32 $0xFFFFC000  }
0xfc: {  	v3 =	vld [tilespmem:$0x80];
	_ =	sdelay $0x4  }
0xfd: {  	v40 =	vshll.u32 v3, $0x3  }
0xfe: {  	v3 =	vand.u32 $0x7, v3;
	v4 =	vand.u32 $0xFFFFFFC0, v40  }
0xff: {  	v3 =	vor.u32 v3, v4  }
0x100: {  	v4 =	vperm.xlane v3, v0;
	_ =	sdelay $0x1  }
0x101: {  	v4 =	vadd.s32 v1, v4;
	_ =	sdelay $0x4  }
0x102: {  	[tilespmem:s25], [sflag:$0x3] =	stream.indirect_vreg.gather [hbm4b:s2+s3], $0x80, v4, vm0, $0xb8;
	[tilespmem:$0x18200] =	vst v63  }
0x103: {  	s19 =	simm.s32 $0x8A00;
	v3 =	vperm.xlane v3, v2  }
0x104: {  	[tilespmem:s19], [sflag:$0x3] =	stream.indirect_vreg.gather [hbm4b:s5+s3], $0x80, v4, vm0, $0xb8;
	[tilespmem:$0x18200] =	vst v63  }
0x105: {  	s9 =	simm.s32 $0x9200;
	v3 =	vadd.s32 v1, v3  }
0x106: {  	[tilespmem:s9], [sflag:$0x3] =	stream.indirect_vreg.gather [hbm4b:s6+s3], $0x80, v4, vm0, $0xb8;
	[tilespmem:$0x18200] =	vst v63  }
0x107: {  	s18 =	simm.s32 $0x9A00  }
0x108: {  	[tilespmem:s18], [sflag:$0x3] =	stream.indirect_vreg.gather [hbm4b:s7+s3], $0x80, v4, vm0, $0xb8;
	[tilespmem:$0x18200] =	vst v63  }
0x109: {  	s25 =	simm.s32 $0xA200  }
0x10a: {  	[tilespmem:s25], [sflag:$0x3] =	stream.indirect_vreg.gather [hbm4b:s2+s3], $0x80, v3, vm0, $0xb8;
	[tilespmem:$0x18200] =	vst v63  }
0x10b: {  	s9 =	simm.s32 $0xAA00  }
0x10c: {  	[tilespmem:s9], [sflag:$0x3] =	stream.indirect_vreg.gather [hbm4b:s5+s3], $0x80, v3, vm0, $0xb8;
	[tilespmem:$0x18200] =	vst v63  }
0x10d: {  	s19 =	simm.s32 $0xB200  }
0x10e: {  	[tilespmem:s19], [sflag:$0x3] =	stream.indirect_vreg.gather [hbm4b:s6+s3], $0x80, v3, vm0, $0xb8;
	[tilespmem:$0x18200] =	vst v63  }
0x10f: {  	s25 =	simm.s32 $0xBA00  }
0x110: {  	[tilespmem:s25], [sflag:$0x3] =	stream.indirect_vreg.gather [hbm4b:s7+s3], $0x80, v3, vm0, $0xb8;
	[tilespmem:$0x18200] =	vst v63  }
0x111: {  	_ =	swait.ge [sflag:s13], $0x4000  }
0x112: {  	[sflag:s13] =	ssyncset.done $0x0  }
0x113: {  	s9 =	simm.s32 $0x10200;
	s1 =	rddreg [dreg:$0x8];
	[sflag:s13] =	ssyncadd.s32 $0xFFFFC000  }
0x114: {  	[hbm4b:s1+s3] =	stream.linear.scatter [tilespmem:s9], [sflag:$0xB], $0x4000, $0x38;
	[tilespmem:$0x18200] =	vst v63  }
0x115: {  	_ =	swait.ge [sflag:s14], $0x4000  }
0x116: {  	[sflag:s14] =	ssyncset.done $0x0  }
0x117: {  	[sflag:s14] =	ssyncadd.s32 $0xFFFFC000  }
0x118: {  	v3 =	vld [tilespmem:$0x90];
	_ =	sdelay $0x4  }
0x119: {  	v41 =	vshll.u32 v3, $0x3  }
0x11a: {  	v3 =	vand.u32 $0x7, v3;
	v4 =	vand.u32 $0xFFFFFFC0, v41  }
0x11b: {  	v3 =	vor.u32 v3, v4  }
0x11c: {  	v4 =	vperm.xlane v3, v0;
	_ =	sdelay $0x1  }
0x11d: {  	v4 =	vadd.s32 v1, v4;
	_ =	sdelay $0x4  }
0x11e: {  	[tilespmem:s4], [sflag:$0x4] =	stream.indirect_vreg.gather [hbm4b:s2+s3], $0x80, v4, vm0, $0xb8;
	[tilespmem:$0x18200] =	vst v63  }
0x11f: {  	v3 =	vperm.xlane v3, v2;
	s4 =	simm.s32 $0xCA00  }
0x120: {  	[tilespmem:s4], [sflag:$0x4] =	stream.indirect_vreg.gather [hbm4b:s5+s3], $0x80, v4, vm0, $0xb8;
	[tilespmem:$0x18200] =	vst v63  }
0x121: {  	s31 =	simm.s32 $0xD200;
	v3 =	vadd.s32 v1, v3  }
0x122: {  	[tilespmem:s31], [sflag:$0x4] =	stream.indirect_vreg.gather [hbm4b:s6+s3], $0x80, v4, vm0, $0xb8;
	[tilespmem:$0x18200] =	vst v63  }
0x123: {  	s28 =	simm.s32 $0xDA00  }
0x124: {  	[tilespmem:s28], [sflag:$0x4] =	stream.indirect_vreg.gather [hbm4b:s7+s3], $0x80, v4, vm0, $0xb8;
	[tilespmem:$0x18200] =	vst v63  }
0x125: {  	s19 =	simm.s32 $0xE200  }
0x126: {  	[tilespmem:s19], [sflag:$0x4] =	stream.indirect_vreg.gather [hbm4b:s2+s3], $0x80, v3, vm0, $0xb8;
	[tilespmem:$0x18200] =	vst v63  }
0x127: {  	s25 =	simm.s32 $0xEA00  }
0x128: {  	[tilespmem:s25], [sflag:$0x4] =	stream.indirect_vreg.gather [hbm4b:s5+s3], $0x80, v3, vm0, $0xb8;
	[tilespmem:$0x18200] =	vst v63  }
0x129: {  	s28 =	simm.s32 $0xF200  }
0x12a: {  	[tilespmem:s28], [sflag:$0x4] =	stream.indirect_vreg.gather [hbm4b:s6+s3], $0x80, v3, vm0, $0xb8;
	[tilespmem:$0x18200] =	vst v63  }
0x12b: {  	s31 =	simm.s32 $0xFA00  }
0x12c: {  	[tilespmem:s31], [sflag:$0x4] =	stream.indirect_vreg.gather [hbm4b:s7+s3], $0x80, v3, vm0, $0xb8;
	[tilespmem:$0x18200] =	vst v63  }
0x12d: {  	_ =	swait.ge [sflag:s15], $0x4000  }
0x12e: {  	[sflag:s15] =	ssyncset.done $0x0  }
0x12f: {  	s1 =	simm.s32 $0x14200;
	s4 =	rddreg [dreg:$0x9];
	[sflag:s15] =	ssyncadd.s32 $0xFFFFC000  }
0x130: {  	[hbm4b:s4+s3] =	stream.linear.scatter [tilespmem:s1], [sflag:$0xC], $0x4000, $0x38;
	[tilespmem:$0x18200] =	vst v63  }
0x131: {  	_ =	swait.ge [sflag:s16], $0x4000  }
0x132: {  	[sflag:s16] =	ssyncset.done $0x0  }
0x133: {  	[sflag:s16] =	ssyncadd.s32 $0xFFFFC000  }
0x134: {  	v3 =	vld [tilespmem:$0xA0];
	_ =	sdelay $0x4  }
0x135: {  	v42 =	vshll.u32 v3, $0x3  }
0x136: {  	v3 =	vand.u32 $0x7, v3;
	v4 =	vand.u32 $0xFFFFFFC0, v42  }
0x137: {  	v3 =	vor.u32 v3, v4  }
0x138: {  	v4 =	vperm.xlane v3, v0;
	_ =	sdelay $0x1  }
0x139: {  	v4 =	vadd.s32 v1, v4;
	_ =	sdelay $0x4  }
0x13a: {  	[tilespmem:s9], [sflag:$0x5] =	stream.indirect_vreg.gather [hbm4b:s2+s3], $0x80, v4, vm0, $0xb8;
	[tilespmem:$0x18200] =	vst v63  }
0x13b: {  	v3 =	vperm.xlane v3, v2;
	s9 =	simm.s32 $0x10A00  }
0x13c: {  	[tilespmem:s9], [sflag:$0x5] =	stream.indirect_vreg.gather [hbm4b:s5+s3], $0x80, v4, vm0, $0xb8;
	[tilespmem:$0x18200] =	vst v63  }
0x13d: {  	s25 =	simm.s32 $0x11200;
	v3 =	vadd.s32 v1, v3  }
0x13e: {  	[tilespmem:s25], [sflag:$0x5] =	stream.indirect_vreg.gather [hbm4b:s6+s3], $0x80, v4, vm0, $0xb8;
	[tilespmem:$0x18200] =	vst v63  }
0x13f: {  	s4 =	simm.s32 $0x11A00  }
0x140: {  	[tilespmem:s4], [sflag:$0x5] =	stream.indirect_vreg.gather [hbm4b:s7+s3], $0x80, v4, vm0, $0xb8;
	[tilespmem:$0x18200] =	vst v63  }
0x141: {  	s28 =	simm.s32 $0x12200  }
0x142: {  	[tilespmem:s28], [sflag:$0x5] =	stream.indirect_vreg.gather [hbm4b:s2+s3], $0x80, v3, vm0, $0xb8;
	[tilespmem:$0x18200] =	vst v63  }
0x143: {  	s31 =	simm.s32 $0x12A00  }
0x144: {  	[tilespmem:s31], [sflag:$0x5] =	stream.indirect_vreg.gather [hbm4b:s5+s3], $0x80, v3, vm0, $0xb8;
	[tilespmem:$0x18200] =	vst v63  }
0x145: {  	s19 =	simm.s32 $0x13200  }
0x146: {  	[tilespmem:s19], [sflag:$0x5] =	stream.indirect_vreg.gather [hbm4b:s6+s3], $0x80, v3, vm0, $0xb8;
	[tilespmem:$0x18200] =	vst v63  }
0x147: {  	s19 =	simm.s32 $0x13A00  }
0x148: {  	[tilespmem:s19], [sflag:$0x5] =	stream.indirect_vreg.gather [hbm4b:s7+s3], $0x80, v3, vm0, $0xb8;
	[tilespmem:$0x18200] =	vst v63  }
0x149: {  	_ =	swait.ge [sflag:s30], $0x4000  }
0x14a: {  	[sflag:s30] =	ssyncset.done $0x0  }
0x14b: {  	s9 =	rddreg [dreg:$0xa];
	[sflag:s30] =	ssyncadd.s32 $0xFFFFC000  }
0x14c: {  	[hbm4b:s9+s3] =	stream.linear.scatter [tilespmem:s26], [sflag:$0x7], $0x4000, $0x38;
	[tilespmem:$0x18200] =	vst v63  }
0x14d: {  	_ =	swait.ge [sflag:s17], $0x4000  }
0x14e: {  	[sflag:s17] =	ssyncset.done $0x0  }
0x14f: {  	[sflag:s17] =	ssyncadd.s32 $0xFFFFC000  }
0x150: {  	v3 =	vld [tilespmem:$0xB0];
	_ =	sdelay $0x4  }
0x151: {  	v43 =	vshll.u32 v3, $0x3  }
0x152: {  	v3 =	vand.u32 $0x7, v3;
	v4 =	vand.u32 $0xFFFFFFC0, v43  }
0x153: {  	v3 =	vor.u32 v3, v4  }
0x154: {  	v4 =	vperm.xlane v3, v0;
	_ =	sdelay $0x1  }
0x155: {  	v4 =	vadd.s32 v1, v4;
	_ =	sdelay $0x4  }
0x156: {  	[tilespmem:s1], [sflag:$0x6] =	stream.indirect_vreg.gather [hbm4b:s2+s3], $0x80, v4, vm0, $0xb8;
	[tilespmem:$0x18200] =	vst v63  }
0x157: {  	s19 =	simm.s32 $0x14A00;
	v3 =	vperm.xlane v3, v2  }
0x158: {  	[tilespmem:s19], [sflag:$0x6] =	stream.indirect_vreg.gather [hbm4b:s5+s3], $0x80, v4, vm0, $0xb8;
	[tilespmem:$0x18200] =	vst v63  }
0x159: {  	s9 =	simm.s32 $0x15200;
	v3 =	vadd.s32 v1, v3  }
0x15a: {  	[tilespmem:s9], [sflag:$0x6] =	stream.indirect_vreg.gather [hbm4b:s6+s3], $0x80, v4, vm0, $0xb8;
	[tilespmem:$0x18200] =	vst v63  }
0x15b: {  	s19 =	simm.s32 $0x15A00  }
0x15c: {  	[tilespmem:s19], [sflag:$0x6] =	stream.indirect_vreg.gather [hbm4b:s7+s3], $0x80, v4, vm0, $0xb8;
	[tilespmem:$0x18200] =	vst v63  }
0x15d: {  	s9 =	simm.s32 $0x16200  }
0x15e: {  	[tilespmem:s9], [sflag:$0x6] =	stream.indirect_vreg.gather [hbm4b:s2+s3], $0x80, v3, vm0, $0xb8;
	[tilespmem:$0x18200] =	vst v63  }
0x15f: {  	s19 =	simm.s32 $0x16A00  }
0x160: {  	[tilespmem:s19], [sflag:$0x6] =	stream.indirect_vreg.gather [hbm4b:s5+s3], $0x80, v3, vm0, $0xb8;
	[tilespmem:$0x18200] =	vst v63  }
0x161: {  	s9 =	simm.s32 $0x17200  }
0x162: {  	[tilespmem:s9], [sflag:$0x6] =	stream.indirect_vreg.gather [hbm4b:s6+s3], $0x80, v3, vm0, $0xb8;
	[tilespmem:$0x18200] =	vst v63  }
0x163: {  	s19 =	simm.s32 $0x17A00  }
0x164: {  	[tilespmem:s19], [sflag:$0x6] =	stream.indirect_vreg.gather [hbm4b:s7+s3], $0x80, v3, vm0, $0xb8;
	[tilespmem:$0x18200] =	vst v63  }
0x165: {  	_ =	swait.ge [sflag:s29], $0x4000  }
0x166: {  	[sflag:s29] =	ssyncset.done $0x0  }
0x167: {  	s1 =	simm.s32 $0x4200;
	s9 =	rddreg [dreg:$0xb];
	[sflag:s29] =	ssyncadd.s32 $0xFFFFC000  }
0x168: {  	[hbm4b:s9+s3] =	stream.linear.scatter [tilespmem:s1], [sflag:$0x8], $0x4000, $0x38;
	[tilespmem:$0x18200] =	vst v63  }
0x169: {  	_ =	swait.ge [sflag:s0], $0x4000  }
0x16a: {  	[sflag:s0] =	ssyncset.done $0x0  }
0x16b: {  	[sflag:s0] =	ssyncadd.s32 $0xFFFFC000  }
0x16c: {  	v3 =	vld [tilespmem:$0xC0];
	_ =	sdelay $0x4  }
0x16d: {  	v44 =	vshll.u32 v3, $0x3  }
0x16e: {  	v3 =	vand.u32 $0x7, v3;
	v4 =	vand.u32 $0xFFFFFFC0, v44  }
0x16f: {  	v3 =	vor.u32 v3, v4  }
0x170: {  	v4 =	vperm.xlane v3, v0;
	_ =	sdelay $0x1  }
0x171: {  	v4 =	vadd.s32 v1, v4;
	_ =	sdelay $0x4  }
0x172: {  	[tilespmem:s26], [sflag:$0x1] =	stream.indirect_vreg.gather [hbm4b:s2+s3], $0x80, v4, vm0, $0xb8;
	[tilespmem:$0x18200] =	vst v63  }
0x173: {  	s19 =	simm.s32 $0xA00;
	v3 =	vperm.xlane v3, v2  }
0x174: {  	[tilespmem:s19], [sflag:$0x1] =	stream.indirect_vreg.gather [hbm4b:s5+s3], $0x80, v4, vm0, $0xb8;
	[tilespmem:$0x18200] =	vst v63  }
0x175: {  	v3 =	vadd.s32 v1, v3  }
0x176: {  	[tilespmem:s20], [sflag:$0x1] =	stream.indirect_vreg.gather [hbm4b:s6+s3], $0x80, v4, vm0, $0xb8;
	[tilespmem:$0x18200] =	vst v63  }
0x177: {  	_ = 	snop  }
0x178: {  	[tilespmem:s22], [sflag:$0x1] =	stream.indirect_vreg.gather [hbm4b:s7+s3], $0x80, v4, vm0, $0xb8;
	[tilespmem:$0x18200] =	vst v63  }
0x179: {  	_ = 	snop  }
0x17a: {  	[tilespmem:s21], [sflag:$0x1] =	stream.indirect_vreg.gather [hbm4b:s2+s3], $0x80, v3, vm0, $0xb8;
	[tilespmem:$0x18200] =	vst v63  }
0x17b: {  	_ = 	snop  }
0x17c: {  	[tilespmem:s23], [sflag:$0x1] =	stream.indirect_vreg.gather [hbm4b:s5+s3], $0x80, v3, vm0, $0xb8;
	[tilespmem:$0x18200] =	vst v63  }
0x17d: {  	_ = 	snop  }
0x17e: {  	[tilespmem:s8], [sflag:$0x1] =	stream.indirect_vreg.gather [hbm4b:s6+s3], $0x80, v3, vm0, $0xb8;
	[tilespmem:$0x18200] =	vst v63  }
0x17f: {  	s23 =	simm.s32 $0x3A00  }
0x180: {  	[tilespmem:s23], [sflag:$0x1] =	stream.indirect_vreg.gather [hbm4b:s7+s3], $0x80, v3, vm0, $0xb8;
	[tilespmem:$0x18200] =	vst v63  }
0x181: {  	_ =	swait.ge [sflag:s24], $0x4000  }
0x182: {  	[sflag:s24] =	ssyncset.done $0x0  }
0x183: {  	s22 =	simm.s32 $0x8200;
	s9 =	rddreg [dreg:$0xc];
	[sflag:s24] =	ssyncadd.s32 $0xFFFFC000  }
0x184: {  	[hbm4b:s9+s3] =	stream.linear.scatter [tilespmem:s22], [sflag:$0x9], $0x4000, $0x38;
	[tilespmem:$0x18200] =	vst v63  }
0x185: {  	_ =	swait.ge [sflag:s10], $0x4000  }
0x186: {  	[sflag:s10] =	ssyncset.done $0x0  }
0x187: {  	[sflag:s10] =	ssyncadd.s32 $0xFFFFC000  }
0x188: {  	v3 =	vld [tilespmem:$0xD0];
	_ =	sdelay $0x4  }
0x189: {  	v45 =	vshll.u32 v3, $0x3  }
0x18a: {  	v3 =	vand.u32 $0x7, v3;
	v4 =	vand.u32 $0xFFFFFFC0, v45  }
0x18b: {  	v3 =	vor.u32 v3, v4  }
0x18c: {  	v4 =	vperm.xlane v3, v0;
	_ =	sdelay $0x1  }
0x18d: {  	v4 =	vadd.s32 v1, v4;
	_ =	sdelay $0x4  }
0x18e: {  	[tilespmem:s1], [sflag:$0x2] =	stream.indirect_vreg.gather [hbm4b:s2+s3], $0x80, v4, vm0, $0xb8;
	[tilespmem:$0x18200] =	vst v63  }
0x18f: {  	s19 =	simm.s32 $0x4A00;
	v3 =	vperm.xlane v3, v2  }
0x190: {  	[tilespmem:s19], [sflag:$0x2] =	stream.indirect_vreg.gather [hbm4b:s5+s3], $0x80, v4, vm0, $0xb8;
	[tilespmem:$0x18200] =	vst v63  }
0x191: {  	s20 =	simm.s32 $0x5200;
	v3 =	vadd.s32 v1, v3  }
0x192: {  	[tilespmem:s20], [sflag:$0x2] =	stream.indirect_vreg.gather [hbm4b:s6+s3], $0x80, v4, vm0, $0xb8;
	[tilespmem:$0x18200] =	vst v63  }
0x193: {  	s21 =	simm.s32 $0x5A00  }
0x194: {  	[tilespmem:s21], [sflag:$0x2] =	stream.indirect_vreg.gather [hbm4b:s7+s3], $0x80, v4, vm0, $0xb8;
	[tilespmem:$0x18200] =	vst v63  }
0x195: {  	s23 =	simm.s32 $0x6200  }
0x196: {  	[tilespmem:s23], [sflag:$0x2] =	stream.indirect_vreg.gather [hbm4b:s2+s3], $0x80, v3, vm0, $0xb8;
	[tilespmem:$0x18200] =	vst v63  }
0x197: {  	s8 =	simm.s32 $0x6A00  }
0x198: {  	[tilespmem:s8], [sflag:$0x2] =	stream.indirect_vreg.gather [hbm4b:s5+s3], $0x80, v3, vm0, $0xb8;
	[tilespmem:$0x18200] =	vst v63  }
0x199: {  	s9 =	simm.s32 $0x7200  }
0x19a: {  	[tilespmem:s9], [sflag:$0x2] =	stream.indirect_vreg.gather [hbm4b:s6+s3], $0x80, v3, vm0, $0xb8;
	[tilespmem:$0x18200] =	vst v63  }
0x19b: {  	s19 =	simm.s32 $0x7A00  }
0x19c: {  	[tilespmem:s19], [sflag:$0x2] =	stream.indirect_vreg.gather [hbm4b:s7+s3], $0x80, v3, vm0, $0xb8;
	[tilespmem:$0x18200] =	vst v63  }
0x19d: {  	_ =	swait.ge [sflag:s11], $0x4000  }
0x19e: {  	[sflag:s11] =	ssyncset.done $0x0  }
0x19f: {  	s1 =	simm.s32 $0xC200;
	s20 =	rddreg [dreg:$0xd];
	[sflag:s11] =	ssyncadd.s32 $0xFFFFC000  }
0x1a0: {  	[hbm4b:s20+s3] =	stream.linear.scatter [tilespmem:s1], [sflag:$0xA], $0x4000, $0x38;
	[tilespmem:$0x18200] =	vst v63  }
0x1a1: {  	_ =	swait.ge [sflag:s12], $0x4000  }
0x1a2: {  	[sflag:s12] =	ssyncset.done $0x0  }
0x1a3: {  	[sflag:s12] =	ssyncadd.s32 $0xFFFFC000  }
0x1a4: {  	v3 =	vld [tilespmem:$0xE0];
	_ =	sdelay $0x4  }
0x1a5: {  	v46 =	vshll.u32 v3, $0x3  }
0x1a6: {  	v3 =	vand.u32 $0x7, v3;
	v4 =	vand.u32 $0xFFFFFFC0, v46  }
0x1a7: {  	v3 =	vor.u32 v3, v4  }
0x1a8: {  	v4 =	vperm.xlane v3, v0;
	_ =	sdelay $0x1  }
0x1a9: {  	v4 =	vadd.s32 v1, v4;
	_ =	sdelay $0x4  }
0x1aa: {  	[tilespmem:s22], [sflag:$0x3] =	stream.indirect_vreg.gather [hbm4b:s2+s3], $0x80, v4, vm0, $0xb8;
	[tilespmem:$0x18200] =	vst v63  }
0x1ab: {  	s21 =	simm.s32 $0x8A00;
	v3 =	vperm.xlane v3, v2  }
0x1ac: {  	[tilespmem:s21], [sflag:$0x3] =	stream.indirect_vreg.gather [hbm4b:s5+s3], $0x80, v4, vm0, $0xb8;
	[tilespmem:$0x18200] =	vst v63  }
0x1ad: {  	v3 =	vadd.s32 v1, v3;
	s22 =	simm.s32 $0x9200  }
0x1ae: {  	[tilespmem:s22], [sflag:$0x3] =	stream.indirect_vreg.gather [hbm4b:s6+s3], $0x80, v4, vm0, $0xb8;
	[tilespmem:$0x18200] =	vst v63  }
0x1af: {  	_ = 	snop  }
0x1b0: {  	[tilespmem:s18], [sflag:$0x3] =	stream.indirect_vreg.gather [hbm4b:s7+s3], $0x80, v4, vm0, $0xb8;
	[tilespmem:$0x18200] =	vst v63  }
0x1b1: {  	s23 =	simm.s32 $0xA200  }
0x1b2: {  	[tilespmem:s23], [sflag:$0x3] =	stream.indirect_vreg.gather [hbm4b:s2+s3], $0x80, v3, vm0, $0xb8;
	[tilespmem:$0x18200] =	vst v63  }
0x1b3: {  	s9 =	simm.s32 $0xAA00  }
0x1b4: {  	[tilespmem:s9], [sflag:$0x3] =	stream.indirect_vreg.gather [hbm4b:s5+s3], $0x80, v3, vm0, $0xb8;
	[tilespmem:$0x18200] =	vst v63  }
0x1b5: {  	s18 =	simm.s32 $0xB200  }
0x1b6: {  	[tilespmem:s18], [sflag:$0x3] =	stream.indirect_vreg.gather [hbm4b:s6+s3], $0x80, v3, vm0, $0xb8;
	[tilespmem:$0x18200] =	vst v63  }
0x1b7: {  	s19 =	simm.s32 $0xBA00  }
0x1b8: {  	[tilespmem:s19], [sflag:$0x3] =	stream.indirect_vreg.gather [hbm4b:s7+s3], $0x80, v3, vm0, $0xb8;
	[tilespmem:$0x18200] =	vst v63  }
0x1b9: {  	_ =	swait.ge [sflag:s13], $0x4000  }
0x1ba: {  	[sflag:s13] =	ssyncset.done $0x0  }
0x1bb: {  	s18 =	simm.s32 $0x10200;
	s20 =	rddreg [dreg:$0xe];
	[sflag:s13] =	ssyncadd.s32 $0xFFFFC000  }
0x1bc: {  	[hbm4b:s20+s3] =	stream.linear.scatter [tilespmem:s18], [sflag:$0xB], $0x4000, $0x38;
	[tilespmem:$0x18200] =	vst v63  }
0x1bd: {  	_ =	swait.ge [sflag:s14], $0x4000  }
0x1be: {  	[sflag:s14] =	ssyncset.done $0x0  }
0x1bf: {  	[sflag:s14] =	ssyncadd.s32 $0xFFFFC000  }
0x1c0: {  	v3 =	vld [tilespmem:$0xF0];
	_ =	sdelay $0x4  }
0x1c1: {  	v47 =	vshll.u32 v3, $0x3  }
0x1c2: {  	v3 =	vand.u32 $0x7, v3;
	v4 =	vand.u32 $0xFFFFFFC0, v47  }
0x1c3: {  	v3 =	vor.u32 v3, v4  }
0x1c4: {  	v4 =	vperm.xlane v3, v0;
	_ =	sdelay $0x1  }
0x1c5: {  	v4 =	vadd.s32 v1, v4;
	_ =	sdelay $0x4  }
0x1c6: {  	[tilespmem:s1], [sflag:$0x4] =	stream.indirect_vreg.gather [hbm4b:s2+s3], $0x80, v4, vm0, $0xb8;
	[tilespmem:$0x18200] =	vst v63  }
0x1c7: {  	s21 =	simm.s32 $0xCA00;
	v3 =	vperm.xlane v3, v2  }
0x1c8: {  	[tilespmem:s21], [sflag:$0x4] =	stream.indirect_vreg.gather [hbm4b:s5+s3], $0x80, v4, vm0, $0xb8;
	[tilespmem:$0x18200] =	vst v63  }
0x1c9: {  	s22 =	simm.s32 $0xD200;
	v3 =	vadd.s32 v1, v3  }
0x1ca: {  	[tilespmem:s22], [sflag:$0x4] =	stream.indirect_vreg.gather [hbm4b:s6+s3], $0x80, v4, vm0, $0xb8;
	[tilespmem:$0x18200] =	vst v63  }
0x1cb: {  	s23 =	simm.s32 $0xDA00  }
0x1cc: {  	[tilespmem:s23], [sflag:$0x4] =	stream.indirect_vreg.gather [hbm4b:s7+s3], $0x80, v4, vm0, $0xb8;
	[tilespmem:$0x18200] =	vst v63  }
0x1cd: {  	s8 =	simm.s32 $0xE200  }
0x1ce: {  	[tilespmem:s8], [sflag:$0x4] =	stream.indirect_vreg.gather [hbm4b:s2+s3], $0x80, v3, vm0, $0xb8;
	[tilespmem:$0x18200] =	vst v63  }
0x1cf: {  	s19 =	simm.s32 $0xEA00  }
0x1d0: {  	[tilespmem:s19], [sflag:$0x4] =	stream.indirect_vreg.gather [hbm4b:s5+s3], $0x80, v3, vm0, $0xb8;
	[tilespmem:$0x18200] =	vst v63  }
0x1d1: {  	s20 =	simm.s32 $0xF200  }
0x1d2: {  	[tilespmem:s20], [sflag:$0x4] =	stream.indirect_vreg.gather [hbm4b:s6+s3], $0x80, v3, vm0, $0xb8;
	[tilespmem:$0x18200] =	vst v63  }
0x1d3: {  	s21 =	simm.s32 $0xFA00  }
0x1d4: {  	[tilespmem:s21], [sflag:$0x4] =	stream.indirect_vreg.gather [hbm4b:s7+s3], $0x80, v3, vm0, $0xb8;
	[tilespmem:$0x18200] =	vst v63  }
0x1d5: {  	_ =	swait.ge [sflag:s15], $0x4000  }
0x1d6: {  	[sflag:s15] =	ssyncset.done $0x0  }
0x1d7: {  	s23 =	simm.s32 $0x14200;
	s22 =	rddreg [dreg:$0xf];
	[sflag:s15] =	ssyncadd.s32 $0xFFFFC000  }
0x1d8: {  	[hbm4b:s22+s3] =	stream.linear.scatter [tilespmem:s23], [sflag:$0xC], $0x4000, $0x38;
	[tilespmem:$0x18200] =	vst v63  }
0x1d9: {  	_ =	swait.ge [sflag:s16], $0x4000  }
0x1da: {  	[sflag:s16] =	ssyncset.done $0x0  }
0x1db: {  	[sflag:s16] =	ssyncadd.s32 $0xFFFFC000  }
0x1dc: {  	v3 =	vld [tilespmem:$0x100];
	_ =	sdelay $0x4  }
0x1dd: {  	v48 =	vshll.u32 v3, $0x3  }
0x1de: {  	v3 =	vand.u32 $0x7, v3;
	v4 =	vand.u32 $0xFFFFFFC0, v48  }
0x1df: {  	v3 =	vor.u32 v3, v4  }
0x1e0: {  	v4 =	vperm.xlane v3, v0;
	_ =	sdelay $0x1  }
0x1e1: {  	v4 =	vadd.s32 v1, v4;
	_ =	sdelay $0x4  }
0x1e2: {  	[tilespmem:s18], [sflag:$0x5] =	stream.indirect_vreg.gather [hbm4b:s2+s3], $0x80, v4, vm0, $0xb8;
	[tilespmem:$0x18200] =	vst v63  }
0x1e3: {  	s8 =	simm.s32 $0x10A00;
	v3 =	vperm.xlane v3, v2  }
0x1e4: {  	[tilespmem:s8], [sflag:$0x5] =	stream.indirect_vreg.gather [hbm4b:s5+s3], $0x80, v4, vm0, $0xb8;
	[tilespmem:$0x18200] =	vst v63  }
0x1e5: {  	v3 =	vadd.s32 v1, v3  }
0x1e6: {  	[tilespmem:s25], [sflag:$0x5] =	stream.indirect_vreg.gather [hbm4b:s6+s3], $0x80, v4, vm0, $0xb8;
	[tilespmem:$0x18200] =	vst v63  }
0x1e7: {  	_ = 	snop  }
0x1e8: {  	[tilespmem:s4], [sflag:$0x5] =	stream.indirect_vreg.gather [hbm4b:s7+s3], $0x80, v4, vm0, $0xb8;
	[tilespmem:$0x18200] =	vst v63  }
0x1e9: {  	_ = 	snop  }
0x1ea: {  	[tilespmem:s28], [sflag:$0x5] =	stream.indirect_vreg.gather [hbm4b:s2+s3], $0x80, v3, vm0, $0xb8;
	[tilespmem:$0x18200] =	vst v63  }
0x1eb: {  	_ = 	snop  }
0x1ec: {  	[tilespmem:s31], [sflag:$0x5] =	stream.indirect_vreg.gather [hbm4b:s5+s3], $0x80, v3, vm0, $0xb8;
	[tilespmem:$0x18200] =	vst v63  }
0x1ed: {  	s18 =	simm.s32 $0x13200  }
0x1ee: {  	[tilespmem:s18], [sflag:$0x5] =	stream.indirect_vreg.gather [hbm4b:s6+s3], $0x80, v3, vm0, $0xb8;
	[tilespmem:$0x18200] =	vst v63  }
0x1ef: {  	s19 =	simm.s32 $0x13A00  }
0x1f0: {  	[tilespmem:s19], [sflag:$0x5] =	stream.indirect_vreg.gather [hbm4b:s7+s3], $0x80, v3, vm0, $0xb8;
	[tilespmem:$0x18200] =	vst v63  }
0x1f1: {  	_ =	swait.ge [sflag:s30], $0x4000  }
0x1f2: {  	[sflag:s30] =	ssyncset.done $0x0  }
0x1f3: {  	s20 =	rddreg [dreg:$0x10];
	[sflag:s30] =	ssyncadd.s32 $0xFFFFC000  }
0x1f4: {  	[hbm4b:s20+s3] =	stream.linear.scatter [tilespmem:s26], [sflag:$0x7], $0x4000, $0x38;
	[tilespmem:$0x18200] =	vst v63  }
0x1f5: {  	_ =	swait.ge [sflag:s17], $0x4000  }
0x1f6: {  	[sflag:s17] =	ssyncset.done $0x0  }
0x1f7: {  	[sflag:s17] =	ssyncadd.s32 $0xFFFFC000  }
0x1f8: {  	v3 =	vld [tilespmem:$0x110];
	_ =	sdelay $0x4  }
0x1f9: {  	v49 =	vshll.u32 v3, $0x3  }
0x1fa: {  	v3 =	vand.u32 $0x7, v3;
	v4 =	vand.u32 $0xFFFFFFC0, v49  }
0x1fb: {  	v3 =	vor.u32 v3, v4  }
0x1fc: {  	v4 =	vperm.xlane v3, v0;
	_ =	sdelay $0x1  }
0x1fd: {  	v4 =	vadd.s32 v1, v4;
	_ =	sdelay $0x4  }
0x1fe: {  	[tilespmem:s23], [sflag:$0x6] =	stream.indirect_vreg.gather [hbm4b:s2+s3], $0x80, v4, vm0, $0xb8;
	[tilespmem:$0x18200] =	vst v63  }
0x1ff: {  	s22 =	simm.s32 $0x14A00;
	v3 =	vperm.xlane v3, v2  }
0x200: {  	[tilespmem:s22], [sflag:$0x6] =	stream.indirect_vreg.gather [hbm4b:s5+s3], $0x80, v4, vm0, $0xb8;
	[tilespmem:$0x18200] =	vst v63  }
0x201: {  	s25 =	simm.s32 $0x15200;
	v3 =	vadd.s32 v1, v3  }
0x202: {  	[tilespmem:s25], [sflag:$0x6] =	stream.indirect_vreg.gather [hbm4b:s6+s3], $0x80, v4, vm0, $0xb8;
	[tilespmem:$0x18200] =	vst v63  }
0x203: {  	s22 =	simm.s32 $0x15A00  }
0x204: {  	[tilespmem:s22], [sflag:$0x6] =	stream.indirect_vreg.gather [hbm4b:s7+s3], $0x80, v4, vm0, $0xb8;
	[tilespmem:$0x18200] =	vst v63  }
0x205: {  	s23 =	simm.s32 $0x16200  }
0x206: {  	[tilespmem:s23], [sflag:$0x6] =	stream.indirect_vreg.gather [hbm4b:s2+s3], $0x80, v3, vm0, $0xb8;
	[tilespmem:$0x18200] =	vst v63  }
0x207: {  	s8 =	simm.s32 $0x16A00  }
0x208: {  	[tilespmem:s8], [sflag:$0x6] =	stream.indirect_vreg.gather [hbm4b:s5+s3], $0x80, v3, vm0, $0xb8;
	[tilespmem:$0x18200] =	vst v63  }
0x209: {  	s31 =	simm.s32 $0x17200  }
0x20a: {  	[tilespmem:s31], [sflag:$0x6] =	stream.indirect_vreg.gather [hbm4b:s6+s3], $0x80, v3, vm0, $0xb8;
	[tilespmem:$0x18200] =	vst v63  }
0x20b: {  	s28 =	simm.s32 $0x17A00  }
0x20c: {  	[tilespmem:s28], [sflag:$0x6] =	stream.indirect_vreg.gather [hbm4b:s7+s3], $0x80, v3, vm0, $0xb8;
	[tilespmem:$0x18200] =	vst v63  }
0x20d: {  	_ =	swait.ge [sflag:s29], $0x4000  }
0x20e: {  	[sflag:s29] =	ssyncset.done $0x0  }
0x20f: {  	s28 =	simm.s32 $0x4200;
	s18 =	rddreg [dreg:$0x11];
	[sflag:s29] =	ssyncadd.s32 $0xFFFFC000  }
0x210: {  	[hbm4b:s18+s3] =	stream.linear.scatter [tilespmem:s28], [sflag:$0x8], $0x4000, $0x38;
	[tilespmem:$0x18200] =	vst v63  }
0x211: {  	_ =	swait.ge [sflag:s0], $0x4000  }
0x212: {  	[sflag:s0] =	ssyncset.done $0x0  }
0x213: {  	[sflag:s0] =	ssyncadd.s32 $0xFFFFC000  }
0x214: {  	v3 =	vld [tilespmem:$0x120];
	_ =	sdelay $0x4  }
0x215: {  	v50 =	vshll.u32 v3, $0x3  }
0x216: {  	v3 =	vand.u32 $0x7, v3;
	v4 =	vand.u32 $0xFFFFFFC0, v50  }
0x217: {  	v3 =	vor.u32 v3, v4  }
0x218: {  	v4 =	vperm.xlane v3, v0;
	_ =	sdelay $0x1  }
0x219: {  	v4 =	vadd.s32 v1, v4;
	_ =	sdelay $0x4  }
0x21a: {  	[tilespmem:s26], [sflag:$0x1] =	stream.indirect_vreg.gather [hbm4b:s2+s3], $0x80, v4, vm0, $0xb8;
	[tilespmem:$0x18200] =	vst v63  }
0x21b: {  	s19 =	simm.s32 $0xA00;
	v3 =	vperm.xlane v3, v2  }
0x21c: {  	[tilespmem:s19], [sflag:$0x1] =	stream.indirect_vreg.gather [hbm4b:s5+s3], $0x80, v4, vm0, $0xb8;
	[tilespmem:$0x18200] =	vst v63  }
0x21d: {  	s21 =	simm.s32 $0x1200;
	v3 =	vadd.s32 v1, v3  }
0x21e: {  	[tilespmem:s21], [sflag:$0x1] =	stream.indirect_vreg.gather [hbm4b:s6+s3], $0x80, v4, vm0, $0xb8;
	[tilespmem:$0x18200] =	vst v63  }
0x21f: {  	s4 =	simm.s32 $0x1A00  }
0x220: {  	[tilespmem:s4], [sflag:$0x1] =	stream.indirect_vreg.gather [hbm4b:s7+s3], $0x80, v4, vm0, $0xb8;
	[tilespmem:$0x18200] =	vst v63  }
0x221: {  	s20 =	simm.s32 $0x2200  }
0x222: {  	[tilespmem:s20], [sflag:$0x1] =	stream.indirect_vreg.gather [hbm4b:s2+s3], $0x80, v3, vm0, $0xb8;
	[tilespmem:$0x18200] =	vst v63  }
0x223: {  	s18 =	simm.s32 $0x2A00  }
0x224: {  	[tilespmem:s18], [sflag:$0x1] =	stream.indirect_vreg.gather [hbm4b:s5+s3], $0x80, v3, vm0, $0xb8;
	[tilespmem:$0x18200] =	vst v63  }
0x225: {  	s20 =	simm.s32 $0x3200  }
0x226: {  	[tilespmem:s20], [sflag:$0x1] =	stream.indirect_vreg.gather [hbm4b:s6+s3], $0x80, v3, vm0, $0xb8;
	[tilespmem:$0x18200] =	vst v63  }
0x227: {  	s23 =	simm.s32 $0x3A00  }
0x228: {  	[tilespmem:s23], [sflag:$0x1] =	stream.indirect_vreg.gather [hbm4b:s7+s3], $0x80, v3, vm0, $0xb8;
	[tilespmem:$0x18200] =	vst v63  }
0x229: {  	_ =	swait.ge [sflag:s24], $0x4000  }
0x22a: {  	[sflag:s24] =	ssyncset.done $0x0  }
0x22b: {  	s23 =	simm.s32 $0x8200;
	s19 =	rddreg [dreg:$0x12];
	[sflag:s24] =	ssyncadd.s32 $0xFFFFC000  }
0x22c: {  	[hbm4b:s19+s3] =	stream.linear.scatter [tilespmem:s23], [sflag:$0x9], $0x4000, $0x38;
	[tilespmem:$0x18200] =	vst v63  }
0x22d: {  	_ =	swait.ge [sflag:s10], $0x4000  }
0x22e: {  	[sflag:s10] =	ssyncset.done $0x0  }
0x22f: {  	[sflag:s10] =	ssyncadd.s32 $0xFFFFC000  }
0x230: {  	v3 =	vld [tilespmem:$0x130];
	_ =	sdelay $0x4  }
0x231: {  	v51 =	vshll.u32 v3, $0x3  }
0x232: {  	v3 =	vand.u32 $0x7, v3;
	v4 =	vand.u32 $0xFFFFFFC0, v51  }
0x233: {  	v3 =	vor.u32 v3, v4  }
0x234: {  	v4 =	vperm.xlane v3, v0;
	_ =	sdelay $0x1  }
0x235: {  	v4 =	vadd.s32 v1, v4;
	_ =	sdelay $0x4  }
0x236: {  	[tilespmem:s28], [sflag:$0x2] =	stream.indirect_vreg.gather [hbm4b:s2+s3], $0x80, v4, vm0, $0xb8;
	[tilespmem:$0x18200] =	vst v63  }
0x237: {  	v3 =	vperm.xlane v3, v2;
	s28 =	simm.s32 $0x4A00  }
0x238: {  	[tilespmem:s28], [sflag:$0x2] =	stream.indirect_vreg.gather [hbm4b:s5+s3], $0x80, v4, vm0, $0xb8;
	[tilespmem:$0x18200] =	vst v63  }
0x239: {  	v3 =	vadd.s32 v1, v3;
	s28 =	simm.s32 $0x5200  }
0x23a: {  	[tilespmem:s28], [sflag:$0x2] =	stream.indirect_vreg.gather [hbm4b:s6+s3], $0x80, v4, vm0, $0xb8;
	[tilespmem:$0x18200] =	vst v63  }
0x23b: {  	s19 =	simm.s32 $0x5A00  }
0x23c: {  	[tilespmem:s19], [sflag:$0x2] =	stream.indirect_vreg.gather [hbm4b:s7+s3], $0x80, v4, vm0, $0xb8;
	[tilespmem:$0x18200] =	vst v63  }
0x23d: {  	s19 =	simm.s32 $0x6200  }
0x23e: {  	[tilespmem:s19], [sflag:$0x2] =	stream.indirect_vreg.gather [hbm4b:s2+s3], $0x80, v3, vm0, $0xb8;
	[tilespmem:$0x18200] =	vst v63  }
0x23f: {  	s19 =	simm.s32 $0x6A00  }
0x240: {  	[tilespmem:s19], [sflag:$0x2] =	stream.indirect_vreg.gather [hbm4b:s5+s3], $0x80, v3, vm0, $0xb8;
	[tilespmem:$0x18200] =	vst v63  }
0x241: {  	s19 =	simm.s32 $0x7200  }
0x242: {  	[tilespmem:s19], [sflag:$0x2] =	stream.indirect_vreg.gather [hbm4b:s6+s3], $0x80, v3, vm0, $0xb8;
	[tilespmem:$0x18200] =	vst v63  }
0x243: {  	s19 =	simm.s32 $0x7A00  }
0x244: {  	[tilespmem:s19], [sflag:$0x2] =	stream.indirect_vreg.gather [hbm4b:s7+s3], $0x80, v3, vm0, $0xb8;
	[tilespmem:$0x18200] =	vst v63  }
0x245: {  	_ =	swait.ge [sflag:s11], $0x4000  }
0x246: {  	[sflag:s11] =	ssyncset.done $0x0  }
0x247: {  	s9 =	simm.s32 $0xC200;
	s19 =	rddreg [dreg:$0x13];
	[sflag:s11] =	ssyncadd.s32 $0xFFFFC000  }
0x248: {  	[hbm4b:s19+s3] =	stream.linear.scatter [tilespmem:s9], [sflag:$0xA], $0x4000, $0x38;
	[tilespmem:$0x18200] =	vst v63  }
0x249: {  	_ =	swait.ge [sflag:s12], $0x4000  }
0x24a: {  	[sflag:s12] =	ssyncset.done $0x0  }
0x24b: {  	[sflag:s12] =	ssyncadd.s32 $0xFFFFC000  }
0x24c: {  	v3 =	vld [tilespmem:$0x140];
	_ =	sdelay $0x4  }
0x24d: {  	v52 =	vshll.u32 v3, $0x3  }
0x24e: {  	v3 =	vand.u32 $0x7, v3;
	v4 =	vand.u32 $0xFFFFFFC0, v52  }
0x24f: {  	v3 =	vor.u32 v3, v4  }
0x250: {  	v4 =	vperm.xlane v3, v0;
	_ =	sdelay $0x1  }
0x251: {  	v4 =	vadd.s32 v1, v4;
	_ =	sdelay $0x4  }
0x252: {  	[tilespmem:s23], [sflag:$0x3] =	stream.indirect_vreg.gather [hbm4b:s2+s3], $0x80, v4, vm0, $0xb8;
	[tilespmem:$0x18200] =	vst v63  }
0x253: {  	v3 =	vperm.xlane v3, v2;
	s23 =	simm.s32 $0x8A00  }
0x254: {  	[tilespmem:s23], [sflag:$0x3] =	stream.indirect_vreg.gather [hbm4b:s5+s3], $0x80, v4, vm0, $0xb8;
	[tilespmem:$0x18200] =	vst v63  }
0x255: {  	v3 =	vadd.s32 v1, v3;
	s23 =	simm.s32 $0x9200  }
0x256: {  	[tilespmem:s23], [sflag:$0x3] =	stream.indirect_vreg.gather [hbm4b:s6+s3], $0x80, v4, vm0, $0xb8;
	[tilespmem:$0x18200] =	vst v63  }
0x257: {  	s23 =	simm.s32 $0x9A00  }
0x258: {  	[tilespmem:s23], [sflag:$0x3] =	stream.indirect_vreg.gather [hbm4b:s7+s3], $0x80, v4, vm0, $0xb8;
	[tilespmem:$0x18200] =	vst v63  }
0x259: {  	s23 =	simm.s32 $0xA200  }
0x25a: {  	[tilespmem:s23], [sflag:$0x3] =	stream.indirect_vreg.gather [hbm4b:s2+s3], $0x80, v3, vm0, $0xb8;
	[tilespmem:$0x18200] =	vst v63  }
0x25b: {  	s23 =	simm.s32 $0xAA00  }
0x25c: {  	[tilespmem:s23], [sflag:$0x3] =	stream.indirect_vreg.gather [hbm4b:s5+s3], $0x80, v3, vm0, $0xb8;
	[tilespmem:$0x18200] =	vst v63  }
0x25d: {  	s23 =	simm.s32 $0xB200  }
0x25e: {  	[tilespmem:s23], [sflag:$0x3] =	stream.indirect_vreg.gather [hbm4b:s6+s3], $0x80, v3, vm0, $0xb8;
	[tilespmem:$0x18200] =	vst v63  }
0x25f: {  	s23 =	simm.s32 $0xBA00  }
0x260: {  	[tilespmem:s23], [sflag:$0x3] =	stream.indirect_vreg.gather [hbm4b:s7+s3], $0x80, v3, vm0, $0xb8;
	[tilespmem:$0x18200] =	vst v63  }
0x261: {  	_ =	swait.ge [sflag:s13], $0x4000  }
0x262: {  	[sflag:s13] =	ssyncset.done $0x0  }
0x263: {  	s23 =	simm.s32 $0x10200;
	s19 =	rddreg [dreg:$0x14];
	[sflag:s13] =	ssyncadd.s32 $0xFFFFC000  }
0x264: {  	[hbm4b:s19+s3] =	stream.linear.scatter [tilespmem:s23], [sflag:$0xB], $0x4000, $0x38;
	[tilespmem:$0x18200] =	vst v63  }
0x265: {  	_ =	swait.ge [sflag:s14], $0x4000  }
0x266: {  	[sflag:s14] =	ssyncset.done $0x0  }
0x267: {  	[sflag:s14] =	ssyncadd.s32 $0xFFFFC000  }
0x268: {  	v3 =	vld [tilespmem:$0x150];
	_ =	sdelay $0x4  }
0x269: {  	v53 =	vshll.u32 v3, $0x3  }
0x26a: {  	v3 =	vand.u32 $0x7, v3;
	v4 =	vand.u32 $0xFFFFFFC0, v53  }
0x26b: {  	v3 =	vor.u32 v3, v4  }
0x26c: {  	v4 =	vperm.xlane v3, v0;
	_ =	sdelay $0x1  }
0x26d: {  	v4 =	vadd.s32 v1, v4;
	_ =	sdelay $0x4  }
0x26e: {  	[tilespmem:s9], [sflag:$0x4] =	stream.indirect_vreg.gather [hbm4b:s2+s3], $0x80, v4, vm0, $0xb8;
	[tilespmem:$0x18200] =	vst v63  }
0x26f: {  	s19 =	simm.s32 $0xCA00;
	v3 =	vperm.xlane v3, v2  }
0x270: {  	[tilespmem:s19], [sflag:$0x4] =	stream.indirect_vreg.gather [hbm4b:s5+s3], $0x80, v4, vm0, $0xb8;
	[tilespmem:$0x18200] =	vst v63  }
0x271: {  	v3 =	vadd.s32 v1, v3;
	s9 =	simm.s32 $0xD200  }
0x272: {  	[tilespmem:s9], [sflag:$0x4] =	stream.indirect_vreg.gather [hbm4b:s6+s3], $0x80, v4, vm0, $0xb8;
	[tilespmem:$0x18200] =	vst v63  }
0x273: {  	s19 =	simm.s32 $0xDA00  }
0x274: {  	[tilespmem:s19], [sflag:$0x4] =	stream.indirect_vreg.gather [hbm4b:s7+s3], $0x80, v4, vm0, $0xb8;
	[tilespmem:$0x18200] =	vst v63  }
0x275: {  	s19 =	simm.s32 $0xE200  }
0x276: {  	[tilespmem:s19], [sflag:$0x4] =	stream.indirect_vreg.gather [hbm4b:s2+s3], $0x80, v3, vm0, $0xb8;
	[tilespmem:$0x18200] =	vst v63  }
0x277: {  	s19 =	simm.s32 $0xEA00  }
0x278: {  	[tilespmem:s19], [sflag:$0x4] =	stream.indirect_vreg.gather [hbm4b:s5+s3], $0x80, v3, vm0, $0xb8;
	[tilespmem:$0x18200] =	vst v63  }
0x279: {  	s19 =	simm.s32 $0xF200  }
0x27a: {  	[tilespmem:s19], [sflag:$0x4] =	stream.indirect_vreg.gather [hbm4b:s6+s3], $0x80, v3, vm0, $0xb8;
	[tilespmem:$0x18200] =	vst v63  }
0x27b: {  	s19 =	simm.s32 $0xFA00  }
0x27c: {  	[tilespmem:s19], [sflag:$0x4] =	stream.indirect_vreg.gather [hbm4b:s7+s3], $0x80, v3, vm0, $0xb8;
	[tilespmem:$0x18200] =	vst v63  }
0x27d: {  	_ =	swait.ge [sflag:s15], $0x4000  }
0x27e: {  	[sflag:s15] =	ssyncset.done $0x0  }
0x27f: {  	s1 =	simm.s32 $0x14200;
	s9 =	rddreg [dreg:$0x15];
	[sflag:s15] =	ssyncadd.s32 $0xFFFFC000  }
0x280: {  	[hbm4b:s9+s3] =	stream.linear.scatter [tilespmem:s1], [sflag:$0xC], $0x4000, $0x38;
	[tilespmem:$0x18200] =	vst v63  }
0x281: {  	_ =	swait.ge [sflag:s16], $0x4000  }
0x282: {  	[sflag:s16] =	ssyncset.done $0x0  }
0x283: {  	[sflag:s16] =	ssyncadd.s32 $0xFFFFC000  }
0x284: {  	v3 =	vld [tilespmem:$0x160];
	_ =	sdelay $0x4  }
0x285: {  	v54 =	vshll.u32 v3, $0x3  }
0x286: {  	v3 =	vand.u32 $0x7, v3;
	v4 =	vand.u32 $0xFFFFFFC0, v54  }
0x287: {  	v3 =	vor.u32 v3, v4  }
0x288: {  	v4 =	vperm.xlane v3, v0;
	_ =	sdelay $0x1  }
0x289: {  	v4 =	vadd.s32 v1, v4;
	_ =	sdelay $0x4  }
0x28a: {  	[tilespmem:s23], [sflag:$0x5] =	stream.indirect_vreg.gather [hbm4b:s2+s3], $0x80, v4, vm0, $0xb8;
	[tilespmem:$0x18200] =	vst v63  }
0x28b: {  	v3 =	vperm.xlane v3, v2;
	s23 =	simm.s32 $0x10A00  }
0x28c: {  	[tilespmem:s23], [sflag:$0x5] =	stream.indirect_vreg.gather [hbm4b:s5+s3], $0x80, v4, vm0, $0xb8;
	[tilespmem:$0x18200] =	vst v63  }
0x28d: {  	s9 =	simm.s32 $0x11200;
	v3 =	vadd.s32 v1, v3  }
0x28e: {  	[tilespmem:s9], [sflag:$0x5] =	stream.indirect_vreg.gather [hbm4b:s6+s3], $0x80, v4, vm0, $0xb8;
	[tilespmem:$0x18200] =	vst v63  }
0x28f: {  	s23 =	simm.s32 $0x11A00  }
0x290: {  	[tilespmem:s23], [sflag:$0x5] =	stream.indirect_vreg.gather [hbm4b:s7+s3], $0x80, v4, vm0, $0xb8;
	[tilespmem:$0x18200] =	vst v63  }
0x291: {  	s19 =	simm.s32 $0x12200  }
0x292: {  	[tilespmem:s19], [sflag:$0x5] =	stream.indirect_vreg.gather [hbm4b:s2+s3], $0x80, v3, vm0, $0xb8;
	[tilespmem:$0x18200] =	vst v63  }
0x293: {  	s19 =	simm.s32 $0x12A00  }
0x294: {  	[tilespmem:s19], [sflag:$0x5] =	stream.indirect_vreg.gather [hbm4b:s5+s3], $0x80, v3, vm0, $0xb8;
	[tilespmem:$0x18200] =	vst v63  }
0x295: {  	s19 =	simm.s32 $0x13200  }
0x296: {  	[tilespmem:s19], [sflag:$0x5] =	stream.indirect_vreg.gather [hbm4b:s6+s3], $0x80, v3, vm0, $0xb8;
	[tilespmem:$0x18200] =	vst v63  }
0x297: {  	s19 =	simm.s32 $0x13A00  }
0x298: {  	[tilespmem:s19], [sflag:$0x5] =	stream.indirect_vreg.gather [hbm4b:s7+s3], $0x80, v3, vm0, $0xb8;
	[tilespmem:$0x18200] =	vst v63  }
0x299: {  	_ =	swait.ge [sflag:s30], $0x4000  }
0x29a: {  	[sflag:s30] =	ssyncset.done $0x0  }
0x29b: {  	s19 =	rddreg [dreg:$0x16];
	[sflag:s30] =	ssyncadd.s32 $0xFFFFC000  }
0x29c: {  	[hbm4b:s19+s3] =	stream.linear.scatter [tilespmem:s26], [sflag:$0x7], $0x4000, $0x38;
	[tilespmem:$0x18200] =	vst v63  }
0x29d: {  	_ =	swait.ge [sflag:s17], $0x4000  }
0x29e: {  	[sflag:s17] =	ssyncset.done $0x0  }
0x29f: {  	[sflag:s17] =	ssyncadd.s32 $0xFFFFC000  }
0x2a0: {  	v3 =	vld [tilespmem:$0x170];
	_ =	sdelay $0x4  }
0x2a1: {  	v55 =	vshll.u32 v3, $0x3  }
0x2a2: {  	v3 =	vand.u32 $0x7, v3;
	v4 =	vand.u32 $0xFFFFFFC0, v55  }
0x2a3: {  	v3 =	vor.u32 v3, v4  }
0x2a4: {  	v4 =	vperm.xlane v3, v0;
	_ =	sdelay $0x1  }
0x2a5: {  	v4 =	vadd.s32 v1, v4;
	_ =	sdelay $0x4  }
0x2a6: {  	[tilespmem:s1], [sflag:$0x6] =	stream.indirect_vreg.gather [hbm4b:s2+s3], $0x80, v4, vm0, $0xb8;
	[tilespmem:$0x18200] =	vst v63  }
0x2a7: {  	v3 =	vperm.xlane v3, v2;
	s1 =	simm.s32 $0x14A00  }
0x2a8: {  	[tilespmem:s1], [sflag:$0x6] =	stream.indirect_vreg.gather [hbm4b:s5+s3], $0x80, v4, vm0, $0xb8;
	[tilespmem:$0x18200] =	vst v63  }
0x2a9: {  	v3 =	vadd.s32 v1, v3  }
0x2aa: {  	[tilespmem:s25], [sflag:$0x6] =	stream.indirect_vreg.gather [hbm4b:s6+s3], $0x80, v4, vm0, $0xb8;
	[tilespmem:$0x18200] =	vst v63  }
0x2ab: {  	_ = 	snop  }
0x2ac: {  	[tilespmem:s22], [sflag:$0x6] =	stream.indirect_vreg.gather [hbm4b:s7+s3], $0x80, v4, vm0, $0xb8;
	[tilespmem:$0x18200] =	vst v63  }
0x2ad: {  	s25 =	simm.s32 $0x16200  }
0x2ae: {  	[tilespmem:s25], [sflag:$0x6] =	stream.indirect_vreg.gather [hbm4b:s2+s3], $0x80, v3, vm0, $0xb8;
	[tilespmem:$0x18200] =	vst v63  }
0x2af: {  	_ = 	snop  }
0x2b0: {  	[tilespmem:s8], [sflag:$0x6] =	stream.indirect_vreg.gather [hbm4b:s5+s3], $0x80, v3, vm0, $0xb8;
	[tilespmem:$0x18200] =	vst v63  }
0x2b1: {  	_ = 	snop  }
0x2b2: {  	[tilespmem:s31], [sflag:$0x6] =	stream.indirect_vreg.gather [hbm4b:s6+s3], $0x80, v3, vm0, $0xb8;
	[tilespmem:$0x18200] =	vst v63  }
0x2b3: {  	s8 =	simm.s32 $0x17A00  }
0x2b4: {  	[tilespmem:s8], [sflag:$0x6] =	stream.indirect_vreg.gather [hbm4b:s7+s3], $0x80, v3, vm0, $0xb8;
	[tilespmem:$0x18200] =	vst v63  }
0x2b5: {  	_ =	swait.ge [sflag:s29], $0x4000  }
0x2b6: {  	[sflag:s29] =	ssyncset.done $0x0  }
0x2b7: {  	s8 =	simm.s32 $0x4200;
	s25 =	rddreg [dreg:$0x17];
	[sflag:s29] =	ssyncadd.s32 $0xFFFFC000  }
0x2b8: {  	[hbm4b:s25+s3] =	stream.linear.scatter [tilespmem:s8], [sflag:$0x8], $0x4000, $0x38;
	[tilespmem:$0x18200] =	vst v63  }
0x2b9: {  	_ =	swait.ge [sflag:s0], $0x4000  }
0x2ba: {  	[sflag:s0] =	ssyncset.done $0x0  }
0x2bb: {  	[sflag:s0] =	ssyncadd.s32 $0xFFFFC000  }
0x2bc: {  	v3 =	vld [tilespmem:$0x180];
	_ =	sdelay $0x4  }
0x2bd: {  	v56 =	vshll.u32 v3, $0x3  }
0x2be: {  	v3 =	vand.u32 $0x7, v3;
	v4 =	vand.u32 $0xFFFFFFC0, v56  }
0x2bf: {  	v3 =	vor.u32 v3, v4  }
0x2c0: {  	v4 =	vperm.xlane v3, v0;
	_ =	sdelay $0x1  }
0x2c1: {  	v4 =	vadd.s32 v1, v4;
	_ =	sdelay $0x4  }
0x2c2: {  	[tilespmem:s26], [sflag:$0x1] =	stream.indirect_vreg.gather [hbm4b:s2+s3], $0x80, v4, vm0, $0xb8;
	[tilespmem:$0x18200] =	vst v63  }
0x2c3: {  	s1 =	simm.s32 $0xA00;
	v3 =	vperm.xlane v3, v2  }
0x2c4: {  	[tilespmem:s1], [sflag:$0x1] =	stream.indirect_vreg.gather [hbm4b:s5+s3], $0x80, v4, vm0, $0xb8;
	[tilespmem:$0x18200] =	vst v63  }
0x2c5: {  	v3 =	vadd.s32 v1, v3  }
0x2c6: {  	[tilespmem:s21], [sflag:$0x1] =	stream.indirect_vreg.gather [hbm4b:s6+s3], $0x80, v4, vm0, $0xb8;
	[tilespmem:$0x18200] =	vst v63  }
0x2c7: {  	_ = 	snop  }
0x2c8: {  	[tilespmem:s4], [sflag:$0x1] =	stream.indirect_vreg.gather [hbm4b:s7+s3], $0x80, v4, vm0, $0xb8;
	[tilespmem:$0x18200] =	vst v63  }
0x2c9: {  	s19 =	simm.s32 $0x2200  }
0x2ca: {  	[tilespmem:s19], [sflag:$0x1] =	stream.indirect_vreg.gather [hbm4b:s2+s3], $0x80, v3, vm0, $0xb8;
	[tilespmem:$0x18200] =	vst v63  }
0x2cb: {  	_ = 	snop  }
0x2cc: {  	[tilespmem:s18], [sflag:$0x1] =	stream.indirect_vreg.gather [hbm4b:s5+s3], $0x80, v3, vm0, $0xb8;
	[tilespmem:$0x18200] =	vst v63  }
0x2cd: {  	_ = 	snop  }
0x2ce: {  	[tilespmem:s20], [sflag:$0x1] =	stream.indirect_vreg.gather [hbm4b:s6+s3], $0x80, v3, vm0, $0xb8;
	[tilespmem:$0x18200] =	vst v63  }
0x2cf: {  	s20 =	simm.s32 $0x3A00  }
0x2d0: {  	[tilespmem:s20], [sflag:$0x1] =	stream.indirect_vreg.gather [hbm4b:s7+s3], $0x80, v3, vm0, $0xb8;
	[tilespmem:$0x18200] =	vst v63  }
0x2d1: {  	_ =	swait.ge [sflag:s24], $0x4000  }
0x2d2: {  	[sflag:s24] =	ssyncset.done $0x0  }
0x2d3: {  	s18 =	simm.s32 $0x8200;
	s21 =	rddreg [dreg:$0x18];
	[sflag:s24] =	ssyncadd.s32 $0xFFFFC000  }
0x2d4: {  	[hbm4b:s21+s3] =	stream.linear.scatter [tilespmem:s18], [sflag:$0x9], $0x4000, $0x38;
	[tilespmem:$0x18200] =	vst v63  }
0x2d5: {  	_ =	swait.ge [sflag:s10], $0x4000  }
0x2d6: {  	[sflag:s10] =	ssyncset.done $0x0  }
0x2d7: {  	[sflag:s10] =	ssyncadd.s32 $0xFFFFC000  }
0x2d8: {  	v3 =	vld [tilespmem:$0x190];
	_ =	sdelay $0x4  }
0x2d9: {  	v57 =	vshll.u32 v3, $0x3  }
0x2da: {  	v3 =	vand.u32 $0x7, v3;
	v4 =	vand.u32 $0xFFFFFFC0, v57  }
0x2db: {  	v3 =	vor.u32 v3, v4  }
0x2dc: {  	v4 =	vperm.xlane v3, v0;
	_ =	sdelay $0x1  }
0x2dd: {  	v4 =	vadd.s32 v1, v4;
	_ =	sdelay $0x4  }
0x2de: {  	[tilespmem:s8], [sflag:$0x2] =	stream.indirect_vreg.gather [hbm4b:s2+s3], $0x80, v4, vm0, $0xb8;
	[tilespmem:$0x18200] =	vst v63  }
0x2df: {  	s1 =	simm.s32 $0x4A00;
	v3 =	vperm.xlane v3, v2  }
0x2e0: {  	[tilespmem:s1], [sflag:$0x2] =	stream.indirect_vreg.gather [hbm4b:s5+s3], $0x80, v4, vm0, $0xb8;
	[tilespmem:$0x18200] =	vst v63  }
0x2e1: {  	v3 =	vadd.s32 v1, v3  }
0x2e2: {  	[tilespmem:s28], [sflag:$0x2] =	stream.indirect_vreg.gather [hbm4b:s6+s3], $0x80, v4, vm0, $0xb8;
	[tilespmem:$0x18200] =	vst v63  }
0x2e3: {  	s19 =	simm.s32 $0x5A00  }
0x2e4: {  	[tilespmem:s19], [sflag:$0x2] =	stream.indirect_vreg.gather [hbm4b:s7+s3], $0x80, v4, vm0, $0xb8;
	[tilespmem:$0x18200] =	vst v63  }
0x2e5: {  	s20 =	simm.s32 $0x6200  }
0x2e6: {  	[tilespmem:s20], [sflag:$0x2] =	stream.indirect_vreg.gather [hbm4b:s2+s3], $0x80, v3, vm0, $0xb8;
	[tilespmem:$0x18200] =	vst v63  }
0x2e7: {  	s21 =	simm.s32 $0x6A00  }
0x2e8: {  	[tilespmem:s21], [sflag:$0x2] =	stream.indirect_vreg.gather [hbm4b:s5+s3], $0x80, v3, vm0, $0xb8;
	[tilespmem:$0x18200] =	vst v63  }
0x2e9: {  	s1 =	simm.s32 $0x7200  }
0x2ea: {  	[tilespmem:s1], [sflag:$0x2] =	stream.indirect_vreg.gather [hbm4b:s6+s3], $0x80, v3, vm0, $0xb8;
	[tilespmem:$0x18200] =	vst v63  }
0x2eb: {  	s19 =	simm.s32 $0x7A00  }
0x2ec: {  	[tilespmem:s19], [sflag:$0x2] =	stream.indirect_vreg.gather [hbm4b:s7+s3], $0x80, v3, vm0, $0xb8;
	[tilespmem:$0x18200] =	vst v63  }
0x2ed: {  	_ =	swait.ge [sflag:s11], $0x4000  }
0x2ee: {  	[sflag:s11] =	ssyncset.done $0x0  }
0x2ef: {  	s1 =	simm.s32 $0xC200;
	s20 =	rddreg [dreg:$0x19];
	[sflag:s11] =	ssyncadd.s32 $0xFFFFC000  }
0x2f0: {  	[hbm4b:s20+s3] =	stream.linear.scatter [tilespmem:s1], [sflag:$0xA], $0x4000, $0x38;
	[tilespmem:$0x18200] =	vst v63  }
0x2f1: {  	_ =	swait.ge [sflag:s12], $0x4000  }
0x2f2: {  	[sflag:s12] =	ssyncset.done $0x0  }
0x2f3: {  	[sflag:s12] =	ssyncadd.s32 $0xFFFFC000  }
0x2f4: {  	v3 =	vld [tilespmem:$0x1A0];
	_ =	sdelay $0x4  }
0x2f5: {  	v58 =	vshll.u32 v3, $0x3  }
0x2f6: {  	v3 =	vand.u32 $0x7, v3;
	v4 =	vand.u32 $0xFFFFFFC0, v58  }
0x2f7: {  	v3 =	vor.u32 v3, v4  }
0x2f8: {  	v4 =	vperm.xlane v3, v0;
	_ =	sdelay $0x1  }
0x2f9: {  	v4 =	vadd.s32 v1, v4;
	_ =	sdelay $0x4  }
0x2fa: {  	[tilespmem:s18], [sflag:$0x3] =	stream.indirect_vreg.gather [hbm4b:s2+s3], $0x80, v4, vm0, $0xb8;
	[tilespmem:$0x18200] =	vst v63  }
0x2fb: {  	s21 =	simm.s32 $0x8A00;
	v3 =	vperm.xlane v3, v2  }
0x2fc: {  	[tilespmem:s21], [sflag:$0x3] =	stream.indirect_vreg.gather [hbm4b:s5+s3], $0x80, v4, vm0, $0xb8;
	[tilespmem:$0x18200] =	vst v63  }
0x2fd: {  	v3 =	vadd.s32 v1, v3;
	s18 =	simm.s32 $0x9200  }
0x2fe: {  	[tilespmem:s18], [sflag:$0x3] =	stream.indirect_vreg.gather [hbm4b:s6+s3], $0x80, v4, vm0, $0xb8;
	[tilespmem:$0x18200] =	vst v63  }
0x2ff: {  	s19 =	simm.s32 $0x9A00  }
0x300: {  	[tilespmem:s19], [sflag:$0x3] =	stream.indirect_vreg.gather [hbm4b:s7+s3], $0x80, v4, vm0, $0xb8;
	[tilespmem:$0x18200] =	vst v63  }
0x301: {  	s21 =	simm.s32 $0xA200  }
0x302: {  	[tilespmem:s21], [sflag:$0x3] =	stream.indirect_vreg.gather [hbm4b:s2+s3], $0x80, v3, vm0, $0xb8;
	[tilespmem:$0x18200] =	vst v63  }
0x303: {  	s18 =	simm.s32 $0xAA00  }
0x304: {  	[tilespmem:s18], [sflag:$0x3] =	stream.indirect_vreg.gather [hbm4b:s5+s3], $0x80, v3, vm0, $0xb8;
	[tilespmem:$0x18200] =	vst v63  }
0x305: {  	s19 =	simm.s32 $0xB200  }
0x306: {  	[tilespmem:s19], [sflag:$0x3] =	stream.indirect_vreg.gather [hbm4b:s6+s3], $0x80, v3, vm0, $0xb8;
	[tilespmem:$0x18200] =	vst v63  }
0x307: {  	s21 =	simm.s32 $0xBA00  }
0x308: {  	[tilespmem:s21], [sflag:$0x3] =	stream.indirect_vreg.gather [hbm4b:s7+s3], $0x80, v3, vm0, $0xb8;
	[tilespmem:$0x18200] =	vst v63  }
0x309: {  	_ =	swait.ge [sflag:s13], $0x4000  }
0x30a: {  	[sflag:s13] =	ssyncset.done $0x0  }
0x30b: {  	s4 =	simm.s32 $0x10200;
	s18 =	rddreg [dreg:$0x1a];
	[sflag:s13] =	ssyncadd.s32 $0xFFFFC000  }
0x30c: {  	[hbm4b:s18+s3] =	stream.linear.scatter [tilespmem:s4], [sflag:$0xB], $0x4000, $0x38;
	[tilespmem:$0x18200] =	vst v63  }
0x30d: {  	_ =	swait.ge [sflag:s14], $0x4000  }
0x30e: {  	[sflag:s14] =	ssyncset.done $0x0  }
0x30f: {  	[sflag:s14] =	ssyncadd.s32 $0xFFFFC000  }
0x310: {  	v3 =	vld [tilespmem:$0x1B0];
	_ =	sdelay $0x4  }
0x311: {  	v59 =	vshll.u32 v3, $0x3  }
0x312: {  	v3 =	vand.u32 $0x7, v3;
	v4 =	vand.u32 $0xFFFFFFC0, v59  }
0x313: {  	v3 =	vor.u32 v3, v4  }
0x314: {  	v4 =	vperm.xlane v3, v0;
	_ =	sdelay $0x1  }
0x315: {  	v4 =	vadd.s32 v1, v4;
	_ =	sdelay $0x4  }
0x316: {  	[tilespmem:s1], [sflag:$0x4] =	stream.indirect_vreg.gather [hbm4b:s2+s3], $0x80, v4, vm0, $0xb8;
	[tilespmem:$0x18200] =	vst v63  }
0x317: {  	s19 =	simm.s32 $0xCA00;
	v3 =	vperm.xlane v3, v2  }
0x318: {  	[tilespmem:s19], [sflag:$0x4] =	stream.indirect_vreg.gather [hbm4b:s5+s3], $0x80, v4, vm0, $0xb8;
	[tilespmem:$0x18200] =	vst v63  }
0x319: {  	s18 =	simm.s32 $0xD200;
	v3 =	vadd.s32 v1, v3  }
0x31a: {  	[tilespmem:s18], [sflag:$0x4] =	stream.indirect_vreg.gather [hbm4b:s6+s3], $0x80, v4, vm0, $0xb8;
	[tilespmem:$0x18200] =	vst v63  }
0x31b: {  	s19 =	simm.s32 $0xDA00  }
0x31c: {  	[tilespmem:s19], [sflag:$0x4] =	stream.indirect_vreg.gather [hbm4b:s7+s3], $0x80, v4, vm0, $0xb8;
	[tilespmem:$0x18200] =	vst v63  }
0x31d: {  	s18 =	simm.s32 $0xE200  }
0x31e: {  	[tilespmem:s18], [sflag:$0x4] =	stream.indirect_vreg.gather [hbm4b:s2+s3], $0x80, v3, vm0, $0xb8;
	[tilespmem:$0x18200] =	vst v63  }
0x31f: {  	s19 =	simm.s32 $0xEA00  }
0x320: {  	[tilespmem:s19], [sflag:$0x4] =	stream.indirect_vreg.gather [hbm4b:s5+s3], $0x80, v3, vm0, $0xb8;
	[tilespmem:$0x18200] =	vst v63  }
0x321: {  	s18 =	simm.s32 $0xF200  }
0x322: {  	[tilespmem:s18], [sflag:$0x4] =	stream.indirect_vreg.gather [hbm4b:s6+s3], $0x80, v3, vm0, $0xb8;
	[tilespmem:$0x18200] =	vst v63  }
0x323: {  	s19 =	simm.s32 $0xFA00  }
0x324: {  	[tilespmem:s19], [sflag:$0x4] =	stream.indirect_vreg.gather [hbm4b:s7+s3], $0x80, v3, vm0, $0xb8;
	[tilespmem:$0x18200] =	vst v63  }
0x325: {  	_ =	swait.ge [sflag:s15], $0x4000  }
0x326: {  	[sflag:s15] =	ssyncset.done $0x0  }
0x327: {  	s1 =	simm.s32 $0x14200;
	s18 =	rddreg [dreg:$0x1b];
	[sflag:s15] =	ssyncadd.s32 $0xFFFFC000  }
0x328: {  	[hbm4b:s18+s3] =	stream.linear.scatter [tilespmem:s1], [sflag:$0xC], $0x4000, $0x38;
	[tilespmem:$0x18200] =	vst v63  }
0x329: {  	_ =	swait.ge [sflag:s16], $0x4000  }
0x32a: {  	[sflag:s16] =	ssyncset.done $0x0  }
0x32b: {  	[sflag:s16] =	ssyncadd.s32 $0xFFFFC000  }
0x32c: {  	v3 =	vld [tilespmem:$0x1C0];
	_ =	sdelay $0x4  }
0x32d: {  	v60 =	vshll.u32 v3, $0x3  }
0x32e: {  	v3 =	vand.u32 $0x7, v3;
	v4 =	vand.u32 $0xFFFFFFC0, v60  }
0x32f: {  	v3 =	vor.u32 v3, v4  }
0x330: {  	v4 =	vperm.xlane v3, v0;
	_ =	sdelay $0x1  }
0x331: {  	v4 =	vadd.s32 v1, v4;
	_ =	sdelay $0x4  }
0x332: {  	[tilespmem:s4], [sflag:$0x5] =	stream.indirect_vreg.gather [hbm4b:s2+s3], $0x80, v4, vm0, $0xb8;
	[tilespmem:$0x18200] =	vst v63  }
0x333: {  	s19 =	simm.s32 $0x10A00;
	v3 =	vperm.xlane v3, v2  }
0x334: {  	[tilespmem:s19], [sflag:$0x5] =	stream.indirect_vreg.gather [hbm4b:s5+s3], $0x80, v4, vm0, $0xb8;
	[tilespmem:$0x18200] =	vst v63  }
0x335: {  	v3 =	vadd.s32 v1, v3  }
0x336: {  	[tilespmem:s9], [sflag:$0x5] =	stream.indirect_vreg.gather [hbm4b:s6+s3], $0x80, v4, vm0, $0xb8;
	[tilespmem:$0x18200] =	vst v63  }
0x337: {  	_ = 	snop  }
0x338: {  	[tilespmem:s23], [sflag:$0x5] =	stream.indirect_vreg.gather [hbm4b:s7+s3], $0x80, v4, vm0, $0xb8;
	[tilespmem:$0x18200] =	vst v63  }
0x339: {  	s19 =	simm.s32 $0x12200  }
0x33a: {  	[tilespmem:s19], [sflag:$0x5] =	stream.indirect_vreg.gather [hbm4b:s2+s3], $0x80, v3, vm0, $0xb8;
	[tilespmem:$0x18200] =	vst v63  }
0x33b: {  	s23 =	simm.s32 $0x12A00  }
0x33c: {  	[tilespmem:s23], [sflag:$0x5] =	stream.indirect_vreg.gather [hbm4b:s5+s3], $0x80, v3, vm0, $0xb8;
	[tilespmem:$0x18200] =	vst v63  }
0x33d: {  	s19 =	simm.s32 $0x13200  }
0x33e: {  	[tilespmem:s19], [sflag:$0x5] =	stream.indirect_vreg.gather [hbm4b:s6+s3], $0x80, v3, vm0, $0xb8;
	[tilespmem:$0x18200] =	vst v63  }
0x33f: {  	s23 =	simm.s32 $0x13A00  }
0x340: {  	[tilespmem:s23], [sflag:$0x5] =	stream.indirect_vreg.gather [hbm4b:s7+s3], $0x80, v3, vm0, $0xb8;
	[tilespmem:$0x18200] =	vst v63  }
0x341: {  	s4 =	sld [smem:$0x7F7];
	_ =	swait.ge [sflag:s30], $0x4000  }
0x342: {  	[sflag:s30] =	ssyncset.done $0x0  }
0x343: {  	s9 =	rddreg [dreg:$0x1c];
	[sflag:s30] =	ssyncadd.s32 $0xFFFFC000  }
0x344: {  	[hbm4b:s9+s3] =	stream.linear.scatter [tilespmem:s26], [sflag:$0x7], $0x4000, $0x38;
	[tilespmem:$0x18200] =	vst v63  }
0x345: {  	_ =	swait.ge [sflag:s17], $0x4000  }
0x346: {  	[sflag:s17] =	ssyncset.done $0x0  }
0x347: {  	[sflag:s17] =	ssyncadd.s32 $0xFFFFC000  }
0x348: {  	v3 =	vld [tilespmem:$0x1D0];
	_ =	sdelay $0x4  }
0x349: {  	v61 =	vshll.u32 v3, $0x3  }
0x34a: {  	v3 =	vand.u32 $0x7, v3;
	v4 =	vand.u32 $0xFFFFFFC0, v61  }
0x34b: {  	v3 =	vor.u32 v3, v4  }
0x34c: {  	v4 =	vperm.xlane v3, v0;
	_ =	sdelay $0x1  }
0x34d: {  	v4 =	vadd.s32 v1, v4;
	_ =	sdelay $0x4  }
0x34e: {  	[tilespmem:s1], [sflag:$0x6] =	stream.indirect_vreg.gather [hbm4b:s2+s3], $0x80, v4, vm0, $0xb8;
	[tilespmem:$0x18200] =	vst v63  }
0x34f: {  	s23 =	simm.s32 $0x14A00;
	v3 =	vperm.xlane v3, v2  }
0x350: {  	[tilespmem:s23], [sflag:$0x6] =	stream.indirect_vreg.gather [hbm4b:s5+s3], $0x80, v4, vm0, $0xb8;
	[tilespmem:$0x18200] =	vst v63  }
0x351: {  	s19 =	simm.s32 $0x15200;
	v3 =	vadd.s32 v1, v3  }
0x352: {  	[tilespmem:s19], [sflag:$0x6] =	stream.indirect_vreg.gather [hbm4b:s6+s3], $0x80, v4, vm0, $0xb8;
	[tilespmem:$0x18200] =	vst v63  }
0x353: {  	s22 =	simm.s32 $0x15A00  }
0x354: {  	[tilespmem:s22], [sflag:$0x6] =	stream.indirect_vreg.gather [hbm4b:s7+s3], $0x80, v4, vm0, $0xb8;
	[tilespmem:$0x18200] =	vst v63  }
0x355: {  	s22 =	simm.s32 $0x16200  }
0x356: {  	[tilespmem:s22], [sflag:$0x6] =	stream.indirect_vreg.gather [hbm4b:s2+s3], $0x80, v3, vm0, $0xb8;
	[tilespmem:$0x18200] =	vst v63  }
0x357: {  	s23 =	simm.s32 $0x16A00  }
0x358: {  	[tilespmem:s23], [sflag:$0x6] =	stream.indirect_vreg.gather [hbm4b:s5+s3], $0x80, v3, vm0, $0xb8;
	[tilespmem:$0x18200] =	vst v63  }
0x359: {  	s31 =	simm.s32 $0x17200  }
0x35a: {  	[tilespmem:s31], [sflag:$0x6] =	stream.indirect_vreg.gather [hbm4b:s6+s3], $0x80, v3, vm0, $0xb8;
	[tilespmem:$0x18200] =	vst v63  }
0x35b: {  	s31 =	simm.s32 $0x17A00  }
0x35c: {  	[tilespmem:s31], [sflag:$0x6] =	stream.indirect_vreg.gather [hbm4b:s7+s3], $0x80, v3, vm0, $0xb8;
	[tilespmem:$0x18200] =	vst v63  }
0x35d: {  	_ =	swait.ge [sflag:s29], $0x4000  }
0x35e: {  	[sflag:s29] =	ssyncset.done $0x0  }
0x35f: {  	s8 =	simm.s32 $0x4200;
	s9 =	rddreg [dreg:$0x1d];
	[sflag:s29] =	ssyncadd.s32 $0xFFFFC000  }
0x360: {  	[hbm4b:s9+s3] =	stream.linear.scatter [tilespmem:s8], [sflag:$0x8], $0x4000, $0x38;
	[tilespmem:$0x18200] =	vst v63  }
0x361: {  	_ =	swait.ge [sflag:s0], $0x4000  }
0x362: {  	[sflag:s0] =	ssyncset.done $0x0  }
0x363: {  	[sflag:s0] =	ssyncadd.s32 $0xFFFFC000  }
0x364: {  	v3 =	vld [tilespmem:$0x1E0];
	_ =	sdelay $0x4  }
0x365: {  	v62 =	vshll.u32 v3, $0x3  }
0x366: {  	v3 =	vand.u32 $0x7, v3;
	v4 =	vand.u32 $0xFFFFFFC0, v62  }
0x367: {  	v3 =	vor.u32 v3, v4  }
0x368: {  	v4 =	vperm.xlane v3, v0;
	_ =	sdelay $0x1  }
0x369: {  	v4 =	vadd.s32 v1, v4;
	_ =	sdelay $0x4  }
0x36a: {  	[tilespmem:s26], [sflag:$0x1] =	stream.indirect_vreg.gather [hbm4b:s2+s3], $0x80, v4, vm0, $0xb8;
	[tilespmem:$0x18200] =	vst v63  }
0x36b: {  	s19 =	simm.s32 $0xA00;
	v3 =	vperm.xlane v3, v2  }
0x36c: {  	[tilespmem:s19], [sflag:$0x1] =	stream.indirect_vreg.gather [hbm4b:s5+s3], $0x80, v4, vm0, $0xb8;
	[tilespmem:$0x18200] =	vst v63  }
0x36d: {  	s22 =	simm.s32 $0x1200;
	v3 =	vadd.s32 v1, v3  }
0x36e: {  	[tilespmem:s22], [sflag:$0x1] =	stream.indirect_vreg.gather [hbm4b:s6+s3], $0x80, v4, vm0, $0xb8;
	[tilespmem:$0x18200] =	vst v63  }
0x36f: {  	s25 =	simm.s32 $0x1A00  }
0x370: {  	[tilespmem:s25], [sflag:$0x1] =	stream.indirect_vreg.gather [hbm4b:s7+s3], $0x80, v4, vm0, $0xb8;
	[tilespmem:$0x18200] =	vst v63  }
0x371: {  	s23 =	simm.s32 $0x2200  }
0x372: {  	[tilespmem:s23], [sflag:$0x1] =	stream.indirect_vreg.gather [hbm4b:s2+s3], $0x80, v3, vm0, $0xb8;
	[tilespmem:$0x18200] =	vst v63  }
0x373: {  	s25 =	simm.s32 $0x2A00  }
0x374: {  	[tilespmem:s25], [sflag:$0x1] =	stream.indirect_vreg.gather [hbm4b:s5+s3], $0x80, v3, vm0, $0xb8;
	[tilespmem:$0x18200] =	vst v63  }
0x375: {  	s31 =	simm.s32 $0x3200  }
0x376: {  	[tilespmem:s31], [sflag:$0x1] =	stream.indirect_vreg.gather [hbm4b:s6+s3], $0x80, v3, vm0, $0xb8;
	[tilespmem:$0x18200] =	vst v63  }
0x377: {  	s19 =	simm.s32 $0x3A00  }
0x378: {  	[tilespmem:s19], [sflag:$0x1] =	stream.indirect_vreg.gather [hbm4b:s7+s3], $0x80, v3, vm0, $0xb8;
	[tilespmem:$0x18200] =	vst v63  }
0x379: {  	_ =	swait.ge [sflag:s24], $0x4000  }
0x37a: {  	[sflag:s24] =	ssyncset.done $0x0  }
0x37b: {  	s20 =	simm.s32 $0x8200;
	s22 =	rddreg [dreg:$0x1e];
	[sflag:s24] =	ssyncadd.s32 $0xFFFFC000  }
0x37c: {  	[hbm4b:s22+s3] =	stream.linear.scatter [tilespmem:s20], [sflag:$0x9], $0x4000, $0x38;
	[tilespmem:$0x18200] =	vst v63  }
0x37d: {  	_ =	swait.ge [sflag:s10], $0x4000  }
0x37e: {  	[sflag:s10] =	ssyncset.done $0x0  }
0x37f: {  	[sflag:s10] =	ssyncadd.s32 $0xFFFFC000  }
0x380: {  	v3 =	vld [tilespmem:$0x1F0];
	_ =	sdelay $0x4  }
0x381: {  	v63 =	vshll.u32 v3, $0x3  }
0x382: {  	v3 =	vand.u32 $0x7, v3;
	v4 =	vand.u32 $0xFFFFFFC0, v63  }
0x383: {  	v3 =	vor.u32 v3, v4  }
0x384: {  	v4 =	vperm.xlane v3, v0;
	_ =	sdelay $0x1  }
0x385: {  	v4 =	vadd.s32 v1, v4;
	_ =	sdelay $0x4  }
0x386: {  	[tilespmem:s8], [sflag:$0x2] =	stream.indirect_vreg.gather [hbm4b:s2+s3], $0x80, v4, vm0, $0xb8;
	[tilespmem:$0x18200] =	vst v63  }
0x387: {  	s23 =	simm.s32 $0x4A00;
	v3 =	vperm.xlane v3, v2  }
0x388: {  	[tilespmem:s23], [sflag:$0x2] =	stream.indirect_vreg.gather [hbm4b:s5+s3], $0x80, v4, vm0, $0xb8;
	[tilespmem:$0x18200] =	vst v63  }
0x389: {  	s28 =	simm.s32 $0x5200;
	v3 =	vadd.s32 v1, v3  }
0x38a: {  	[tilespmem:s28], [sflag:$0x2] =	stream.indirect_vreg.gather [hbm4b:s6+s3], $0x80, v4, vm0, $0xb8;
	[tilespmem:$0x18200] =	vst v63  }
0x38b: {  	s25 =	simm.s32 $0x5A00  }
0x38c: {  	[tilespmem:s25], [sflag:$0x2] =	stream.indirect_vreg.gather [hbm4b:s7+s3], $0x80, v4, vm0, $0xb8;
	[tilespmem:$0x18200] =	vst v63  }
0x38d: {  	s28 =	simm.s32 $0x6200  }
0x38e: {  	[tilespmem:s28], [sflag:$0x2] =	stream.indirect_vreg.gather [hbm4b:s2+s3], $0x80, v3, vm0, $0xb8;
	[tilespmem:$0x18200] =	vst v63  }
0x38f: {  	s31 =	simm.s32 $0x6A00  }
0x390: {  	[tilespmem:s31], [sflag:$0x2] =	stream.indirect_vreg.gather [hbm4b:s5+s3], $0x80, v3, vm0, $0xb8;
	[tilespmem:$0x18200] =	vst v63  }
0x391: {  	s19 =	simm.s32 $0x7200  }
0x392: {  	[tilespmem:s19], [sflag:$0x2] =	stream.indirect_vreg.gather [hbm4b:s6+s3], $0x80, v3, vm0, $0xb8;
	[tilespmem:$0x18200] =	vst v63  }
0x393: {  	s20 =	simm.s32 $0x7A00  }
0x394: {  	[tilespmem:s20], [sflag:$0x2] =	stream.indirect_vreg.gather [hbm4b:s7+s3], $0x80, v3, vm0, $0xb8;
	[tilespmem:$0x18200] =	vst v63  }
0x395: {  	_ =	swait.ge [sflag:s11], $0x4000  }
0x396: {  	[sflag:s11] =	ssyncset.done $0x0  }
0x397: {  	s21 =	simm.s32 $0xC200;
	s22 =	rddreg [dreg:$0x1f];
	[sflag:s11] =	ssyncadd.s32 $0xFFFFC000  }
0x398: {  	[hbm4b:s22+s3] =	stream.linear.scatter [tilespmem:s21], [sflag:$0xA], $0x4000, $0x38;
	[tilespmem:$0x18200] =	vst v63  }
0x399: {  	_ =	swait.ge [sflag:s13], $0x4000  }
0x39a: {  	s23 =	sld [smem:$0x7F8]  }
0x39b: {  	[sflag:s13] =	ssyncset.done $0x0  }
0x39c: {  	s18 =	simm.s32 $0x10200;
	[sflag:s13] =	ssyncadd.s32 $0xFFFFC000  }
0x39d: {  	[hbm4b:s23+s3] =	stream.linear.scatter [tilespmem:s18], [sflag:$0xB], $0x4000, $0x38;
	[tilespmem:$0x18200] =	vst v63  }
0x39e: {  	_ =	swait.ge [sflag:s15], $0x4000  }
0x39f: {  	s25 =	sld [smem:$0x7F9]  }
0x3a0: {  	[sflag:s15] =	ssyncset.done $0x0  }
0x3a1: {  	s1 =	simm.s32 $0x14200;
	[sflag:s15] =	ssyncadd.s32 $0xFFFFC000  }
0x3a2: {  	[hbm4b:s25+s3] =	stream.linear.scatter [tilespmem:s1], [sflag:$0xC], $0x4000, $0x38;
	[tilespmem:$0x18200] =	vst v63  }
0x3a3: {  	_ =	swait.ge [sflag:s30], $0x4000  }
0x3a4: {  	s28 =	sld [smem:$0x7FA]  }
0x3a5: {  	[sflag:s30] =	ssyncset.done $0x0  }
0x3a6: {  	[sflag:s30] =	ssyncadd.s32 $0xFFFFC000  }
0x3a7: {  	[hbm4b:s28+s3] =	stream.linear.scatter [tilespmem:s26], [sflag:$0x7], $0x4000, $0x38;
	[tilespmem:$0x18200] =	vst v63  }
0x3a8: {  	_ =	swait.ge [sflag:s29], $0x4000  }
0x3a9: {  	s31 =	sld [smem:$0x7FC]  }
0x3aa: {  	[sflag:s29] =	ssyncset.done $0x0  }
0x3ab: {  	[sflag:s29] =	ssyncadd.s32 $0xFFFFC000  }
0x3ac: {  	[hbm4b:s31+s3] =	stream.linear.scatter [tilespmem:s8], [sflag:$0x8], $0x4000, $0x38;
	[tilespmem:$0x18200] =	vst v63  }
0x3ad: {  	_ =	swait.ge [sflag:s12], $0x4000  }
0x3ae: {  	[sflag:s12] =	ssyncset.done $0x0  }
0x3af: {  	[sflag:s12] =	ssyncadd.s32 $0xFFFFC000  }
0x3b0: {  	_ =	swait.ge [sflag:s14], $0x4000  }
0x3b1: {  	[sflag:s14] =	ssyncset.done $0x0  }
0x3b2: {  	[sflag:s14] =	ssyncadd.s32 $0xFFFFC000  }
0x3b3: {  	_ =	swait.ge [sflag:s16], $0x4000  }
0x3b4: {  	[sflag:s16] =	ssyncset.done $0x0  }
0x3b5: {  	[sflag:s16] =	ssyncadd.s32 $0xFFFFC000  }
0x3b6: {  	_ =	swait.ge [sflag:s17], $0x4000  }
0x3b7: {  	[sflag:s17] =	ssyncset.done $0x0  }
0x3b8: {  	[sflag:s17] =	ssyncadd.s32 $0xFFFFC000  }
0x3b9: {  	p0 =	sne.s32 s4, $0x1;
	_ =	swait.ge [sflag:s0], $0x4000  }
.Ltmp0:
0x3ba: {  	[sflag:s0] =	ssyncset.done $0x0;
	(pc) =	sbr.rel @p0 .LBB2_1-.Ltmp0, $4  }
0x3bb: {  	[sflag:s0] =	ssyncadd.s32 $0xFFFFC000  }
0x3bc: {  	_ =	swait.ge [sflag:s10], $0x4000  }
0x3bd: {  	[sflag:s10] =	ssyncset.done $0x0  }
0x3be: {  	s4 =	sadd.s32 $0xFFFFFFFF, s4;
	[sflag:s10] =	ssyncadd.s32 $0xFFFFC000  }
0x3bf: {  	_ =	sfence.sel $0x180000  }
0x3c0: {  	[bflag:$0x0] =	sbarrier.arrive $0xFFFF  }
0x3c1: {  	_ =	strace $0x90000047  }
0x3c2: {  	s0 =	stileid.u32;
	[bflag:$0x2] =	sbarrier.arrive $0xFFFF  }
0x3c3: {  	p0 =	sne.s32 s0, $0x0;
	s0 =	rddreg [dreg:$0x3]  }
0x3c4: {  	s0 =	sadd.s32 @!p0 $0x100000, s0  }
0x3c5: {  	[sflag:s0] =	ssyncadd.tile.s32 @!p0 $0x1;
	_ =	shalt  }
.Lfunc_end2:
_tile_overlayer_lowered:
.L_overlay_start_2:
0x3c6: {  	(tag) =	ssettag $0x2  }
0x3c7: {  	s0 =	rddreg [dreg:$0x0];
	s2 =	stileid.u32  }
0x3c8: {  	s1 =	rddreg [dreg:$0x1];
	p0 =	sne.s32 s2, $0x0  }
0x3c9: {  	s3 =	rddreg [dreg:$0x2];
	[bflag:$0x3] =	sbarrier.arrive $0xFFFF;
	s2 =	simm.s32 @!p0 $0x1C0D  }
0x3ca: {  	[timem:s3], [sflag:s2] =	dma.local @!p0 [hbm:s0], s1  }
0x3cb: {  	s0 =	simm.s32 @!p0 $0xD  }
0x3cc: {  	_ =	swait.ge @!p0 [sflag:s0], s1  }
0x3cd: {  	s1 =	ssub.s32 @!p0 $0x0, s1;
	[sflag:s0] =	ssyncset.done @!p0 $0x0  }
0x3ce: {  	[sflag:s0] =	ssyncadd.s32 @!p0 s1  }
0x3cf: {  	[bflag:$0x3] =	sbarrier.arrive $0xFFFF  }
0x3d0: {  	_ =	shalt  }

</sc_bundles>
